<compile_context>
chip_gen: v7x
topology: tpu7x:2x2x1
jax: 0.10.2.dev20260603
libtpu: 0.0.44.dev20260713+nightly
codegen_flags: <defaults>
</compile_context>

<pallas_src>
import functools

import jax
import jax.numpy as jnp
from jax import lax
from jax.experimental import pallas as pl
from jax.experimental.pallas import tpu as pltpu
from jax.experimental.pallas import tpu_sc as plsc

N = 10000
E = 160000
T = 2
F = 128
EPS = 1e-5

_NTILES = 16
_EDGES_PER_TILE = E // _NTILES
_CHUNK = 80
_NCHUNKS = _EDGES_PER_TILE // _CHUNK
_CPY = 80
_NCPY = N // _CPY


def _sc_body(table, src_t, dst_all, w_t, out, acc, src_v, dst_v, w_v, rows_v, sem):
    c = lax.axis_index("c")
    s = lax.axis_index("s")

    def _zrow(i, carry):
        for h in range(F // 16):
            rows_v[i, pl.ds(h * 16, 16)] = jnp.zeros((16,), jnp.float32)
        return carry
    lax.fori_loop(0, _CPY, _zrow, 0)
    for i in range(-(-_NCPY // _NTILES)):
        idx = s + i * _NTILES

        @pl.when(idx < _NCPY)
        def _():
            pltpu.sync_copy(rows_v, acc.at[pl.ds(idx * _CPY, _CPY)])
    plsc.subcore_barrier()

    eb = s * _EDGES_PER_TILE

    def _chunk(k, carry):
        off = eb + k * _CHUNK
        pltpu.sync_copy(src_t.at[pl.ds(c * E + off, _CHUNK)], src_v)
        pltpu.sync_copy(dst_all.at[pl.ds(off, _CHUNK)], dst_v)
        pltpu.sync_copy(w_t.at[pl.ds(c * E + off, _CHUNK)], w_v)
        pltpu.async_copy(table.at[src_v], rows_v, sem).wait()

        def _grp(g, ecarry):
            w16 = w_v[pl.ds(g * 16, 16)]
            for jl in range(16):
                wb = jnp.zeros((16,), jnp.float32) + w16[jl]
                r = g * 16 + jl
                for h in range(F // 16):
                    rows_v[r, pl.ds(h * 16, 16)] = rows_v[r, pl.ds(h * 16, 16)] * wb
            return ecarry
        lax.fori_loop(0, _CHUNK // 16, _grp, 0)
        pltpu.sync_copy(rows_v, acc.at[dst_v], add=True)
        return carry
    lax.fori_loop(0, _NCHUNKS, _chunk, 0)
    plsc.subcore_barrier()

    for i in range(-(-_NCPY // _NTILES)):
        idx = s + i * _NTILES

        @pl.when(idx < _NCPY)
        def _():
            pltpu.sync_copy(acc.at[pl.ds(idx * _CPY, _CPY)],
                            out.at[pl.ds(c * N + idx * _CPY, _CPY)])


def _sc_segment_sum(table, src_t, dst_all, w_t):
    mesh = plsc.VectorSubcoreMesh(core_axis_name="c", subcore_axis_name="s")
    kfn = functools.partial(
        pl.kernel,
        mesh=mesh,
        out_type=jax.ShapeDtypeStruct((T * N, F), jnp.float32),
        scratch_types=[
            pltpu.VMEM_SHARED((N, F), jnp.float32),
            pltpu.VMEM((_CHUNK,), jnp.int32),
            pltpu.VMEM((_CHUNK,), jnp.int32),
            pltpu.VMEM((_CHUNK,), jnp.float32),
            pltpu.VMEM((_CHUNK, F), jnp.float32),
            pltpu.SemaphoreType.DMA,
        ],
    )(_sc_body)
    return kfn(table, src_t, dst_all, w_t)


def _lin_sums_body(seg_ref, w_ref, b_ref, y_ref, sums_ref):
    g = pl.program_id(0)
    y = jnp.dot(seg_ref[:], w_ref[:], preferred_element_type=jnp.float32) + b_ref[:]
    y_ref[:] = y
    s0 = jnp.sum(y, axis=0)
    s1 = jnp.sum(y * y, axis=0)
    upd = jnp.concatenate(
        [s0[None], s1[None], jnp.zeros((6, F), jnp.float32)], axis=0)

    @pl.when(g == 0)
    def _():
        sums_ref[:] = jnp.zeros_like(sums_ref)

    sums_ref[:] += upd


def _lin_sums(seg, W, b2d):
    rows = seg.shape[0]
    blk = 1000
    grid = rows // blk
    return pl.pallas_call(
        _lin_sums_body,
        grid=(grid,),
        in_specs=[
            pl.BlockSpec((blk, F), lambda g: (g, 0)),
            pl.BlockSpec((F, F), lambda g: (0, 0)),
            pl.BlockSpec((1, F), lambda g: (0, 0)),
        ],
        out_specs=[
            pl.BlockSpec((blk, F), lambda g: (g, 0)),
            pl.BlockSpec((8, F), lambda g: (0, 0)),
        ],
        out_shape=[
            jax.ShapeDtypeStruct((rows, F), jnp.float32),
            jax.ShapeDtypeStruct((8, F), jnp.float32),
        ],
        compiler_params=pltpu.CompilerParams(
            dimension_semantics=("arbitrary",)),
    )(seg, W, b2d)


def _bn_stats(sums):
    mean = sums[0:1] / float(T * N)
    var = sums[1:2] / float(T * N) - mean * mean
    inv = lax.rsqrt(var + EPS)
    return mean, inv


def _bn_relu_body(y_ref, sums_ref, g_ref, be_ref, out_ref):
    mean, inv = _bn_stats(sums_ref[:])
    out_ref[:] = jnp.maximum((y_ref[:] - mean) * inv * g_ref[:] + be_ref[:], 0.0)


def _bn_relu(y, sums, g2d, be2d):
    rows = y.shape[0]
    blk = 1000
    return pl.pallas_call(
        _bn_relu_body,
        grid=(rows // blk,),
        in_specs=[
            pl.BlockSpec((blk, F), lambda g: (g, 0)),
            pl.BlockSpec((8, F), lambda g: (0, 0)),
            pl.BlockSpec((1, F), lambda g: (0, 0)),
            pl.BlockSpec((1, F), lambda g: (0, 0)),
        ],
        out_specs=pl.BlockSpec((blk, F), lambda g: (g, 0)),
        out_shape=jax.ShapeDtypeStruct((rows, F), jnp.float32),
    )(y, sums, g2d, be2d)


def _bn_relu_final_body(y0_ref, y1_ref, sums_ref, g_ref, be_ref, out_ref):
    mean, inv = _bn_stats(sums_ref[:])
    h0 = jnp.maximum((y0_ref[:] - mean) * inv * g_ref[:] + be_ref[:], 0.0)
    h1 = jnp.maximum((y1_ref[:] - mean) * inv * g_ref[:] + be_ref[:], 0.0)
    out_ref[:] = jnp.stack([h0, h1], axis=1)


def _bn_relu_final(y, sums, g2d, be2d):
    blk = 400
    grid = N // blk
    return pl.pallas_call(
        _bn_relu_final_body,
        grid=(grid,),
        in_specs=[
            pl.BlockSpec((blk, F), lambda g: (g, 0)),
            pl.BlockSpec((blk, F), lambda g: (g + N // blk, 0)),
            pl.BlockSpec((8, F), lambda g: (0, 0)),
            pl.BlockSpec((1, F), lambda g: (0, 0)),
            pl.BlockSpec((1, F), lambda g: (0, 0)),
        ],
        out_specs=pl.BlockSpec((blk, T, F), lambda g: (g, 0, 0)),
        out_shape=jax.ShapeDtypeStruct((N, T, F), jnp.float32),
    )(y, y, sums, g2d, be2d)


def kernel(node_features, edge_index, edges_weight, W1, b1, g1, be1, W2, b2, g2, be2):
    src = edge_index[0]
    dst = edge_index[1]
    src_l1 = jnp.concatenate([2 * src, 2 * src + 1])
    src_l2 = jnp.concatenate([src, src + N])
    w_t = edges_weight.reshape(-1)

    x1 = node_features.reshape(N * T, F)
    seg1 = _sc_segment_sum(x1, src_l1, dst, w_t)
    y1, sums1 = _lin_sums(seg1, W1, b1.reshape(1, F))
    h1 = _bn_relu(y1, sums1, g1.reshape(1, F), be1.reshape(1, F))

    seg2 = _sc_segment_sum(h1, src_l2, dst, w_t)
    y2, sums2 = _lin_sums(seg2, W2, b2.reshape(1, F))
    return _bn_relu_final(y2, sums2, g2.reshape(1, F), be2.reshape(1, F))

# --- scband reference (transcript-rebuilt; emitter-appended) ---
"""Pipeline reference for scband-weighted-gcn-5927054868790 (READ-ONLY COPY).

The authoritative reference and input builder live on the scoring server;
editing this copy changes nothing except your own understanding.
"""

import jax, jax.numpy as jnp
import numpy as np

N = 10000
E = 160000
T = 2
F = 128
EPS = 1e-5


def setup_inputs(seed: int = 0) -> dict:
    key = jax.random.key(seed)
    ks = jax.random.split(key, 8)
    node_features = jax.random.normal(ks[0], (N, T, F), dtype=jnp.float32)
    edge_index = jax.random.randint(ks[1], (2, E), 0, N, dtype=jnp.int32)
    edges_weight = jax.random.normal(ks[2], (T, E), dtype=jnp.float32)

    def lin_w(k, fin, fout):
        return (jax.random.normal(k, (fin, fout), dtype=jnp.float32) / np.sqrt(fin)).astype(jnp.float32)

    W1 = lin_w(ks[3], F, F)
    b1 = jnp.zeros((F,), jnp.float32)
    g1 = jnp.ones((F,), jnp.float32)
    be1 = jnp.zeros((F,), jnp.float32)
    W2 = lin_w(ks[4], F, F)
    b2 = jnp.zeros((F,), jnp.float32)
    g2 = jnp.ones((F,), jnp.float32)
    be2 = jnp.zeros((F,), jnp.float32)
    return {
        "node_features": node_features,
        "edge_index": edge_index,
        "edges_weight": edges_weight,
        "W1": W1, "b1": b1, "g1": g1, "be1": be1,
        "W2": W2, "b2": b2, "g2": g2, "be2": be2,
    }


def _wgcn_layer(x, ew, src, dst, W, b, gamma, beta):
    # weighted_graph_conv: msg = u_mul_e(n, e); h = sum(msg) by dst
    # ew: (T, E) -> edata e = ew.T.unsqueeze(-1): (E, T, 1)
    msg = x[src] * ew.T[:, :, None]              # (E, T, F)
    h = jax.ops.segment_sum(msg, dst, num_segments=N)  # (N, T, F)
    h = h @ W + b                                # linear over last dim
    # BatchNorm1d over channel dim after transpose(1,-1): (N, C, T), stats over (N, T)
    mean = h.mean(axis=(0, 1))
    var = h.var(axis=(0, 1))
    h = (h - mean) / jnp.sqrt(var + EPS) * gamma + beta
    return jax.nn.relu(h)


def reference(node_features, edge_index, edges_weight, W1, b1, g1, be1, W2, b2, g2, be2):
    src = edge_index[0]
    dst = edge_index[1]
    h = _wgcn_layer(node_features, edges_weight, src, dst, W1, b1, g1, be1)
    h = _wgcn_layer(h, edges_weight, src, dst, W2, b2, g2, be2)
    return h

if __name__ == "__main__":
    import jax
    _d = setup_inputs()
    print(jax.jit(kernel)(*tuple(_d.values())))

</pallas_src>

<mosaic_0001>
#map = affine_map<(d0, d1) -> (0, 0)>
#map1 = affine_map<(d0, d1) -> (0)>
module attributes {stable_mosaic.version = 14 : i64} {
  func.func @_sc_body(%arg0: i32, %arg1: i32, %arg2: memref<20000x128xf32, #tpu.memory_space<hbm>>, %arg3: memref<320000xi32, #tpu.memory_space<hbm>>, %arg4: memref<160000xi32, #tpu.memory_space<hbm>>, %arg5: memref<320000xf32, #tpu.memory_space<hbm>>, %arg6: memref<20000x128xf32, #tpu.memory_space<hbm>>, %arg7: memref<10000x128xf32, #tpu.memory_space<vmem_shared>>, %arg8: memref<80xi32, #tpu.memory_space<vmem>>, %arg9: memref<80xi32, #tpu.memory_space<vmem>>, %arg10: memref<80xf32, #tpu.memory_space<vmem>>, %arg11: memref<80x128xf32, #tpu.memory_space<vmem>>, %arg12: memref<!tpu.dma_semaphore, #tpu.memory_space<semaphore_mem>>) attributes {dimension_semantics = [#tpu.dimension_semantics<core_parallel>, #tpu.dimension_semantics<subcore_parallel>], iteration_bounds = array<i64: 2, 16>, scalar_prefetch = 0 : i64, scratch_operands = 6 : i64, tpu.core_type = #tpu.core_type<sc_vector_subcore>, window_params = [{transform_indices = #map}, {transform_indices = #map1}, {transform_indices = #map1}, {transform_indices = #map1}, {transform_indices = #map}]} {
    %scan3A = arith.constant 0 : i32
    %scan3A_0 = arith.constant 0 : i32
    %scan3A_1 = arith.constant 80 : i32
    %scan3A_2 = arith.addi %scan3A_0, %scan3A_1 : i32
    %scan3A_3 = arith.constant 1 : i32
    scf.for %scan3A_121 = %scan3A_0 to %scan3A_2 step %scan3A_3  : i32 {
      %broadcast_in_dim3A = arith.constant 0.000000e+00 : f32
      %broadcast_in_dim3A_122 = vector.broadcast %broadcast_in_dim3A : f32 to vector<16xf32>
      %swap3A = arith.index_cast %scan3A_121 : i32 to index
      %swap3A_123 = arith.constant 0 : index
      %swap3A_124 = tpu.vector_load %arg11[%swap3A, %swap3A_123] {strides = array<i32>} : memref<80x128xf32, #tpu.memory_space<vmem>>, vector<1x16xf32>,
      %swap3A_125 = vector.shape_cast %swap3A_124 : vector<1x16xf32> to vector<16xf32>
      %swap3A_126 = vector.shape_cast %broadcast_in_dim3A_122 : vector<16xf32> to vector<1x16xf32>
      tpu.vector_store %arg11[%swap3A, %swap3A_123], %swap3A_126 {strides = array<i32>} : memref<80x128xf32, #tpu.memory_space<vmem>>, vector<1x16xf32>,
      %broadcast_in_dim3A_127 = arith.constant 0.000000e+00 : f32
      %broadcast_in_dim3A_128 = vector.broadcast %broadcast_in_dim3A_127 : f32 to vector<16xf32>
      %swap3A_129 = arith.index_cast %scan3A_121 : i32 to index
      %swap3A_130 = arith.constant 16 : index
      %swap3A_131 = tpu.vector_load %arg11[%swap3A_129, %swap3A_130] {strides = array<i32>} : memref<80x128xf32, #tpu.memory_space<vmem>>, vector<1x16xf32>,
      %swap3A_132 = vector.shape_cast %swap3A_131 : vector<1x16xf32> to vector<16xf32>
      %swap3A_133 = vector.shape_cast %broadcast_in_dim3A_128 : vector<16xf32> to vector<1x16xf32>
      tpu.vector_store %arg11[%swap3A_129, %swap3A_130], %swap3A_133 {strides = array<i32>} : memref<80x128xf32, #tpu.memory_space<vmem>>, vector<1x16xf32>,
      %broadcast_in_dim3A_134 = arith.constant 0.000000e+00 : f32
      %broadcast_in_dim3A_135 = vector.broadcast %broadcast_in_dim3A_134 : f32 to vector<16xf32>
      %swap3A_136 = arith.index_cast %scan3A_121 : i32 to index
      %swap3A_137 = arith.constant 32 : index
      %swap3A_138 = tpu.vector_load %arg11[%swap3A_136, %swap3A_137] {strides = array<i32>} : memref<80x128xf32, #tpu.memory_space<vmem>>, vector<1x16xf32>,
      %swap3A_139 = vector.shape_cast %swap3A_138 : vector<1x16xf32> to vector<16xf32>
      %swap3A_140 = vector.shape_cast %broadcast_in_dim3A_135 : vector<16xf32> to vector<1x16xf32>
      tpu.vector_store %arg11[%swap3A_136, %swap3A_137], %swap3A_140 {strides = array<i32>} : memref<80x128xf32, #tpu.memory_space<vmem>>, vector<1x16xf32>,
      %broadcast_in_dim3A_141 = arith.constant 0.000000e+00 : f32
      %broadcast_in_dim3A_142 = vector.broadcast %broadcast_in_dim3A_141 : f32 to vector<16xf32>
      %swap3A_143 = arith.index_cast %scan3A_121 : i32 to index
      %swap3A_144 = arith.constant 48 : index
      %swap3A_145 = tpu.vector_load %arg11[%swap3A_143, %swap3A_144] {strides = array<i32>} : memref<80x128xf32, #tpu.memory_space<vmem>>, vector<1x16xf32>,
      %swap3A_146 = vector.shape_cast %swap3A_145 : vector<1x16xf32> to vector<16xf32>
      %swap3A_147 = vector.shape_cast %broadcast_in_dim3A_142 : vector<16xf32> to vector<1x16xf32>
      tpu.vector_store %arg11[%swap3A_143, %swap3A_144], %swap3A_147 {strides = array<i32>} : memref<80x128xf32, #tpu.memory_space<vmem>>, vector<1x16xf32>,
      %broadcast_in_dim3A_148 = arith.constant 0.000000e+00 : f32
      %broadcast_in_dim3A_149 = vector.broadcast %broadcast_in_dim3A_148 : f32 to vector<16xf32>
      %swap3A_150 = arith.index_cast %scan3A_121 : i32 to index
      %swap3A_151 = arith.constant 64 : index
      %swap3A_152 = tpu.vector_load %arg11[%swap3A_150, %swap3A_151] {strides = array<i32>} : memref<80x128xf32, #tpu.memory_space<vmem>>, vector<1x16xf32>,
      %swap3A_153 = vector.shape_cast %swap3A_152 : vector<1x16xf32> to vector<16xf32>
      %swap3A_154 = vector.shape_cast %broadcast_in_dim3A_149 : vector<16xf32> to vector<1x16xf32>
      tpu.vector_store %arg11[%swap3A_150, %swap3A_151], %swap3A_154 {strides = array<i32>} : memref<80x128xf32, #tpu.memory_space<vmem>>, vector<1x16xf32>,
      %broadcast_in_dim3A_155 = arith.constant 0.000000e+00 : f32
      %broadcast_in_dim3A_156 = vector.broadcast %broadcast_in_dim3A_155 : f32 to vector<16xf32>
      %swap3A_157 = arith.index_cast %scan3A_121 : i32 to index
      %swap3A_158 = arith.constant 80 : index
      %swap3A_159 = tpu.vector_load %arg11[%swap3A_157, %swap3A_158] {strides = array<i32>} : memref<80x128xf32, #tpu.memory_space<vmem>>, vector<1x16xf32>,
      %swap3A_160 = vector.shape_cast %swap3A_159 : vector<1x16xf32> to vector<16xf32>
      %swap3A_161 = vector.shape_cast %broadcast_in_dim3A_156 : vector<16xf32> to vector<1x16xf32>
      tpu.vector_store %arg11[%swap3A_157, %swap3A_158], %swap3A_161 {strides = array<i32>} : memref<80x128xf32, #tpu.memory_space<vmem>>, vector<1x16xf32>,
      %broadcast_in_dim3A_162 = arith.constant 0.000000e+00 : f32
      %broadcast_in_dim3A_163 = vector.broadcast %broadcast_in_dim3A_162 : f32 to vector<16xf32>
      %swap3A_164 = arith.index_cast %scan3A_121 : i32 to index
      %swap3A_165 = arith.constant 96 : index
      %swap3A_166 = tpu.vector_load %arg11[%swap3A_164, %swap3A_165] {strides = array<i32>} : memref<80x128xf32, #tpu.memory_space<vmem>>, vector<1x16xf32>,
      %swap3A_167 = vector.shape_cast %swap3A_166 : vector<1x16xf32> to vector<16xf32>
      %swap3A_168 = vector.shape_cast %broadcast_in_dim3A_163 : vector<16xf32> to vector<1x16xf32>
      tpu.vector_store %arg11[%swap3A_164, %swap3A_165], %swap3A_168 {strides = array<i32>} : memref<80x128xf32, #tpu.memory_space<vmem>>, vector<1x16xf32>,
      %broadcast_in_dim3A_169 = arith.constant 0.000000e+00 : f32
      %broadcast_in_dim3A_170 = vector.broadcast %broadcast_in_dim3A_169 : f32 to vector<16xf32>
      %swap3A_171 = arith.index_cast %scan3A_121 : i32 to index
      %swap3A_172 = arith.constant 112 : index
      %swap3A_173 = tpu.vector_load %arg11[%swap3A_171, %swap3A_172] {strides = array<i32>} : memref<80x128xf32, #tpu.memory_space<vmem>>, vector<1x16xf32>,
      %swap3A_174 = vector.shape_cast %swap3A_173 : vector<1x16xf32> to vector<16xf32>
      %swap3A_175 = vector.shape_cast %broadcast_in_dim3A_170 : vector<16xf32> to vector<1x16xf32>
      tpu.vector_store %arg11[%swap3A_171, %swap3A_172], %swap3A_175 {strides = array<i32>} : memref<80x128xf32, #tpu.memory_space<vmem>>, vector<1x16xf32>,
    }
    %scan3A_4 = arith.constant 80 : i32
    %add3A = arith.constant 0 : i32
    %add3A_5 = arith.addi %arg1, %add3A : i32
    %lt3A = arith.constant 125 : i32
    %lt3A_6 = arith.cmpi slt, %add3A_5, %lt3A : i32
    %convert_element_type3A = arith.extui %lt3A_6 : i1 to i32
    %cond3A = arith.constant 0 : i32
    %cond3A_7 = arith.cmpi ne, %convert_element_type3A, %cond3A : i32
    scf.if %cond3A_7 {
      %mul3A_121 = arith.constant 80 : i32
      %mul3A_122 = arith.muli %add3A_5, %mul3A_121 : i32
      "tpu.region"() ({
        %run_scoped3A = tpu.sem_alloc : memref<!tpu.dma_semaphore, #tpu.memory_space<semaphore_mem>>
        %dma_start3A = arith.constant 0 : i32
        %dma_start3A_123 = tpu.memref_slice %arg7[%mul3A_122, %dma_start3A] : memref<10000x128xf32, #tpu.memory_space<vmem_shared>> -> memref<80x128xf32, #tpu.memory_space<vmem_shared>>
        %dma_start3A_124 = arith.constant 0 : i32
        %dma_start3A_125 = tpu.memref_slice %arg7[%mul3A_122, %dma_start3A_124] : memref<10000x128xf32, #tpu.memory_space<vmem_shared>> -> memref<80x128xf32, #tpu.memory_space<vmem_shared>>
        tpu.enqueue_dma source(%arg11 : memref<80x128xf32, #tpu.memory_space<vmem>>) target(%dma_start3A_125 : memref<80x128xf32, #tpu.memory_space<vmem_shared>>) target_semaphore(%run_scoped3A : memref<!tpu.dma_semaphore, #tpu.memory_space<semaphore_mem>>)
        %dma_wait3A = arith.constant 0 : i32
        %dma_wait3A_126 = tpu.memref_slice %arg7[%mul3A_122, %dma_wait3A] : memref<10000x128xf32, #tpu.memory_space<vmem_shared>> -> memref<80x128xf32, #tpu.memory_space<vmem_shared>>
        %dma_wait3A_127 = arith.constant 0 : i32
        %dma_wait3A_128 = tpu.memref_slice %arg7[%mul3A_122, %dma_wait3A_127] : memref<10000x128xf32, #tpu.memory_space<vmem_shared>> -> memref<80x128xf32, #tpu.memory_space<vmem_shared>>
        tpu.wait_dma2 semaphore(%run_scoped3A : memref<!tpu.dma_semaphore, #tpu.memory_space<semaphore_mem>>) src(%arg11 : memref<80x128xf32, #tpu.memory_space<vmem>>) dst(%dma_wait3A_128 : memref<80x128xf32, #tpu.memory_space<vmem_shared>>)
        tpu.yield
      }) : () -> ()
    } else {
    }
    %add3A_8 = arith.constant 16 : i32
    %add3A_9 = arith.addi %arg1, %add3A_8 : i32
    %lt3A_10 = arith.constant 125 : i32
    %lt3A_11 = arith.cmpi slt, %add3A_9, %lt3A_10 : i32
    %convert_element_type3A_12 = arith.extui %lt3A_11 : i1 to i32
    %cond3A_13 = arith.constant 0 : i32
    %cond3A_14 = arith.cmpi ne, %convert_element_type3A_12, %cond3A_13 : i32
    scf.if %cond3A_14 {
      %mul3A_121 = arith.constant 80 : i32
      %mul3A_122 = arith.muli %add3A_9, %mul3A_121 : i32
      "tpu.region"() ({
        %run_scoped3A = tpu.sem_alloc : memref<!tpu.dma_semaphore, #tpu.memory_space<semaphore_mem>>
        %dma_start3A = arith.constant 0 : i32
        %dma_start3A_123 = tpu.memref_slice %arg7[%mul3A_122, %dma_start3A] : memref<10000x128xf32, #tpu.memory_space<vmem_shared>> -> memref<80x128xf32, #tpu.memory_space<vmem_shared>>
        %dma_start3A_124 = arith.constant 0 : i32
        %dma_start3A_125 = tpu.memref_slice %arg7[%mul3A_122, %dma_start3A_124] : memref<10000x128xf32, #tpu.memory_space<vmem_shared>> -> memref<80x128xf32, #tpu.memory_space<vmem_shared>>
        tpu.enqueue_dma source(%arg11 : memref<80x128xf32, #tpu.memory_space<vmem>>) target(%dma_start3A_125 : memref<80x128xf32, #tpu.memory_space<vmem_shared>>) target_semaphore(%run_scoped3A : memref<!tpu.dma_semaphore, #tpu.memory_space<semaphore_mem>>)
        %dma_wait3A = arith.constant 0 : i32
        %dma_wait3A_126 = tpu.memref_slice %arg7[%mul3A_122, %dma_wait3A] : memref<10000x128xf32, #tpu.memory_space<vmem_shared>> -> memref<80x128xf32, #tpu.memory_space<vmem_shared>>
        %dma_wait3A_127 = arith.constant 0 : i32
        %dma_wait3A_128 = tpu.memref_slice %arg7[%mul3A_122, %dma_wait3A_127] : memref<10000x128xf32, #tpu.memory_space<vmem_shared>> -> memref<80x128xf32, #tpu.memory_space<vmem_shared>>
        tpu.wait_dma2 semaphore(%run_scoped3A : memref<!tpu.dma_semaphore, #tpu.memory_space<semaphore_mem>>) src(%arg11 : memref<80x128xf32, #tpu.memory_space<vmem>>) dst(%dma_wait3A_128 : memref<80x128xf32, #tpu.memory_space<vmem_shared>>)
        tpu.yield
      }) : () -> ()
    } else {
    }
    %add3A_15 = arith.constant 32 : i32
    %add3A_16 = arith.addi %arg1, %add3A_15 : i32
    %lt3A_17 = arith.constant 125 : i32
    %lt3A_18 = arith.cmpi slt, %add3A_16, %lt3A_17 : i32
    %convert_element_type3A_19 = arith.extui %lt3A_18 : i1 to i32
    %cond3A_20 = arith.constant 0 : i32
    %cond3A_21 = arith.cmpi ne, %convert_element_type3A_19, %cond3A_20 : i32
    scf.if %cond3A_21 {
      %mul3A_121 = arith.constant 80 : i32
      %mul3A_122 = arith.muli %add3A_16, %mul3A_121 : i32
      "tpu.region"() ({
        %run_scoped3A = tpu.sem_alloc : memref<!tpu.dma_semaphore, #tpu.memory_space<semaphore_mem>>
        %dma_start3A = arith.constant 0 : i32
        %dma_start3A_123 = tpu.memref_slice %arg7[%mul3A_122, %dma_start3A] : memref<10000x128xf32, #tpu.memory_space<vmem_shared>> -> memref<80x128xf32, #tpu.memory_space<vmem_shared>>
        %dma_start3A_124 = arith.constant 0 : i32
        %dma_start3A_125 = tpu.memref_slice %arg7[%mul3A_122, %dma_start3A_124] : memref<10000x128xf32, #tpu.memory_space<vmem_shared>> -> memref<80x128xf32, #tpu.memory_space<vmem_shared>>
        tpu.enqueue_dma source(%arg11 : memref<80x128xf32, #tpu.memory_space<vmem>>) target(%dma_start3A_125 : memref<80x128xf32, #tpu.memory_space<vmem_shared>>) target_semaphore(%run_scoped3A : memref<!tpu.dma_semaphore, #tpu.memory_space<semaphore_mem>>)
        %dma_wait3A = arith.constant 0 : i32
        %dma_wait3A_126 = tpu.memref_slice %arg7[%mul3A_122, %dma_wait3A] : memref<10000x128xf32, #tpu.memory_space<vmem_shared>> -> memref<80x128xf32, #tpu.memory_space<vmem_shared>>
        %dma_wait3A_127 = arith.constant 0 : i32
        %dma_wait3A_128 = tpu.memref_slice %arg7[%mul3A_122, %dma_wait3A_127] : memref<10000x128xf32, #tpu.memory_space<vmem_shared>> -> memref<80x128xf32, #tpu.memory_space<vmem_shared>>
        tpu.wait_dma2 semaphore(%run_scoped3A : memref<!tpu.dma_semaphore, #tpu.memory_space<semaphore_mem>>) src(%arg11 : memref<80x128xf32, #tpu.memory_space<vmem>>) dst(%dma_wait3A_128 : memref<80x128xf32, #tpu.memory_space<vmem_shared>>)
        tpu.yield
      }) : () -> ()
    } else {
    }
    %add3A_22 = arith.constant 48 : i32
    %add3A_23 = arith.addi %arg1, %add3A_22 : i32
    %lt3A_24 = arith.constant 125 : i32
    %lt3A_25 = arith.cmpi slt, %add3A_23, %lt3A_24 : i32
    %convert_element_type3A_26 = arith.extui %lt3A_25 : i1 to i32
    %cond3A_27 = arith.constant 0 : i32
    %cond3A_28 = arith.cmpi ne, %convert_element_type3A_26, %cond3A_27 : i32
    scf.if %cond3A_28 {
      %mul3A_121 = arith.constant 80 : i32
      %mul3A_122 = arith.muli %add3A_23, %mul3A_121 : i32
      "tpu.region"() ({
        %run_scoped3A = tpu.sem_alloc : memref<!tpu.dma_semaphore, #tpu.memory_space<semaphore_mem>>
        %dma_start3A = arith.constant 0 : i32
        %dma_start3A_123 = tpu.memref_slice %arg7[%mul3A_122, %dma_start3A] : memref<10000x128xf32, #tpu.memory_space<vmem_shared>> -> memref<80x128xf32, #tpu.memory_space<vmem_shared>>
        %dma_start3A_124 = arith.constant 0 : i32
        %dma_start3A_125 = tpu.memref_slice %arg7[%mul3A_122, %dma_start3A_124] : memref<10000x128xf32, #tpu.memory_space<vmem_shared>> -> memref<80x128xf32, #tpu.memory_space<vmem_shared>>
        tpu.enqueue_dma source(%arg11 : memref<80x128xf32, #tpu.memory_space<vmem>>) target(%dma_start3A_125 : memref<80x128xf32, #tpu.memory_space<vmem_shared>>) target_semaphore(%run_scoped3A : memref<!tpu.dma_semaphore, #tpu.memory_space<semaphore_mem>>)
        %dma_wait3A = arith.constant 0 : i32
        %dma_wait3A_126 = tpu.memref_slice %arg7[%mul3A_122, %dma_wait3A] : memref<10000x128xf32, #tpu.memory_space<vmem_shared>> -> memref<80x128xf32, #tpu.memory_space<vmem_shared>>
        %dma_wait3A_127 = arith.constant 0 : i32
        %dma_wait3A_128 = tpu.memref_slice %arg7[%mul3A_122, %dma_wait3A_127] : memref<10000x128xf32, #tpu.memory_space<vmem_shared>> -> memref<80x128xf32, #tpu.memory_space<vmem_shared>>
        tpu.wait_dma2 semaphore(%run_scoped3A : memref<!tpu.dma_semaphore, #tpu.memory_space<semaphore_mem>>) src(%arg11 : memref<80x128xf32, #tpu.memory_space<vmem>>) dst(%dma_wait3A_128 : memref<80x128xf32, #tpu.memory_space<vmem_shared>>)
        tpu.yield
      }) : () -> ()
    } else {
    }
    %add3A_29 = arith.constant 64 : i32
    %add3A_30 = arith.addi %arg1, %add3A_29 : i32
    %lt3A_31 = arith.constant 125 : i32
    %lt3A_32 = arith.cmpi slt, %add3A_30, %lt3A_31 : i32
    %convert_element_type3A_33 = arith.extui %lt3A_32 : i1 to i32
    %cond3A_34 = arith.constant 0 : i32
    %cond3A_35 = arith.cmpi ne, %convert_element_type3A_33, %cond3A_34 : i32
    scf.if %cond3A_35 {
      %mul3A_121 = arith.constant 80 : i32
      %mul3A_122 = arith.muli %add3A_30, %mul3A_121 : i32
      "tpu.region"() ({
        %run_scoped3A = tpu.sem_alloc : memref<!tpu.dma_semaphore, #tpu.memory_space<semaphore_mem>>
        %dma_start3A = arith.constant 0 : i32
        %dma_start3A_123 = tpu.memref_slice %arg7[%mul3A_122, %dma_start3A] : memref<10000x128xf32, #tpu.memory_space<vmem_shared>> -> memref<80x128xf32, #tpu.memory_space<vmem_shared>>
        %dma_start3A_124 = arith.constant 0 : i32
        %dma_start3A_125 = tpu.memref_slice %arg7[%mul3A_122, %dma_start3A_124] : memref<10000x128xf32, #tpu.memory_space<vmem_shared>> -> memref<80x128xf32, #tpu.memory_space<vmem_shared>>
        tpu.enqueue_dma source(%arg11 : memref<80x128xf32, #tpu.memory_space<vmem>>) target(%dma_start3A_125 : memref<80x128xf32, #tpu.memory_space<vmem_shared>>) target_semaphore(%run_scoped3A : memref<!tpu.dma_semaphore, #tpu.memory_space<semaphore_mem>>)
        %dma_wait3A = arith.constant 0 : i32
        %dma_wait3A_126 = tpu.memref_slice %arg7[%mul3A_122, %dma_wait3A] : memref<10000x128xf32, #tpu.memory_space<vmem_shared>> -> memref<80x128xf32, #tpu.memory_space<vmem_shared>>
        %dma_wait3A_127 = arith.constant 0 : i32
        %dma_wait3A_128 = tpu.memref_slice %arg7[%mul3A_122, %dma_wait3A_127] : memref<10000x128xf32, #tpu.memory_space<vmem_shared>> -> memref<80x128xf32, #tpu.memory_space<vmem_shared>>
        tpu.wait_dma2 semaphore(%run_scoped3A : memref<!tpu.dma_semaphore, #tpu.memory_space<semaphore_mem>>) src(%arg11 : memref<80x128xf32, #tpu.memory_space<vmem>>) dst(%dma_wait3A_128 : memref<80x128xf32, #tpu.memory_space<vmem_shared>>)
        tpu.yield
      }) : () -> ()
    } else {
    }
    %add3A_36 = arith.constant 80 : i32
    %add3A_37 = arith.addi %arg1, %add3A_36 : i32
    %lt3A_38 = arith.constant 125 : i32
    %lt3A_39 = arith.cmpi slt, %add3A_37, %lt3A_38 : i32
    %convert_element_type3A_40 = arith.extui %lt3A_39 : i1 to i32
    %cond3A_41 = arith.constant 0 : i32
    %cond3A_42 = arith.cmpi ne, %convert_element_type3A_40, %cond3A_41 : i32
    scf.if %cond3A_42 {
      %mul3A_121 = arith.constant 80 : i32
      %mul3A_122 = arith.muli %add3A_37, %mul3A_121 : i32
      "tpu.region"() ({
        %run_scoped3A = tpu.sem_alloc : memref<!tpu.dma_semaphore, #tpu.memory_space<semaphore_mem>>
        %dma_start3A = arith.constant 0 : i32
        %dma_start3A_123 = tpu.memref_slice %arg7[%mul3A_122, %dma_start3A] : memref<10000x128xf32, #tpu.memory_space<vmem_shared>> -> memref<80x128xf32, #tpu.memory_space<vmem_shared>>
        %dma_start3A_124 = arith.constant 0 : i32
        %dma_start3A_125 = tpu.memref_slice %arg7[%mul3A_122, %dma_start3A_124] : memref<10000x128xf32, #tpu.memory_space<vmem_shared>> -> memref<80x128xf32, #tpu.memory_space<vmem_shared>>
        tpu.enqueue_dma source(%arg11 : memref<80x128xf32, #tpu.memory_space<vmem>>) target(%dma_start3A_125 : memref<80x128xf32, #tpu.memory_space<vmem_shared>>) target_semaphore(%run_scoped3A : memref<!tpu.dma_semaphore, #tpu.memory_space<semaphore_mem>>)
        %dma_wait3A = arith.constant 0 : i32
        %dma_wait3A_126 = tpu.memref_slice %arg7[%mul3A_122, %dma_wait3A] : memref<10000x128xf32, #tpu.memory_space<vmem_shared>> -> memref<80x128xf32, #tpu.memory_space<vmem_shared>>
        %dma_wait3A_127 = arith.constant 0 : i32
        %dma_wait3A_128 = tpu.memref_slice %arg7[%mul3A_122, %dma_wait3A_127] : memref<10000x128xf32, #tpu.memory_space<vmem_shared>> -> memref<80x128xf32, #tpu.memory_space<vmem_shared>>
        tpu.wait_dma2 semaphore(%run_scoped3A : memref<!tpu.dma_semaphore, #tpu.memory_space<semaphore_mem>>) src(%arg11 : memref<80x128xf32, #tpu.memory_space<vmem>>) dst(%dma_wait3A_128 : memref<80x128xf32, #tpu.memory_space<vmem_shared>>)
        tpu.yield
      }) : () -> ()
    } else {
    }
    %add3A_43 = arith.constant 96 : i32
    %add3A_44 = arith.addi %arg1, %add3A_43 : i32
    %lt3A_45 = arith.constant 125 : i32
    %lt3A_46 = arith.cmpi slt, %add3A_44, %lt3A_45 : i32
    %convert_element_type3A_47 = arith.extui %lt3A_46 : i1 to i32
    %cond3A_48 = arith.constant 0 : i32
    %cond3A_49 = arith.cmpi ne, %convert_element_type3A_47, %cond3A_48 : i32
    scf.if %cond3A_49 {
      %mul3A_121 = arith.constant 80 : i32
      %mul3A_122 = arith.muli %add3A_44, %mul3A_121 : i32
      "tpu.region"() ({
        %run_scoped3A = tpu.sem_alloc : memref<!tpu.dma_semaphore, #tpu.memory_space<semaphore_mem>>
        %dma_start3A = arith.constant 0 : i32
        %dma_start3A_123 = tpu.memref_slice %arg7[%mul3A_122, %dma_start3A] : memref<10000x128xf32, #tpu.memory_space<vmem_shared>> -> memref<80x128xf32, #tpu.memory_space<vmem_shared>>
        %dma_start3A_124 = arith.constant 0 : i32
        %dma_start3A_125 = tpu.memref_slice %arg7[%mul3A_122, %dma_start3A_124] : memref<10000x128xf32, #tpu.memory_space<vmem_shared>> -> memref<80x128xf32, #tpu.memory_space<vmem_shared>>
        tpu.enqueue_dma source(%arg11 : memref<80x128xf32, #tpu.memory_space<vmem>>) target(%dma_start3A_125 : memref<80x128xf32, #tpu.memory_space<vmem_shared>>) target_semaphore(%run_scoped3A : memref<!tpu.dma_semaphore, #tpu.memory_space<semaphore_mem>>)
        %dma_wait3A = arith.constant 0 : i32
        %dma_wait3A_126 = tpu.memref_slice %arg7[%mul3A_122, %dma_wait3A] : memref<10000x128xf32, #tpu.memory_space<vmem_shared>> -> memref<80x128xf32, #tpu.memory_space<vmem_shared>>
        %dma_wait3A_127 = arith.constant 0 : i32
        %dma_wait3A_128 = tpu.memref_slice %arg7[%mul3A_122, %dma_wait3A_127] : memref<10000x128xf32, #tpu.memory_space<vmem_shared>> -> memref<80x128xf32, #tpu.memory_space<vmem_shared>>
        tpu.wait_dma2 semaphore(%run_scoped3A : memref<!tpu.dma_semaphore, #tpu.memory_space<semaphore_mem>>) src(%arg11 : memref<80x128xf32, #tpu.memory_space<vmem>>) dst(%dma_wait3A_128 : memref<80x128xf32, #tpu.memory_space<vmem_shared>>)
        tpu.yield
      }) : () -> ()
    } else {
    }
    %add3A_50 = arith.constant 112 : i32
    %add3A_51 = arith.addi %arg1, %add3A_50 : i32
    %lt3A_52 = arith.constant 125 : i32
    %lt3A_53 = arith.cmpi slt, %add3A_51, %lt3A_52 : i32
    %convert_element_type3A_54 = arith.extui %lt3A_53 : i1 to i32
    %cond3A_55 = arith.constant 0 : i32
    %cond3A_56 = arith.cmpi ne, %convert_element_type3A_54, %cond3A_55 : i32
    scf.if %cond3A_56 {
      %mul3A_121 = arith.constant 80 : i32
      %mul3A_122 = arith.muli %add3A_51, %mul3A_121 : i32
      "tpu.region"() ({
        %run_scoped3A = tpu.sem_alloc : memref<!tpu.dma_semaphore, #tpu.memory_space<semaphore_mem>>
        %dma_start3A = arith.constant 0 : i32
        %dma_start3A_123 = tpu.memref_slice %arg7[%mul3A_122, %dma_start3A] : memref<10000x128xf32, #tpu.memory_space<vmem_shared>> -> memref<80x128xf32, #tpu.memory_space<vmem_shared>>
        %dma_start3A_124 = arith.constant 0 : i32
        %dma_start3A_125 = tpu.memref_slice %arg7[%mul3A_122, %dma_start3A_124] : memref<10000x128xf32, #tpu.memory_space<vmem_shared>> -> memref<80x128xf32, #tpu.memory_space<vmem_shared>>
        tpu.enqueue_dma source(%arg11 : memref<80x128xf32, #tpu.memory_space<vmem>>) target(%dma_start3A_125 : memref<80x128xf32, #tpu.memory_space<vmem_shared>>) target_semaphore(%run_scoped3A : memref<!tpu.dma_semaphore, #tpu.memory_space<semaphore_mem>>)
        %dma_wait3A = arith.constant 0 : i32
        %dma_wait3A_126 = tpu.memref_slice %arg7[%mul3A_122, %dma_wait3A] : memref<10000x128xf32, #tpu.memory_space<vmem_shared>> -> memref<80x128xf32, #tpu.memory_space<vmem_shared>>
        %dma_wait3A_127 = arith.constant 0 : i32
        %dma_wait3A_128 = tpu.memref_slice %arg7[%mul3A_122, %dma_wait3A_127] : memref<10000x128xf32, #tpu.memory_space<vmem_shared>> -> memref<80x128xf32, #tpu.memory_space<vmem_shared>>
        tpu.wait_dma2 semaphore(%run_scoped3A : memref<!tpu.dma_semaphore, #tpu.memory_space<semaphore_mem>>) src(%arg11 : memref<80x128xf32, #tpu.memory_space<vmem>>) dst(%dma_wait3A_128 : memref<80x128xf32, #tpu.memory_space<vmem_shared>>)
        tpu.yield
      }) : () -> ()
    } else {
    }
    %barrier3A = arith.constant 0 : index
    tpu.barrier barrier_id(%barrier3A)
    %mul3A = arith.constant 10000 : i32
    %mul3A_57 = arith.muli %arg1, %mul3A : i32
    %scan3A_58 = arith.constant 0 : i32
    %scan3A_59 = arith.constant 0 : i32
    %scan3A_60 = arith.constant 125 : i32
    %scan3A_61 = arith.addi %scan3A_59, %scan3A_60 : i32
    %scan3A_62 = arith.constant 1 : i32
    scf.for %scan3A_121 = %scan3A_59 to %scan3A_61 step %scan3A_62  : i32 {
      %mul3A_122 = arith.constant 80 : i32
      %mul3A_123 = arith.muli %scan3A_121, %mul3A_122 : i32
      %add3A_124 = arith.addi %mul3A_57, %mul3A_123 : i32
      %mul3A_125 = arith.constant 160000 : i32
      %mul3A_126 = arith.muli %arg0, %mul3A_125 : i32
      %add3A_127 = arith.addi %mul3A_126, %add3A_124 : i32
      "tpu.region"() ({
        %run_scoped3A = tpu.sem_alloc : memref<!tpu.dma_semaphore, #tpu.memory_space<semaphore_mem>>
        %dma_start3A_141 = tpu.memref_slice %arg3[%add3A_127] : memref<320000xi32, #tpu.memory_space<hbm>> -> memref<80xi32, #tpu.memory_space<hbm>>
        %dma_start3A_142 = tpu.memref_slice %arg3[%add3A_127] : memref<320000xi32, #tpu.memory_space<hbm>> -> memref<80xi32, #tpu.memory_space<hbm>>
        tpu.enqueue_dma source(%dma_start3A_142 : memref<80xi32, #tpu.memory_space<hbm>>) target(%arg8 : memref<80xi32, #tpu.memory_space<vmem>>) target_semaphore(%run_scoped3A : memref<!tpu.dma_semaphore, #tpu.memory_space<semaphore_mem>>)
        %dma_wait3A_143 = tpu.memref_slice %arg3[%add3A_127] : memref<320000xi32, #tpu.memory_space<hbm>> -> memref<80xi32, #tpu.memory_space<hbm>>
        %dma_wait3A_144 = tpu.memref_slice %arg3[%add3A_127] : memref<320000xi32, #tpu.memory_space<hbm>> -> memref<80xi32, #tpu.memory_space<hbm>>
        tpu.wait_dma2 semaphore(%run_scoped3A : memref<!tpu.dma_semaphore, #tpu.memory_space<semaphore_mem>>) src(%dma_wait3A_144 : memref<80xi32, #tpu.memory_space<hbm>>) dst(%arg8 : memref<80xi32, #tpu.memory_space<vmem>>)
        tpu.yield
      }) : () -> ()
      "tpu.region"() ({
        %run_scoped3A = tpu.sem_alloc : memref<!tpu.dma_semaphore, #tpu.memory_space<semaphore_mem>>
        %dma_start3A_141 = tpu.memref_slice %arg4[%add3A_124] : memref<160000xi32, #tpu.memory_space<hbm>> -> memref<80xi32, #tpu.memory_space<hbm>>
        %dma_start3A_142 = tpu.memref_slice %arg4[%add3A_124] : memref<160000xi32, #tpu.memory_space<hbm>> -> memref<80xi32, #tpu.memory_space<hbm>>
        tpu.enqueue_dma source(%dma_start3A_142 : memref<80xi32, #tpu.memory_space<hbm>>) target(%arg9 : memref<80xi32, #tpu.memory_space<vmem>>) target_semaphore(%run_scoped3A : memref<!tpu.dma_semaphore, #tpu.memory_space<semaphore_mem>>)
        %dma_wait3A_143 = tpu.memref_slice %arg4[%add3A_124] : memref<160000xi32, #tpu.memory_space<hbm>> -> memref<80xi32, #tpu.memory_space<hbm>>
        %dma_wait3A_144 = tpu.memref_slice %arg4[%add3A_124] : memref<160000xi32, #tpu.memory_space<hbm>> -> memref<80xi32, #tpu.memory_space<hbm>>
        tpu.wait_dma2 semaphore(%run_scoped3A : memref<!tpu.dma_semaphore, #tpu.memory_space<semaphore_mem>>) src(%dma_wait3A_144 : memref<80xi32, #tpu.memory_space<hbm>>) dst(%arg9 : memref<80xi32, #tpu.memory_space<vmem>>)
        tpu.yield
      }) : () -> ()
      %mul3A_128 = arith.constant 160000 : i32
      %mul3A_129 = arith.muli %arg0, %mul3A_128 : i32
      %add3A_130 = arith.addi %mul3A_129, %add3A_124 : i32
      "tpu.region"() ({
        %run_scoped3A = tpu.sem_alloc : memref<!tpu.dma_semaphore, #tpu.memory_space<semaphore_mem>>
        %dma_start3A_141 = tpu.memref_slice %arg5[%add3A_130] : memref<320000xf32, #tpu.memory_space<hbm>> -> memref<80xf32, #tpu.memory_space<hbm>>
        %dma_start3A_142 = tpu.memref_slice %arg5[%add3A_130] : memref<320000xf32, #tpu.memory_space<hbm>> -> memref<80xf32, #tpu.memory_space<hbm>>
        tpu.enqueue_dma source(%dma_start3A_142 : memref<80xf32, #tpu.memory_space<hbm>>) target(%arg10 : memref<80xf32, #tpu.memory_space<vmem>>) target_semaphore(%run_scoped3A : memref<!tpu.dma_semaphore, #tpu.memory_space<semaphore_mem>>)
        %dma_wait3A_143 = tpu.memref_slice %arg5[%add3A_130] : memref<320000xf32, #tpu.memory_space<hbm>> -> memref<80xf32, #tpu.memory_space<hbm>>
        %dma_wait3A_144 = tpu.memref_slice %arg5[%add3A_130] : memref<320000xf32, #tpu.memory_space<hbm>> -> memref<80xf32, #tpu.memory_space<hbm>>
        tpu.wait_dma2 semaphore(%run_scoped3A : memref<!tpu.dma_semaphore, #tpu.memory_space<semaphore_mem>>) src(%dma_wait3A_144 : memref<80xf32, #tpu.memory_space<hbm>>) dst(%arg10 : memref<80xf32, #tpu.memory_space<vmem>>)
        tpu.yield
      }) : () -> ()
      %dma_start3A = arith.constant 0 : i32
      %dma_start3A_131 = arith.constant 0 : i32
      %dma_start3A_132 = tpu.memref_slice %arg2[%dma_start3A, %dma_start3A_131] : memref<20000x128xf32, #tpu.memory_space<hbm>> -> memref<20000x128xf32, #tpu.memory_space<hbm>>
      tpu.enqueue_indirect_dma source(%dma_start3A_132 : memref<20000x128xf32, #tpu.memory_space<hbm>>) target(%arg11 : memref<80x128xf32, #tpu.memory_space<vmem>>) offsets(%arg8 : memref<80xi32, #tpu.memory_space<vmem>>) semaphore(%arg12 : memref<!tpu.dma_semaphore, #tpu.memory_space<semaphore_mem>>)
      %dma_wait3A = arith.constant 0 : i32
      %dma_wait3A_133 = arith.constant 0 : i32
      %dma_wait3A_134 = tpu.memref_slice %arg2[%dma_wait3A, %dma_wait3A_133] : memref<20000x128xf32, #tpu.memory_space<hbm>> -> memref<20000x128xf32, #tpu.memory_space<hbm>>
      tpu.wait_indirect_dma semaphore(%arg12 : memref<!tpu.dma_semaphore, #tpu.memory_space<semaphore_mem>>) src(%dma_wait3A_134 : memref<20000x128xf32, #tpu.memory_space<hbm>>) dst(%arg11 : memref<80x128xf32, #tpu.memory_space<vmem>>)
      %scan3A_135 = arith.constant 0 : i32
      %scan3A_136 = arith.constant 0 : i32
      %scan3A_137 = arith.constant 5 : i32
      %scan3A_138 = arith.addi %scan3A_136, %scan3A_137 : i32
      %scan3A_139 = arith.constant 1 : i32
      scf.for %scan3A_141 = %scan3A_136 to %scan3A_138 step %scan3A_139  : i32 {
        %mul3A_142 = arith.constant 16 : i32
        %mul3A_143 = arith.muli %scan3A_141, %mul3A_142 : i32
        %get3A = arith.index_cast %mul3A_143 : i32 to index
        %get3A_144 = tpu.vector_load %arg10[%get3A] {strides = array<i32>} : memref<80xf32, #tpu.memory_space<vmem>>, vector<16xf32>,
        %get3A_145 = vector.shape_cast %get3A_144 : vector<16xf32> to vector<16xf32>
        %broadcast_in_dim3A = arith.constant 0.000000e+00 : f32
        %broadcast_in_dim3A_146 = vector.broadcast %broadcast_in_dim3A : f32 to vector<16xf32>
        %slice3A = vector.extract_strided_slice %get3A_145 {offsets = [0], sizes = [1], strides = [1]} : vector<16xf32> to vector<1xf32>
        %squeeze3A = vector.extract %slice3A[0] : f32 from vector<1xf32>
        %add3A_147 = vector.broadcast %squeeze3A : f32 to vector<16xf32>
        %add3A_148 = arith.addf %broadcast_in_dim3A_146, %add3A_147 : vector<16xf32>
        %mul3A_149 = arith.constant 16 : i32
        %mul3A_150 = arith.muli %scan3A_141, %mul3A_149 : i32
        %add3A_151 = arith.constant 0 : i32
        %add3A_152 = arith.addi %mul3A_150, %add3A_151 : i32
        %get3A_153 = arith.index_cast %add3A_152 : i32 to index
        %get3A_154 = arith.constant 0 : index
        %get3A_155 = tpu.vector_load %arg11[%get3A_153, %get3A_154] {strides = array<i32>} : memref<80x128xf32, #tpu.memory_space<vmem>>, vector<1x16xf32>,
        %get3A_156 = vector.shape_cast %get3A_155 : vector<1x16xf32> to vector<16xf32>
        %mul3A_157 = arith.mulf %get3A_156, %add3A_148 : vector<16xf32>
        %swap3A = arith.index_cast %add3A_152 : i32 to index
        %swap3A_158 = arith.constant 0 : index
        %swap3A_159 = tpu.vector_load %arg11[%swap3A, %swap3A_158] {strides = array<i32>} : memref<80x128xf32, #tpu.memory_space<vmem>>, vector<1x16xf32>,
        %swap3A_160 = vector.shape_cast %swap3A_159 : vector<1x16xf32> to vector<16xf32>
        %swap3A_161 = vector.shape_cast %mul3A_157 : vector<16xf32> to vector<1x16xf32>
        tpu.vector_store %arg11[%swap3A, %swap3A_158], %swap3A_161 {strides = array<i32>} : memref<80x128xf32, #tpu.memory_space<vmem>>, vector<1x16xf32>,
        %get3A_162 = arith.index_cast %add3A_152 : i32 to index
        %get3A_163 = arith.constant 16 : index
        %get3A_164 = tpu.vector_load %arg11[%get3A_162, %get3A_163] {strides = array<i32>} : memref<80x128xf32, #tpu.memory_space<vmem>>, vector<1x16xf32>,
        %get3A_165 = vector.shape_cast %get3A_164 : vector<1x16xf32> to vector<16xf32>
        %mul3A_166 = arith.mulf %get3A_165, %add3A_148 : vector<16xf32>
        %swap3A_167 = arith.index_cast %add3A_152 : i32 to index
        %swap3A_168 = arith.constant 16 : index
        %swap3A_169 = tpu.vector_load %arg11[%swap3A_167, %swap3A_168] {strides = array<i32>} : memref<80x128xf32, #tpu.memory_space<vmem>>, vector<1x16xf32>,
        %swap3A_170 = vector.shape_cast %swap3A_169 : vector<1x16xf32> to vector<16xf32>
        %swap3A_171 = vector.shape_cast %mul3A_166 : vector<16xf32> to vector<1x16xf32>
        tpu.vector_store %arg11[%swap3A_167, %swap3A_168], %swap3A_171 {strides = array<i32>} : memref<80x128xf32, #tpu.memory_space<vmem>>, vector<1x16xf32>,
        %get3A_172 = arith.index_cast %add3A_152 : i32 to index
        %get3A_173 = arith.constant 32 : index
        %get3A_174 = tpu.vector_load %arg11[%get3A_172, %get3A_173] {strides = array<i32>} : memref<80x128xf32, #tpu.memory_space<vmem>>, vector<1x16xf32>,
        %get3A_175 = vector.shape_cast %get3A_174 : vector<1x16xf32> to vector<16xf32>
        %mul3A_176 = arith.mulf %get3A_175, %add3A_148 : vector<16xf32>
        %swap3A_177 = arith.index_cast %add3A_152 : i32 to index
        %swap3A_178 = arith.constant 32 : index
        %swap3A_179 = tpu.vector_load %arg11[%swap3A_177, %swap3A_178] {strides = array<i32>} : memref<80x128xf32, #tpu.memory_space<vmem>>, vector<1x16xf32>,
        %swap3A_180 = vector.shape_cast %swap3A_179 : vector<1x16xf32> to vector<16xf32>
        %swap3A_181 = vector.shape_cast %mul3A_176 : vector<16xf32> to vector<1x16xf32>
        tpu.vector_store %arg11[%swap3A_177, %swap3A_178], %swap3A_181 {strides = array<i32>} : memref<80x128xf32, #tpu.memory_space<vmem>>, vector<1x16xf32>,
        %get3A_182 = arith.index_cast %add3A_152 : i32 to index
        %get3A_183 = arith.constant 48 : index
        %get3A_184 = tpu.vector_load %arg11[%get3A_182, %get3A_183] {strides = array<i32>} : memref<80x128xf32, #tpu.memory_space<vmem>>, vector<1x16xf32>,
        %get3A_185 = vector.shape_cast %get3A_184 : vector<1x16xf32> to vector<16xf32>
        %mul3A_186 = arith.mulf %get3A_185, %add3A_148 : vector<16xf32>
        %swap3A_187 = arith.index_cast %add3A_152 : i32 to index
        %swap3A_188 = arith.constant 48 : index
        %swap3A_189 = tpu.vector_load %arg11[%swap3A_187, %swap3A_188] {strides = array<i32>} : memref<80x128xf32, #tpu.memory_space<vmem>>, vector<1x16xf32>,
        %swap3A_190 = vector.shape_cast %swap3A_189 : vector<1x16xf32> to vector<16xf32>
        %swap3A_191 = vector.shape_cast %mul3A_186 : vector<16xf32> to vector<1x16xf32>
        tpu.vector_store %arg11[%swap3A_187, %swap3A_188], %swap3A_191 {strides = array<i32>} : memref<80x128xf32, #tpu.memory_space<vmem>>, vector<1x16xf32>,
        %get3A_192 = arith.index_cast %add3A_152 : i32 to index
        %get3A_193 = arith.constant 64 : index
        %get3A_194 = tpu.vector_load %arg11[%get3A_192, %get3A_193] {strides = array<i32>} : memref<80x128xf32, #tpu.memory_space<vmem>>, vector<1x16xf32>,
        %get3A_195 = vector.shape_cast %get3A_194 : vector<1x16xf32> to vector<16xf32>
        %mul3A_196 = arith.mulf %get3A_195, %add3A_148 : vector<16xf32>
        %swap3A_197 = arith.index_cast %add3A_152 : i32 to index
        %swap3A_198 = arith.constant 64 : index
        %swap3A_199 = tpu.vector_load %arg11[%swap3A_197, %swap3A_198] {strides = array<i32>} : memref<80x128xf32, #tpu.memory_space<vmem>>, vector<1x16xf32>,
        %swap3A_200 = vector.shape_cast %swap3A_199 : vector<1x16xf32> to vector<16xf32>
        %swap3A_201 = vector.shape_cast %mul3A_196 : vector<16xf32> to vector<1x16xf32>
        tpu.vector_store %arg11[%swap3A_197, %swap3A_198], %swap3A_201 {strides = array<i32>} : memref<80x128xf32, #tpu.memory_space<vmem>>, vector<1x16xf32>,
        %get3A_202 = arith.index_cast %add3A_152 : i32 to index
        %get3A_203 = arith.constant 80 : index
        %get3A_204 = tpu.vector_load %arg11[%get3A_202, %get3A_203] {strides = array<i32>} : memref<80x128xf32, #tpu.memory_space<vmem>>, vector<1x16xf32>,
        %get3A_205 = vector.shape_cast %get3A_204 : vector<1x16xf32> to vector<16xf32>
        %mul3A_206 = arith.mulf %get3A_205, %add3A_148 : vector<16xf32>
        %swap3A_207 = arith.index_cast %add3A_152 : i32 to index
        %swap3A_208 = arith.constant 80 : index
        %swap3A_209 = tpu.vector_load %arg11[%swap3A_207, %swap3A_208] {strides = array<i32>} : memref<80x128xf32, #tpu.memory_space<vmem>>, vector<1x16xf32>,
        %swap3A_210 = vector.shape_cast %swap3A_209 : vector<1x16xf32> to vector<16xf32>
        %swap3A_211 = vector.shape_cast %mul3A_206 : vector<16xf32> to vector<1x16xf32>
        tpu.vector_store %arg11[%swap3A_207, %swap3A_208], %swap3A_211 {strides = array<i32>} : memref<80x128xf32, #tpu.memory_space<vmem>>, vector<1x16xf32>,
        %get3A_212 = arith.index_cast %add3A_152 : i32 to index
        %get3A_213 = arith.constant 96 : index
        %get3A_214 = tpu.vector_load %arg11[%get3A_212, %get3A_213] {strides = array<i32>} : memref<80x128xf32, #tpu.memory_space<vmem>>, vector<1x16xf32>,
        %get3A_215 = vector.shape_cast %get3A_214 : vector<1x16xf32> to vector<16xf32>
        %mul3A_216 = arith.mulf %get3A_215, %add3A_148 : vector<16xf32>
        %swap3A_217 = arith.index_cast %add3A_152 : i32 to index
        %swap3A_218 = arith.constant 96 : index
        %swap3A_219 = tpu.vector_load %arg11[%swap3A_217, %swap3A_218] {strides = array<i32>} : memref<80x128xf32, #tpu.memory_space<vmem>>, vector<1x16xf32>,
        %swap3A_220 = vector.shape_cast %swap3A_219 : vector<1x16xf32> to vector<16xf32>
        %swap3A_221 = vector.shape_cast %mul3A_216 : vector<16xf32> to vector<1x16xf32>
        tpu.vector_store %arg11[%swap3A_217, %swap3A_218], %swap3A_221 {strides = array<i32>} : memref<80x128xf32, #tpu.memory_space<vmem>>, vector<1x16xf32>,
        %get3A_222 = arith.index_cast %add3A_152 : i32 to index
        %get3A_223 = arith.constant 112 : index
        %get3A_224 = tpu.vector_load %arg11[%get3A_222, %get3A_223] {strides = array<i32>} : memref<80x128xf32, #tpu.memory_space<vmem>>, vector<1x16xf32>,
        %get3A_225 = vector.shape_cast %get3A_224 : vector<1x16xf32> to vector<16xf32>
        %mul3A_226 = arith.mulf %get3A_225, %add3A_148 : vector<16xf32>
        %swap3A_227 = arith.index_cast %add3A_152 : i32 to index
        %swap3A_228 = arith.constant 112 : index
        %swap3A_229 = tpu.vector_load %arg11[%swap3A_227, %swap3A_228] {strides = array<i32>} : memref<80x128xf32, #tpu.memory_space<vmem>>, vector<1x16xf32>,
        %swap3A_230 = vector.shape_cast %swap3A_229 : vector<1x16xf32> to vector<16xf32>
        %swap3A_231 = vector.shape_cast %mul3A_226 : vector<16xf32> to vector<1x16xf32>
        tpu.vector_store %arg11[%swap3A_227, %swap3A_228], %swap3A_231 {strides = array<i32>} : memref<80x128xf32, #tpu.memory_space<vmem>>, vector<1x16xf32>,
        %broadcast_in_dim3A_232 = arith.constant 0.000000e+00 : f32
        %broadcast_in_dim3A_233 = vector.broadcast %broadcast_in_dim3A_232 : f32 to vector<16xf32>
        %slice3A_234 = vector.extract_strided_slice %get3A_145 {offsets = [1], sizes = [1], strides = [1]} : vector<16xf32> to vector<1xf32>
        %squeeze3A_235 = vector.extract %slice3A_234[0] : f32 from vector<1xf32>
        %add3A_236 = vector.broadcast %squeeze3A_235 : f32 to vector<16xf32>
        %add3A_237 = arith.addf %broadcast_in_dim3A_233, %add3A_236 : vector<16xf32>
        %mul3A_238 = arith.constant 16 : i32
        %mul3A_239 = arith.muli %scan3A_141, %mul3A_238 : i32
        %add3A_240 = arith.constant 1 : i32
        %add3A_241 = arith.addi %mul3A_239, %add3A_240 : i32
        %get3A_242 = arith.index_cast %add3A_241 : i32 to index
        %get3A_243 = arith.constant 0 : index
        %get3A_244 = tpu.vector_load %arg11[%get3A_242, %get3A_243] {strides = array<i32>} : memref<80x128xf32, #tpu.memory_space<vmem>>, vector<1x16xf32>,
        %get3A_245 = vector.shape_cast %get3A_244 : vector<1x16xf32> to vector<16xf32>
        %mul3A_246 = arith.mulf %get3A_245, %add3A_237 : vector<16xf32>
        %swap3A_247 = arith.index_cast %add3A_241 : i32 to index
        %swap3A_248 = arith.constant 0 : index
        %swap3A_249 = tpu.vector_load %arg11[%swap3A_247, %swap3A_248] {strides = array<i32>} : memref<80x128xf32, #tpu.memory_space<vmem>>, vector<1x16xf32>,
        %swap3A_250 = vector.shape_cast %swap3A_249 : vector<1x16xf32> to vector<16xf32>
        %swap3A_251 = vector.shape_cast %mul3A_246 : vector<16xf32> to vector<1x16xf32>
        tpu.vector_store %arg11[%swap3A_247, %swap3A_248], %swap3A_251 {strides = array<i32>} : memref<80x128xf32, #tpu.memory_space<vmem>>, vector<1x16xf32>,
        %get3A_252 = arith.index_cast %add3A_241 : i32 to index
        %get3A_253 = arith.constant 16 : index
        %get3A_254 = tpu.vector_load %arg11[%get3A_252, %get3A_253] {strides = array<i32>} : memref<80x128xf32, #tpu.memory_space<vmem>>, vector<1x16xf32>,
        %get3A_255 = vector.shape_cast %get3A_254 : vector<1x16xf32> to vector<16xf32>
        %mul3A_256 = arith.mulf %get3A_255, %add3A_237 : vector<16xf32>
        %swap3A_257 = arith.index_cast %add3A_241 : i32 to index
        %swap3A_258 = arith.constant 16 : index
        %swap3A_259 = tpu.vector_load %arg11[%swap3A_257, %swap3A_258] {strides = array<i32>} : memref<80x128xf32, #tpu.memory_space<vmem>>, vector<1x16xf32>,
        %swap3A_260 = vector.shape_cast %swap3A_259 : vector<1x16xf32> to vector<16xf32>
        %swap3A_261 = vector.shape_cast %mul3A_256 : vector<16xf32> to vector<1x16xf32>
        tpu.vector_store %arg11[%swap3A_257, %swap3A_258], %swap3A_261 {strides = array<i32>} : memref<80x128xf32, #tpu.memory_space<vmem>>, vector<1x16xf32>,
        %get3A_262 = arith.index_cast %add3A_241 : i32 to index
        %get3A_263 = arith.constant 32 : index
        %get3A_264 = tpu.vector_load %arg11[%get3A_262, %get3A_263] {strides = array<i32>} : memref<80x128xf32, #tpu.memory_space<vmem>>, vector<1x16xf32>,
        %get3A_265 = vector.shape_cast %get3A_264 : vector<1x16xf32> to vector<16xf32>
        %mul3A_266 = arith.mulf %get3A_265, %add3A_237 : vector<16xf32>
        %swap3A_267 = arith.index_cast %add3A_241 : i32 to index
        %swap3A_268 = arith.constant 32 : index
        %swap3A_269 = tpu.vector_load %arg11[%swap3A_267, %swap3A_268] {strides = array<i32>} : memref<80x128xf32, #tpu.memory_space<vmem>>, vector<1x16xf32>,
        %swap3A_270 = vector.shape_cast %swap3A_269 : vector<1x16xf32> to vector<16xf32>
        %swap3A_271 = vector.shape_cast %mul3A_266 : vector<16xf32> to vector<1x16xf32>
        tpu.vector_store %arg11[%swap3A_267, %swap3A_268], %swap3A_271 {strides = array<i32>} : memref<80x128xf32, #tpu.memory_space<vmem>>, vector<1x16xf32>,
        %get3A_272 = arith.index_cast %add3A_241 : i32 to index
        %get3A_273 = arith.constant 48 : index
        %get3A_274 = tpu.vector_load %arg11[%get3A_272, %get3A_273] {strides = array<i32>} : memref<80x128xf32, #tpu.memory_space<vmem>>, vector<1x16xf32>,
        %get3A_275 = vector.shape_cast %get3A_274 : vector<1x16xf32> to vector<16xf32>
        %mul3A_276 = arith.mulf %get3A_275, %add3A_237 : vector<16xf32>
        %swap3A_277 = arith.index_cast %add3A_241 : i32 to index
        %swap3A_278 = arith.constant 48 : index
        %swap3A_279 = tpu.vector_load %arg11[%swap3A_277, %swap3A_278] {strides = array<i32>} : memref<80x128xf32, #tpu.memory_space<vmem>>, vector<1x16xf32>,
        %swap3A_280 = vector.shape_cast %swap3A_279 : vector<1x16xf32> to vector<16xf32>
        %swap3A_281 = vector.shape_cast %mul3A_276 : vector<16xf32> to vector<1x16xf32>
        tpu.vector_store %arg11[%swap3A_277, %swap3A_278], %swap3A_281 {strides = array<i32>} : memref<80x128xf32, #tpu.memory_space<vmem>>, vector<1x16xf32>,
        %get3A_282 = arith.index_cast %add3A_241 : i32 to index
        %get3A_283 = arith.constant 64 : index
        %get3A_284 = tpu.vector_load %arg11[%get3A_282, %get3A_283] {strides = array<i32>} : memref<80x128xf32, #tpu.memory_space<vmem>>, vector<1x16xf32>,
        %get3A_285 = vector.shape_cast %get3A_284 : vector<1x16xf32> to vector<16xf32>
        %mul3A_286 = arith.mulf %get3A_285, %add3A_237 : vector<16xf32>
        %swap3A_287 = arith.index_cast %add3A_241 : i32 to index
        %swap3A_288 = arith.constant 64 : index
        %swap3A_289 = tpu.vector_load %arg11[%swap3A_287, %swap3A_288] {strides = array<i32>} : memref<80x128xf32, #tpu.memory_space<vmem>>, vector<1x16xf32>,
        %swap3A_290 = vector.shape_cast %swap3A_289 : vector<1x16xf32> to vector<16xf32>
        %swap3A_291 = vector.shape_cast %mul3A_286 : vector<16xf32> to vector<1x16xf32>
        tpu.vector_store %arg11[%swap3A_287, %swap3A_288], %swap3A_291 {strides = array<i32>} : memref<80x128xf32, #tpu.memory_space<vmem>>, vector<1x16xf32>,
        %get3A_292 = arith.index_cast %add3A_241 : i32 to index
        %get3A_293 = arith.constant 80 : index
        %get3A_294 = tpu.vector_load %arg11[%get3A_292, %get3A_293] {strides = array<i32>} : memref<80x128xf32, #tpu.memory_space<vmem>>, vector<1x16xf32>,
        %get3A_295 = vector.shape_cast %get3A_294 : vector<1x16xf32> to vector<16xf32>
        %mul3A_296 = arith.mulf %get3A_295, %add3A_237 : vector<16xf32>
        %swap3A_297 = arith.index_cast %add3A_241 : i32 to index
        %swap3A_298 = arith.constant 80 : index
        %swap3A_299 = tpu.vector_load %arg11[%swap3A_297, %swap3A_298] {strides = array<i32>} : memref<80x128xf32, #tpu.memory_space<vmem>>, vector<1x16xf32>,
        %swap3A_300 = vector.shape_cast %swap3A_299 : vector<1x16xf32> to vector<16xf32>
        %swap3A_301 = vector.shape_cast %mul3A_296 : vector<16xf32> to vector<1x16xf32>
        tpu.vector_store %arg11[%swap3A_297, %swap3A_298], %swap3A_301 {strides = array<i32>} : memref<80x128xf32, #tpu.memory_space<vmem>>, vector<1x16xf32>,
        %get3A_302 = arith.index_cast %add3A_241 : i32 to index
        %get3A_303 = arith.constant 96 : index
        %get3A_304 = tpu.vector_load %arg11[%get3A_302, %get3A_303] {strides = array<i32>} : memref<80x128xf32, #tpu.memory_space<vmem>>, vector<1x16xf32>,
        %get3A_305 = vector.shape_cast %get3A_304 : vector<1x16xf32> to vector<16xf32>
        %mul3A_306 = arith.mulf %get3A_305, %add3A_237 : vector<16xf32>
        %swap3A_307 = arith.index_cast %add3A_241 : i32 to index
        %swap3A_308 = arith.constant 96 : index
        %swap3A_309 = tpu.vector_load %arg11[%swap3A_307, %swap3A_308] {strides = array<i32>} : memref<80x128xf32, #tpu.memory_space<vmem>>, vector<1x16xf32>,
        %swap3A_310 = vector.shape_cast %swap3A_309 : vector<1x16xf32> to vector<16xf32>
        %swap3A_311 = vector.shape_cast %mul3A_306 : vector<16xf32> to vector<1x16xf32>
        tpu.vector_store %arg11[%swap3A_307, %swap3A_308], %swap3A_311 {strides = array<i32>} : memref<80x128xf32, #tpu.memory_space<vmem>>, vector<1x16xf32>,
        %get3A_312 = arith.index_cast %add3A_241 : i32 to index
        %get3A_313 = arith.constant 112 : index
        %get3A_314 = tpu.vector_load %arg11[%get3A_312, %get3A_313] {strides = array<i32>} : memref<80x128xf32, #tpu.memory_space<vmem>>, vector<1x16xf32>,
        %get3A_315 = vector.shape_cast %get3A_314 : vector<1x16xf32> to vector<16xf32>
        %mul3A_316 = arith.mulf %get3A_315, %add3A_237 : vector<16xf32>
        %swap3A_317 = arith.index_cast %add3A_241 : i32 to index
        %swap3A_318 = arith.constant 112 : index
        %swap3A_319 = tpu.vector_load %arg11[%swap3A_317, %swap3A_318] {strides = array<i32>} : memref<80x128xf32, #tpu.memory_space<vmem>>, vector<1x16xf32>,
        %swap3A_320 = vector.shape_cast %swap3A_319 : vector<1x16xf32> to vector<16xf32>
        %swap3A_321 = vector.shape_cast %mul3A_316 : vector<16xf32> to vector<1x16xf32>
        tpu.vector_store %arg11[%swap3A_317, %swap3A_318], %swap3A_321 {strides = array<i32>} : memref<80x128xf32, #tpu.memory_space<vmem>>, vector<1x16xf32>,
        %broadcast_in_dim3A_322 = arith.constant 0.000000e+00 : f32
        %broadcast_in_dim3A_323 = vector.broadcast %broadcast_in_dim3A_322 : f32 to vector<16xf32>
        %slice3A_324 = vector.extract_strided_slice %get3A_145 {offsets = [2], sizes = [1], strides = [1]} : vector<16xf32> to vector<1xf32>
        %squeeze3A_325 = vector.extract %slice3A_324[0] : f32 from vector<1xf32>
        %add3A_326 = vector.broadcast %squeeze3A_325 : f32 to vector<16xf32>
        %add3A_327 = arith.addf %broadcast_in_dim3A_323, %add3A_326 : vector<16xf32>
        %mul3A_328 = arith.constant 16 : i32
        %mul3A_329 = arith.muli %scan3A_141, %mul3A_328 : i32
        %add3A_330 = arith.constant 2 : i32
        %add3A_331 = arith.addi %mul3A_329, %add3A_330 : i32
        %get3A_332 = arith.index_cast %add3A_331 : i32 to index
        %get3A_333 = arith.constant 0 : index
        %get3A_334 = tpu.vector_load %arg11[%get3A_332, %get3A_333] {strides = array<i32>} : memref<80x128xf32, #tpu.memory_space<vmem>>, vector<1x16xf32>,
        %get3A_335 = vector.shape_cast %get3A_334 : vector<1x16xf32> to vector<16xf32>
        %mul3A_336 = arith.mulf %get3A_335, %add3A_327 : vector<16xf32>
        %swap3A_337 = arith.index_cast %add3A_331 : i32 to index
        %swap3A_338 = arith.constant 0 : index
        %swap3A_339 = tpu.vector_load %arg11[%swap3A_337, %swap3A_338] {strides = array<i32>} : memref<80x128xf32, #tpu.memory_space<vmem>>, vector<1x16xf32>,
        %swap3A_340 = vector.shape_cast %swap3A_339 : vector<1x16xf32> to vector<16xf32>
        %swap3A_341 = vector.shape_cast %mul3A_336 : vector<16xf32> to vector<1x16xf32>
        tpu.vector_store %arg11[%swap3A_337, %swap3A_338], %swap3A_341 {strides = array<i32>} : memref<80x128xf32, #tpu.memory_space<vmem>>, vector<1x16xf32>,
        %get3A_342 = arith.index_cast %add3A_331 : i32 to index
        %get3A_343 = arith.constant 16 : index
        %get3A_344 = tpu.vector_load %arg11[%get3A_342, %get3A_343] {strides = array<i32>} : memref<80x128xf32, #tpu.memory_space<vmem>>, vector<1x16xf32>,
        %get3A_345 = vector.shape_cast %get3A_344 : vector<1x16xf32> to vector<16xf32>
        %mul3A_346 = arith.mulf %get3A_345, %add3A_327 : vector<16xf32>
        %swap3A_347 = arith.index_cast %add3A_331 : i32 to index
        %swap3A_348 = arith.constant 16 : index
        %swap3A_349 = tpu.vector_load %arg11[%swap3A_347, %swap3A_348] {strides = array<i32>} : memref<80x128xf32, #tpu.memory_space<vmem>>, vector<1x16xf32>,
        %swap3A_350 = vector.shape_cast %swap3A_349 : vector<1x16xf32> to vector<16xf32>
        %swap3A_351 = vector.shape_cast %mul3A_346 : vector<16xf32> to vector<1x16xf32>
        tpu.vector_store %arg11[%swap3A_347, %swap3A_348], %swap3A_351 {strides = array<i32>} : memref<80x128xf32, #tpu.memory_space<vmem>>, vector<1x16xf32>,
        %get3A_352 = arith.index_cast %add3A_331 : i32 to index
        %get3A_353 = arith.constant 32 : index
        %get3A_354 = tpu.vector_load %arg11[%get3A_352, %get3A_353] {strides = array<i32>} : memref<80x128xf32, #tpu.memory_space<vmem>>, vector<1x16xf32>,
        %get3A_355 = vector.shape_cast %get3A_354 : vector<1x16xf32> to vector<16xf32>
        %mul3A_356 = arith.mulf %get3A_355, %add3A_327 : vector<16xf32>
        %swap3A_357 = arith.index_cast %add3A_331 : i32 to index
        %swap3A_358 = arith.constant 32 : index
        %swap3A_359 = tpu.vector_load %arg11[%swap3A_357, %swap3A_358] {strides = array<i32>} : memref<80x128xf32, #tpu.memory_space<vmem>>, vector<1x16xf32>,
        %swap3A_360 = vector.shape_cast %swap3A_359 : vector<1x16xf32> to vector<16xf32>
        %swap3A_361 = vector.shape_cast %mul3A_356 : vector<16xf32> to vector<1x16xf32>
        tpu.vector_store %arg11[%swap3A_357, %swap3A_358], %swap3A_361 {strides = array<i32>} : memref<80x128xf32, #tpu.memory_space<vmem>>, vector<1x16xf32>,
        %get3A_362 = arith.index_cast %add3A_331 : i32 to index
        %get3A_363 = arith.constant 48 : index
        %get3A_364 = tpu.vector_load %arg11[%get3A_362, %get3A_363] {strides = array<i32>} : memref<80x128xf32, #tpu.memory_space<vmem>>, vector<1x16xf32>,
        %get3A_365 = vector.shape_cast %get3A_364 : vector<1x16xf32> to vector<16xf32>
        %mul3A_366 = arith.mulf %get3A_365, %add3A_327 : vector<16xf32>
        %swap3A_367 = arith.index_cast %add3A_331 : i32 to index
        %swap3A_368 = arith.constant 48 : index
        %swap3A_369 = tpu.vector_load %arg11[%swap3A_367, %swap3A_368] {strides = array<i32>} : memref<80x128xf32, #tpu.memory_space<vmem>>, vector<1x16xf32>,
        %swap3A_370 = vector.shape_cast %swap3A_369 : vector<1x16xf32> to vector<16xf32>
        %swap3A_371 = vector.shape_cast %mul3A_366 : vector<16xf32> to vector<1x16xf32>
        tpu.vector_store %arg11[%swap3A_367, %swap3A_368], %swap3A_371 {strides = array<i32>} : memref<80x128xf32, #tpu.memory_space<vmem>>, vector<1x16xf32>,
        %get3A_372 = arith.index_cast %add3A_331 : i32 to index
        %get3A_373 = arith.constant 64 : index
        %get3A_374 = tpu.vector_load %arg11[%get3A_372, %get3A_373] {strides = array<i32>} : memref<80x128xf32, #tpu.memory_space<vmem>>, vector<1x16xf32>,
        %get3A_375 = vector.shape_cast %get3A_374 : vector<1x16xf32> to vector<16xf32>
        %mul3A_376 = arith.mulf %get3A_375, %add3A_327 : vector<16xf32>
        %swap3A_377 = arith.index_cast %add3A_331 : i32 to index
        %swap3A_378 = arith.constant 64 : index
        %swap3A_379 = tpu.vector_load %arg11[%swap3A_377, %swap3A_378] {strides = array<i32>} : memref<80x128xf32, #tpu.memory_space<vmem>>, vector<1x16xf32>,
        %swap3A_380 = vector.shape_cast %swap3A_379 : vector<1x16xf32> to vector<16xf32>
        %swap3A_381 = vector.shape_cast %mul3A_376 : vector<16xf32> to vector<1x16xf32>
        tpu.vector_store %arg11[%swap3A_377, %swap3A_378], %swap3A_381 {strides = array<i32>} : memref<80x128xf32, #tpu.memory_space<vmem>>, vector<1x16xf32>,
        %get3A_382 = arith.index_cast %add3A_331 : i32 to index
        %get3A_383 = arith.constant 80 : index
        %get3A_384 = tpu.vector_load %arg11[%get3A_382, %get3A_383] {strides = array<i32>} : memref<80x128xf32, #tpu.memory_space<vmem>>, vector<1x16xf32>,
        %get3A_385 = vector.shape_cast %get3A_384 : vector<1x16xf32> to vector<16xf32>
        %mul3A_386 = arith.mulf %get3A_385, %add3A_327 : vector<16xf32>
        %swap3A_387 = arith.index_cast %add3A_331 : i32 to index
        %swap3A_388 = arith.constant 80 : index
        %swap3A_389 = tpu.vector_load %arg11[%swap3A_387, %swap3A_388] {strides = array<i32>} : memref<80x128xf32, #tpu.memory_space<vmem>>, vector<1x16xf32>,
        %swap3A_390 = vector.shape_cast %swap3A_389 : vector<1x16xf32> to vector<16xf32>
        %swap3A_391 = vector.shape_cast %mul3A_386 : vector<16xf32> to vector<1x16xf32>
        tpu.vector_store %arg11[%swap3A_387, %swap3A_388], %swap3A_391 {strides = array<i32>} : memref<80x128xf32, #tpu.memory_space<vmem>>, vector<1x16xf32>,
        %get3A_392 = arith.index_cast %add3A_331 : i32 to index
        %get3A_393 = arith.constant 96 : index
        %get3A_394 = tpu.vector_load %arg11[%get3A_392, %get3A_393] {strides = array<i32>} : memref<80x128xf32, #tpu.memory_space<vmem>>, vector<1x16xf32>,
        %get3A_395 = vector.shape_cast %get3A_394 : vector<1x16xf32> to vector<16xf32>
        %mul3A_396 = arith.mulf %get3A_395, %add3A_327 : vector<16xf32>
        %swap3A_397 = arith.index_cast %add3A_331 : i32 to index
        %swap3A_398 = arith.constant 96 : index
        %swap3A_399 = tpu.vector_load %arg11[%swap3A_397, %swap3A_398] {strides = array<i32>} : memref<80x128xf32, #tpu.memory_space<vmem>>, vector<1x16xf32>,
        %swap3A_400 = vector.shape_cast %swap3A_399 : vector<1x16xf32> to vector<16xf32>
        %swap3A_401 = vector.shape_cast %mul3A_396 : vector<16xf32> to vector<1x16xf32>
        tpu.vector_store %arg11[%swap3A_397, %swap3A_398], %swap3A_401 {strides = array<i32>} : memref<80x128xf32, #tpu.memory_space<vmem>>, vector<1x16xf32>,
        %get3A_402 = arith.index_cast %add3A_331 : i32 to index
        %get3A_403 = arith.constant 112 : index
        %get3A_404 = tpu.vector_load %arg11[%get3A_402, %get3A_403] {strides = array<i32>} : memref<80x128xf32, #tpu.memory_space<vmem>>, vector<1x16xf32>,
        %get3A_405 = vector.shape_cast %get3A_404 : vector<1x16xf32> to vector<16xf32>
        %mul3A_406 = arith.mulf %get3A_405, %add3A_327 : vector<16xf32>
        %swap3A_407 = arith.index_cast %add3A_331 : i32 to index
        %swap3A_408 = arith.constant 112 : index
        %swap3A_409 = tpu.vector_load %arg11[%swap3A_407, %swap3A_408] {strides = array<i32>} : memref<80x128xf32, #tpu.memory_space<vmem>>, vector<1x16xf32>,
        %swap3A_410 = vector.shape_cast %swap3A_409 : vector<1x16xf32> to vector<16xf32>
        %swap3A_411 = vector.shape_cast %mul3A_406 : vector<16xf32> to vector<1x16xf32>
        tpu.vector_store %arg11[%swap3A_407, %swap3A_408], %swap3A_411 {strides = array<i32>} : memref<80x128xf32, #tpu.memory_space<vmem>>, vector<1x16xf32>,
        %broadcast_in_dim3A_412 = arith.constant 0.000000e+00 : f32
        %broadcast_in_dim3A_413 = vector.broadcast %broadcast_in_dim3A_412 : f32 to vector<16xf32>
        %slice3A_414 = vector.extract_strided_slice %get3A_145 {offsets = [3], sizes = [1], strides = [1]} : vector<16xf32> to vector<1xf32>
        %squeeze3A_415 = vector.extract %slice3A_414[0] : f32 from vector<1xf32>
        %add3A_416 = vector.broadcast %squeeze3A_415 : f32 to vector<16xf32>
        %add3A_417 = arith.addf %broadcast_in_dim3A_413, %add3A_416 : vector<16xf32>
        %mul3A_418 = arith.constant 16 : i32
        %mul3A_419 = arith.muli %scan3A_141, %mul3A_418 : i32
        %add3A_420 = arith.constant 3 : i32
        %add3A_421 = arith.addi %mul3A_419, %add3A_420 : i32
        %get3A_422 = arith.index_cast %add3A_421 : i32 to index
        %get3A_423 = arith.constant 0 : index
        %get3A_424 = tpu.vector_load %arg11[%get3A_422, %get3A_423] {strides = array<i32>} : memref<80x128xf32, #tpu.memory_space<vmem>>, vector<1x16xf32>,
        %get3A_425 = vector.shape_cast %get3A_424 : vector<1x16xf32> to vector<16xf32>
        %mul3A_426 = arith.mulf %get3A_425, %add3A_417 : vector<16xf32>
        %swap3A_427 = arith.index_cast %add3A_421 : i32 to index
        %swap3A_428 = arith.constant 0 : index
        %swap3A_429 = tpu.vector_load %arg11[%swap3A_427, %swap3A_428] {strides = array<i32>} : memref<80x128xf32, #tpu.memory_space<vmem>>, vector<1x16xf32>,
        %swap3A_430 = vector.shape_cast %swap3A_429 : vector<1x16xf32> to vector<16xf32>
        %swap3A_431 = vector.shape_cast %mul3A_426 : vector<16xf32> to vector<1x16xf32>
        tpu.vector_store %arg11[%swap3A_427, %swap3A_428], %swap3A_431 {strides = array<i32>} : memref<80x128xf32, #tpu.memory_space<vmem>>, vector<1x16xf32>,
        %get3A_432 = arith.index_cast %add3A_421 : i32 to index
        %get3A_433 = arith.constant 16 : index
        %get3A_434 = tpu.vector_load %arg11[%get3A_432, %get3A_433] {strides = array<i32>} : memref<80x128xf32, #tpu.memory_space<vmem>>, vector<1x16xf32>,
        %get3A_435 = vector.shape_cast %get3A_434 : vector<1x16xf32> to vector<16xf32>
        %mul3A_436 = arith.mulf %get3A_435, %add3A_417 : vector<16xf32>
        %swap3A_437 = arith.index_cast %add3A_421 : i32 to index
        %swap3A_438 = arith.constant 16 : index
        %swap3A_439 = tpu.vector_load %arg11[%swap3A_437, %swap3A_438] {strides = array<i32>} : memref<80x128xf32, #tpu.memory_space<vmem>>, vector<1x16xf32>,
        %swap3A_440 = vector.shape_cast %swap3A_439 : vector<1x16xf32> to vector<16xf32>
        %swap3A_441 = vector.shape_cast %mul3A_436 : vector<16xf32> to vector<1x16xf32>
        tpu.vector_store %arg11[%swap3A_437, %swap3A_438], %swap3A_441 {strides = array<i32>} : memref<80x128xf32, #tpu.memory_space<vmem>>, vector<1x16xf32>,
        %get3A_442 = arith.index_cast %add3A_421 : i32 to index
        %get3A_443 = arith.constant 32 : index
        %get3A_444 = tpu.vector_load %arg11[%get3A_442, %get3A_443] {strides = array<i32>} : memref<80x128xf32, #tpu.memory_space<vmem>>, vector<1x16xf32>,
        %get3A_445 = vector.shape_cast %get3A_444 : vector<1x16xf32> to vector<16xf32>
        %mul3A_446 = arith.mulf %get3A_445, %add3A_417 : vector<16xf32>
        %swap3A_447 = arith.index_cast %add3A_421 : i32 to index
        %swap3A_448 = arith.constant 32 : index
        %swap3A_449 = tpu.vector_load %arg11[%swap3A_447, %swap3A_448] {strides = array<i32>} : memref<80x128xf32, #tpu.memory_space<vmem>>, vector<1x16xf32>,
        %swap3A_450 = vector.shape_cast %swap3A_449 : vector<1x16xf32> to vector<16xf32>
        %swap3A_451 = vector.shape_cast %mul3A_446 : vector<16xf32> to vector<1x16xf32>
        tpu.vector_store %arg11[%swap3A_447, %swap3A_448], %swap3A_451 {strides = array<i32>} : memref<80x128xf32, #tpu.memory_space<vmem>>, vector<1x16xf32>,
        %get3A_452 = arith.index_cast %add3A_421 : i32 to index
        %get3A_453 = arith.constant 48 : index
        %get3A_454 = tpu.vector_load %arg11[%get3A_452, %get3A_453] {strides = array<i32>} : memref<80x128xf32, #tpu.memory_space<vmem>>, vector<1x16xf32>,
        %get3A_455 = vector.shape_cast %get3A_454 : vector<1x16xf32> to vector<16xf32>
        %mul3A_456 = arith.mulf %get3A_455, %add3A_417 : vector<16xf32>
        %swap3A_457 = arith.index_cast %add3A_421 : i32 to index
        %swap3A_458 = arith.constant 48 : index
        %swap3A_459 = tpu.vector_load %arg11[%swap3A_457, %swap3A_458] {strides = array<i32>} : memref<80x128xf32, #tpu.memory_space<vmem>>, vector<1x16xf32>,
        %swap3A_460 = vector.shape_cast %swap3A_459 : vector<1x16xf32> to vector<16xf32>
        %swap3A_461 = vector.shape_cast %mul3A_456 : vector<16xf32> to vector<1x16xf32>
        tpu.vector_store %arg11[%swap3A_457, %swap3A_458], %swap3A_461 {strides = array<i32>} : memref<80x128xf32, #tpu.memory_space<vmem>>, vector<1x16xf32>,
        %get3A_462 = arith.index_cast %add3A_421 : i32 to index
        %get3A_463 = arith.constant 64 : index
        %get3A_464 = tpu.vector_load %arg11[%get3A_462, %get3A_463] {strides = array<i32>} : memref<80x128xf32, #tpu.memory_space<vmem>>, vector<1x16xf32>,
        %get3A_465 = vector.shape_cast %get3A_464 : vector<1x16xf32> to vector<16xf32>
        %mul3A_466 = arith.mulf %get3A_465, %add3A_417 : vector<16xf32>
        %swap3A_467 = arith.index_cast %add3A_421 : i32 to index
        %swap3A_468 = arith.constant 64 : index
        %swap3A_469 = tpu.vector_load %arg11[%swap3A_467, %swap3A_468] {strides = array<i32>} : memref<80x128xf32, #tpu.memory_space<vmem>>, vector<1x16xf32>,
        %swap3A_470 = vector.shape_cast %swap3A_469 : vector<1x16xf32> to vector<16xf32>
        %swap3A_471 = vector.shape_cast %mul3A_466 : vector<16xf32> to vector<1x16xf32>
        tpu.vector_store %arg11[%swap3A_467, %swap3A_468], %swap3A_471 {strides = array<i32>} : memref<80x128xf32, #tpu.memory_space<vmem>>, vector<1x16xf32>,
        %get3A_472 = arith.index_cast %add3A_421 : i32 to index
        %get3A_473 = arith.constant 80 : index
        %get3A_474 = tpu.vector_load %arg11[%get3A_472, %get3A_473] {strides = array<i32>} : memref<80x128xf32, #tpu.memory_space<vmem>>, vector<1x16xf32>,
        %get3A_475 = vector.shape_cast %get3A_474 : vector<1x16xf32> to vector<16xf32>
        %mul3A_476 = arith.mulf %get3A_475, %add3A_417 : vector<16xf32>
        %swap3A_477 = arith.index_cast %add3A_421 : i32 to index
        %swap3A_478 = arith.constant 80 : index
        %swap3A_479 = tpu.vector_load %arg11[%swap3A_477, %swap3A_478] {strides = array<i32>} : memref<80x128xf32, #tpu.memory_space<vmem>>, vector<1x16xf32>,
        %swap3A_480 = vector.shape_cast %swap3A_479 : vector<1x16xf32> to vector<16xf32>
        %swap3A_481 = vector.shape_cast %mul3A_476 : vector<16xf32> to vector<1x16xf32>
        tpu.vector_store %arg11[%swap3A_477, %swap3A_478], %swap3A_481 {strides = array<i32>} : memref<80x128xf32, #tpu.memory_space<vmem>>, vector<1x16xf32>,
        %get3A_482 = arith.index_cast %add3A_421 : i32 to index
        %get3A_483 = arith.constant 96 : index
        %get3A_484 = tpu.vector_load %arg11[%get3A_482, %get3A_483] {strides = array<i32>} : memref<80x128xf32, #tpu.memory_space<vmem>>, vector<1x16xf32>,
        %get3A_485 = vector.shape_cast %get3A_484 : vector<1x16xf32> to vector<16xf32>
        %mul3A_486 = arith.mulf %get3A_485, %add3A_417 : vector<16xf32>
        %swap3A_487 = arith.index_cast %add3A_421 : i32 to index
        %swap3A_488 = arith.constant 96 : index
        %swap3A_489 = tpu.vector_load %arg11[%swap3A_487, %swap3A_488] {strides = array<i32>} : memref<80x128xf32, #tpu.memory_space<vmem>>, vector<1x16xf32>,
        %swap3A_490 = vector.shape_cast %swap3A_489 : vector<1x16xf32> to vector<16xf32>
        %swap3A_491 = vector.shape_cast %mul3A_486 : vector<16xf32> to vector<1x16xf32>
        tpu.vector_store %arg11[%swap3A_487, %swap3A_488], %swap3A_491 {strides = array<i32>} : memref<80x128xf32, #tpu.memory_space<vmem>>, vector<1x16xf32>,
        %get3A_492 = arith.index_cast %add3A_421 : i32 to index
        %get3A_493 = arith.constant 112 : index
        %get3A_494 = tpu.vector_load %arg11[%get3A_492, %get3A_493] {strides = array<i32>} : memref<80x128xf32, #tpu.memory_space<vmem>>, vector<1x16xf32>,
        %get3A_495 = vector.shape_cast %get3A_494 : vector<1x16xf32> to vector<16xf32>
        %mul3A_496 = arith.mulf %get3A_495, %add3A_417 : vector<16xf32>
        %swap3A_497 = arith.index_cast %add3A_421 : i32 to index
        %swap3A_498 = arith.constant 112 : index
        %swap3A_499 = tpu.vector_load %arg11[%swap3A_497, %swap3A_498] {strides = array<i32>} : memref<80x128xf32, #tpu.memory_space<vmem>>, vector<1x16xf32>,
        %swap3A_500 = vector.shape_cast %swap3A_499 : vector<1x16xf32> to vector<16xf32>
        %swap3A_501 = vector.shape_cast %mul3A_496 : vector<16xf32> to vector<1x16xf32>
        tpu.vector_store %arg11[%swap3A_497, %swap3A_498], %swap3A_501 {strides = array<i32>} : memref<80x128xf32, #tpu.memory_space<vmem>>, vector<1x16xf32>,
        %broadcast_in_dim3A_502 = arith.constant 0.000000e+00 : f32
        %broadcast_in_dim3A_503 = vector.broadcast %broadcast_in_dim3A_502 : f32 to vector<16xf32>
        %slice3A_504 = vector.extract_strided_slice %get3A_145 {offsets = [4], sizes = [1], strides = [1]} : vector<16xf32> to vector<1xf32>
        %squeeze3A_505 = vector.extract %slice3A_504[0] : f32 from vector<1xf32>
        %add3A_506 = vector.broadcast %squeeze3A_505 : f32 to vector<16xf32>
        %add3A_507 = arith.addf %broadcast_in_dim3A_503, %add3A_506 : vector<16xf32>
        %mul3A_508 = arith.constant 16 : i32
        %mul3A_509 = arith.muli %scan3A_141, %mul3A_508 : i32
        %add3A_510 = arith.constant 4 : i32
        %add3A_511 = arith.addi %mul3A_509, %add3A_510 : i32
        %get3A_512 = arith.index_cast %add3A_511 : i32 to index
        %get3A_513 = arith.constant 0 : index
        %get3A_514 = tpu.vector_load %arg11[%get3A_512, %get3A_513] {strides = array<i32>} : memref<80x128xf32, #tpu.memory_space<vmem>>, vector<1x16xf32>,
        %get3A_515 = vector.shape_cast %get3A_514 : vector<1x16xf32> to vector<16xf32>
        %mul3A_516 = arith.mulf %get3A_515, %add3A_507 : vector<16xf32>
        %swap3A_517 = arith.index_cast %add3A_511 : i32 to index
        %swap3A_518 = arith.constant 0 : index
        %swap3A_519 = tpu.vector_load %arg11[%swap3A_517, %swap3A_518] {strides = array<i32>} : memref<80x128xf32, #tpu.memory_space<vmem>>, vector<1x16xf32>,
        %swap3A_520 = vector.shape_cast %swap3A_519 : vector<1x16xf32> to vector<16xf32>
        %swap3A_521 = vector.shape_cast %mul3A_516 : vector<16xf32> to vector<1x16xf32>
        tpu.vector_store %arg11[%swap3A_517, %swap3A_518], %swap3A_521 {strides = array<i32>} : memref<80x128xf32, #tpu.memory_space<vmem>>, vector<1x16xf32>,
        %get3A_522 = arith.index_cast %add3A_511 : i32 to index
        %get3A_523 = arith.constant 16 : index
        %get3A_524 = tpu.vector_load %arg11[%get3A_522, %get3A_523] {strides = array<i32>} : memref<80x128xf32, #tpu.memory_space<vmem>>, vector<1x16xf32>,
        %get3A_525 = vector.shape_cast %get3A_524 : vector<1x16xf32> to vector<16xf32>
        %mul3A_526 = arith.mulf %get3A_525, %add3A_507 : vector<16xf32>
        %swap3A_527 = arith.index_cast %add3A_511 : i32 to index
        %swap3A_528 = arith.constant 16 : index
        %swap3A_529 = tpu.vector_load %arg11[%swap3A_527, %swap3A_528] {strides = array<i32>} : memref<80x128xf32, #tpu.memory_space<vmem>>, vector<1x16xf32>,
        %swap3A_530 = vector.shape_cast %swap3A_529 : vector<1x16xf32> to vector<16xf32>
        %swap3A_531 = vector.shape_cast %mul3A_526 : vector<16xf32> to vector<1x16xf32>
        tpu.vector_store %arg11[%swap3A_527, %swap3A_528], %swap3A_531 {strides = array<i32>} : memref<80x128xf32, #tpu.memory_space<vmem>>, vector<1x16xf32>,
        %get3A_532 = arith.index_cast %add3A_511 : i32 to index
        %get3A_533 = arith.constant 32 : index
        %get3A_534 = tpu.vector_load %arg11[%get3A_532, %get3A_533] {strides = array<i32>} : memref<80x128xf32, #tpu.memory_space<vmem>>, vector<1x16xf32>,
        %get3A_535 = vector.shape_cast %get3A_534 : vector<1x16xf32> to vector<16xf32>
        %mul3A_536 = arith.mulf %get3A_535, %add3A_507 : vector<16xf32>
        %swap3A_537 = arith.index_cast %add3A_511 : i32 to index
        %swap3A_538 = arith.constant 32 : index
        %swap3A_539 = tpu.vector_load %arg11[%swap3A_537, %swap3A_538] {strides = array<i32>} : memref<80x128xf32, #tpu.memory_space<vmem>>, vector<1x16xf32>,
        %swap3A_540 = vector.shape_cast %swap3A_539 : vector<1x16xf32> to vector<16xf32>
        %swap3A_541 = vector.shape_cast %mul3A_536 : vector<16xf32> to vector<1x16xf32>
        tpu.vector_store %arg11[%swap3A_537, %swap3A_538], %swap3A_541 {strides = array<i32>} : memref<80x128xf32, #tpu.memory_space<vmem>>, vector<1x16xf32>,
        %get3A_542 = arith.index_cast %add3A_511 : i32 to index
        %get3A_543 = arith.constant 48 : index
        %get3A_544 = tpu.vector_load %arg11[%get3A_542, %get3A_543] {strides = array<i32>} : memref<80x128xf32, #tpu.memory_space<vmem>>, vector<1x16xf32>,
        %get3A_545 = vector.shape_cast %get3A_544 : vector<1x16xf32> to vector<16xf32>
        %mul3A_546 = arith.mulf %get3A_545, %add3A_507 : vector<16xf32>
        %swap3A_547 = arith.index_cast %add3A_511 : i32 to index
        %swap3A_548 = arith.constant 48 : index
        %swap3A_549 = tpu.vector_load %arg11[%swap3A_547, %swap3A_548] {strides = array<i32>} : memref<80x128xf32, #tpu.memory_space<vmem>>, vector<1x16xf32>,
        %swap3A_550 = vector.shape_cast %swap3A_549 : vector<1x16xf32> to vector<16xf32>
        %swap3A_551 = vector.shape_cast %mul3A_546 : vector<16xf32> to vector<1x16xf32>
        tpu.vector_store %arg11[%swap3A_547, %swap3A_548], %swap3A_551 {strides = array<i32>} : memref<80x128xf32, #tpu.memory_space<vmem>>, vector<1x16xf32>,
        %get3A_552 = arith.index_cast %add3A_511 : i32 to index
        %get3A_553 = arith.constant 64 : index
        %get3A_554 = tpu.vector_load %arg11[%get3A_552, %get3A_553] {strides = array<i32>} : memref<80x128xf32, #tpu.memory_space<vmem>>, vector<1x16xf32>,
        %get3A_555 = vector.shape_cast %get3A_554 : vector<1x16xf32> to vector<16xf32>
        %mul3A_556 = arith.mulf %get3A_555, %add3A_507 : vector<16xf32>
        %swap3A_557 = arith.index_cast %add3A_511 : i32 to index
        %swap3A_558 = arith.constant 64 : index
        %swap3A_559 = tpu.vector_load %arg11[%swap3A_557, %swap3A_558] {strides = array<i32>} : memref<80x128xf32, #tpu.memory_space<vmem>>, vector<1x16xf32>,
        %swap3A_560 = vector.shape_cast %swap3A_559 : vector<1x16xf32> to vector<16xf32>
        %swap3A_561 = vector.shape_cast %mul3A_556 : vector<16xf32> to vector<1x16xf32>
        tpu.vector_store %arg11[%swap3A_557, %swap3A_558], %swap3A_561 {strides = array<i32>} : memref<80x128xf32, #tpu.memory_space<vmem>>, vector<1x16xf32>,
        %get3A_562 = arith.index_cast %add3A_511 : i32 to index
        %get3A_563 = arith.constant 80 : index
        %get3A_564 = tpu.vector_load %arg11[%get3A_562, %get3A_563] {strides = array<i32>} : memref<80x128xf32, #tpu.memory_space<vmem>>, vector<1x16xf32>,
        %get3A_565 = vector.shape_cast %get3A_564 : vector<1x16xf32> to vector<16xf32>
        %mul3A_566 = arith.mulf %get3A_565, %add3A_507 : vector<16xf32>
        %swap3A_567 = arith.index_cast %add3A_511 : i32 to index
        %swap3A_568 = arith.constant 80 : index
        %swap3A_569 = tpu.vector_load %arg11[%swap3A_567, %swap3A_568] {strides = array<i32>} : memref<80x128xf32, #tpu.memory_space<vmem>>, vector<1x16xf32>,
        %swap3A_570 = vector.shape_cast %swap3A_569 : vector<1x16xf32> to vector<16xf32>
        %swap3A_571 = vector.shape_cast %mul3A_566 : vector<16xf32> to vector<1x16xf32>
        tpu.vector_store %arg11[%swap3A_567, %swap3A_568], %swap3A_571 {strides = array<i32>} : memref<80x128xf32, #tpu.memory_space<vmem>>, vector<1x16xf32>,
        %get3A_572 = arith.index_cast %add3A_511 : i32 to index
        %get3A_573 = arith.constant 96 : index
        %get3A_574 = tpu.vector_load %arg11[%get3A_572, %get3A_573] {strides = array<i32>} : memref<80x128xf32, #tpu.memory_space<vmem>>, vector<1x16xf32>,
        %get3A_575 = vector.shape_cast %get3A_574 : vector<1x16xf32> to vector<16xf32>
        %mul3A_576 = arith.mulf %get3A_575, %add3A_507 : vector<16xf32>
        %swap3A_577 = arith.index_cast %add3A_511 : i32 to index
        %swap3A_578 = arith.constant 96 : index
        %swap3A_579 = tpu.vector_load %arg11[%swap3A_577, %swap3A_578] {strides = array<i32>} : memref<80x128xf32, #tpu.memory_space<vmem>>, vector<1x16xf32>,
        %swap3A_580 = vector.shape_cast %swap3A_579 : vector<1x16xf32> to vector<16xf32>
        %swap3A_581 = vector.shape_cast %mul3A_576 : vector<16xf32> to vector<1x16xf32>
        tpu.vector_store %arg11[%swap3A_577, %swap3A_578], %swap3A_581 {strides = array<i32>} : memref<80x128xf32, #tpu.memory_space<vmem>>, vector<1x16xf32>,
        %get3A_582 = arith.index_cast %add3A_511 : i32 to index
        %get3A_583 = arith.constant 112 : index
        %get3A_584 = tpu.vector_load %arg11[%get3A_582, %get3A_583] {strides = array<i32>} : memref<80x128xf32, #tpu.memory_space<vmem>>, vector<1x16xf32>,
        %get3A_585 = vector.shape_cast %get3A_584 : vector<1x16xf32> to vector<16xf32>
        %mul3A_586 = arith.mulf %get3A_585, %add3A_507 : vector<16xf32>
        %swap3A_587 = arith.index_cast %add3A_511 : i32 to index
        %swap3A_588 = arith.constant 112 : index
        %swap3A_589 = tpu.vector_load %arg11[%swap3A_587, %swap3A_588] {strides = array<i32>} : memref<80x128xf32, #tpu.memory_space<vmem>>, vector<1x16xf32>,
        %swap3A_590 = vector.shape_cast %swap3A_589 : vector<1x16xf32> to vector<16xf32>
        %swap3A_591 = vector.shape_cast %mul3A_586 : vector<16xf32> to vector<1x16xf32>
        tpu.vector_store %arg11[%swap3A_587, %swap3A_588], %swap3A_591 {strides = array<i32>} : memref<80x128xf32, #tpu.memory_space<vmem>>, vector<1x16xf32>,
        %broadcast_in_dim3A_592 = arith.constant 0.000000e+00 : f32
        %broadcast_in_dim3A_593 = vector.broadcast %broadcast_in_dim3A_592 : f32 to vector<16xf32>
        %slice3A_594 = vector.extract_strided_slice %get3A_145 {offsets = [5], sizes = [1], strides = [1]} : vector<16xf32> to vector<1xf32>
        %squeeze3A_595 = vector.extract %slice3A_594[0] : f32 from vector<1xf32>
        %add3A_596 = vector.broadcast %squeeze3A_595 : f32 to vector<16xf32>
        %add3A_597 = arith.addf %broadcast_in_dim3A_593, %add3A_596 : vector<16xf32>
        %mul3A_598 = arith.constant 16 : i32
        %mul3A_599 = arith.muli %scan3A_141, %mul3A_598 : i32
        %add3A_600 = arith.constant 5 : i32
        %add3A_601 = arith.addi %mul3A_599, %add3A_600 : i32
        %get3A_602 = arith.index_cast %add3A_601 : i32 to index
        %get3A_603 = arith.constant 0 : index
        %get3A_604 = tpu.vector_load %arg11[%get3A_602, %get3A_603] {strides = array<i32>} : memref<80x128xf32, #tpu.memory_space<vmem>>, vector<1x16xf32>,
        %get3A_605 = vector.shape_cast %get3A_604 : vector<1x16xf32> to vector<16xf32>
        %mul3A_606 = arith.mulf %get3A_605, %add3A_597 : vector<16xf32>
        %swap3A_607 = arith.index_cast %add3A_601 : i32 to index
        %swap3A_608 = arith.constant 0 : index
        %swap3A_609 = tpu.vector_load %arg11[%swap3A_607, %swap3A_608] {strides = array<i32>} : memref<80x128xf32, #tpu.memory_space<vmem>>, vector<1x16xf32>,
        %swap3A_610 = vector.shape_cast %swap3A_609 : vector<1x16xf32> to vector<16xf32>
        %swap3A_611 = vector.shape_cast %mul3A_606 : vector<16xf32> to vector<1x16xf32>
        tpu.vector_store %arg11[%swap3A_607, %swap3A_608], %swap3A_611 {strides = array<i32>} : memref<80x128xf32, #tpu.memory_space<vmem>>, vector<1x16xf32>,
        %get3A_612 = arith.index_cast %add3A_601 : i32 to index
        %get3A_613 = arith.constant 16 : index
        %get3A_614 = tpu.vector_load %arg11[%get3A_612, %get3A_613] {strides = array<i32>} : memref<80x128xf32, #tpu.memory_space<vmem>>, vector<1x16xf32>,
        %get3A_615 = vector.shape_cast %get3A_614 : vector<1x16xf32> to vector<16xf32>
        %mul3A_616 = arith.mulf %get3A_615, %add3A_597 : vector<16xf32>
        %swap3A_617 = arith.index_cast %add3A_601 : i32 to index
        %swap3A_618 = arith.constant 16 : index
        %swap3A_619 = tpu.vector_load %arg11[%swap3A_617, %swap3A_618] {strides = array<i32>} : memref<80x128xf32, #tpu.memory_space<vmem>>, vector<1x16xf32>,
        %swap3A_620 = vector.shape_cast %swap3A_619 : vector<1x16xf32> to vector<16xf32>
        %swap3A_621 = vector.shape_cast %mul3A_616 : vector<16xf32> to vector<1x16xf32>
        tpu.vector_store %arg11[%swap3A_617, %swap3A_618], %swap3A_621 {strides = array<i32>} : memref<80x128xf32, #tpu.memory_space<vmem>>, vector<1x16xf32>,
        %get3A_622 = arith.index_cast %add3A_601 : i32 to index
        %get3A_623 = arith.constant 32 : index
        %get3A_624 = tpu.vector_load %arg11[%get3A_622, %get3A_623] {strides = array<i32>} : memref<80x128xf32, #tpu.memory_space<vmem>>, vector<1x16xf32>,
        %get3A_625 = vector.shape_cast %get3A_624 : vector<1x16xf32> to vector<16xf32>
        %mul3A_626 = arith.mulf %get3A_625, %add3A_597 : vector<16xf32>
        %swap3A_627 = arith.index_cast %add3A_601 : i32 to index
        %swap3A_628 = arith.constant 32 : index
        %swap3A_629 = tpu.vector_load %arg11[%swap3A_627, %swap3A_628] {strides = array<i32>} : memref<80x128xf32, #tpu.memory_space<vmem>>, vector<1x16xf32>,
        %swap3A_630 = vector.shape_cast %swap3A_629 : vector<1x16xf32> to vector<16xf32>
        %swap3A_631 = vector.shape_cast %mul3A_626 : vector<16xf32> to vector<1x16xf32>
        tpu.vector_store %arg11[%swap3A_627, %swap3A_628], %swap3A_631 {strides = array<i32>} : memref<80x128xf32, #tpu.memory_space<vmem>>, vector<1x16xf32>,
        %get3A_632 = arith.index_cast %add3A_601 : i32 to index
        %get3A_633 = arith.constant 48 : index
        %get3A_634 = tpu.vector_load %arg11[%get3A_632, %get3A_633] {strides = array<i32>} : memref<80x128xf32, #tpu.memory_space<vmem>>, vector<1x16xf32>,
        %get3A_635 = vector.shape_cast %get3A_634 : vector<1x16xf32> to vector<16xf32>
        %mul3A_636 = arith.mulf %get3A_635, %add3A_597 : vector<16xf32>
        %swap3A_637 = arith.index_cast %add3A_601 : i32 to index
        %swap3A_638 = arith.constant 48 : index
        %swap3A_639 = tpu.vector_load %arg11[%swap3A_637, %swap3A_638] {strides = array<i32>} : memref<80x128xf32, #tpu.memory_space<vmem>>, vector<1x16xf32>,
        %swap3A_640 = vector.shape_cast %swap3A_639 : vector<1x16xf32> to vector<16xf32>
        %swap3A_641 = vector.shape_cast %mul3A_636 : vector<16xf32> to vector<1x16xf32>
        tpu.vector_store %arg11[%swap3A_637, %swap3A_638], %swap3A_641 {strides = array<i32>} : memref<80x128xf32, #tpu.memory_space<vmem>>, vector<1x16xf32>,
        %get3A_642 = arith.index_cast %add3A_601 : i32 to index
        %get3A_643 = arith.constant 64 : index
        %get3A_644 = tpu.vector_load %arg11[%get3A_642, %get3A_643] {strides = array<i32>} : memref<80x128xf32, #tpu.memory_space<vmem>>, vector<1x16xf32>,
        %get3A_645 = vector.shape_cast %get3A_644 : vector<1x16xf32> to vector<16xf32>
        %mul3A_646 = arith.mulf %get3A_645, %add3A_597 : vector<16xf32>
        %swap3A_647 = arith.index_cast %add3A_601 : i32 to index
        %swap3A_648 = arith.constant 64 : index
        %swap3A_649 = tpu.vector_load %arg11[%swap3A_647, %swap3A_648] {strides = array<i32>} : memref<80x128xf32, #tpu.memory_space<vmem>>, vector<1x16xf32>,
        %swap3A_650 = vector.shape_cast %swap3A_649 : vector<1x16xf32> to vector<16xf32>
        %swap3A_651 = vector.shape_cast %mul3A_646 : vector<16xf32> to vector<1x16xf32>
        tpu.vector_store %arg11[%swap3A_647, %swap3A_648], %swap3A_651 {strides = array<i32>} : memref<80x128xf32, #tpu.memory_space<vmem>>, vector<1x16xf32>,
        %get3A_652 = arith.index_cast %add3A_601 : i32 to index
        %get3A_653 = arith.constant 80 : index
        %get3A_654 = tpu.vector_load %arg11[%get3A_652, %get3A_653] {strides = array<i32>} : memref<80x128xf32, #tpu.memory_space<vmem>>, vector<1x16xf32>,
        %get3A_655 = vector.shape_cast %get3A_654 : vector<1x16xf32> to vector<16xf32>
        %mul3A_656 = arith.mulf %get3A_655, %add3A_597 : vector<16xf32>
        %swap3A_657 = arith.index_cast %add3A_601 : i32 to index
        %swap3A_658 = arith.constant 80 : index
        %swap3A_659 = tpu.vector_load %arg11[%swap3A_657, %swap3A_658] {strides = array<i32>} : memref<80x128xf32, #tpu.memory_space<vmem>>, vector<1x16xf32>,
        %swap3A_660 = vector.shape_cast %swap3A_659 : vector<1x16xf32> to vector<16xf32>
        %swap3A_661 = vector.shape_cast %mul3A_656 : vector<16xf32> to vector<1x16xf32>
        tpu.vector_store %arg11[%swap3A_657, %swap3A_658], %swap3A_661 {strides = array<i32>} : memref<80x128xf32, #tpu.memory_space<vmem>>, vector<1x16xf32>,
        %get3A_662 = arith.index_cast %add3A_601 : i32 to index
        %get3A_663 = arith.constant 96 : index
        %get3A_664 = tpu.vector_load %arg11[%get3A_662, %get3A_663] {strides = array<i32>} : memref<80x128xf32, #tpu.memory_space<vmem>>, vector<1x16xf32>,
        %get3A_665 = vector.shape_cast %get3A_664 : vector<1x16xf32> to vector<16xf32>
        %mul3A_666 = arith.mulf %get3A_665, %add3A_597 : vector<16xf32>
        %swap3A_667 = arith.index_cast %add3A_601 : i32 to index
        %swap3A_668 = arith.constant 96 : index
        %swap3A_669 = tpu.vector_load %arg11[%swap3A_667, %swap3A_668] {strides = array<i32>} : memref<80x128xf32, #tpu.memory_space<vmem>>, vector<1x16xf32>,
        %swap3A_670 = vector.shape_cast %swap3A_669 : vector<1x16xf32> to vector<16xf32>
        %swap3A_671 = vector.shape_cast %mul3A_666 : vector<16xf32> to vector<1x16xf32>
        tpu.vector_store %arg11[%swap3A_667, %swap3A_668], %swap3A_671 {strides = array<i32>} : memref<80x128xf32, #tpu.memory_space<vmem>>, vector<1x16xf32>,
        %get3A_672 = arith.index_cast %add3A_601 : i32 to index
        %get3A_673 = arith.constant 112 : index
        %get3A_674 = tpu.vector_load %arg11[%get3A_672, %get3A_673] {strides = array<i32>} : memref<80x128xf32, #tpu.memory_space<vmem>>, vector<1x16xf32>,
        %get3A_675 = vector.shape_cast %get3A_674 : vector<1x16xf32> to vector<16xf32>
        %mul3A_676 = arith.mulf %get3A_675, %add3A_597 : vector<16xf32>
        %swap3A_677 = arith.index_cast %add3A_601 : i32 to index
        %swap3A_678 = arith.constant 112 : index
        %swap3A_679 = tpu.vector_load %arg11[%swap3A_677, %swap3A_678] {strides = array<i32>} : memref<80x128xf32, #tpu.memory_space<vmem>>, vector<1x16xf32>,
        %swap3A_680 = vector.shape_cast %swap3A_679 : vector<1x16xf32> to vector<16xf32>
        %swap3A_681 = vector.shape_cast %mul3A_676 : vector<16xf32> to vector<1x16xf32>
        tpu.vector_store %arg11[%swap3A_677, %swap3A_678], %swap3A_681 {strides = array<i32>} : memref<80x128xf32, #tpu.memory_space<vmem>>, vector<1x16xf32>,
        %broadcast_in_dim3A_682 = arith.constant 0.000000e+00 : f32
        %broadcast_in_dim3A_683 = vector.broadcast %broadcast_in_dim3A_682 : f32 to vector<16xf32>
        %slice3A_684 = vector.extract_strided_slice %get3A_145 {offsets = [6], sizes = [1], strides = [1]} : vector<16xf32> to vector<1xf32>
        %squeeze3A_685 = vector.extract %slice3A_684[0] : f32 from vector<1xf32>
        %add3A_686 = vector.broadcast %squeeze3A_685 : f32 to vector<16xf32>
        %add3A_687 = arith.addf %broadcast_in_dim3A_683, %add3A_686 : vector<16xf32>
        %mul3A_688 = arith.constant 16 : i32
        %mul3A_689 = arith.muli %scan3A_141, %mul3A_688 : i32
        %add3A_690 = arith.constant 6 : i32
        %add3A_691 = arith.addi %mul3A_689, %add3A_690 : i32
        %get3A_692 = arith.index_cast %add3A_691 : i32 to index
        %get3A_693 = arith.constant 0 : index
        %get3A_694 = tpu.vector_load %arg11[%get3A_692, %get3A_693] {strides = array<i32>} : memref<80x128xf32, #tpu.memory_space<vmem>>, vector<1x16xf32>,
        %get3A_695 = vector.shape_cast %get3A_694 : vector<1x16xf32> to vector<16xf32>
        %mul3A_696 = arith.mulf %get3A_695, %add3A_687 : vector<16xf32>
        %swap3A_697 = arith.index_cast %add3A_691 : i32 to index
        %swap3A_698 = arith.constant 0 : index
        %swap3A_699 = tpu.vector_load %arg11[%swap3A_697, %swap3A_698] {strides = array<i32>} : memref<80x128xf32, #tpu.memory_space<vmem>>, vector<1x16xf32>,
        %swap3A_700 = vector.shape_cast %swap3A_699 : vector<1x16xf32> to vector<16xf32>
        %swap3A_701 = vector.shape_cast %mul3A_696 : vector<16xf32> to vector<1x16xf32>
        tpu.vector_store %arg11[%swap3A_697, %swap3A_698], %swap3A_701 {strides = array<i32>} : memref<80x128xf32, #tpu.memory_space<vmem>>, vector<1x16xf32>,
        %get3A_702 = arith.index_cast %add3A_691 : i32 to index
        %get3A_703 = arith.constant 16 : index
        %get3A_704 = tpu.vector_load %arg11[%get3A_702, %get3A_703] {strides = array<i32>} : memref<80x128xf32, #tpu.memory_space<vmem>>, vector<1x16xf32>,
        %get3A_705 = vector.shape_cast %get3A_704 : vector<1x16xf32> to vector<16xf32>
        %mul3A_706 = arith.mulf %get3A_705, %add3A_687 : vector<16xf32>
        %swap3A_707 = arith.index_cast %add3A_691 : i32 to index
        %swap3A_708 = arith.constant 16 : index
        %swap3A_709 = tpu.vector_load %arg11[%swap3A_707, %swap3A_708] {strides = array<i32>} : memref<80x128xf32, #tpu.memory_space<vmem>>, vector<1x16xf32>,
        %swap3A_710 = vector.shape_cast %swap3A_709 : vector<1x16xf32> to vector<16xf32>
        %swap3A_711 = vector.shape_cast %mul3A_706 : vector<16xf32> to vector<1x16xf32>
        tpu.vector_store %arg11[%swap3A_707, %swap3A_708], %swap3A_711 {strides = array<i32>} : memref<80x128xf32, #tpu.memory_space<vmem>>, vector<1x16xf32>,
        %get3A_712 = arith.index_cast %add3A_691 : i32 to index
        %get3A_713 = arith.constant 32 : index
        %get3A_714 = tpu.vector_load %arg11[%get3A_712, %get3A_713] {strides = array<i32>} : memref<80x128xf32, #tpu.memory_space<vmem>>, vector<1x16xf32>,
        %get3A_715 = vector.shape_cast %get3A_714 : vector<1x16xf32> to vector<16xf32>
        %mul3A_716 = arith.mulf %get3A_715, %add3A_687 : vector<16xf32>
        %swap3A_717 = arith.index_cast %add3A_691 : i32 to index
        %swap3A_718 = arith.constant 32 : index
        %swap3A_719 = tpu.vector_load %arg11[%swap3A_717, %swap3A_718] {strides = array<i32>} : memref<80x128xf32, #tpu.memory_space<vmem>>, vector<1x16xf32>,
        %swap3A_720 = vector.shape_cast %swap3A_719 : vector<1x16xf32> to vector<16xf32>
        %swap3A_721 = vector.shape_cast %mul3A_716 : vector<16xf32> to vector<1x16xf32>
        tpu.vector_store %arg11[%swap3A_717, %swap3A_718], %swap3A_721 {strides = array<i32>} : memref<80x128xf32, #tpu.memory_space<vmem>>, vector<1x16xf32>,
        %get3A_722 = arith.index_cast %add3A_691 : i32 to index
        %get3A_723 = arith.constant 48 : index
        %get3A_724 = tpu.vector_load %arg11[%get3A_722, %get3A_723] {strides = array<i32>} : memref<80x128xf32, #tpu.memory_space<vmem>>, vector<1x16xf32>,
        %get3A_725 = vector.shape_cast %get3A_724 : vector<1x16xf32> to vector<16xf32>
        %mul3A_726 = arith.mulf %get3A_725, %add3A_687 : vector<16xf32>
        %swap3A_727 = arith.index_cast %add3A_691 : i32 to index
        %swap3A_728 = arith.constant 48 : index
        %swap3A_729 = tpu.vector_load %arg11[%swap3A_727, %swap3A_728] {strides = array<i32>} : memref<80x128xf32, #tpu.memory_space<vmem>>, vector<1x16xf32>,
        %swap3A_730 = vector.shape_cast %swap3A_729 : vector<1x16xf32> to vector<16xf32>
        %swap3A_731 = vector.shape_cast %mul3A_726 : vector<16xf32> to vector<1x16xf32>
        tpu.vector_store %arg11[%swap3A_727, %swap3A_728], %swap3A_731 {strides = array<i32>} : memref<80x128xf32, #tpu.memory_space<vmem>>, vector<1x16xf32>,
        %get3A_732 = arith.index_cast %add3A_691 : i32 to index
        %get3A_733 = arith.constant 64 : index
        %get3A_734 = tpu.vector_load %arg11[%get3A_732, %get3A_733] {strides = array<i32>} : memref<80x128xf32, #tpu.memory_space<vmem>>, vector<1x16xf32>,
        %get3A_735 = vector.shape_cast %get3A_734 : vector<1x16xf32> to vector<16xf32>
        %mul3A_736 = arith.mulf %get3A_735, %add3A_687 : vector<16xf32>
        %swap3A_737 = arith.index_cast %add3A_691 : i32 to index
        %swap3A_738 = arith.constant 64 : index
        %swap3A_739 = tpu.vector_load %arg11[%swap3A_737, %swap3A_738] {strides = array<i32>} : memref<80x128xf32, #tpu.memory_space<vmem>>, vector<1x16xf32>,
        %swap3A_740 = vector.shape_cast %swap3A_739 : vector<1x16xf32> to vector<16xf32>
        %swap3A_741 = vector.shape_cast %mul3A_736 : vector<16xf32> to vector<1x16xf32>
        tpu.vector_store %arg11[%swap3A_737, %swap3A_738], %swap3A_741 {strides = array<i32>} : memref<80x128xf32, #tpu.memory_space<vmem>>, vector<1x16xf32>,
        %get3A_742 = arith.index_cast %add3A_691 : i32 to index
        %get3A_743 = arith.constant 80 : index
        %get3A_744 = tpu.vector_load %arg11[%get3A_742, %get3A_743] {strides = array<i32>} : memref<80x128xf32, #tpu.memory_space<vmem>>, vector<1x16xf32>,
        %get3A_745 = vector.shape_cast %get3A_744 : vector<1x16xf32> to vector<16xf32>
        %mul3A_746 = arith.mulf %get3A_745, %add3A_687 : vector<16xf32>
        %swap3A_747 = arith.index_cast %add3A_691 : i32 to index
        %swap3A_748 = arith.constant 80 : index
        %swap3A_749 = tpu.vector_load %arg11[%swap3A_747, %swap3A_748] {strides = array<i32>} : memref<80x128xf32, #tpu.memory_space<vmem>>, vector<1x16xf32>,
        %swap3A_750 = vector.shape_cast %swap3A_749 : vector<1x16xf32> to vector<16xf32>
        %swap3A_751 = vector.shape_cast %mul3A_746 : vector<16xf32> to vector<1x16xf32>
        tpu.vector_store %arg11[%swap3A_747, %swap3A_748], %swap3A_751 {strides = array<i32>} : memref<80x128xf32, #tpu.memory_space<vmem>>, vector<1x16xf32>,
        %get3A_752 = arith.index_cast %add3A_691 : i32 to index
        %get3A_753 = arith.constant 96 : index
        %get3A_754 = tpu.vector_load %arg11[%get3A_752, %get3A_753] {strides = array<i32>} : memref<80x128xf32, #tpu.memory_space<vmem>>, vector<1x16xf32>,
        %get3A_755 = vector.shape_cast %get3A_754 : vector<1x16xf32> to vector<16xf32>
        %mul3A_756 = arith.mulf %get3A_755, %add3A_687 : vector<16xf32>
        %swap3A_757 = arith.index_cast %add3A_691 : i32 to index
        %swap3A_758 = arith.constant 96 : index
        %swap3A_759 = tpu.vector_load %arg11[%swap3A_757, %swap3A_758] {strides = array<i32>} : memref<80x128xf32, #tpu.memory_space<vmem>>, vector<1x16xf32>,
        %swap3A_760 = vector.shape_cast %swap3A_759 : vector<1x16xf32> to vector<16xf32>
        %swap3A_761 = vector.shape_cast %mul3A_756 : vector<16xf32> to vector<1x16xf32>
        tpu.vector_store %arg11[%swap3A_757, %swap3A_758], %swap3A_761 {strides = array<i32>} : memref<80x128xf32, #tpu.memory_space<vmem>>, vector<1x16xf32>,
        %get3A_762 = arith.index_cast %add3A_691 : i32 to index
        %get3A_763 = arith.constant 112 : index
        %get3A_764 = tpu.vector_load %arg11[%get3A_762, %get3A_763] {strides = array<i32>} : memref<80x128xf32, #tpu.memory_space<vmem>>, vector<1x16xf32>,
        %get3A_765 = vector.shape_cast %get3A_764 : vector<1x16xf32> to vector<16xf32>
        %mul3A_766 = arith.mulf %get3A_765, %add3A_687 : vector<16xf32>
        %swap3A_767 = arith.index_cast %add3A_691 : i32 to index
        %swap3A_768 = arith.constant 112 : index
        %swap3A_769 = tpu.vector_load %arg11[%swap3A_767, %swap3A_768] {strides = array<i32>} : memref<80x128xf32, #tpu.memory_space<vmem>>, vector<1x16xf32>,
        %swap3A_770 = vector.shape_cast %swap3A_769 : vector<1x16xf32> to vector<16xf32>
        %swap3A_771 = vector.shape_cast %mul3A_766 : vector<16xf32> to vector<1x16xf32>
        tpu.vector_store %arg11[%swap3A_767, %swap3A_768], %swap3A_771 {strides = array<i32>} : memref<80x128xf32, #tpu.memory_space<vmem>>, vector<1x16xf32>,
        %broadcast_in_dim3A_772 = arith.constant 0.000000e+00 : f32
        %broadcast_in_dim3A_773 = vector.broadcast %broadcast_in_dim3A_772 : f32 to vector<16xf32>
        %slice3A_774 = vector.extract_strided_slice %get3A_145 {offsets = [7], sizes = [1], strides = [1]} : vector<16xf32> to vector<1xf32>
        %squeeze3A_775 = vector.extract %slice3A_774[0] : f32 from vector<1xf32>
        %add3A_776 = vector.broadcast %squeeze3A_775 : f32 to vector<16xf32>
        %add3A_777 = arith.addf %broadcast_in_dim3A_773, %add3A_776 : vector<16xf32>
        %mul3A_778 = arith.constant 16 : i32
        %mul3A_779 = arith.muli %scan3A_141, %mul3A_778 : i32
        %add3A_780 = arith.constant 7 : i32
        %add3A_781 = arith.addi %mul3A_779, %add3A_780 : i32
        %get3A_782 = arith.index_cast %add3A_781 : i32 to index
        %get3A_783 = arith.constant 0 : index
        %get3A_784 = tpu.vector_load %arg11[%get3A_782, %get3A_783] {strides = array<i32>} : memref<80x128xf32, #tpu.memory_space<vmem>>, vector<1x16xf32>,
        %get3A_785 = vector.shape_cast %get3A_784 : vector<1x16xf32> to vector<16xf32>
        %mul3A_786 = arith.mulf %get3A_785, %add3A_777 : vector<16xf32>
        %swap3A_787 = arith.index_cast %add3A_781 : i32 to index
        %swap3A_788 = arith.constant 0 : index
        %swap3A_789 = tpu.vector_load %arg11[%swap3A_787, %swap3A_788] {strides = array<i32>} : memref<80x128xf32, #tpu.memory_space<vmem>>, vector<1x16xf32>,
        %swap3A_790 = vector.shape_cast %swap3A_789 : vector<1x16xf32> to vector<16xf32>
        %swap3A_791 = vector.shape_cast %mul3A_786 : vector<16xf32> to vector<1x16xf32>
        tpu.vector_store %arg11[%swap3A_787, %swap3A_788], %swap3A_791 {strides = array<i32>} : memref<80x128xf32, #tpu.memory_space<vmem>>, vector<1x16xf32>,
        %get3A_792 = arith.index_cast %add3A_781 : i32 to index
        %get3A_793 = arith.constant 16 : index
        %get3A_794 = tpu.vector_load %arg11[%get3A_792, %get3A_793] {strides = array<i32>} : memref<80x128xf32, #tpu.memory_space<vmem>>, vector<1x16xf32>,
        %get3A_795 = vector.shape_cast %get3A_794 : vector<1x16xf32> to vector<16xf32>
        %mul3A_796 = arith.mulf %get3A_795, %add3A_777 : vector<16xf32>
        %swap3A_797 = arith.index_cast %add3A_781 : i32 to index
        %swap3A_798 = arith.constant 16 : index
        %swap3A_799 = tpu.vector_load %arg11[%swap3A_797, %swap3A_798] {strides = array<i32>} : memref<80x128xf32, #tpu.memory_space<vmem>>, vector<1x16xf32>,
        %swap3A_800 = vector.shape_cast %swap3A_799 : vector<1x16xf32> to vector<16xf32>
        %swap3A_801 = vector.shape_cast %mul3A_796 : vector<16xf32> to vector<1x16xf32>
        tpu.vector_store %arg11[%swap3A_797, %swap3A_798], %swap3A_801 {strides = array<i32>} : memref<80x128xf32, #tpu.memory_space<vmem>>, vector<1x16xf32>,
        %get3A_802 = arith.index_cast %add3A_781 : i32 to index
        %get3A_803 = arith.constant 32 : index
        %get3A_804 = tpu.vector_load %arg11[%get3A_802, %get3A_803] {strides = array<i32>} : memref<80x128xf32, #tpu.memory_space<vmem>>, vector<1x16xf32>,
        %get3A_805 = vector.shape_cast %get3A_804 : vector<1x16xf32> to vector<16xf32>
        %mul3A_806 = arith.mulf %get3A_805, %add3A_777 : vector<16xf32>
        %swap3A_807 = arith.index_cast %add3A_781 : i32 to index
        %swap3A_808 = arith.constant 32 : index
        %swap3A_809 = tpu.vector_load %arg11[%swap3A_807, %swap3A_808] {strides = array<i32>} : memref<80x128xf32, #tpu.memory_space<vmem>>, vector<1x16xf32>,
        %swap3A_810 = vector.shape_cast %swap3A_809 : vector<1x16xf32> to vector<16xf32>
        %swap3A_811 = vector.shape_cast %mul3A_806 : vector<16xf32> to vector<1x16xf32>
        tpu.vector_store %arg11[%swap3A_807, %swap3A_808], %swap3A_811 {strides = array<i32>} : memref<80x128xf32, #tpu.memory_space<vmem>>, vector<1x16xf32>,
        %get3A_812 = arith.index_cast %add3A_781 : i32 to index
        %get3A_813 = arith.constant 48 : index
        %get3A_814 = tpu.vector_load %arg11[%get3A_812, %get3A_813] {strides = array<i32>} : memref<80x128xf32, #tpu.memory_space<vmem>>, vector<1x16xf32>,
        %get3A_815 = vector.shape_cast %get3A_814 : vector<1x16xf32> to vector<16xf32>
        %mul3A_816 = arith.mulf %get3A_815, %add3A_777 : vector<16xf32>
        %swap3A_817 = arith.index_cast %add3A_781 : i32 to index
        %swap3A_818 = arith.constant 48 : index
        %swap3A_819 = tpu.vector_load %arg11[%swap3A_817, %swap3A_818] {strides = array<i32>} : memref<80x128xf32, #tpu.memory_space<vmem>>, vector<1x16xf32>,
        %swap3A_820 = vector.shape_cast %swap3A_819 : vector<1x16xf32> to vector<16xf32>
        %swap3A_821 = vector.shape_cast %mul3A_816 : vector<16xf32> to vector<1x16xf32>
        tpu.vector_store %arg11[%swap3A_817, %swap3A_818], %swap3A_821 {strides = array<i32>} : memref<80x128xf32, #tpu.memory_space<vmem>>, vector<1x16xf32>,
        %get3A_822 = arith.index_cast %add3A_781 : i32 to index
        %get3A_823 = arith.constant 64 : index
        %get3A_824 = tpu.vector_load %arg11[%get3A_822, %get3A_823] {strides = array<i32>} : memref<80x128xf32, #tpu.memory_space<vmem>>, vector<1x16xf32>,
        %get3A_825 = vector.shape_cast %get3A_824 : vector<1x16xf32> to vector<16xf32>
        %mul3A_826 = arith.mulf %get3A_825, %add3A_777 : vector<16xf32>
        %swap3A_827 = arith.index_cast %add3A_781 : i32 to index
        %swap3A_828 = arith.constant 64 : index
        %swap3A_829 = tpu.vector_load %arg11[%swap3A_827, %swap3A_828] {strides = array<i32>} : memref<80x128xf32, #tpu.memory_space<vmem>>, vector<1x16xf32>,
        %swap3A_830 = vector.shape_cast %swap3A_829 : vector<1x16xf32> to vector<16xf32>
        %swap3A_831 = vector.shape_cast %mul3A_826 : vector<16xf32> to vector<1x16xf32>
        tpu.vector_store %arg11[%swap3A_827, %swap3A_828], %swap3A_831 {strides = array<i32>} : memref<80x128xf32, #tpu.memory_space<vmem>>, vector<1x16xf32>,
        %get3A_832 = arith.index_cast %add3A_781 : i32 to index
        %get3A_833 = arith.constant 80 : index
        %get3A_834 = tpu.vector_load %arg11[%get3A_832, %get3A_833] {strides = array<i32>} : memref<80x128xf32, #tpu.memory_space<vmem>>, vector<1x16xf32>,
        %get3A_835 = vector.shape_cast %get3A_834 : vector<1x16xf32> to vector<16xf32>
        %mul3A_836 = arith.mulf %get3A_835, %add3A_777 : vector<16xf32>
        %swap3A_837 = arith.index_cast %add3A_781 : i32 to index
        %swap3A_838 = arith.constant 80 : index
        %swap3A_839 = tpu.vector_load %arg11[%swap3A_837, %swap3A_838] {strides = array<i32>} : memref<80x128xf32, #tpu.memory_space<vmem>>, vector<1x16xf32>,
        %swap3A_840 = vector.shape_cast %swap3A_839 : vector<1x16xf32> to vector<16xf32>
        %swap3A_841 = vector.shape_cast %mul3A_836 : vector<16xf32> to vector<1x16xf32>
        tpu.vector_store %arg11[%swap3A_837, %swap3A_838], %swap3A_841 {strides = array<i32>} : memref<80x128xf32, #tpu.memory_space<vmem>>, vector<1x16xf32>,
        %get3A_842 = arith.index_cast %add3A_781 : i32 to index
        %get3A_843 = arith.constant 96 : index
        %get3A_844 = tpu.vector_load %arg11[%get3A_842, %get3A_843] {strides = array<i32>} : memref<80x128xf32, #tpu.memory_space<vmem>>, vector<1x16xf32>,
        %get3A_845 = vector.shape_cast %get3A_844 : vector<1x16xf32> to vector<16xf32>
        %mul3A_846 = arith.mulf %get3A_845, %add3A_777 : vector<16xf32>
        %swap3A_847 = arith.index_cast %add3A_781 : i32 to index
        %swap3A_848 = arith.constant 96 : index
        %swap3A_849 = tpu.vector_load %arg11[%swap3A_847, %swap3A_848] {strides = array<i32>} : memref<80x128xf32, #tpu.memory_space<vmem>>, vector<1x16xf32>,
        %swap3A_850 = vector.shape_cast %swap3A_849 : vector<1x16xf32> to vector<16xf32>
        %swap3A_851 = vector.shape_cast %mul3A_846 : vector<16xf32> to vector<1x16xf32>
        tpu.vector_store %arg11[%swap3A_847, %swap3A_848], %swap3A_851 {strides = array<i32>} : memref<80x128xf32, #tpu.memory_space<vmem>>, vector<1x16xf32>,
        %get3A_852 = arith.index_cast %add3A_781 : i32 to index
        %get3A_853 = arith.constant 112 : index
        %get3A_854 = tpu.vector_load %arg11[%get3A_852, %get3A_853] {strides = array<i32>} : memref<80x128xf32, #tpu.memory_space<vmem>>, vector<1x16xf32>,
        %get3A_855 = vector.shape_cast %get3A_854 : vector<1x16xf32> to vector<16xf32>
        %mul3A_856 = arith.mulf %get3A_855, %add3A_777 : vector<16xf32>
        %swap3A_857 = arith.index_cast %add3A_781 : i32 to index
        %swap3A_858 = arith.constant 112 : index
        %swap3A_859 = tpu.vector_load %arg11[%swap3A_857, %swap3A_858] {strides = array<i32>} : memref<80x128xf32, #tpu.memory_space<vmem>>, vector<1x16xf32>,
        %swap3A_860 = vector.shape_cast %swap3A_859 : vector<1x16xf32> to vector<16xf32>
        %swap3A_861 = vector.shape_cast %mul3A_856 : vector<16xf32> to vector<1x16xf32>
        tpu.vector_store %arg11[%swap3A_857, %swap3A_858], %swap3A_861 {strides = array<i32>} : memref<80x128xf32, #tpu.memory_space<vmem>>, vector<1x16xf32>,
        %broadcast_in_dim3A_862 = arith.constant 0.000000e+00 : f32
        %broadcast_in_dim3A_863 = vector.broadcast %broadcast_in_dim3A_862 : f32 to vector<16xf32>
        %slice3A_864 = vector.extract_strided_slice %get3A_145 {offsets = [8], sizes = [1], strides = [1]} : vector<16xf32> to vector<1xf32>
        %squeeze3A_865 = vector.extract %slice3A_864[0] : f32 from vector<1xf32>
        %add3A_866 = vector.broadcast %squeeze3A_865 : f32 to vector<16xf32>
        %add3A_867 = arith.addf %broadcast_in_dim3A_863, %add3A_866 : vector<16xf32>
        %mul3A_868 = arith.constant 16 : i32
        %mul3A_869 = arith.muli %scan3A_141, %mul3A_868 : i32
        %add3A_870 = arith.constant 8 : i32
        %add3A_871 = arith.addi %mul3A_869, %add3A_870 : i32
        %get3A_872 = arith.index_cast %add3A_871 : i32 to index
        %get3A_873 = arith.constant 0 : index
        %get3A_874 = tpu.vector_load %arg11[%get3A_872, %get3A_873] {strides = array<i32>} : memref<80x128xf32, #tpu.memory_space<vmem>>, vector<1x16xf32>,
        %get3A_875 = vector.shape_cast %get3A_874 : vector<1x16xf32> to vector<16xf32>
        %mul3A_876 = arith.mulf %get3A_875, %add3A_867 : vector<16xf32>
        %swap3A_877 = arith.index_cast %add3A_871 : i32 to index
        %swap3A_878 = arith.constant 0 : index
        %swap3A_879 = tpu.vector_load %arg11[%swap3A_877, %swap3A_878] {strides = array<i32>} : memref<80x128xf32, #tpu.memory_space<vmem>>, vector<1x16xf32>,
        %swap3A_880 = vector.shape_cast %swap3A_879 : vector<1x16xf32> to vector<16xf32>
        %swap3A_881 = vector.shape_cast %mul3A_876 : vector<16xf32> to vector<1x16xf32>
        tpu.vector_store %arg11[%swap3A_877, %swap3A_878], %swap3A_881 {strides = array<i32>} : memref<80x128xf32, #tpu.memory_space<vmem>>, vector<1x16xf32>,
        %get3A_882 = arith.index_cast %add3A_871 : i32 to index
        %get3A_883 = arith.constant 16 : index
        %get3A_884 = tpu.vector_load %arg11[%get3A_882, %get3A_883] {strides = array<i32>} : memref<80x128xf32, #tpu.memory_space<vmem>>, vector<1x16xf32>,
        %get3A_885 = vector.shape_cast %get3A_884 : vector<1x16xf32> to vector<16xf32>
        %mul3A_886 = arith.mulf %get3A_885, %add3A_867 : vector<16xf32>
        %swap3A_887 = arith.index_cast %add3A_871 : i32 to index
        %swap3A_888 = arith.constant 16 : index
        %swap3A_889 = tpu.vector_load %arg11[%swap3A_887, %swap3A_888] {strides = array<i32>} : memref<80x128xf32, #tpu.memory_space<vmem>>, vector<1x16xf32>,
        %swap3A_890 = vector.shape_cast %swap3A_889 : vector<1x16xf32> to vector<16xf32>
        %swap3A_891 = vector.shape_cast %mul3A_886 : vector<16xf32> to vector<1x16xf32>
        tpu.vector_store %arg11[%swap3A_887, %swap3A_888], %swap3A_891 {strides = array<i32>} : memref<80x128xf32, #tpu.memory_space<vmem>>, vector<1x16xf32>,
        %get3A_892 = arith.index_cast %add3A_871 : i32 to index
        %get3A_893 = arith.constant 32 : index
        %get3A_894 = tpu.vector_load %arg11[%get3A_892, %get3A_893] {strides = array<i32>} : memref<80x128xf32, #tpu.memory_space<vmem>>, vector<1x16xf32>,
        %get3A_895 = vector.shape_cast %get3A_894 : vector<1x16xf32> to vector<16xf32>
        %mul3A_896 = arith.mulf %get3A_895, %add3A_867 : vector<16xf32>
        %swap3A_897 = arith.index_cast %add3A_871 : i32 to index
        %swap3A_898 = arith.constant 32 : index
        %swap3A_899 = tpu.vector_load %arg11[%swap3A_897, %swap3A_898] {strides = array<i32>} : memref<80x128xf32, #tpu.memory_space<vmem>>, vector<1x16xf32>,
        %swap3A_900 = vector.shape_cast %swap3A_899 : vector<1x16xf32> to vector<16xf32>
        %swap3A_901 = vector.shape_cast %mul3A_896 : vector<16xf32> to vector<1x16xf32>
        tpu.vector_store %arg11[%swap3A_897, %swap3A_898], %swap3A_901 {strides = array<i32>} : memref<80x128xf32, #tpu.memory_space<vmem>>, vector<1x16xf32>,
        %get3A_902 = arith.index_cast %add3A_871 : i32 to index
        %get3A_903 = arith.constant 48 : index
        %get3A_904 = tpu.vector_load %arg11[%get3A_902, %get3A_903] {strides = array<i32>} : memref<80x128xf32, #tpu.memory_space<vmem>>, vector<1x16xf32>,
        %get3A_905 = vector.shape_cast %get3A_904 : vector<1x16xf32> to vector<16xf32>
        %mul3A_906 = arith.mulf %get3A_905, %add3A_867 : vector<16xf32>
        %swap3A_907 = arith.index_cast %add3A_871 : i32 to index
        %swap3A_908 = arith.constant 48 : index
        %swap3A_909 = tpu.vector_load %arg11[%swap3A_907, %swap3A_908] {strides = array<i32>} : memref<80x128xf32, #tpu.memory_space<vmem>>, vector<1x16xf32>,
        %swap3A_910 = vector.shape_cast %swap3A_909 : vector<1x16xf32> to vector<16xf32>
        %swap3A_911 = vector.shape_cast %mul3A_906 : vector<16xf32> to vector<1x16xf32>
        tpu.vector_store %arg11[%swap3A_907, %swap3A_908], %swap3A_911 {strides = array<i32>} : memref<80x128xf32, #tpu.memory_space<vmem>>, vector<1x16xf32>,
        %get3A_912 = arith.index_cast %add3A_871 : i32 to index
        %get3A_913 = arith.constant 64 : index
        %get3A_914 = tpu.vector_load %arg11[%get3A_912, %get3A_913] {strides = array<i32>} : memref<80x128xf32, #tpu.memory_space<vmem>>, vector<1x16xf32>,
        %get3A_915 = vector.shape_cast %get3A_914 : vector<1x16xf32> to vector<16xf32>
        %mul3A_916 = arith.mulf %get3A_915, %add3A_867 : vector<16xf32>
        %swap3A_917 = arith.index_cast %add3A_871 : i32 to index
        %swap3A_918 = arith.constant 64 : index
        %swap3A_919 = tpu.vector_load %arg11[%swap3A_917, %swap3A_918] {strides = array<i32>} : memref<80x128xf32, #tpu.memory_space<vmem>>, vector<1x16xf32>,
        %swap3A_920 = vector.shape_cast %swap3A_919 : vector<1x16xf32> to vector<16xf32>
        %swap3A_921 = vector.shape_cast %mul3A_916 : vector<16xf32> to vector<1x16xf32>
        tpu.vector_store %arg11[%swap3A_917, %swap3A_918], %swap3A_921 {strides = array<i32>} : memref<80x128xf32, #tpu.memory_space<vmem>>, vector<1x16xf32>,
        %get3A_922 = arith.index_cast %add3A_871 : i32 to index
        %get3A_923 = arith.constant 80 : index
        %get3A_924 = tpu.vector_load %arg11[%get3A_922, %get3A_923] {strides = array<i32>} : memref<80x128xf32, #tpu.memory_space<vmem>>, vector<1x16xf32>,
        %get3A_925 = vector.shape_cast %get3A_924 : vector<1x16xf32> to vector<16xf32>
        %mul3A_926 = arith.mulf %get3A_925, %add3A_867 : vector<16xf32>
        %swap3A_927 = arith.index_cast %add3A_871 : i32 to index
        %swap3A_928 = arith.constant 80 : index
        %swap3A_929 = tpu.vector_load %arg11[%swap3A_927, %swap3A_928] {strides = array<i32>} : memref<80x128xf32, #tpu.memory_space<vmem>>, vector<1x16xf32>,
        %swap3A_930 = vector.shape_cast %swap3A_929 : vector<1x16xf32> to vector<16xf32>
        %swap3A_931 = vector.shape_cast %mul3A_926 : vector<16xf32> to vector<1x16xf32>
        tpu.vector_store %arg11[%swap3A_927, %swap3A_928], %swap3A_931 {strides = array<i32>} : memref<80x128xf32, #tpu.memory_space<vmem>>, vector<1x16xf32>,
        %get3A_932 = arith.index_cast %add3A_871 : i32 to index
        %get3A_933 = arith.constant 96 : index
        %get3A_934 = tpu.vector_load %arg11[%get3A_932, %get3A_933] {strides = array<i32>} : memref<80x128xf32, #tpu.memory_space<vmem>>, vector<1x16xf32>,
        %get3A_935 = vector.shape_cast %get3A_934 : vector<1x16xf32> to vector<16xf32>
        %mul3A_936 = arith.mulf %get3A_935, %add3A_867 : vector<16xf32>
        %swap3A_937 = arith.index_cast %add3A_871 : i32 to index
        %swap3A_938 = arith.constant 96 : index
        %swap3A_939 = tpu.vector_load %arg11[%swap3A_937, %swap3A_938] {strides = array<i32>} : memref<80x128xf32, #tpu.memory_space<vmem>>, vector<1x16xf32>,
        %swap3A_940 = vector.shape_cast %swap3A_939 : vector<1x16xf32> to vector<16xf32>
        %swap3A_941 = vector.shape_cast %mul3A_936 : vector<16xf32> to vector<1x16xf32>
        tpu.vector_store %arg11[%swap3A_937, %swap3A_938], %swap3A_941 {strides = array<i32>} : memref<80x128xf32, #tpu.memory_space<vmem>>, vector<1x16xf32>,
        %get3A_942 = arith.index_cast %add3A_871 : i32 to index
        %get3A_943 = arith.constant 112 : index
        %get3A_944 = tpu.vector_load %arg11[%get3A_942, %get3A_943] {strides = array<i32>} : memref<80x128xf32, #tpu.memory_space<vmem>>, vector<1x16xf32>,
        %get3A_945 = vector.shape_cast %get3A_944 : vector<1x16xf32> to vector<16xf32>
        %mul3A_946 = arith.mulf %get3A_945, %add3A_867 : vector<16xf32>
        %swap3A_947 = arith.index_cast %add3A_871 : i32 to index
        %swap3A_948 = arith.constant 112 : index
        %swap3A_949 = tpu.vector_load %arg11[%swap3A_947, %swap3A_948] {strides = array<i32>} : memref<80x128xf32, #tpu.memory_space<vmem>>, vector<1x16xf32>,
        %swap3A_950 = vector.shape_cast %swap3A_949 : vector<1x16xf32> to vector<16xf32>
        %swap3A_951 = vector.shape_cast %mul3A_946 : vector<16xf32> to vector<1x16xf32>
        tpu.vector_store %arg11[%swap3A_947, %swap3A_948], %swap3A_951 {strides = array<i32>} : memref<80x128xf32, #tpu.memory_space<vmem>>, vector<1x16xf32>,
        %broadcast_in_dim3A_952 = arith.constant 0.000000e+00 : f32
        %broadcast_in_dim3A_953 = vector.broadcast %broadcast_in_dim3A_952 : f32 to vector<16xf32>
        %slice3A_954 = vector.extract_strided_slice %get3A_145 {offsets = [9], sizes = [1], strides = [1]} : vector<16xf32> to vector<1xf32>
        %squeeze3A_955 = vector.extract %slice3A_954[0] : f32 from vector<1xf32>
        %add3A_956 = vector.broadcast %squeeze3A_955 : f32 to vector<16xf32>
        %add3A_957 = arith.addf %broadcast_in_dim3A_953, %add3A_956 : vector<16xf32>
        %mul3A_958 = arith.constant 16 : i32
        %mul3A_959 = arith.muli %scan3A_141, %mul3A_958 : i32
        %add3A_960 = arith.constant 9 : i32
        %add3A_961 = arith.addi %mul3A_959, %add3A_960 : i32
        %get3A_962 = arith.index_cast %add3A_961 : i32 to index
        %get3A_963 = arith.constant 0 : index
        %get3A_964 = tpu.vector_load %arg11[%get3A_962, %get3A_963] {strides = array<i32>} : memref<80x128xf32, #tpu.memory_space<vmem>>, vector<1x16xf32>,
        %get3A_965 = vector.shape_cast %get3A_964 : vector<1x16xf32> to vector<16xf32>
        %mul3A_966 = arith.mulf %get3A_965, %add3A_957 : vector<16xf32>
        %swap3A_967 = arith.index_cast %add3A_961 : i32 to index
        %swap3A_968 = arith.constant 0 : index
        %swap3A_969 = tpu.vector_load %arg11[%swap3A_967, %swap3A_968] {strides = array<i32>} : memref<80x128xf32, #tpu.memory_space<vmem>>, vector<1x16xf32>,
        %swap3A_970 = vector.shape_cast %swap3A_969 : vector<1x16xf32> to vector<16xf32>
        %swap3A_971 = vector.shape_cast %mul3A_966 : vector<16xf32> to vector<1x16xf32>
        tpu.vector_store %arg11[%swap3A_967, %swap3A_968], %swap3A_971 {strides = array<i32>} : memref<80x128xf32, #tpu.memory_space<vmem>>, vector<1x16xf32>,
        %get3A_972 = arith.index_cast %add3A_961 : i32 to index
        %get3A_973 = arith.constant 16 : index
        %get3A_974 = tpu.vector_load %arg11[%get3A_972, %get3A_973] {strides = array<i32>} : memref<80x128xf32, #tpu.memory_space<vmem>>, vector<1x16xf32>,
        %get3A_975 = vector.shape_cast %get3A_974 : vector<1x16xf32> to vector<16xf32>
        %mul3A_976 = arith.mulf %get3A_975, %add3A_957 : vector<16xf32>
        %swap3A_977 = arith.index_cast %add3A_961 : i32 to index
        %swap3A_978 = arith.constant 16 : index
        %swap3A_979 = tpu.vector_load %arg11[%swap3A_977, %swap3A_978] {strides = array<i32>} : memref<80x128xf32, #tpu.memory_space<vmem>>, vector<1x16xf32>,
        %swap3A_980 = vector.shape_cast %swap3A_979 : vector<1x16xf32> to vector<16xf32>
        %swap3A_981 = vector.shape_cast %mul3A_976 : vector<16xf32> to vector<1x16xf32>
        tpu.vector_store %arg11[%swap3A_977, %swap3A_978], %swap3A_981 {strides = array<i32>} : memref<80x128xf32, #tpu.memory_space<vmem>>, vector<1x16xf32>,
        %get3A_982 = arith.index_cast %add3A_961 : i32 to index
        %get3A_983 = arith.constant 32 : index
        %get3A_984 = tpu.vector_load %arg11[%get3A_982, %get3A_983] {strides = array<i32>} : memref<80x128xf32, #tpu.memory_space<vmem>>, vector<1x16xf32>,
        %get3A_985 = vector.shape_cast %get3A_984 : vector<1x16xf32> to vector<16xf32>
        %mul3A_986 = arith.mulf %get3A_985, %add3A_957 : vector<16xf32>
        %swap3A_987 = arith.index_cast %add3A_961 : i32 to index
        %swap3A_988 = arith.constant 32 : index
        %swap3A_989 = tpu.vector_load %arg11[%swap3A_987, %swap3A_988] {strides = array<i32>} : memref<80x128xf32, #tpu.memory_space<vmem>>, vector<1x16xf32>,
        %swap3A_990 = vector.shape_cast %swap3A_989 : vector<1x16xf32> to vector<16xf32>
        %swap3A_991 = vector.shape_cast %mul3A_986 : vector<16xf32> to vector<1x16xf32>
        tpu.vector_store %arg11[%swap3A_987, %swap3A_988], %swap3A_991 {strides = array<i32>} : memref<80x128xf32, #tpu.memory_space<vmem>>, vector<1x16xf32>,
        %get3A_992 = arith.index_cast %add3A_961 : i32 to index
        %get3A_993 = arith.constant 48 : index
        %get3A_994 = tpu.vector_load %arg11[%get3A_992, %get3A_993] {strides = array<i32>} : memref<80x128xf32, #tpu.memory_space<vmem>>, vector<1x16xf32>,
        %get3A_995 = vector.shape_cast %get3A_994 : vector<1x16xf32> to vector<16xf32>
        %mul3A_996 = arith.mulf %get3A_995, %add3A_957 : vector<16xf32>
        %swap3A_997 = arith.index_cast %add3A_961 : i32 to index
        %swap3A_998 = arith.constant 48 : index
        %swap3A_999 = tpu.vector_load %arg11[%swap3A_997, %swap3A_998] {strides = array<i32>} : memref<80x128xf32, #tpu.memory_space<vmem>>, vector<1x16xf32>,
        %swap3A_1000 = vector.shape_cast %swap3A_999 : vector<1x16xf32> to vector<16xf32>
        %swap3A_1001 = vector.shape_cast %mul3A_996 : vector<16xf32> to vector<1x16xf32>
        tpu.vector_store %arg11[%swap3A_997, %swap3A_998], %swap3A_1001 {strides = array<i32>} : memref<80x128xf32, #tpu.memory_space<vmem>>, vector<1x16xf32>,
        %get3A_1002 = arith.index_cast %add3A_961 : i32 to index
        %get3A_1003 = arith.constant 64 : index
        %get3A_1004 = tpu.vector_load %arg11[%get3A_1002, %get3A_1003] {strides = array<i32>} : memref<80x128xf32, #tpu.memory_space<vmem>>, vector<1x16xf32>,
        %get3A_1005 = vector.shape_cast %get3A_1004 : vector<1x16xf32> to vector<16xf32>
        %mul3A_1006 = arith.mulf %get3A_1005, %add3A_957 : vector<16xf32>
        %swap3A_1007 = arith.index_cast %add3A_961 : i32 to index
        %swap3A_1008 = arith.constant 64 : index
        %swap3A_1009 = tpu.vector_load %arg11[%swap3A_1007, %swap3A_1008] {strides = array<i32>} : memref<80x128xf32, #tpu.memory_space<vmem>>, vector<1x16xf32>,
        %swap3A_1010 = vector.shape_cast %swap3A_1009 : vector<1x16xf32> to vector<16xf32>
        %swap3A_1011 = vector.shape_cast %mul3A_1006 : vector<16xf32> to vector<1x16xf32>
        tpu.vector_store %arg11[%swap3A_1007, %swap3A_1008], %swap3A_1011 {strides = array<i32>} : memref<80x128xf32, #tpu.memory_space<vmem>>, vector<1x16xf32>,
        %get3A_1012 = arith.index_cast %add3A_961 : i32 to index
        %get3A_1013 = arith.constant 80 : index
        %get3A_1014 = tpu.vector_load %arg11[%get3A_1012, %get3A_1013] {strides = array<i32>} : memref<80x128xf32, #tpu.memory_space<vmem>>, vector<1x16xf32>,
        %get3A_1015 = vector.shape_cast %get3A_1014 : vector<1x16xf32> to vector<16xf32>
        %mul3A_1016 = arith.mulf %get3A_1015, %add3A_957 : vector<16xf32>
        %swap3A_1017 = arith.index_cast %add3A_961 : i32 to index
        %swap3A_1018 = arith.constant 80 : index
        %swap3A_1019 = tpu.vector_load %arg11[%swap3A_1017, %swap3A_1018] {strides = array<i32>} : memref<80x128xf32, #tpu.memory_space<vmem>>, vector<1x16xf32>,
        %swap3A_1020 = vector.shape_cast %swap3A_1019 : vector<1x16xf32> to vector<16xf32>
        %swap3A_1021 = vector.shape_cast %mul3A_1016 : vector<16xf32> to vector<1x16xf32>
        tpu.vector_store %arg11[%swap3A_1017, %swap3A_1018], %swap3A_1021 {strides = array<i32>} : memref<80x128xf32, #tpu.memory_space<vmem>>, vector<1x16xf32>,
        %get3A_1022 = arith.index_cast %add3A_961 : i32 to index
        %get3A_1023 = arith.constant 96 : index
        %get3A_1024 = tpu.vector_load %arg11[%get3A_1022, %get3A_1023] {strides = array<i32>} : memref<80x128xf32, #tpu.memory_space<vmem>>, vector<1x16xf32>,
        %get3A_1025 = vector.shape_cast %get3A_1024 : vector<1x16xf32> to vector<16xf32>
        %mul3A_1026 = arith.mulf %get3A_1025, %add3A_957 : vector<16xf32>
        %swap3A_1027 = arith.index_cast %add3A_961 : i32 to index
        %swap3A_1028 = arith.constant 96 : index
        %swap3A_1029 = tpu.vector_load %arg11[%swap3A_1027, %swap3A_1028] {strides = array<i32>} : memref<80x128xf32, #tpu.memory_space<vmem>>, vector<1x16xf32>,
        %swap3A_1030 = vector.shape_cast %swap3A_1029 : vector<1x16xf32> to vector<16xf32>
        %swap3A_1031 = vector.shape_cast %mul3A_1026 : vector<16xf32> to vector<1x16xf32>
        tpu.vector_store %arg11[%swap3A_1027, %swap3A_1028], %swap3A_1031 {strides = array<i32>} : memref<80x128xf32, #tpu.memory_space<vmem>>, vector<1x16xf32>,
        %get3A_1032 = arith.index_cast %add3A_961 : i32 to index
        %get3A_1033 = arith.constant 112 : index
        %get3A_1034 = tpu.vector_load %arg11[%get3A_1032, %get3A_1033] {strides = array<i32>} : memref<80x128xf32, #tpu.memory_space<vmem>>, vector<1x16xf32>,
        %get3A_1035 = vector.shape_cast %get3A_1034 : vector<1x16xf32> to vector<16xf32>
        %mul3A_1036 = arith.mulf %get3A_1035, %add3A_957 : vector<16xf32>
        %swap3A_1037 = arith.index_cast %add3A_961 : i32 to index
        %swap3A_1038 = arith.constant 112 : index
        %swap3A_1039 = tpu.vector_load %arg11[%swap3A_1037, %swap3A_1038] {strides = array<i32>} : memref<80x128xf32, #tpu.memory_space<vmem>>, vector<1x16xf32>,
        %swap3A_1040 = vector.shape_cast %swap3A_1039 : vector<1x16xf32> to vector<16xf32>
        %swap3A_1041 = vector.shape_cast %mul3A_1036 : vector<16xf32> to vector<1x16xf32>
        tpu.vector_store %arg11[%swap3A_1037, %swap3A_1038], %swap3A_1041 {strides = array<i32>} : memref<80x128xf32, #tpu.memory_space<vmem>>, vector<1x16xf32>,
        %broadcast_in_dim3A_1042 = arith.constant 0.000000e+00 : f32
        %broadcast_in_dim3A_1043 = vector.broadcast %broadcast_in_dim3A_1042 : f32 to vector<16xf32>
        %slice3A_1044 = vector.extract_strided_slice %get3A_145 {offsets = [10], sizes = [1], strides = [1]} : vector<16xf32> to vector<1xf32>
        %squeeze3A_1045 = vector.extract %slice3A_1044[0] : f32 from vector<1xf32>
        %add3A_1046 = vector.broadcast %squeeze3A_1045 : f32 to vector<16xf32>
        %add3A_1047 = arith.addf %broadcast_in_dim3A_1043, %add3A_1046 : vector<16xf32>
        %mul3A_1048 = arith.constant 16 : i32
        %mul3A_1049 = arith.muli %scan3A_141, %mul3A_1048 : i32
        %add3A_1050 = arith.constant 10 : i32
        %add3A_1051 = arith.addi %mul3A_1049, %add3A_1050 : i32
        %get3A_1052 = arith.index_cast %add3A_1051 : i32 to index
        %get3A_1053 = arith.constant 0 : index
        %get3A_1054 = tpu.vector_load %arg11[%get3A_1052, %get3A_1053] {strides = array<i32>} : memref<80x128xf32, #tpu.memory_space<vmem>>, vector<1x16xf32>,
        %get3A_1055 = vector.shape_cast %get3A_1054 : vector<1x16xf32> to vector<16xf32>
        %mul3A_1056 = arith.mulf %get3A_1055, %add3A_1047 : vector<16xf32>
        %swap3A_1057 = arith.index_cast %add3A_1051 : i32 to index
        %swap3A_1058 = arith.constant 0 : index
        %swap3A_1059 = tpu.vector_load %arg11[%swap3A_1057, %swap3A_1058] {strides = array<i32>} : memref<80x128xf32, #tpu.memory_space<vmem>>, vector<1x16xf32>,
        %swap3A_1060 = vector.shape_cast %swap3A_1059 : vector<1x16xf32> to vector<16xf32>
        %swap3A_1061 = vector.shape_cast %mul3A_1056 : vector<16xf32> to vector<1x16xf32>
        tpu.vector_store %arg11[%swap3A_1057, %swap3A_1058], %swap3A_1061 {strides = array<i32>} : memref<80x128xf32, #tpu.memory_space<vmem>>, vector<1x16xf32>,
        %get3A_1062 = arith.index_cast %add3A_1051 : i32 to index
        %get3A_1063 = arith.constant 16 : index
        %get3A_1064 = tpu.vector_load %arg11[%get3A_1062, %get3A_1063] {strides = array<i32>} : memref<80x128xf32, #tpu.memory_space<vmem>>, vector<1x16xf32>,
        %get3A_1065 = vector.shape_cast %get3A_1064 : vector<1x16xf32> to vector<16xf32>
        %mul3A_1066 = arith.mulf %get3A_1065, %add3A_1047 : vector<16xf32>
        %swap3A_1067 = arith.index_cast %add3A_1051 : i32 to index
        %swap3A_1068 = arith.constant 16 : index
        %swap3A_1069 = tpu.vector_load %arg11[%swap3A_1067, %swap3A_1068] {strides = array<i32>} : memref<80x128xf32, #tpu.memory_space<vmem>>, vector<1x16xf32>,
        %swap3A_1070 = vector.shape_cast %swap3A_1069 : vector<1x16xf32> to vector<16xf32>
        %swap3A_1071 = vector.shape_cast %mul3A_1066 : vector<16xf32> to vector<1x16xf32>
        tpu.vector_store %arg11[%swap3A_1067, %swap3A_1068], %swap3A_1071 {strides = array<i32>} : memref<80x128xf32, #tpu.memory_space<vmem>>, vector<1x16xf32>,
        %get3A_1072 = arith.index_cast %add3A_1051 : i32 to index
        %get3A_1073 = arith.constant 32 : index
        %get3A_1074 = tpu.vector_load %arg11[%get3A_1072, %get3A_1073] {strides = array<i32>} : memref<80x128xf32, #tpu.memory_space<vmem>>, vector<1x16xf32>,
        %get3A_1075 = vector.shape_cast %get3A_1074 : vector<1x16xf32> to vector<16xf32>
        %mul3A_1076 = arith.mulf %get3A_1075, %add3A_1047 : vector<16xf32>
        %swap3A_1077 = arith.index_cast %add3A_1051 : i32 to index
        %swap3A_1078 = arith.constant 32 : index
        %swap3A_1079 = tpu.vector_load %arg11[%swap3A_1077, %swap3A_1078] {strides = array<i32>} : memref<80x128xf32, #tpu.memory_space<vmem>>, vector<1x16xf32>,
        %swap3A_1080 = vector.shape_cast %swap3A_1079 : vector<1x16xf32> to vector<16xf32>
        %swap3A_1081 = vector.shape_cast %mul3A_1076 : vector<16xf32> to vector<1x16xf32>
        tpu.vector_store %arg11[%swap3A_1077, %swap3A_1078], %swap3A_1081 {strides = array<i32>} : memref<80x128xf32, #tpu.memory_space<vmem>>, vector<1x16xf32>,
        %get3A_1082 = arith.index_cast %add3A_1051 : i32 to index
        %get3A_1083 = arith.constant 48 : index
        %get3A_1084 = tpu.vector_load %arg11[%get3A_1082, %get3A_1083] {strides = array<i32>} : memref<80x128xf32, #tpu.memory_space<vmem>>, vector<1x16xf32>,
        %get3A_1085 = vector.shape_cast %get3A_1084 : vector<1x16xf32> to vector<16xf32>
        %mul3A_1086 = arith.mulf %get3A_1085, %add3A_1047 : vector<16xf32>
        %swap3A_1087 = arith.index_cast %add3A_1051 : i32 to index
        %swap3A_1088 = arith.constant 48 : index
        %swap3A_1089 = tpu.vector_load %arg11[%swap3A_1087, %swap3A_1088] {strides = array<i32>} : memref<80x128xf32, #tpu.memory_space<vmem>>, vector<1x16xf32>,
        %swap3A_1090 = vector.shape_cast %swap3A_1089 : vector<1x16xf32> to vector<16xf32>
        %swap3A_1091 = vector.shape_cast %mul3A_1086 : vector<16xf32> to vector<1x16xf32>
        tpu.vector_store %arg11[%swap3A_1087, %swap3A_1088], %swap3A_1091 {strides = array<i32>} : memref<80x128xf32, #tpu.memory_space<vmem>>, vector<1x16xf32>,
        %get3A_1092 = arith.index_cast %add3A_1051 : i32 to index
        %get3A_1093 = arith.constant 64 : index
        %get3A_1094 = tpu.vector_load %arg11[%get3A_1092, %get3A_1093] {strides = array<i32>} : memref<80x128xf32, #tpu.memory_space<vmem>>, vector<1x16xf32>,
        %get3A_1095 = vector.shape_cast %get3A_1094 : vector<1x16xf32> to vector<16xf32>
        %mul3A_1096 = arith.mulf %get3A_1095, %add3A_1047 : vector<16xf32>
        %swap3A_1097 = arith.index_cast %add3A_1051 : i32 to index
        %swap3A_1098 = arith.constant 64 : index
        %swap3A_1099 = tpu.vector_load %arg11[%swap3A_1097, %swap3A_1098] {strides = array<i32>} : memref<80x128xf32, #tpu.memory_space<vmem>>, vector<1x16xf32>,
        %swap3A_1100 = vector.shape_cast %swap3A_1099 : vector<1x16xf32> to vector<16xf32>
        %swap3A_1101 = vector.shape_cast %mul3A_1096 : vector<16xf32> to vector<1x16xf32>
        tpu.vector_store %arg11[%swap3A_1097, %swap3A_1098], %swap3A_1101 {strides = array<i32>} : memref<80x128xf32, #tpu.memory_space<vmem>>, vector<1x16xf32>,
        %get3A_1102 = arith.index_cast %add3A_1051 : i32 to index
        %get3A_1103 = arith.constant 80 : index
        %get3A_1104 = tpu.vector_load %arg11[%get3A_1102, %get3A_1103] {strides = array<i32>} : memref<80x128xf32, #tpu.memory_space<vmem>>, vector<1x16xf32>,
        %get3A_1105 = vector.shape_cast %get3A_1104 : vector<1x16xf32> to vector<16xf32>
        %mul3A_1106 = arith.mulf %get3A_1105, %add3A_1047 : vector<16xf32>
        %swap3A_1107 = arith.index_cast %add3A_1051 : i32 to index
        %swap3A_1108 = arith.constant 80 : index
        %swap3A_1109 = tpu.vector_load %arg11[%swap3A_1107, %swap3A_1108] {strides = array<i32>} : memref<80x128xf32, #tpu.memory_space<vmem>>, vector<1x16xf32>,
        %swap3A_1110 = vector.shape_cast %swap3A_1109 : vector<1x16xf32> to vector<16xf32>
        %swap3A_1111 = vector.shape_cast %mul3A_1106 : vector<16xf32> to vector<1x16xf32>
        tpu.vector_store %arg11[%swap3A_1107, %swap3A_1108], %swap3A_1111 {strides = array<i32>} : memref<80x128xf32, #tpu.memory_space<vmem>>, vector<1x16xf32>,
        %get3A_1112 = arith.index_cast %add3A_1051 : i32 to index
        %get3A_1113 = arith.constant 96 : index
        %get3A_1114 = tpu.vector_load %arg11[%get3A_1112, %get3A_1113] {strides = array<i32>} : memref<80x128xf32, #tpu.memory_space<vmem>>, vector<1x16xf32>,
        %get3A_1115 = vector.shape_cast %get3A_1114 : vector<1x16xf32> to vector<16xf32>
        %mul3A_1116 = arith.mulf %get3A_1115, %add3A_1047 : vector<16xf32>
        %swap3A_1117 = arith.index_cast %add3A_1051 : i32 to index
        %swap3A_1118 = arith.constant 96 : index
        %swap3A_1119 = tpu.vector_load %arg11[%swap3A_1117, %swap3A_1118] {strides = array<i32>} : memref<80x128xf32, #tpu.memory_space<vmem>>, vector<1x16xf32>,
        %swap3A_1120 = vector.shape_cast %swap3A_1119 : vector<1x16xf32> to vector<16xf32>
        %swap3A_1121 = vector.shape_cast %mul3A_1116 : vector<16xf32> to vector<1x16xf32>
        tpu.vector_store %arg11[%swap3A_1117, %swap3A_1118], %swap3A_1121 {strides = array<i32>} : memref<80x128xf32, #tpu.memory_space<vmem>>, vector<1x16xf32>,
        %get3A_1122 = arith.index_cast %add3A_1051 : i32 to index
        %get3A_1123 = arith.constant 112 : index
        %get3A_1124 = tpu.vector_load %arg11[%get3A_1122, %get3A_1123] {strides = array<i32>} : memref<80x128xf32, #tpu.memory_space<vmem>>, vector<1x16xf32>,
        %get3A_1125 = vector.shape_cast %get3A_1124 : vector<1x16xf32> to vector<16xf32>
        %mul3A_1126 = arith.mulf %get3A_1125, %add3A_1047 : vector<16xf32>
        %swap3A_1127 = arith.index_cast %add3A_1051 : i32 to index
        %swap3A_1128 = arith.constant 112 : index
        %swap3A_1129 = tpu.vector_load %arg11[%swap3A_1127, %swap3A_1128] {strides = array<i32>} : memref<80x128xf32, #tpu.memory_space<vmem>>, vector<1x16xf32>,
        %swap3A_1130 = vector.shape_cast %swap3A_1129 : vector<1x16xf32> to vector<16xf32>
        %swap3A_1131 = vector.shape_cast %mul3A_1126 : vector<16xf32> to vector<1x16xf32>
        tpu.vector_store %arg11[%swap3A_1127, %swap3A_1128], %swap3A_1131 {strides = array<i32>} : memref<80x128xf32, #tpu.memory_space<vmem>>, vector<1x16xf32>,
        %broadcast_in_dim3A_1132 = arith.constant 0.000000e+00 : f32
        %broadcast_in_dim3A_1133 = vector.broadcast %broadcast_in_dim3A_1132 : f32 to vector<16xf32>
        %slice3A_1134 = vector.extract_strided_slice %get3A_145 {offsets = [11], sizes = [1], strides = [1]} : vector<16xf32> to vector<1xf32>
        %squeeze3A_1135 = vector.extract %slice3A_1134[0] : f32 from vector<1xf32>
        %add3A_1136 = vector.broadcast %squeeze3A_1135 : f32 to vector<16xf32>
        %add3A_1137 = arith.addf %broadcast_in_dim3A_1133, %add3A_1136 : vector<16xf32>
        %mul3A_1138 = arith.constant 16 : i32
        %mul3A_1139 = arith.muli %scan3A_141, %mul3A_1138 : i32
        %add3A_1140 = arith.constant 11 : i32
        %add3A_1141 = arith.addi %mul3A_1139, %add3A_1140 : i32
        %get3A_1142 = arith.index_cast %add3A_1141 : i32 to index
        %get3A_1143 = arith.constant 0 : index
        %get3A_1144 = tpu.vector_load %arg11[%get3A_1142, %get3A_1143] {strides = array<i32>} : memref<80x128xf32, #tpu.memory_space<vmem>>, vector<1x16xf32>,
        %get3A_1145 = vector.shape_cast %get3A_1144 : vector<1x16xf32> to vector<16xf32>
        %mul3A_1146 = arith.mulf %get3A_1145, %add3A_1137 : vector<16xf32>
        %swap3A_1147 = arith.index_cast %add3A_1141 : i32 to index
        %swap3A_1148 = arith.constant 0 : index
        %swap3A_1149 = tpu.vector_load %arg11[%swap3A_1147, %swap3A_1148] {strides = array<i32>} : memref<80x128xf32, #tpu.memory_space<vmem>>, vector<1x16xf32>,
        %swap3A_1150 = vector.shape_cast %swap3A_1149 : vector<1x16xf32> to vector<16xf32>
        %swap3A_1151 = vector.shape_cast %mul3A_1146 : vector<16xf32> to vector<1x16xf32>
        tpu.vector_store %arg11[%swap3A_1147, %swap3A_1148], %swap3A_1151 {strides = array<i32>} : memref<80x128xf32, #tpu.memory_space<vmem>>, vector<1x16xf32>,
        %get3A_1152 = arith.index_cast %add3A_1141 : i32 to index
        %get3A_1153 = arith.constant 16 : index
        %get3A_1154 = tpu.vector_load %arg11[%get3A_1152, %get3A_1153] {strides = array<i32>} : memref<80x128xf32, #tpu.memory_space<vmem>>, vector<1x16xf32>,
        %get3A_1155 = vector.shape_cast %get3A_1154 : vector<1x16xf32> to vector<16xf32>
        %mul3A_1156 = arith.mulf %get3A_1155, %add3A_1137 : vector<16xf32>
        %swap3A_1157 = arith.index_cast %add3A_1141 : i32 to index
        %swap3A_1158 = arith.constant 16 : index
        %swap3A_1159 = tpu.vector_load %arg11[%swap3A_1157, %swap3A_1158] {strides = array<i32>} : memref<80x128xf32, #tpu.memory_space<vmem>>, vector<1x16xf32>,
        %swap3A_1160 = vector.shape_cast %swap3A_1159 : vector<1x16xf32> to vector<16xf32>
        %swap3A_1161 = vector.shape_cast %mul3A_1156 : vector<16xf32> to vector<1x16xf32>
        tpu.vector_store %arg11[%swap3A_1157, %swap3A_1158], %swap3A_1161 {strides = array<i32>} : memref<80x128xf32, #tpu.memory_space<vmem>>, vector<1x16xf32>,
        %get3A_1162 = arith.index_cast %add3A_1141 : i32 to index
        %get3A_1163 = arith.constant 32 : index
        %get3A_1164 = tpu.vector_load %arg11[%get3A_1162, %get3A_1163] {strides = array<i32>} : memref<80x128xf32, #tpu.memory_space<vmem>>, vector<1x16xf32>,
        %get3A_1165 = vector.shape_cast %get3A_1164 : vector<1x16xf32> to vector<16xf32>
        %mul3A_1166 = arith.mulf %get3A_1165, %add3A_1137 : vector<16xf32>
        %swap3A_1167 = arith.index_cast %add3A_1141 : i32 to index
        %swap3A_1168 = arith.constant 32 : index
        %swap3A_1169 = tpu.vector_load %arg11[%swap3A_1167, %swap3A_1168] {strides = array<i32>} : memref<80x128xf32, #tpu.memory_space<vmem>>, vector<1x16xf32>,
        %swap3A_1170 = vector.shape_cast %swap3A_1169 : vector<1x16xf32> to vector<16xf32>
        %swap3A_1171 = vector.shape_cast %mul3A_1166 : vector<16xf32> to vector<1x16xf32>
        tpu.vector_store %arg11[%swap3A_1167, %swap3A_1168], %swap3A_1171 {strides = array<i32>} : memref<80x128xf32, #tpu.memory_space<vmem>>, vector<1x16xf32>,
        %get3A_1172 = arith.index_cast %add3A_1141 : i32 to index
        %get3A_1173 = arith.constant 48 : index
        %get3A_1174 = tpu.vector_load %arg11[%get3A_1172, %get3A_1173] {strides = array<i32>} : memref<80x128xf32, #tpu.memory_space<vmem>>, vector<1x16xf32>,
        %get3A_1175 = vector.shape_cast %get3A_1174 : vector<1x16xf32> to vector<16xf32>
        %mul3A_1176 = arith.mulf %get3A_1175, %add3A_1137 : vector<16xf32>
        %swap3A_1177 = arith.index_cast %add3A_1141 : i32 to index
        %swap3A_1178 = arith.constant 48 : index
        %swap3A_1179 = tpu.vector_load %arg11[%swap3A_1177, %swap3A_1178] {strides = array<i32>} : memref<80x128xf32, #tpu.memory_space<vmem>>, vector<1x16xf32>,
        %swap3A_1180 = vector.shape_cast %swap3A_1179 : vector<1x16xf32> to vector<16xf32>
        %swap3A_1181 = vector.shape_cast %mul3A_1176 : vector<16xf32> to vector<1x16xf32>
        tpu.vector_store %arg11[%swap3A_1177, %swap3A_1178], %swap3A_1181 {strides = array<i32>} : memref<80x128xf32, #tpu.memory_space<vmem>>, vector<1x16xf32>,
        %get3A_1182 = arith.index_cast %add3A_1141 : i32 to index
        %get3A_1183 = arith.constant 64 : index
        %get3A_1184 = tpu.vector_load %arg11[%get3A_1182, %get3A_1183] {strides = array<i32>} : memref<80x128xf32, #tpu.memory_space<vmem>>, vector<1x16xf32>,
        %get3A_1185 = vector.shape_cast %get3A_1184 : vector<1x16xf32> to vector<16xf32>
        %mul3A_1186 = arith.mulf %get3A_1185, %add3A_1137 : vector<16xf32>
        %swap3A_1187 = arith.index_cast %add3A_1141 : i32 to index
        %swap3A_1188 = arith.constant 64 : index
        %swap3A_1189 = tpu.vector_load %arg11[%swap3A_1187, %swap3A_1188] {strides = array<i32>} : memref<80x128xf32, #tpu.memory_space<vmem>>, vector<1x16xf32>,
        %swap3A_1190 = vector.shape_cast %swap3A_1189 : vector<1x16xf32> to vector<16xf32>
        %swap3A_1191 = vector.shape_cast %mul3A_1186 : vector<16xf32> to vector<1x16xf32>
        tpu.vector_store %arg11[%swap3A_1187, %swap3A_1188], %swap3A_1191 {strides = array<i32>} : memref<80x128xf32, #tpu.memory_space<vmem>>, vector<1x16xf32>,
        %get3A_1192 = arith.index_cast %add3A_1141 : i32 to index
        %get3A_1193 = arith.constant 80 : index
        %get3A_1194 = tpu.vector_load %arg11[%get3A_1192, %get3A_1193] {strides = array<i32>} : memref<80x128xf32, #tpu.memory_space<vmem>>, vector<1x16xf32>,
        %get3A_1195 = vector.shape_cast %get3A_1194 : vector<1x16xf32> to vector<16xf32>
        %mul3A_1196 = arith.mulf %get3A_1195, %add3A_1137 : vector<16xf32>
        %swap3A_1197 = arith.index_cast %add3A_1141 : i32 to index
        %swap3A_1198 = arith.constant 80 : index
        %swap3A_1199 = tpu.vector_load %arg11[%swap3A_1197, %swap3A_1198] {strides = array<i32>} : memref<80x128xf32, #tpu.memory_space<vmem>>, vector<1x16xf32>,
        %swap3A_1200 = vector.shape_cast %swap3A_1199 : vector<1x16xf32> to vector<16xf32>
        %swap3A_1201 = vector.shape_cast %mul3A_1196 : vector<16xf32> to vector<1x16xf32>
        tpu.vector_store %arg11[%swap3A_1197, %swap3A_1198], %swap3A_1201 {strides = array<i32>} : memref<80x128xf32, #tpu.memory_space<vmem>>, vector<1x16xf32>,
        %get3A_1202 = arith.index_cast %add3A_1141 : i32 to index
        %get3A_1203 = arith.constant 96 : index
        %get3A_1204 = tpu.vector_load %arg11[%get3A_1202, %get3A_1203] {strides = array<i32>} : memref<80x128xf32, #tpu.memory_space<vmem>>, vector<1x16xf32>,
        %get3A_1205 = vector.shape_cast %get3A_1204 : vector<1x16xf32> to vector<16xf32>
        %mul3A_1206 = arith.mulf %get3A_1205, %add3A_1137 : vector<16xf32>
        %swap3A_1207 = arith.index_cast %add3A_1141 : i32 to index
        %swap3A_1208 = arith.constant 96 : index
        %swap3A_1209 = tpu.vector_load %arg11[%swap3A_1207, %swap3A_1208] {strides = array<i32>} : memref<80x128xf32, #tpu.memory_space<vmem>>, vector<1x16xf32>,
        %swap3A_1210 = vector.shape_cast %swap3A_1209 : vector<1x16xf32> to vector<16xf32>
        %swap3A_1211 = vector.shape_cast %mul3A_1206 : vector<16xf32> to vector<1x16xf32>
        tpu.vector_store %arg11[%swap3A_1207, %swap3A_1208], %swap3A_1211 {strides = array<i32>} : memref<80x128xf32, #tpu.memory_space<vmem>>, vector<1x16xf32>,
        %get3A_1212 = arith.index_cast %add3A_1141 : i32 to index
        %get3A_1213 = arith.constant 112 : index
        %get3A_1214 = tpu.vector_load %arg11[%get3A_1212, %get3A_1213] {strides = array<i32>} : memref<80x128xf32, #tpu.memory_space<vmem>>, vector<1x16xf32>,
        %get3A_1215 = vector.shape_cast %get3A_1214 : vector<1x16xf32> to vector<16xf32>
        %mul3A_1216 = arith.mulf %get3A_1215, %add3A_1137 : vector<16xf32>
        %swap3A_1217 = arith.index_cast %add3A_1141 : i32 to index
        %swap3A_1218 = arith.constant 112 : index
        %swap3A_1219 = tpu.vector_load %arg11[%swap3A_1217, %swap3A_1218] {strides = array<i32>} : memref<80x128xf32, #tpu.memory_space<vmem>>, vector<1x16xf32>,
        %swap3A_1220 = vector.shape_cast %swap3A_1219 : vector<1x16xf32> to vector<16xf32>
        %swap3A_1221 = vector.shape_cast %mul3A_1216 : vector<16xf32> to vector<1x16xf32>
        tpu.vector_store %arg11[%swap3A_1217, %swap3A_1218], %swap3A_1221 {strides = array<i32>} : memref<80x128xf32, #tpu.memory_space<vmem>>, vector<1x16xf32>,
        %broadcast_in_dim3A_1222 = arith.constant 0.000000e+00 : f32
        %broadcast_in_dim3A_1223 = vector.broadcast %broadcast_in_dim3A_1222 : f32 to vector<16xf32>
        %slice3A_1224 = vector.extract_strided_slice %get3A_145 {offsets = [12], sizes = [1], strides = [1]} : vector<16xf32> to vector<1xf32>
        %squeeze3A_1225 = vector.extract %slice3A_1224[0] : f32 from vector<1xf32>
        %add3A_1226 = vector.broadcast %squeeze3A_1225 : f32 to vector<16xf32>
        %add3A_1227 = arith.addf %broadcast_in_dim3A_1223, %add3A_1226 : vector<16xf32>
        %mul3A_1228 = arith.constant 16 : i32
        %mul3A_1229 = arith.muli %scan3A_141, %mul3A_1228 : i32
        %add3A_1230 = arith.constant 12 : i32
        %add3A_1231 = arith.addi %mul3A_1229, %add3A_1230 : i32
        %get3A_1232 = arith.index_cast %add3A_1231 : i32 to index
        %get3A_1233 = arith.constant 0 : index
        %get3A_1234 = tpu.vector_load %arg11[%get3A_1232, %get3A_1233] {strides = array<i32>} : memref<80x128xf32, #tpu.memory_space<vmem>>, vector<1x16xf32>,
        %get3A_1235 = vector.shape_cast %get3A_1234 : vector<1x16xf32> to vector<16xf32>
        %mul3A_1236 = arith.mulf %get3A_1235, %add3A_1227 : vector<16xf32>
        %swap3A_1237 = arith.index_cast %add3A_1231 : i32 to index
        %swap3A_1238 = arith.constant 0 : index
        %swap3A_1239 = tpu.vector_load %arg11[%swap3A_1237, %swap3A_1238] {strides = array<i32>} : memref<80x128xf32, #tpu.memory_space<vmem>>, vector<1x16xf32>,
        %swap3A_1240 = vector.shape_cast %swap3A_1239 : vector<1x16xf32> to vector<16xf32>
        %swap3A_1241 = vector.shape_cast %mul3A_1236 : vector<16xf32> to vector<1x16xf32>
        tpu.vector_store %arg11[%swap3A_1237, %swap3A_1238], %swap3A_1241 {strides = array<i32>} : memref<80x128xf32, #tpu.memory_space<vmem>>, vector<1x16xf32>,
        %get3A_1242 = arith.index_cast %add3A_1231 : i32 to index
        %get3A_1243 = arith.constant 16 : index
        %get3A_1244 = tpu.vector_load %arg11[%get3A_1242, %get3A_1243] {strides = array<i32>} : memref<80x128xf32, #tpu.memory_space<vmem>>, vector<1x16xf32>,
        %get3A_1245 = vector.shape_cast %get3A_1244 : vector<1x16xf32> to vector<16xf32>
        %mul3A_1246 = arith.mulf %get3A_1245, %add3A_1227 : vector<16xf32>
        %swap3A_1247 = arith.index_cast %add3A_1231 : i32 to index
        %swap3A_1248 = arith.constant 16 : index
        %swap3A_1249 = tpu.vector_load %arg11[%swap3A_1247, %swap3A_1248] {strides = array<i32>} : memref<80x128xf32, #tpu.memory_space<vmem>>, vector<1x16xf32>,
        %swap3A_1250 = vector.shape_cast %swap3A_1249 : vector<1x16xf32> to vector<16xf32>
        %swap3A_1251 = vector.shape_cast %mul3A_1246 : vector<16xf32> to vector<1x16xf32>
        tpu.vector_store %arg11[%swap3A_1247, %swap3A_1248], %swap3A_1251 {strides = array<i32>} : memref<80x128xf32, #tpu.memory_space<vmem>>, vector<1x16xf32>,
        %get3A_1252 = arith.index_cast %add3A_1231 : i32 to index
        %get3A_1253 = arith.constant 32 : index
        %get3A_1254 = tpu.vector_load %arg11[%get3A_1252, %get3A_1253] {strides = array<i32>} : memref<80x128xf32, #tpu.memory_space<vmem>>, vector<1x16xf32>,
        %get3A_1255 = vector.shape_cast %get3A_1254 : vector<1x16xf32> to vector<16xf32>
        %mul3A_1256 = arith.mulf %get3A_1255, %add3A_1227 : vector<16xf32>
        %swap3A_1257 = arith.index_cast %add3A_1231 : i32 to index
        %swap3A_1258 = arith.constant 32 : index
        %swap3A_1259 = tpu.vector_load %arg11[%swap3A_1257, %swap3A_1258] {strides = array<i32>} : memref<80x128xf32, #tpu.memory_space<vmem>>, vector<1x16xf32>,
        %swap3A_1260 = vector.shape_cast %swap3A_1259 : vector<1x16xf32> to vector<16xf32>
        %swap3A_1261 = vector.shape_cast %mul3A_1256 : vector<16xf32> to vector<1x16xf32>
        tpu.vector_store %arg11[%swap3A_1257, %swap3A_1258], %swap3A_1261 {strides = array<i32>} : memref<80x128xf32, #tpu.memory_space<vmem>>, vector<1x16xf32>,
        %get3A_1262 = arith.index_cast %add3A_1231 : i32 to index
        %get3A_1263 = arith.constant 48 : index
        %get3A_1264 = tpu.vector_load %arg11[%get3A_1262, %get3A_1263] {strides = array<i32>} : memref<80x128xf32, #tpu.memory_space<vmem>>, vector<1x16xf32>,
        %get3A_1265 = vector.shape_cast %get3A_1264 : vector<1x16xf32> to vector<16xf32>
        %mul3A_1266 = arith.mulf %get3A_1265, %add3A_1227 : vector<16xf32>
        %swap3A_1267 = arith.index_cast %add3A_1231 : i32 to index
        %swap3A_1268 = arith.constant 48 : index
        %swap3A_1269 = tpu.vector_load %arg11[%swap3A_1267, %swap3A_1268] {strides = array<i32>} : memref<80x128xf32, #tpu.memory_space<vmem>>, vector<1x16xf32>,
        %swap3A_1270 = vector.shape_cast %swap3A_1269 : vector<1x16xf32> to vector<16xf32>
        %swap3A_1271 = vector.shape_cast %mul3A_1266 : vector<16xf32> to vector<1x16xf32>
        tpu.vector_store %arg11[%swap3A_1267, %swap3A_1268], %swap3A_1271 {strides = array<i32>} : memref<80x128xf32, #tpu.memory_space<vmem>>, vector<1x16xf32>,
        %get3A_1272 = arith.index_cast %add3A_1231 : i32 to index
        %get3A_1273 = arith.constant 64 : index
        %get3A_1274 = tpu.vector_load %arg11[%get3A_1272, %get3A_1273] {strides = array<i32>} : memref<80x128xf32, #tpu.memory_space<vmem>>, vector<1x16xf32>,
        %get3A_1275 = vector.shape_cast %get3A_1274 : vector<1x16xf32> to vector<16xf32>
        %mul3A_1276 = arith.mulf %get3A_1275, %add3A_1227 : vector<16xf32>
        %swap3A_1277 = arith.index_cast %add3A_1231 : i32 to index
        %swap3A_1278 = arith.constant 64 : index
        %swap3A_1279 = tpu.vector_load %arg11[%swap3A_1277, %swap3A_1278] {strides = array<i32>} : memref<80x128xf32, #tpu.memory_space<vmem>>, vector<1x16xf32>,
        %swap3A_1280 = vector.shape_cast %swap3A_1279 : vector<1x16xf32> to vector<16xf32>
        %swap3A_1281 = vector.shape_cast %mul3A_1276 : vector<16xf32> to vector<1x16xf32>
        tpu.vector_store %arg11[%swap3A_1277, %swap3A_1278], %swap3A_1281 {strides = array<i32>} : memref<80x128xf32, #tpu.memory_space<vmem>>, vector<1x16xf32>,
        %get3A_1282 = arith.index_cast %add3A_1231 : i32 to index
        %get3A_1283 = arith.constant 80 : index
        %get3A_1284 = tpu.vector_load %arg11[%get3A_1282, %get3A_1283] {strides = array<i32>} : memref<80x128xf32, #tpu.memory_space<vmem>>, vector<1x16xf32>,
        %get3A_1285 = vector.shape_cast %get3A_1284 : vector<1x16xf32> to vector<16xf32>
        %mul3A_1286 = arith.mulf %get3A_1285, %add3A_1227 : vector<16xf32>
        %swap3A_1287 = arith.index_cast %add3A_1231 : i32 to index
        %swap3A_1288 = arith.constant 80 : index
        %swap3A_1289 = tpu.vector_load %arg11[%swap3A_1287, %swap3A_1288] {strides = array<i32>} : memref<80x128xf32, #tpu.memory_space<vmem>>, vector<1x16xf32>,
        %swap3A_1290 = vector.shape_cast %swap3A_1289 : vector<1x16xf32> to vector<16xf32>
        %swap3A_1291 = vector.shape_cast %mul3A_1286 : vector<16xf32> to vector<1x16xf32>
        tpu.vector_store %arg11[%swap3A_1287, %swap3A_1288], %swap3A_1291 {strides = array<i32>} : memref<80x128xf32, #tpu.memory_space<vmem>>, vector<1x16xf32>,
        %get3A_1292 = arith.index_cast %add3A_1231 : i32 to index
        %get3A_1293 = arith.constant 96 : index
        %get3A_1294 = tpu.vector_load %arg11[%get3A_1292, %get3A_1293] {strides = array<i32>} : memref<80x128xf32, #tpu.memory_space<vmem>>, vector<1x16xf32>,
        %get3A_1295 = vector.shape_cast %get3A_1294 : vector<1x16xf32> to vector<16xf32>
        %mul3A_1296 = arith.mulf %get3A_1295, %add3A_1227 : vector<16xf32>
        %swap3A_1297 = arith.index_cast %add3A_1231 : i32 to index
        %swap3A_1298 = arith.constant 96 : index
        %swap3A_1299 = tpu.vector_load %arg11[%swap3A_1297, %swap3A_1298] {strides = array<i32>} : memref<80x128xf32, #tpu.memory_space<vmem>>, vector<1x16xf32>,
        %swap3A_1300 = vector.shape_cast %swap3A_1299 : vector<1x16xf32> to vector<16xf32>
        %swap3A_1301 = vector.shape_cast %mul3A_1296 : vector<16xf32> to vector<1x16xf32>
        tpu.vector_store %arg11[%swap3A_1297, %swap3A_1298], %swap3A_1301 {strides = array<i32>} : memref<80x128xf32, #tpu.memory_space<vmem>>, vector<1x16xf32>,
        %get3A_1302 = arith.index_cast %add3A_1231 : i32 to index
        %get3A_1303 = arith.constant 112 : index
        %get3A_1304 = tpu.vector_load %arg11[%get3A_1302, %get3A_1303] {strides = array<i32>} : memref<80x128xf32, #tpu.memory_space<vmem>>, vector<1x16xf32>,
        %get3A_1305 = vector.shape_cast %get3A_1304 : vector<1x16xf32> to vector<16xf32>
        %mul3A_1306 = arith.mulf %get3A_1305, %add3A_1227 : vector<16xf32>
        %swap3A_1307 = arith.index_cast %add3A_1231 : i32 to index
        %swap3A_1308 = arith.constant 112 : index
        %swap3A_1309 = tpu.vector_load %arg11[%swap3A_1307, %swap3A_1308] {strides = array<i32>} : memref<80x128xf32, #tpu.memory_space<vmem>>, vector<1x16xf32>,
        %swap3A_1310 = vector.shape_cast %swap3A_1309 : vector<1x16xf32> to vector<16xf32>
        %swap3A_1311 = vector.shape_cast %mul3A_1306 : vector<16xf32> to vector<1x16xf32>
        tpu.vector_store %arg11[%swap3A_1307, %swap3A_1308], %swap3A_1311 {strides = array<i32>} : memref<80x128xf32, #tpu.memory_space<vmem>>, vector<1x16xf32>,
        %broadcast_in_dim3A_1312 = arith.constant 0.000000e+00 : f32
        %broadcast_in_dim3A_1313 = vector.broadcast %broadcast_in_dim3A_1312 : f32 to vector<16xf32>
        %slice3A_1314 = vector.extract_strided_slice %get3A_145 {offsets = [13], sizes = [1], strides = [1]} : vector<16xf32> to vector<1xf32>
        %squeeze3A_1315 = vector.extract %slice3A_1314[0] : f32 from vector<1xf32>
        %add3A_1316 = vector.broadcast %squeeze3A_1315 : f32 to vector<16xf32>
        %add3A_1317 = arith.addf %broadcast_in_dim3A_1313, %add3A_1316 : vector<16xf32>
        %mul3A_1318 = arith.constant 16 : i32
        %mul3A_1319 = arith.muli %scan3A_141, %mul3A_1318 : i32
        %add3A_1320 = arith.constant 13 : i32
        %add3A_1321 = arith.addi %mul3A_1319, %add3A_1320 : i32
        %get3A_1322 = arith.index_cast %add3A_1321 : i32 to index
        %get3A_1323 = arith.constant 0 : index
        %get3A_1324 = tpu.vector_load %arg11[%get3A_1322, %get3A_1323] {strides = array<i32>} : memref<80x128xf32, #tpu.memory_space<vmem>>, vector<1x16xf32>,
        %get3A_1325 = vector.shape_cast %get3A_1324 : vector<1x16xf32> to vector<16xf32>
        %mul3A_1326 = arith.mulf %get3A_1325, %add3A_1317 : vector<16xf32>
        %swap3A_1327 = arith.index_cast %add3A_1321 : i32 to index
        %swap3A_1328 = arith.constant 0 : index
        %swap3A_1329 = tpu.vector_load %arg11[%swap3A_1327, %swap3A_1328] {strides = array<i32>} : memref<80x128xf32, #tpu.memory_space<vmem>>, vector<1x16xf32>,
        %swap3A_1330 = vector.shape_cast %swap3A_1329 : vector<1x16xf32> to vector<16xf32>
        %swap3A_1331 = vector.shape_cast %mul3A_1326 : vector<16xf32> to vector<1x16xf32>
        tpu.vector_store %arg11[%swap3A_1327, %swap3A_1328], %swap3A_1331 {strides = array<i32>} : memref<80x128xf32, #tpu.memory_space<vmem>>, vector<1x16xf32>,
        %get3A_1332 = arith.index_cast %add3A_1321 : i32 to index
        %get3A_1333 = arith.constant 16 : index
        %get3A_1334 = tpu.vector_load %arg11[%get3A_1332, %get3A_1333] {strides = array<i32>} : memref<80x128xf32, #tpu.memory_space<vmem>>, vector<1x16xf32>,
        %get3A_1335 = vector.shape_cast %get3A_1334 : vector<1x16xf32> to vector<16xf32>
        %mul3A_1336 = arith.mulf %get3A_1335, %add3A_1317 : vector<16xf32>
        %swap3A_1337 = arith.index_cast %add3A_1321 : i32 to index
        %swap3A_1338 = arith.constant 16 : index
        %swap3A_1339 = tpu.vector_load %arg11[%swap3A_1337, %swap3A_1338] {strides = array<i32>} : memref<80x128xf32, #tpu.memory_space<vmem>>, vector<1x16xf32>,
        %swap3A_1340 = vector.shape_cast %swap3A_1339 : vector<1x16xf32> to vector<16xf32>
        %swap3A_1341 = vector.shape_cast %mul3A_1336 : vector<16xf32> to vector<1x16xf32>
        tpu.vector_store %arg11[%swap3A_1337, %swap3A_1338], %swap3A_1341 {strides = array<i32>} : memref<80x128xf32, #tpu.memory_space<vmem>>, vector<1x16xf32>,
        %get3A_1342 = arith.index_cast %add3A_1321 : i32 to index
        %get3A_1343 = arith.constant 32 : index
        %get3A_1344 = tpu.vector_load %arg11[%get3A_1342, %get3A_1343] {strides = array<i32>} : memref<80x128xf32, #tpu.memory_space<vmem>>, vector<1x16xf32>,
        %get3A_1345 = vector.shape_cast %get3A_1344 : vector<1x16xf32> to vector<16xf32>
        %mul3A_1346 = arith.mulf %get3A_1345, %add3A_1317 : vector<16xf32>
        %swap3A_1347 = arith.index_cast %add3A_1321 : i32 to index
        %swap3A_1348 = arith.constant 32 : index
        %swap3A_1349 = tpu.vector_load %arg11[%swap3A_1347, %swap3A_1348] {strides = array<i32>} : memref<80x128xf32, #tpu.memory_space<vmem>>, vector<1x16xf32>,
        %swap3A_1350 = vector.shape_cast %swap3A_1349 : vector<1x16xf32> to vector<16xf32>
        %swap3A_1351 = vector.shape_cast %mul3A_1346 : vector<16xf32> to vector<1x16xf32>
        tpu.vector_store %arg11[%swap3A_1347, %swap3A_1348], %swap3A_1351 {strides = array<i32>} : memref<80x128xf32, #tpu.memory_space<vmem>>, vector<1x16xf32>,
        %get3A_1352 = arith.index_cast %add3A_1321 : i32 to index
        %get3A_1353 = arith.constant 48 : index
        %get3A_1354 = tpu.vector_load %arg11[%get3A_1352, %get3A_1353] {strides = array<i32>} : memref<80x128xf32, #tpu.memory_space<vmem>>, vector<1x16xf32>,
        %get3A_1355 = vector.shape_cast %get3A_1354 : vector<1x16xf32> to vector<16xf32>
        %mul3A_1356 = arith.mulf %get3A_1355, %add3A_1317 : vector<16xf32>
        %swap3A_1357 = arith.index_cast %add3A_1321 : i32 to index
        %swap3A_1358 = arith.constant 48 : index
        %swap3A_1359 = tpu.vector_load %arg11[%swap3A_1357, %swap3A_1358] {strides = array<i32>} : memref<80x128xf32, #tpu.memory_space<vmem>>, vector<1x16xf32>,
        %swap3A_1360 = vector.shape_cast %swap3A_1359 : vector<1x16xf32> to vector<16xf32>
        %swap3A_1361 = vector.shape_cast %mul3A_1356 : vector<16xf32> to vector<1x16xf32>
        tpu.vector_store %arg11[%swap3A_1357, %swap3A_1358], %swap3A_1361 {strides = array<i32>} : memref<80x128xf32, #tpu.memory_space<vmem>>, vector<1x16xf32>,
        %get3A_1362 = arith.index_cast %add3A_1321 : i32 to index
        %get3A_1363 = arith.constant 64 : index
        %get3A_1364 = tpu.vector_load %arg11[%get3A_1362, %get3A_1363] {strides = array<i32>} : memref<80x128xf32, #tpu.memory_space<vmem>>, vector<1x16xf32>,
        %get3A_1365 = vector.shape_cast %get3A_1364 : vector<1x16xf32> to vector<16xf32>
        %mul3A_1366 = arith.mulf %get3A_1365, %add3A_1317 : vector<16xf32>
        %swap3A_1367 = arith.index_cast %add3A_1321 : i32 to index
        %swap3A_1368 = arith.constant 64 : index
        %swap3A_1369 = tpu.vector_load %arg11[%swap3A_1367, %swap3A_1368] {strides = array<i32>} : memref<80x128xf32, #tpu.memory_space<vmem>>, vector<1x16xf32>,
        %swap3A_1370 = vector.shape_cast %swap3A_1369 : vector<1x16xf32> to vector<16xf32>
        %swap3A_1371 = vector.shape_cast %mul3A_1366 : vector<16xf32> to vector<1x16xf32>
        tpu.vector_store %arg11[%swap3A_1367, %swap3A_1368], %swap3A_1371 {strides = array<i32>} : memref<80x128xf32, #tpu.memory_space<vmem>>, vector<1x16xf32>,
        %get3A_1372 = arith.index_cast %add3A_1321 : i32 to index
        %get3A_1373 = arith.constant 80 : index
        %get3A_1374 = tpu.vector_load %arg11[%get3A_1372, %get3A_1373] {strides = array<i32>} : memref<80x128xf32, #tpu.memory_space<vmem>>, vector<1x16xf32>,
        %get3A_1375 = vector.shape_cast %get3A_1374 : vector<1x16xf32> to vector<16xf32>
        %mul3A_1376 = arith.mulf %get3A_1375, %add3A_1317 : vector<16xf32>
        %swap3A_1377 = arith.index_cast %add3A_1321 : i32 to index
        %swap3A_1378 = arith.constant 80 : index
        %swap3A_1379 = tpu.vector_load %arg11[%swap3A_1377, %swap3A_1378] {strides = array<i32>} : memref<80x128xf32, #tpu.memory_space<vmem>>, vector<1x16xf32>,
        %swap3A_1380 = vector.shape_cast %swap3A_1379 : vector<1x16xf32> to vector<16xf32>
        %swap3A_1381 = vector.shape_cast %mul3A_1376 : vector<16xf32> to vector<1x16xf32>
        tpu.vector_store %arg11[%swap3A_1377, %swap3A_1378], %swap3A_1381 {strides = array<i32>} : memref<80x128xf32, #tpu.memory_space<vmem>>, vector<1x16xf32>,
        %get3A_1382 = arith.index_cast %add3A_1321 : i32 to index
        %get3A_1383 = arith.constant 96 : index
        %get3A_1384 = tpu.vector_load %arg11[%get3A_1382, %get3A_1383] {strides = array<i32>} : memref<80x128xf32, #tpu.memory_space<vmem>>, vector<1x16xf32>,
        %get3A_1385 = vector.shape_cast %get3A_1384 : vector<1x16xf32> to vector<16xf32>
        %mul3A_1386 = arith.mulf %get3A_1385, %add3A_1317 : vector<16xf32>
        %swap3A_1387 = arith.index_cast %add3A_1321 : i32 to index
        %swap3A_1388 = arith.constant 96 : index
        %swap3A_1389 = tpu.vector_load %arg11[%swap3A_1387, %swap3A_1388] {strides = array<i32>} : memref<80x128xf32, #tpu.memory_space<vmem>>, vector<1x16xf32>,
        %swap3A_1390 = vector.shape_cast %swap3A_1389 : vector<1x16xf32> to vector<16xf32>
        %swap3A_1391 = vector.shape_cast %mul3A_1386 : vector<16xf32> to vector<1x16xf32>
        tpu.vector_store %arg11[%swap3A_1387, %swap3A_1388], %swap3A_1391 {strides = array<i32>} : memref<80x128xf32, #tpu.memory_space<vmem>>, vector<1x16xf32>,
        %get3A_1392 = arith.index_cast %add3A_1321 : i32 to index
        %get3A_1393 = arith.constant 112 : index
        %get3A_1394 = tpu.vector_load %arg11[%get3A_1392, %get3A_1393] {strides = array<i32>} : memref<80x128xf32, #tpu.memory_space<vmem>>, vector<1x16xf32>,
        %get3A_1395 = vector.shape_cast %get3A_1394 : vector<1x16xf32> to vector<16xf32>
        %mul3A_1396 = arith.mulf %get3A_1395, %add3A_1317 : vector<16xf32>
        %swap3A_1397 = arith.index_cast %add3A_1321 : i32 to index
        %swap3A_1398 = arith.constant 112 : index
        %swap3A_1399 = tpu.vector_load %arg11[%swap3A_1397, %swap3A_1398] {strides = array<i32>} : memref<80x128xf32, #tpu.memory_space<vmem>>, vector<1x16xf32>,
        %swap3A_1400 = vector.shape_cast %swap3A_1399 : vector<1x16xf32> to vector<16xf32>
        %swap3A_1401 = vector.shape_cast %mul3A_1396 : vector<16xf32> to vector<1x16xf32>
        tpu.vector_store %arg11[%swap3A_1397, %swap3A_1398], %swap3A_1401 {strides = array<i32>} : memref<80x128xf32, #tpu.memory_space<vmem>>, vector<1x16xf32>,
        %broadcast_in_dim3A_1402 = arith.constant 0.000000e+00 : f32
        %broadcast_in_dim3A_1403 = vector.broadcast %broadcast_in_dim3A_1402 : f32 to vector<16xf32>
        %slice3A_1404 = vector.extract_strided_slice %get3A_145 {offsets = [14], sizes = [1], strides = [1]} : vector<16xf32> to vector<1xf32>
        %squeeze3A_1405 = vector.extract %slice3A_1404[0] : f32 from vector<1xf32>
        %add3A_1406 = vector.broadcast %squeeze3A_1405 : f32 to vector<16xf32>
        %add3A_1407 = arith.addf %broadcast_in_dim3A_1403, %add3A_1406 : vector<16xf32>
        %mul3A_1408 = arith.constant 16 : i32
        %mul3A_1409 = arith.muli %scan3A_141, %mul3A_1408 : i32
        %add3A_1410 = arith.constant 14 : i32
        %add3A_1411 = arith.addi %mul3A_1409, %add3A_1410 : i32
        %get3A_1412 = arith.index_cast %add3A_1411 : i32 to index
        %get3A_1413 = arith.constant 0 : index
        %get3A_1414 = tpu.vector_load %arg11[%get3A_1412, %get3A_1413] {strides = array<i32>} : memref<80x128xf32, #tpu.memory_space<vmem>>, vector<1x16xf32>,
        %get3A_1415 = vector.shape_cast %get3A_1414 : vector<1x16xf32> to vector<16xf32>
        %mul3A_1416 = arith.mulf %get3A_1415, %add3A_1407 : vector<16xf32>
        %swap3A_1417 = arith.index_cast %add3A_1411 : i32 to index
        %swap3A_1418 = arith.constant 0 : index
        %swap3A_1419 = tpu.vector_load %arg11[%swap3A_1417, %swap3A_1418] {strides = array<i32>} : memref<80x128xf32, #tpu.memory_space<vmem>>, vector<1x16xf32>,
        %swap3A_1420 = vector.shape_cast %swap3A_1419 : vector<1x16xf32> to vector<16xf32>
        %swap3A_1421 = vector.shape_cast %mul3A_1416 : vector<16xf32> to vector<1x16xf32>
        tpu.vector_store %arg11[%swap3A_1417, %swap3A_1418], %swap3A_1421 {strides = array<i32>} : memref<80x128xf32, #tpu.memory_space<vmem>>, vector<1x16xf32>,
        %get3A_1422 = arith.index_cast %add3A_1411 : i32 to index
        %get3A_1423 = arith.constant 16 : index
        %get3A_1424 = tpu.vector_load %arg11[%get3A_1422, %get3A_1423] {strides = array<i32>} : memref<80x128xf32, #tpu.memory_space<vmem>>, vector<1x16xf32>,
        %get3A_1425 = vector.shape_cast %get3A_1424 : vector<1x16xf32> to vector<16xf32>
        %mul3A_1426 = arith.mulf %get3A_1425, %add3A_1407 : vector<16xf32>
        %swap3A_1427 = arith.index_cast %add3A_1411 : i32 to index
        %swap3A_1428 = arith.constant 16 : index
        %swap3A_1429 = tpu.vector_load %arg11[%swap3A_1427, %swap3A_1428] {strides = array<i32>} : memref<80x128xf32, #tpu.memory_space<vmem>>, vector<1x16xf32>,
        %swap3A_1430 = vector.shape_cast %swap3A_1429 : vector<1x16xf32> to vector<16xf32>
        %swap3A_1431 = vector.shape_cast %mul3A_1426 : vector<16xf32> to vector<1x16xf32>
        tpu.vector_store %arg11[%swap3A_1427, %swap3A_1428], %swap3A_1431 {strides = array<i32>} : memref<80x128xf32, #tpu.memory_space<vmem>>, vector<1x16xf32>,
        %get3A_1432 = arith.index_cast %add3A_1411 : i32 to index
        %get3A_1433 = arith.constant 32 : index
        %get3A_1434 = tpu.vector_load %arg11[%get3A_1432, %get3A_1433] {strides = array<i32>} : memref<80x128xf32, #tpu.memory_space<vmem>>, vector<1x16xf32>,
        %get3A_1435 = vector.shape_cast %get3A_1434 : vector<1x16xf32> to vector<16xf32>
        %mul3A_1436 = arith.mulf %get3A_1435, %add3A_1407 : vector<16xf32>
        %swap3A_1437 = arith.index_cast %add3A_1411 : i32 to index
        %swap3A_1438 = arith.constant 32 : index
        %swap3A_1439 = tpu.vector_load %arg11[%swap3A_1437, %swap3A_1438] {strides = array<i32>} : memref<80x128xf32, #tpu.memory_space<vmem>>, vector<1x16xf32>,
        %swap3A_1440 = vector.shape_cast %swap3A_1439 : vector<1x16xf32> to vector<16xf32>
        %swap3A_1441 = vector.shape_cast %mul3A_1436 : vector<16xf32> to vector<1x16xf32>
        tpu.vector_store %arg11[%swap3A_1437, %swap3A_1438], %swap3A_1441 {strides = array<i32>} : memref<80x128xf32, #tpu.memory_space<vmem>>, vector<1x16xf32>,
        %get3A_1442 = arith.index_cast %add3A_1411 : i32 to index
        %get3A_1443 = arith.constant 48 : index
        %get3A_1444 = tpu.vector_load %arg11[%get3A_1442, %get3A_1443] {strides = array<i32>} : memref<80x128xf32, #tpu.memory_space<vmem>>, vector<1x16xf32>,
        %get3A_1445 = vector.shape_cast %get3A_1444 : vector<1x16xf32> to vector<16xf32>
        %mul3A_1446 = arith.mulf %get3A_1445, %add3A_1407 : vector<16xf32>
        %swap3A_1447 = arith.index_cast %add3A_1411 : i32 to index
        %swap3A_1448 = arith.constant 48 : index
        %swap3A_1449 = tpu.vector_load %arg11[%swap3A_1447, %swap3A_1448] {strides = array<i32>} : memref<80x128xf32, #tpu.memory_space<vmem>>, vector<1x16xf32>,
        %swap3A_1450 = vector.shape_cast %swap3A_1449 : vector<1x16xf32> to vector<16xf32>
        %swap3A_1451 = vector.shape_cast %mul3A_1446 : vector<16xf32> to vector<1x16xf32>
        tpu.vector_store %arg11[%swap3A_1447, %swap3A_1448], %swap3A_1451 {strides = array<i32>} : memref<80x128xf32, #tpu.memory_space<vmem>>, vector<1x16xf32>,
        %get3A_1452 = arith.index_cast %add3A_1411 : i32 to index
        %get3A_1453 = arith.constant 64 : index
        %get3A_1454 = tpu.vector_load %arg11[%get3A_1452, %get3A_1453] {strides = array<i32>} : memref<80x128xf32, #tpu.memory_space<vmem>>, vector<1x16xf32>,
        %get3A_1455 = vector.shape_cast %get3A_1454 : vector<1x16xf32> to vector<16xf32>
        %mul3A_1456 = arith.mulf %get3A_1455, %add3A_1407 : vector<16xf32>
        %swap3A_1457 = arith.index_cast %add3A_1411 : i32 to index
        %swap3A_1458 = arith.constant 64 : index
        %swap3A_1459 = tpu.vector_load %arg11[%swap3A_1457, %swap3A_1458] {strides = array<i32>} : memref<80x128xf32, #tpu.memory_space<vmem>>, vector<1x16xf32>,
        %swap3A_1460 = vector.shape_cast %swap3A_1459 : vector<1x16xf32> to vector<16xf32>
        %swap3A_1461 = vector.shape_cast %mul3A_1456 : vector<16xf32> to vector<1x16xf32>
        tpu.vector_store %arg11[%swap3A_1457, %swap3A_1458], %swap3A_1461 {strides = array<i32>} : memref<80x128xf32, #tpu.memory_space<vmem>>, vector<1x16xf32>,
        %get3A_1462 = arith.index_cast %add3A_1411 : i32 to index
        %get3A_1463 = arith.constant 80 : index
        %get3A_1464 = tpu.vector_load %arg11[%get3A_1462, %get3A_1463] {strides = array<i32>} : memref<80x128xf32, #tpu.memory_space<vmem>>, vector<1x16xf32>,
        %get3A_1465 = vector.shape_cast %get3A_1464 : vector<1x16xf32> to vector<16xf32>
        %mul3A_1466 = arith.mulf %get3A_1465, %add3A_1407 : vector<16xf32>
        %swap3A_1467 = arith.index_cast %add3A_1411 : i32 to index
        %swap3A_1468 = arith.constant 80 : index
        %swap3A_1469 = tpu.vector_load %arg11[%swap3A_1467, %swap3A_1468] {strides = array<i32>} : memref<80x128xf32, #tpu.memory_space<vmem>>, vector<1x16xf32>,
        %swap3A_1470 = vector.shape_cast %swap3A_1469 : vector<1x16xf32> to vector<16xf32>
        %swap3A_1471 = vector.shape_cast %mul3A_1466 : vector<16xf32> to vector<1x16xf32>
        tpu.vector_store %arg11[%swap3A_1467, %swap3A_1468], %swap3A_1471 {strides = array<i32>} : memref<80x128xf32, #tpu.memory_space<vmem>>, vector<1x16xf32>,
        %get3A_1472 = arith.index_cast %add3A_1411 : i32 to index
        %get3A_1473 = arith.constant 96 : index
        %get3A_1474 = tpu.vector_load %arg11[%get3A_1472, %get3A_1473] {strides = array<i32>} : memref<80x128xf32, #tpu.memory_space<vmem>>, vector<1x16xf32>,
        %get3A_1475 = vector.shape_cast %get3A_1474 : vector<1x16xf32> to vector<16xf32>
        %mul3A_1476 = arith.mulf %get3A_1475, %add3A_1407 : vector<16xf32>
        %swap3A_1477 = arith.index_cast %add3A_1411 : i32 to index
        %swap3A_1478 = arith.constant 96 : index
        %swap3A_1479 = tpu.vector_load %arg11[%swap3A_1477, %swap3A_1478] {strides = array<i32>} : memref<80x128xf32, #tpu.memory_space<vmem>>, vector<1x16xf32>,
        %swap3A_1480 = vector.shape_cast %swap3A_1479 : vector<1x16xf32> to vector<16xf32>
        %swap3A_1481 = vector.shape_cast %mul3A_1476 : vector<16xf32> to vector<1x16xf32>
        tpu.vector_store %arg11[%swap3A_1477, %swap3A_1478], %swap3A_1481 {strides = array<i32>} : memref<80x128xf32, #tpu.memory_space<vmem>>, vector<1x16xf32>,
        %get3A_1482 = arith.index_cast %add3A_1411 : i32 to index
        %get3A_1483 = arith.constant 112 : index
        %get3A_1484 = tpu.vector_load %arg11[%get3A_1482, %get3A_1483] {strides = array<i32>} : memref<80x128xf32, #tpu.memory_space<vmem>>, vector<1x16xf32>,
        %get3A_1485 = vector.shape_cast %get3A_1484 : vector<1x16xf32> to vector<16xf32>
        %mul3A_1486 = arith.mulf %get3A_1485, %add3A_1407 : vector<16xf32>
        %swap3A_1487 = arith.index_cast %add3A_1411 : i32 to index
        %swap3A_1488 = arith.constant 112 : index
        %swap3A_1489 = tpu.vector_load %arg11[%swap3A_1487, %swap3A_1488] {strides = array<i32>} : memref<80x128xf32, #tpu.memory_space<vmem>>, vector<1x16xf32>,
        %swap3A_1490 = vector.shape_cast %swap3A_1489 : vector<1x16xf32> to vector<16xf32>
        %swap3A_1491 = vector.shape_cast %mul3A_1486 : vector<16xf32> to vector<1x16xf32>
        tpu.vector_store %arg11[%swap3A_1487, %swap3A_1488], %swap3A_1491 {strides = array<i32>} : memref<80x128xf32, #tpu.memory_space<vmem>>, vector<1x16xf32>,
        %broadcast_in_dim3A_1492 = arith.constant 0.000000e+00 : f32
        %broadcast_in_dim3A_1493 = vector.broadcast %broadcast_in_dim3A_1492 : f32 to vector<16xf32>
        %slice3A_1494 = vector.extract_strided_slice %get3A_145 {offsets = [15], sizes = [1], strides = [1]} : vector<16xf32> to vector<1xf32>
        %squeeze3A_1495 = vector.extract %slice3A_1494[0] : f32 from vector<1xf32>
        %add3A_1496 = vector.broadcast %squeeze3A_1495 : f32 to vector<16xf32>
        %add3A_1497 = arith.addf %broadcast_in_dim3A_1493, %add3A_1496 : vector<16xf32>
        %mul3A_1498 = arith.constant 16 : i32
        %mul3A_1499 = arith.muli %scan3A_141, %mul3A_1498 : i32
        %add3A_1500 = arith.constant 15 : i32
        %add3A_1501 = arith.addi %mul3A_1499, %add3A_1500 : i32
        %get3A_1502 = arith.index_cast %add3A_1501 : i32 to index
        %get3A_1503 = arith.constant 0 : index
        %get3A_1504 = tpu.vector_load %arg11[%get3A_1502, %get3A_1503] {strides = array<i32>} : memref<80x128xf32, #tpu.memory_space<vmem>>, vector<1x16xf32>,
        %get3A_1505 = vector.shape_cast %get3A_1504 : vector<1x16xf32> to vector<16xf32>
        %mul3A_1506 = arith.mulf %get3A_1505, %add3A_1497 : vector<16xf32>
        %swap3A_1507 = arith.index_cast %add3A_1501 : i32 to index
        %swap3A_1508 = arith.constant 0 : index
        %swap3A_1509 = tpu.vector_load %arg11[%swap3A_1507, %swap3A_1508] {strides = array<i32>} : memref<80x128xf32, #tpu.memory_space<vmem>>, vector<1x16xf32>,
        %swap3A_1510 = vector.shape_cast %swap3A_1509 : vector<1x16xf32> to vector<16xf32>
        %swap3A_1511 = vector.shape_cast %mul3A_1506 : vector<16xf32> to vector<1x16xf32>
        tpu.vector_store %arg11[%swap3A_1507, %swap3A_1508], %swap3A_1511 {strides = array<i32>} : memref<80x128xf32, #tpu.memory_space<vmem>>, vector<1x16xf32>,
        %get3A_1512 = arith.index_cast %add3A_1501 : i32 to index
        %get3A_1513 = arith.constant 16 : index
        %get3A_1514 = tpu.vector_load %arg11[%get3A_1512, %get3A_1513] {strides = array<i32>} : memref<80x128xf32, #tpu.memory_space<vmem>>, vector<1x16xf32>,
        %get3A_1515 = vector.shape_cast %get3A_1514 : vector<1x16xf32> to vector<16xf32>
        %mul3A_1516 = arith.mulf %get3A_1515, %add3A_1497 : vector<16xf32>
        %swap3A_1517 = arith.index_cast %add3A_1501 : i32 to index
        %swap3A_1518 = arith.constant 16 : index
        %swap3A_1519 = tpu.vector_load %arg11[%swap3A_1517, %swap3A_1518] {strides = array<i32>} : memref<80x128xf32, #tpu.memory_space<vmem>>, vector<1x16xf32>,
        %swap3A_1520 = vector.shape_cast %swap3A_1519 : vector<1x16xf32> to vector<16xf32>
        %swap3A_1521 = vector.shape_cast %mul3A_1516 : vector<16xf32> to vector<1x16xf32>
        tpu.vector_store %arg11[%swap3A_1517, %swap3A_1518], %swap3A_1521 {strides = array<i32>} : memref<80x128xf32, #tpu.memory_space<vmem>>, vector<1x16xf32>,
        %get3A_1522 = arith.index_cast %add3A_1501 : i32 to index
        %get3A_1523 = arith.constant 32 : index
        %get3A_1524 = tpu.vector_load %arg11[%get3A_1522, %get3A_1523] {strides = array<i32>} : memref<80x128xf32, #tpu.memory_space<vmem>>, vector<1x16xf32>,
        %get3A_1525 = vector.shape_cast %get3A_1524 : vector<1x16xf32> to vector<16xf32>
        %mul3A_1526 = arith.mulf %get3A_1525, %add3A_1497 : vector<16xf32>
        %swap3A_1527 = arith.index_cast %add3A_1501 : i32 to index
        %swap3A_1528 = arith.constant 32 : index
        %swap3A_1529 = tpu.vector_load %arg11[%swap3A_1527, %swap3A_1528] {strides = array<i32>} : memref<80x128xf32, #tpu.memory_space<vmem>>, vector<1x16xf32>,
        %swap3A_1530 = vector.shape_cast %swap3A_1529 : vector<1x16xf32> to vector<16xf32>
        %swap3A_1531 = vector.shape_cast %mul3A_1526 : vector<16xf32> to vector<1x16xf32>
        tpu.vector_store %arg11[%swap3A_1527, %swap3A_1528], %swap3A_1531 {strides = array<i32>} : memref<80x128xf32, #tpu.memory_space<vmem>>, vector<1x16xf32>,
        %get3A_1532 = arith.index_cast %add3A_1501 : i32 to index
        %get3A_1533 = arith.constant 48 : index
        %get3A_1534 = tpu.vector_load %arg11[%get3A_1532, %get3A_1533] {strides = array<i32>} : memref<80x128xf32, #tpu.memory_space<vmem>>, vector<1x16xf32>,
        %get3A_1535 = vector.shape_cast %get3A_1534 : vector<1x16xf32> to vector<16xf32>
        %mul3A_1536 = arith.mulf %get3A_1535, %add3A_1497 : vector<16xf32>
        %swap3A_1537 = arith.index_cast %add3A_1501 : i32 to index
        %swap3A_1538 = arith.constant 48 : index
        %swap3A_1539 = tpu.vector_load %arg11[%swap3A_1537, %swap3A_1538] {strides = array<i32>} : memref<80x128xf32, #tpu.memory_space<vmem>>, vector<1x16xf32>,
        %swap3A_1540 = vector.shape_cast %swap3A_1539 : vector<1x16xf32> to vector<16xf32>
        %swap3A_1541 = vector.shape_cast %mul3A_1536 : vector<16xf32> to vector<1x16xf32>
        tpu.vector_store %arg11[%swap3A_1537, %swap3A_1538], %swap3A_1541 {strides = array<i32>} : memref<80x128xf32, #tpu.memory_space<vmem>>, vector<1x16xf32>,
        %get3A_1542 = arith.index_cast %add3A_1501 : i32 to index
        %get3A_1543 = arith.constant 64 : index
        %get3A_1544 = tpu.vector_load %arg11[%get3A_1542, %get3A_1543] {strides = array<i32>} : memref<80x128xf32, #tpu.memory_space<vmem>>, vector<1x16xf32>,
        %get3A_1545 = vector.shape_cast %get3A_1544 : vector<1x16xf32> to vector<16xf32>
        %mul3A_1546 = arith.mulf %get3A_1545, %add3A_1497 : vector<16xf32>
        %swap3A_1547 = arith.index_cast %add3A_1501 : i32 to index
        %swap3A_1548 = arith.constant 64 : index
        %swap3A_1549 = tpu.vector_load %arg11[%swap3A_1547, %swap3A_1548] {strides = array<i32>} : memref<80x128xf32, #tpu.memory_space<vmem>>, vector<1x16xf32>,
        %swap3A_1550 = vector.shape_cast %swap3A_1549 : vector<1x16xf32> to vector<16xf32>
        %swap3A_1551 = vector.shape_cast %mul3A_1546 : vector<16xf32> to vector<1x16xf32>
        tpu.vector_store %arg11[%swap3A_1547, %swap3A_1548], %swap3A_1551 {strides = array<i32>} : memref<80x128xf32, #tpu.memory_space<vmem>>, vector<1x16xf32>,
        %get3A_1552 = arith.index_cast %add3A_1501 : i32 to index
        %get3A_1553 = arith.constant 80 : index
        %get3A_1554 = tpu.vector_load %arg11[%get3A_1552, %get3A_1553] {strides = array<i32>} : memref<80x128xf32, #tpu.memory_space<vmem>>, vector<1x16xf32>,
        %get3A_1555 = vector.shape_cast %get3A_1554 : vector<1x16xf32> to vector<16xf32>
        %mul3A_1556 = arith.mulf %get3A_1555, %add3A_1497 : vector<16xf32>
        %swap3A_1557 = arith.index_cast %add3A_1501 : i32 to index
        %swap3A_1558 = arith.constant 80 : index
        %swap3A_1559 = tpu.vector_load %arg11[%swap3A_1557, %swap3A_1558] {strides = array<i32>} : memref<80x128xf32, #tpu.memory_space<vmem>>, vector<1x16xf32>,
        %swap3A_1560 = vector.shape_cast %swap3A_1559 : vector<1x16xf32> to vector<16xf32>
        %swap3A_1561 = vector.shape_cast %mul3A_1556 : vector<16xf32> to vector<1x16xf32>
        tpu.vector_store %arg11[%swap3A_1557, %swap3A_1558], %swap3A_1561 {strides = array<i32>} : memref<80x128xf32, #tpu.memory_space<vmem>>, vector<1x16xf32>,
        %get3A_1562 = arith.index_cast %add3A_1501 : i32 to index
        %get3A_1563 = arith.constant 96 : index
        %get3A_1564 = tpu.vector_load %arg11[%get3A_1562, %get3A_1563] {strides = array<i32>} : memref<80x128xf32, #tpu.memory_space<vmem>>, vector<1x16xf32>,
        %get3A_1565 = vector.shape_cast %get3A_1564 : vector<1x16xf32> to vector<16xf32>
        %mul3A_1566 = arith.mulf %get3A_1565, %add3A_1497 : vector<16xf32>
        %swap3A_1567 = arith.index_cast %add3A_1501 : i32 to index
        %swap3A_1568 = arith.constant 96 : index
        %swap3A_1569 = tpu.vector_load %arg11[%swap3A_1567, %swap3A_1568] {strides = array<i32>} : memref<80x128xf32, #tpu.memory_space<vmem>>, vector<1x16xf32>,
        %swap3A_1570 = vector.shape_cast %swap3A_1569 : vector<1x16xf32> to vector<16xf32>
        %swap3A_1571 = vector.shape_cast %mul3A_1566 : vector<16xf32> to vector<1x16xf32>
        tpu.vector_store %arg11[%swap3A_1567, %swap3A_1568], %swap3A_1571 {strides = array<i32>} : memref<80x128xf32, #tpu.memory_space<vmem>>, vector<1x16xf32>,
        %get3A_1572 = arith.index_cast %add3A_1501 : i32 to index
        %get3A_1573 = arith.constant 112 : index
        %get3A_1574 = tpu.vector_load %arg11[%get3A_1572, %get3A_1573] {strides = array<i32>} : memref<80x128xf32, #tpu.memory_space<vmem>>, vector<1x16xf32>,
        %get3A_1575 = vector.shape_cast %get3A_1574 : vector<1x16xf32> to vector<16xf32>
        %mul3A_1576 = arith.mulf %get3A_1575, %add3A_1497 : vector<16xf32>
        %swap3A_1577 = arith.index_cast %add3A_1501 : i32 to index
        %swap3A_1578 = arith.constant 112 : index
        %swap3A_1579 = tpu.vector_load %arg11[%swap3A_1577, %swap3A_1578] {strides = array<i32>} : memref<80x128xf32, #tpu.memory_space<vmem>>, vector<1x16xf32>,
        %swap3A_1580 = vector.shape_cast %swap3A_1579 : vector<1x16xf32> to vector<16xf32>
        %swap3A_1581 = vector.shape_cast %mul3A_1576 : vector<16xf32> to vector<1x16xf32>
        tpu.vector_store %arg11[%swap3A_1577, %swap3A_1578], %swap3A_1581 {strides = array<i32>} : memref<80x128xf32, #tpu.memory_space<vmem>>, vector<1x16xf32>,
      }
      %scan3A_140 = arith.constant 5 : i32
      "tpu.region"() ({
        %run_scoped3A = tpu.sem_alloc : memref<!tpu.dma_semaphore, #tpu.memory_space<semaphore_mem>>
        %dma_start3A_141 = arith.constant 0 : i32
        %dma_start3A_142 = arith.constant 0 : i32
        %dma_start3A_143 = tpu.memref_slice %arg7[%dma_start3A_141, %dma_start3A_142] : memref<10000x128xf32, #tpu.memory_space<vmem_shared>> -> memref<10000x128xf32, #tpu.memory_space<vmem_shared>>
        tpu.enqueue_indirect_dma source(%arg11 : memref<80x128xf32, #tpu.memory_space<vmem>>) target(%dma_start3A_143 : memref<10000x128xf32, #tpu.memory_space<vmem_shared>>) offsets(%arg9 : memref<80xi32, #tpu.memory_space<vmem>>) semaphore(%run_scoped3A : memref<!tpu.dma_semaphore, #tpu.memory_space<semaphore_mem>>) {add = true}
        %dma_wait3A_144 = arith.constant 0 : i32
        %dma_wait3A_145 = arith.constant 0 : i32
        %dma_wait3A_146 = tpu.memref_slice %arg7[%dma_wait3A_144, %dma_wait3A_145] : memref<10000x128xf32, #tpu.memory_space<vmem_shared>> -> memref<10000x128xf32, #tpu.memory_space<vmem_shared>>
        tpu.wait_indirect_dma semaphore(%run_scoped3A : memref<!tpu.dma_semaphore, #tpu.memory_space<semaphore_mem>>) src(%arg11 : memref<80x128xf32, #tpu.memory_space<vmem>>) dst(%dma_wait3A_146 : memref<10000x128xf32, #tpu.memory_space<vmem_shared>>)
        tpu.yield
      }) : () -> ()
    }
    %scan3A_63 = arith.constant 125 : i32
    %barrier3A_64 = arith.constant 0 : index
    tpu.barrier barrier_id(%barrier3A_64)
    %add3A_65 = arith.constant 0 : i32
    %add3A_66 = arith.addi %arg1, %add3A_65 : i32
    %lt3A_67 = arith.constant 125 : i32
    %lt3A_68 = arith.cmpi slt, %add3A_66, %lt3A_67 : i32
    %convert_element_type3A_69 = arith.extui %lt3A_68 : i1 to i32
    %cond3A_70 = arith.constant 0 : i32
    %cond3A_71 = arith.cmpi ne, %convert_element_type3A_69, %cond3A_70 : i32
    scf.if %cond3A_71 {
      %mul3A_121 = arith.constant 80 : i32
      %mul3A_122 = arith.muli %add3A_66, %mul3A_121 : i32
      %mul3A_123 = arith.constant 10000 : i32
      %mul3A_124 = arith.muli %arg0, %mul3A_123 : i32
      %mul3A_125 = arith.constant 80 : i32
      %mul3A_126 = arith.muli %add3A_66, %mul3A_125 : i32
      %add3A_127 = arith.addi %mul3A_124, %mul3A_126 : i32
      "tpu.region"() ({
        %run_scoped3A = tpu.sem_alloc : memref<!tpu.dma_semaphore, #tpu.memory_space<semaphore_mem>>
        %dma_start3A = arith.constant 0 : i32
        %dma_start3A_128 = tpu.memref_slice %arg6[%add3A_127, %dma_start3A] : memref<20000x128xf32, #tpu.memory_space<hbm>> -> memref<80x128xf32, #tpu.memory_space<hbm>>
        %dma_start3A_129 = arith.constant 0 : i32
        %dma_start3A_130 = tpu.memref_slice %arg7[%mul3A_122, %dma_start3A_129] : memref<10000x128xf32, #tpu.memory_space<vmem_shared>> -> memref<80x128xf32, #tpu.memory_space<vmem_shared>>
        tpu.enqueue_dma source(%dma_start3A_130 : memref<80x128xf32, #tpu.memory_space<vmem_shared>>) target(%dma_start3A_128 : memref<80x128xf32, #tpu.memory_space<hbm>>) target_semaphore(%run_scoped3A : memref<!tpu.dma_semaphore, #tpu.memory_space<semaphore_mem>>)
        %dma_wait3A = arith.constant 0 : i32
        %dma_wait3A_131 = tpu.memref_slice %arg6[%add3A_127, %dma_wait3A] : memref<20000x128xf32, #tpu.memory_space<hbm>> -> memref<80x128xf32, #tpu.memory_space<hbm>>
        %dma_wait3A_132 = arith.constant 0 : i32
        %dma_wait3A_133 = tpu.memref_slice %arg7[%mul3A_122, %dma_wait3A_132] : memref<10000x128xf32, #tpu.memory_space<vmem_shared>> -> memref<80x128xf32, #tpu.memory_space<vmem_shared>>
        tpu.wait_dma2 semaphore(%run_scoped3A : memref<!tpu.dma_semaphore, #tpu.memory_space<semaphore_mem>>) src(%dma_wait3A_133 : memref<80x128xf32, #tpu.memory_space<vmem_shared>>) dst(%dma_wait3A_131 : memref<80x128xf32, #tpu.memory_space<hbm>>)
        tpu.yield
      }) : () -> ()
    } else {
    }
    %add3A_72 = arith.constant 16 : i32
    %add3A_73 = arith.addi %arg1, %add3A_72 : i32
    %lt3A_74 = arith.constant 125 : i32
    %lt3A_75 = arith.cmpi slt, %add3A_73, %lt3A_74 : i32
    %convert_element_type3A_76 = arith.extui %lt3A_75 : i1 to i32
    %cond3A_77 = arith.constant 0 : i32
    %cond3A_78 = arith.cmpi ne, %convert_element_type3A_76, %cond3A_77 : i32
    scf.if %cond3A_78 {
      %mul3A_121 = arith.constant 80 : i32
      %mul3A_122 = arith.muli %add3A_73, %mul3A_121 : i32
      %mul3A_123 = arith.constant 10000 : i32
      %mul3A_124 = arith.muli %arg0, %mul3A_123 : i32
      %mul3A_125 = arith.constant 80 : i32
      %mul3A_126 = arith.muli %add3A_73, %mul3A_125 : i32
      %add3A_127 = arith.addi %mul3A_124, %mul3A_126 : i32
      "tpu.region"() ({
        %run_scoped3A = tpu.sem_alloc : memref<!tpu.dma_semaphore, #tpu.memory_space<semaphore_mem>>
        %dma_start3A = arith.constant 0 : i32
        %dma_start3A_128 = tpu.memref_slice %arg6[%add3A_127, %dma_start3A] : memref<20000x128xf32, #tpu.memory_space<hbm>> -> memref<80x128xf32, #tpu.memory_space<hbm>>
        %dma_start3A_129 = arith.constant 0 : i32
        %dma_start3A_130 = tpu.memref_slice %arg7[%mul3A_122, %dma_start3A_129] : memref<10000x128xf32, #tpu.memory_space<vmem_shared>> -> memref<80x128xf32, #tpu.memory_space<vmem_shared>>
        tpu.enqueue_dma source(%dma_start3A_130 : memref<80x128xf32, #tpu.memory_space<vmem_shared>>) target(%dma_start3A_128 : memref<80x128xf32, #tpu.memory_space<hbm>>) target_semaphore(%run_scoped3A : memref<!tpu.dma_semaphore, #tpu.memory_space<semaphore_mem>>)
        %dma_wait3A = arith.constant 0 : i32
        %dma_wait3A_131 = tpu.memref_slice %arg6[%add3A_127, %dma_wait3A] : memref<20000x128xf32, #tpu.memory_space<hbm>> -> memref<80x128xf32, #tpu.memory_space<hbm>>
        %dma_wait3A_132 = arith.constant 0 : i32
        %dma_wait3A_133 = tpu.memref_slice %arg7[%mul3A_122, %dma_wait3A_132] : memref<10000x128xf32, #tpu.memory_space<vmem_shared>> -> memref<80x128xf32, #tpu.memory_space<vmem_shared>>
        tpu.wait_dma2 semaphore(%run_scoped3A : memref<!tpu.dma_semaphore, #tpu.memory_space<semaphore_mem>>) src(%dma_wait3A_133 : memref<80x128xf32, #tpu.memory_space<vmem_shared>>) dst(%dma_wait3A_131 : memref<80x128xf32, #tpu.memory_space<hbm>>)
        tpu.yield
      }) : () -> ()
    } else {
    }
    %add3A_79 = arith.constant 32 : i32
    %add3A_80 = arith.addi %arg1, %add3A_79 : i32
    %lt3A_81 = arith.constant 125 : i32
    %lt3A_82 = arith.cmpi slt, %add3A_80, %lt3A_81 : i32
    %convert_element_type3A_83 = arith.extui %lt3A_82 : i1 to i32
    %cond3A_84 = arith.constant 0 : i32
    %cond3A_85 = arith.cmpi ne, %convert_element_type3A_83, %cond3A_84 : i32
    scf.if %cond3A_85 {
      %mul3A_121 = arith.constant 80 : i32
      %mul3A_122 = arith.muli %add3A_80, %mul3A_121 : i32
      %mul3A_123 = arith.constant 10000 : i32
      %mul3A_124 = arith.muli %arg0, %mul3A_123 : i32
      %mul3A_125 = arith.constant 80 : i32
      %mul3A_126 = arith.muli %add3A_80, %mul3A_125 : i32
      %add3A_127 = arith.addi %mul3A_124, %mul3A_126 : i32
      "tpu.region"() ({
        %run_scoped3A = tpu.sem_alloc : memref<!tpu.dma_semaphore, #tpu.memory_space<semaphore_mem>>
        %dma_start3A = arith.constant 0 : i32
        %dma_start3A_128 = tpu.memref_slice %arg6[%add3A_127, %dma_start3A] : memref<20000x128xf32, #tpu.memory_space<hbm>> -> memref<80x128xf32, #tpu.memory_space<hbm>>
        %dma_start3A_129 = arith.constant 0 : i32
        %dma_start3A_130 = tpu.memref_slice %arg7[%mul3A_122, %dma_start3A_129] : memref<10000x128xf32, #tpu.memory_space<vmem_shared>> -> memref<80x128xf32, #tpu.memory_space<vmem_shared>>
        tpu.enqueue_dma source(%dma_start3A_130 : memref<80x128xf32, #tpu.memory_space<vmem_shared>>) target(%dma_start3A_128 : memref<80x128xf32, #tpu.memory_space<hbm>>) target_semaphore(%run_scoped3A : memref<!tpu.dma_semaphore, #tpu.memory_space<semaphore_mem>>)
        %dma_wait3A = arith.constant 0 : i32
        %dma_wait3A_131 = tpu.memref_slice %arg6[%add3A_127, %dma_wait3A] : memref<20000x128xf32, #tpu.memory_space<hbm>> -> memref<80x128xf32, #tpu.memory_space<hbm>>
        %dma_wait3A_132 = arith.constant 0 : i32
        %dma_wait3A_133 = tpu.memref_slice %arg7[%mul3A_122, %dma_wait3A_132] : memref<10000x128xf32, #tpu.memory_space<vmem_shared>> -> memref<80x128xf32, #tpu.memory_space<vmem_shared>>
        tpu.wait_dma2 semaphore(%run_scoped3A : memref<!tpu.dma_semaphore, #tpu.memory_space<semaphore_mem>>) src(%dma_wait3A_133 : memref<80x128xf32, #tpu.memory_space<vmem_shared>>) dst(%dma_wait3A_131 : memref<80x128xf32, #tpu.memory_space<hbm>>)
        tpu.yield
      }) : () -> ()
    } else {
    }
    %add3A_86 = arith.constant 48 : i32
    %add3A_87 = arith.addi %arg1, %add3A_86 : i32
    %lt3A_88 = arith.constant 125 : i32
    %lt3A_89 = arith.cmpi slt, %add3A_87, %lt3A_88 : i32
    %convert_element_type3A_90 = arith.extui %lt3A_89 : i1 to i32
    %cond3A_91 = arith.constant 0 : i32
    %cond3A_92 = arith.cmpi ne, %convert_element_type3A_90, %cond3A_91 : i32
    scf.if %cond3A_92 {
      %mul3A_121 = arith.constant 80 : i32
      %mul3A_122 = arith.muli %add3A_87, %mul3A_121 : i32
      %mul3A_123 = arith.constant 10000 : i32
      %mul3A_124 = arith.muli %arg0, %mul3A_123 : i32
      %mul3A_125 = arith.constant 80 : i32
      %mul3A_126 = arith.muli %add3A_87, %mul3A_125 : i32
      %add3A_127 = arith.addi %mul3A_124, %mul3A_126 : i32
      "tpu.region"() ({
        %run_scoped3A = tpu.sem_alloc : memref<!tpu.dma_semaphore, #tpu.memory_space<semaphore_mem>>
        %dma_start3A = arith.constant 0 : i32
        %dma_start3A_128 = tpu.memref_slice %arg6[%add3A_127, %dma_start3A] : memref<20000x128xf32, #tpu.memory_space<hbm>> -> memref<80x128xf32, #tpu.memory_space<hbm>>
        %dma_start3A_129 = arith.constant 0 : i32
        %dma_start3A_130 = tpu.memref_slice %arg7[%mul3A_122, %dma_start3A_129] : memref<10000x128xf32, #tpu.memory_space<vmem_shared>> -> memref<80x128xf32, #tpu.memory_space<vmem_shared>>
        tpu.enqueue_dma source(%dma_start3A_130 : memref<80x128xf32, #tpu.memory_space<vmem_shared>>) target(%dma_start3A_128 : memref<80x128xf32, #tpu.memory_space<hbm>>) target_semaphore(%run_scoped3A : memref<!tpu.dma_semaphore, #tpu.memory_space<semaphore_mem>>)
        %dma_wait3A = arith.constant 0 : i32
        %dma_wait3A_131 = tpu.memref_slice %arg6[%add3A_127, %dma_wait3A] : memref<20000x128xf32, #tpu.memory_space<hbm>> -> memref<80x128xf32, #tpu.memory_space<hbm>>
        %dma_wait3A_132 = arith.constant 0 : i32
        %dma_wait3A_133 = tpu.memref_slice %arg7[%mul3A_122, %dma_wait3A_132] : memref<10000x128xf32, #tpu.memory_space<vmem_shared>> -> memref<80x128xf32, #tpu.memory_space<vmem_shared>>
        tpu.wait_dma2 semaphore(%run_scoped3A : memref<!tpu.dma_semaphore, #tpu.memory_space<semaphore_mem>>) src(%dma_wait3A_133 : memref<80x128xf32, #tpu.memory_space<vmem_shared>>) dst(%dma_wait3A_131 : memref<80x128xf32, #tpu.memory_space<hbm>>)
        tpu.yield
      }) : () -> ()
    } else {
    }
    %add3A_93 = arith.constant 64 : i32
    %add3A_94 = arith.addi %arg1, %add3A_93 : i32
    %lt3A_95 = arith.constant 125 : i32
    %lt3A_96 = arith.cmpi slt, %add3A_94, %lt3A_95 : i32
    %convert_element_type3A_97 = arith.extui %lt3A_96 : i1 to i32
    %cond3A_98 = arith.constant 0 : i32
    %cond3A_99 = arith.cmpi ne, %convert_element_type3A_97, %cond3A_98 : i32
    scf.if %cond3A_99 {
      %mul3A_121 = arith.constant 80 : i32
      %mul3A_122 = arith.muli %add3A_94, %mul3A_121 : i32
      %mul3A_123 = arith.constant 10000 : i32
      %mul3A_124 = arith.muli %arg0, %mul3A_123 : i32
      %mul3A_125 = arith.constant 80 : i32
      %mul3A_126 = arith.muli %add3A_94, %mul3A_125 : i32
      %add3A_127 = arith.addi %mul3A_124, %mul3A_126 : i32
      "tpu.region"() ({
        %run_scoped3A = tpu.sem_alloc : memref<!tpu.dma_semaphore, #tpu.memory_space<semaphore_mem>>
        %dma_start3A = arith.constant 0 : i32
        %dma_start3A_128 = tpu.memref_slice %arg6[%add3A_127, %dma_start3A] : memref<20000x128xf32, #tpu.memory_space<hbm>> -> memref<80x128xf32, #tpu.memory_space<hbm>>
        %dma_start3A_129 = arith.constant 0 : i32
        %dma_start3A_130 = tpu.memref_slice %arg7[%mul3A_122, %dma_start3A_129] : memref<10000x128xf32, #tpu.memory_space<vmem_shared>> -> memref<80x128xf32, #tpu.memory_space<vmem_shared>>
        tpu.enqueue_dma source(%dma_start3A_130 : memref<80x128xf32, #tpu.memory_space<vmem_shared>>) target(%dma_start3A_128 : memref<80x128xf32, #tpu.memory_space<hbm>>) target_semaphore(%run_scoped3A : memref<!tpu.dma_semaphore, #tpu.memory_space<semaphore_mem>>)
        %dma_wait3A = arith.constant 0 : i32
        %dma_wait3A_131 = tpu.memref_slice %arg6[%add3A_127, %dma_wait3A] : memref<20000x128xf32, #tpu.memory_space<hbm>> -> memref<80x128xf32, #tpu.memory_space<hbm>>
        %dma_wait3A_132 = arith.constant 0 : i32
        %dma_wait3A_133 = tpu.memref_slice %arg7[%mul3A_122, %dma_wait3A_132] : memref<10000x128xf32, #tpu.memory_space<vmem_shared>> -> memref<80x128xf32, #tpu.memory_space<vmem_shared>>
        tpu.wait_dma2 semaphore(%run_scoped3A : memref<!tpu.dma_semaphore, #tpu.memory_space<semaphore_mem>>) src(%dma_wait3A_133 : memref<80x128xf32, #tpu.memory_space<vmem_shared>>) dst(%dma_wait3A_131 : memref<80x128xf32, #tpu.memory_space<hbm>>)
        tpu.yield
      }) : () -> ()
    } else {
    }
    %add3A_100 = arith.constant 80 : i32
    %add3A_101 = arith.addi %arg1, %add3A_100 : i32
    %lt3A_102 = arith.constant 125 : i32
    %lt3A_103 = arith.cmpi slt, %add3A_101, %lt3A_102 : i32
    %convert_element_type3A_104 = arith.extui %lt3A_103 : i1 to i32
    %cond3A_105 = arith.constant 0 : i32
    %cond3A_106 = arith.cmpi ne, %convert_element_type3A_104, %cond3A_105 : i32
    scf.if %cond3A_106 {
      %mul3A_121 = arith.constant 80 : i32
      %mul3A_122 = arith.muli %add3A_101, %mul3A_121 : i32
      %mul3A_123 = arith.constant 10000 : i32
      %mul3A_124 = arith.muli %arg0, %mul3A_123 : i32
      %mul3A_125 = arith.constant 80 : i32
      %mul3A_126 = arith.muli %add3A_101, %mul3A_125 : i32
      %add3A_127 = arith.addi %mul3A_124, %mul3A_126 : i32
      "tpu.region"() ({
        %run_scoped3A = tpu.sem_alloc : memref<!tpu.dma_semaphore, #tpu.memory_space<semaphore_mem>>
        %dma_start3A = arith.constant 0 : i32
        %dma_start3A_128 = tpu.memref_slice %arg6[%add3A_127, %dma_start3A] : memref<20000x128xf32, #tpu.memory_space<hbm>> -> memref<80x128xf32, #tpu.memory_space<hbm>>
        %dma_start3A_129 = arith.constant 0 : i32
        %dma_start3A_130 = tpu.memref_slice %arg7[%mul3A_122, %dma_start3A_129] : memref<10000x128xf32, #tpu.memory_space<vmem_shared>> -> memref<80x128xf32, #tpu.memory_space<vmem_shared>>
        tpu.enqueue_dma source(%dma_start3A_130 : memref<80x128xf32, #tpu.memory_space<vmem_shared>>) target(%dma_start3A_128 : memref<80x128xf32, #tpu.memory_space<hbm>>) target_semaphore(%run_scoped3A : memref<!tpu.dma_semaphore, #tpu.memory_space<semaphore_mem>>)
        %dma_wait3A = arith.constant 0 : i32
        %dma_wait3A_131 = tpu.memref_slice %arg6[%add3A_127, %dma_wait3A] : memref<20000x128xf32, #tpu.memory_space<hbm>> -> memref<80x128xf32, #tpu.memory_space<hbm>>
        %dma_wait3A_132 = arith.constant 0 : i32
        %dma_wait3A_133 = tpu.memref_slice %arg7[%mul3A_122, %dma_wait3A_132] : memref<10000x128xf32, #tpu.memory_space<vmem_shared>> -> memref<80x128xf32, #tpu.memory_space<vmem_shared>>
        tpu.wait_dma2 semaphore(%run_scoped3A : memref<!tpu.dma_semaphore, #tpu.memory_space<semaphore_mem>>) src(%dma_wait3A_133 : memref<80x128xf32, #tpu.memory_space<vmem_shared>>) dst(%dma_wait3A_131 : memref<80x128xf32, #tpu.memory_space<hbm>>)
        tpu.yield
      }) : () -> ()
    } else {
    }
    %add3A_107 = arith.constant 96 : i32
    %add3A_108 = arith.addi %arg1, %add3A_107 : i32
    %lt3A_109 = arith.constant 125 : i32
    %lt3A_110 = arith.cmpi slt, %add3A_108, %lt3A_109 : i32
    %convert_element_type3A_111 = arith.extui %lt3A_110 : i1 to i32
    %cond3A_112 = arith.constant 0 : i32
    %cond3A_113 = arith.cmpi ne, %convert_element_type3A_111, %cond3A_112 : i32
    scf.if %cond3A_113 {
      %mul3A_121 = arith.constant 80 : i32
      %mul3A_122 = arith.muli %add3A_108, %mul3A_121 : i32
      %mul3A_123 = arith.constant 10000 : i32
      %mul3A_124 = arith.muli %arg0, %mul3A_123 : i32
      %mul3A_125 = arith.constant 80 : i32
      %mul3A_126 = arith.muli %add3A_108, %mul3A_125 : i32
      %add3A_127 = arith.addi %mul3A_124, %mul3A_126 : i32
      "tpu.region"() ({
        %run_scoped3A = tpu.sem_alloc : memref<!tpu.dma_semaphore, #tpu.memory_space<semaphore_mem>>
        %dma_start3A = arith.constant 0 : i32
        %dma_start3A_128 = tpu.memref_slice %arg6[%add3A_127, %dma_start3A] : memref<20000x128xf32, #tpu.memory_space<hbm>> -> memref<80x128xf32, #tpu.memory_space<hbm>>
        %dma_start3A_129 = arith.constant 0 : i32
        %dma_start3A_130 = tpu.memref_slice %arg7[%mul3A_122, %dma_start3A_129] : memref<10000x128xf32, #tpu.memory_space<vmem_shared>> -> memref<80x128xf32, #tpu.memory_space<vmem_shared>>
        tpu.enqueue_dma source(%dma_start3A_130 : memref<80x128xf32, #tpu.memory_space<vmem_shared>>) target(%dma_start3A_128 : memref<80x128xf32, #tpu.memory_space<hbm>>) target_semaphore(%run_scoped3A : memref<!tpu.dma_semaphore, #tpu.memory_space<semaphore_mem>>)
        %dma_wait3A = arith.constant 0 : i32
        %dma_wait3A_131 = tpu.memref_slice %arg6[%add3A_127, %dma_wait3A] : memref<20000x128xf32, #tpu.memory_space<hbm>> -> memref<80x128xf32, #tpu.memory_space<hbm>>
        %dma_wait3A_132 = arith.constant 0 : i32
        %dma_wait3A_133 = tpu.memref_slice %arg7[%mul3A_122, %dma_wait3A_132] : memref<10000x128xf32, #tpu.memory_space<vmem_shared>> -> memref<80x128xf32, #tpu.memory_space<vmem_shared>>
        tpu.wait_dma2 semaphore(%run_scoped3A : memref<!tpu.dma_semaphore, #tpu.memory_space<semaphore_mem>>) src(%dma_wait3A_133 : memref<80x128xf32, #tpu.memory_space<vmem_shared>>) dst(%dma_wait3A_131 : memref<80x128xf32, #tpu.memory_space<hbm>>)
        tpu.yield
      }) : () -> ()
    } else {
    }
    %add3A_114 = arith.constant 112 : i32
    %add3A_115 = arith.addi %arg1, %add3A_114 : i32
    %lt3A_116 = arith.constant 125 : i32
    %lt3A_117 = arith.cmpi slt, %add3A_115, %lt3A_116 : i32
    %convert_element_type3A_118 = arith.extui %lt3A_117 : i1 to i32
    %cond3A_119 = arith.constant 0 : i32
    %cond3A_120 = arith.cmpi ne, %convert_element_type3A_118, %cond3A_119 : i32
    scf.if %cond3A_120 {
      %mul3A_121 = arith.constant 80 : i32
      %mul3A_122 = arith.muli %add3A_115, %mul3A_121 : i32
      %mul3A_123 = arith.constant 10000 : i32
      %mul3A_124 = arith.muli %arg0, %mul3A_123 : i32
      %mul3A_125 = arith.constant 80 : i32
      %mul3A_126 = arith.muli %add3A_115, %mul3A_125 : i32
      %add3A_127 = arith.addi %mul3A_124, %mul3A_126 : i32
      "tpu.region"() ({
        %run_scoped3A = tpu.sem_alloc : memref<!tpu.dma_semaphore, #tpu.memory_space<semaphore_mem>>
        %dma_start3A = arith.constant 0 : i32
        %dma_start3A_128 = tpu.memref_slice %arg6[%add3A_127, %dma_start3A] : memref<20000x128xf32, #tpu.memory_space<hbm>> -> memref<80x128xf32, #tpu.memory_space<hbm>>
        %dma_start3A_129 = arith.constant 0 : i32
        %dma_start3A_130 = tpu.memref_slice %arg7[%mul3A_122, %dma_start3A_129] : memref<10000x128xf32, #tpu.memory_space<vmem_shared>> -> memref<80x128xf32, #tpu.memory_space<vmem_shared>>
        tpu.enqueue_dma source(%dma_start3A_130 : memref<80x128xf32, #tpu.memory_space<vmem_shared>>) target(%dma_start3A_128 : memref<80x128xf32, #tpu.memory_space<hbm>>) target_semaphore(%run_scoped3A : memref<!tpu.dma_semaphore, #tpu.memory_space<semaphore_mem>>)
        %dma_wait3A = arith.constant 0 : i32
        %dma_wait3A_131 = tpu.memref_slice %arg6[%add3A_127, %dma_wait3A] : memref<20000x128xf32, #tpu.memory_space<hbm>> -> memref<80x128xf32, #tpu.memory_space<hbm>>
        %dma_wait3A_132 = arith.constant 0 : i32
        %dma_wait3A_133 = tpu.memref_slice %arg7[%mul3A_122, %dma_wait3A_132] : memref<10000x128xf32, #tpu.memory_space<vmem_shared>> -> memref<80x128xf32, #tpu.memory_space<vmem_shared>>
        tpu.wait_dma2 semaphore(%run_scoped3A : memref<!tpu.dma_semaphore, #tpu.memory_space<semaphore_mem>>) src(%dma_wait3A_133 : memref<80x128xf32, #tpu.memory_space<vmem_shared>>) dst(%dma_wait3A_131 : memref<80x128xf32, #tpu.memory_space<hbm>>)
        tpu.yield
      }) : () -> ()
    } else {
    }
    return
  }
}

#map = affine_map<(d0, d1) -> (0, 0)>
#map1 = affine_map<(d0, d1) -> (0)>
module attributes {stable_mosaic.version = 14 : i64} {
  func.func @_sc_body(%arg0: i32, %arg1: i32, %arg2: memref<20000x128xf32, #tpu.memory_space<hbm>>, %arg3: memref<320000xi32, #tpu.memory_space<hbm>>, %arg4: memref<160000xi32, #tpu.memory_space<hbm>>, %arg5: memref<320000xf32, #tpu.memory_space<hbm>>, %arg6: memref<20000x128xf32, #tpu.memory_space<hbm>>, %arg7: memref<10000x128xf32, #tpu.memory_space<vmem_shared>>, %arg8: memref<80xi32, #tpu.memory_space<vmem>>, %arg9: memref<80xi32, #tpu.memory_space<vmem>>, %arg10: memref<80xf32, #tpu.memory_space<vmem>>, %arg11: memref<80x128xf32, #tpu.memory_space<vmem>>, %arg12: memref<!tpu.dma_semaphore, #tpu.memory_space<semaphore_mem>>) attributes {dimension_semantics = [#tpu.dimension_semantics<core_parallel>, #tpu.dimension_semantics<subcore_parallel>], iteration_bounds = array<i64: 2, 16>, scalar_prefetch = 0 : i64, scratch_operands = 6 : i64, tpu.core_type = #tpu.core_type<sc_vector_subcore>, window_params = [{transform_indices = #map}, {transform_indices = #map1}, {transform_indices = #map1}, {transform_indices = #map1}, {transform_indices = #map}]} {
    %scan3A = arith.constant 0 : i32
    %scan3A_0 = arith.constant 0 : i32
    %scan3A_1 = arith.constant 80 : i32
    %scan3A_2 = arith.addi %scan3A_0, %scan3A_1 : i32
    %scan3A_3 = arith.constant 1 : i32
    scf.for %scan3A_121 = %scan3A_0 to %scan3A_2 step %scan3A_3  : i32 {
      %broadcast_in_dim3A = arith.constant 0.000000e+00 : f32
      %broadcast_in_dim3A_122 = vector.broadcast %broadcast_in_dim3A : f32 to vector<16xf32>
      %swap3A = arith.index_cast %scan3A_121 : i32 to index
      %swap3A_123 = arith.constant 0 : index
      %swap3A_124 = tpu.vector_load %arg11[%swap3A, %swap3A_123] {strides = array<i32>} : memref<80x128xf32, #tpu.memory_space<vmem>>, vector<1x16xf32>,
      %swap3A_125 = vector.shape_cast %swap3A_124 : vector<1x16xf32> to vector<16xf32>
      %swap3A_126 = vector.shape_cast %broadcast_in_dim3A_122 : vector<16xf32> to vector<1x16xf32>
      tpu.vector_store %arg11[%swap3A, %swap3A_123], %swap3A_126 {strides = array<i32>} : memref<80x128xf32, #tpu.memory_space<vmem>>, vector<1x16xf32>,
      %broadcast_in_dim3A_127 = arith.constant 0.000000e+00 : f32
      %broadcast_in_dim3A_128 = vector.broadcast %broadcast_in_dim3A_127 : f32 to vector<16xf32>
      %swap3A_129 = arith.index_cast %scan3A_121 : i32 to index
      %swap3A_130 = arith.constant 16 : index
      %swap3A_131 = tpu.vector_load %arg11[%swap3A_129, %swap3A_130] {strides = array<i32>} : memref<80x128xf32, #tpu.memory_space<vmem>>, vector<1x16xf32>,
      %swap3A_132 = vector.shape_cast %swap3A_131 : vector<1x16xf32> to vector<16xf32>
      %swap3A_133 = vector.shape_cast %broadcast_in_dim3A_128 : vector<16xf32> to vector<1x16xf32>
      tpu.vector_store %arg11[%swap3A_129, %swap3A_130], %swap3A_133 {strides = array<i32>} : memref<80x128xf32, #tpu.memory_space<vmem>>, vector<1x16xf32>,
      %broadcast_in_dim3A_134 = arith.constant 0.000000e+00 : f32
      %broadcast_in_dim3A_135 = vector.broadcast %broadcast_in_dim3A_134 : f32 to vector<16xf32>
      %swap3A_136 = arith.index_cast %scan3A_121 : i32 to index
      %swap3A_137 = arith.constant 32 : index
      %swap3A_138 = tpu.vector_load %arg11[%swap3A_136, %swap3A_137] {strides = array<i32>} : memref<80x128xf32, #tpu.memory_space<vmem>>, vector<1x16xf32>,
      %swap3A_139 = vector.shape_cast %swap3A_138 : vector<1x16xf32> to vector<16xf32>
      %swap3A_140 = vector.shape_cast %broadcast_in_dim3A_135 : vector<16xf32> to vector<1x16xf32>
      tpu.vector_store %arg11[%swap3A_136, %swap3A_137], %swap3A_140 {strides = array<i32>} : memref<80x128xf32, #tpu.memory_space<vmem>>, vector<1x16xf32>,
      %broadcast_in_dim3A_141 = arith.constant 0.000000e+00 : f32
      %broadcast_in_dim3A_142 = vector.broadcast %broadcast_in_dim3A_141 : f32 to vector<16xf32>
      %swap3A_143 = arith.index_cast %scan3A_121 : i32 to index
      %swap3A_144 = arith.constant 48 : index
      %swap3A_145 = tpu.vector_load %arg11[%swap3A_143, %swap3A_144] {strides = array<i32>} : memref<80x128xf32, #tpu.memory_space<vmem>>, vector<1x16xf32>,
      %swap3A_146 = vector.shape_cast %swap3A_145 : vector<1x16xf32> to vector<16xf32>
      %swap3A_147 = vector.shape_cast %broadcast_in_dim3A_142 : vector<16xf32> to vector<1x16xf32>
      tpu.vector_store %arg11[%swap3A_143, %swap3A_144], %swap3A_147 {strides = array<i32>} : memref<80x128xf32, #tpu.memory_space<vmem>>, vector<1x16xf32>,
      %broadcast_in_dim3A_148 = arith.constant 0.000000e+00 : f32
      %broadcast_in_dim3A_149 = vector.broadcast %broadcast_in_dim3A_148 : f32 to vector<16xf32>
      %swap3A_150 = arith.index_cast %scan3A_121 : i32 to index
      %swap3A_151 = arith.constant 64 : index
      %swap3A_152 = tpu.vector_load %arg11[%swap3A_150, %swap3A_151] {strides = array<i32>} : memref<80x128xf32, #tpu.memory_space<vmem>>, vector<1x16xf32>,
      %swap3A_153 = vector.shape_cast %swap3A_152 : vector<1x16xf32> to vector<16xf32>
      %swap3A_154 = vector.shape_cast %broadcast_in_dim3A_149 : vector<16xf32> to vector<1x16xf32>
      tpu.vector_store %arg11[%swap3A_150, %swap3A_151], %swap3A_154 {strides = array<i32>} : memref<80x128xf32, #tpu.memory_space<vmem>>, vector<1x16xf32>,
      %broadcast_in_dim3A_155 = arith.constant 0.000000e+00 : f32
      %broadcast_in_dim3A_156 = vector.broadcast %broadcast_in_dim3A_155 : f32 to vector<16xf32>
      %swap3A_157 = arith.index_cast %scan3A_121 : i32 to index
      %swap3A_158 = arith.constant 80 : index
      %swap3A_159 = tpu.vector_load %arg11[%swap3A_157, %swap3A_158] {strides = array<i32>} : memref<80x128xf32, #tpu.memory_space<vmem>>, vector<1x16xf32>,
      %swap3A_160 = vector.shape_cast %swap3A_159 : vector<1x16xf32> to vector<16xf32>
      %swap3A_161 = vector.shape_cast %broadcast_in_dim3A_156 : vector<16xf32> to vector<1x16xf32>
      tpu.vector_store %arg11[%swap3A_157, %swap3A_158], %swap3A_161 {strides = array<i32>} : memref<80x128xf32, #tpu.memory_space<vmem>>, vector<1x16xf32>,
      %broadcast_in_dim3A_162 = arith.constant 0.000000e+00 : f32
      %broadcast_in_dim3A_163 = vector.broadcast %broadcast_in_dim3A_162 : f32 to vector<16xf32>
      %swap3A_164 = arith.index_cast %scan3A_121 : i32 to index
      %swap3A_165 = arith.constant 96 : index
      %swap3A_166 = tpu.vector_load %arg11[%swap3A_164, %swap3A_165] {strides = array<i32>} : memref<80x128xf32, #tpu.memory_space<vmem>>, vector<1x16xf32>,
      %swap3A_167 = vector.shape_cast %swap3A_166 : vector<1x16xf32> to vector<16xf32>
      %swap3A_168 = vector.shape_cast %broadcast_in_dim3A_163 : vector<16xf32> to vector<1x16xf32>
      tpu.vector_store %arg11[%swap3A_164, %swap3A_165], %swap3A_168 {strides = array<i32>} : memref<80x128xf32, #tpu.memory_space<vmem>>, vector<1x16xf32>,
      %broadcast_in_dim3A_169 = arith.constant 0.000000e+00 : f32
      %broadcast_in_dim3A_170 = vector.broadcast %broadcast_in_dim3A_169 : f32 to vector<16xf32>
      %swap3A_171 = arith.index_cast %scan3A_121 : i32 to index
      %swap3A_172 = arith.constant 112 : index
      %swap3A_173 = tpu.vector_load %arg11[%swap3A_171, %swap3A_172] {strides = array<i32>} : memref<80x128xf32, #tpu.memory_space<vmem>>, vector<1x16xf32>,
      %swap3A_174 = vector.shape_cast %swap3A_173 : vector<1x16xf32> to vector<16xf32>
      %swap3A_175 = vector.shape_cast %broadcast_in_dim3A_170 : vector<16xf32> to vector<1x16xf32>
      tpu.vector_store %arg11[%swap3A_171, %swap3A_172], %swap3A_175 {strides = array<i32>} : memref<80x128xf32, #tpu.memory_space<vmem>>, vector<1x16xf32>,
    }
    %scan3A_4 = arith.constant 80 : i32
    %add3A = arith.constant 0 : i32
    %add3A_5 = arith.addi %arg1, %add3A : i32
    %lt3A = arith.constant 125 : i32
    %lt3A_6 = arith.cmpi slt, %add3A_5, %lt3A : i32
    %convert_element_type3A = arith.extui %lt3A_6 : i1 to i32
    %cond3A = arith.constant 0 : i32
    %cond3A_7 = arith.cmpi ne, %convert_element_type3A, %cond3A : i32
    scf.if %cond3A_7 {
      %mul3A_121 = arith.constant 80 : i32
      %mul3A_122 = arith.muli %add3A_5, %mul3A_121 : i32
      "tpu.region"() ({
        %run_scoped3A = tpu.sem_alloc : memref<!tpu.dma_semaphore, #tpu.memory_space<semaphore_mem>>
        %dma_start3A = arith.constant 0 : i32
        %dma_start3A_123 = tpu.memref_slice %arg7[%mul3A_122, %dma_start3A] : memref<10000x128xf32, #tpu.memory_space<vmem_shared>> -> memref<80x128xf32, #tpu.memory_space<vmem_shared>>
        %dma_start3A_124 = arith.constant 0 : i32
        %dma_start3A_125 = tpu.memref_slice %arg7[%mul3A_122, %dma_start3A_124] : memref<10000x128xf32, #tpu.memory_space<vmem_shared>> -> memref<80x128xf32, #tpu.memory_space<vmem_shared>>
        tpu.enqueue_dma source(%arg11 : memref<80x128xf32, #tpu.memory_space<vmem>>) target(%dma_start3A_125 : memref<80x128xf32, #tpu.memory_space<vmem_shared>>) target_semaphore(%run_scoped3A : memref<!tpu.dma_semaphore, #tpu.memory_space<semaphore_mem>>)
        %dma_wait3A = arith.constant 0 : i32
        %dma_wait3A_126 = tpu.memref_slice %arg7[%mul3A_122, %dma_wait3A] : memref<10000x128xf32, #tpu.memory_space<vmem_shared>> -> memref<80x128xf32, #tpu.memory_space<vmem_shared>>
        %dma_wait3A_127 = arith.constant 0 : i32
        %dma_wait3A_128 = tpu.memref_slice %arg7[%mul3A_122, %dma_wait3A_127] : memref<10000x128xf32, #tpu.memory_space<vmem_shared>> -> memref<80x128xf32, #tpu.memory_space<vmem_shared>>
        tpu.wait_dma2 semaphore(%run_scoped3A : memref<!tpu.dma_semaphore, #tpu.memory_space<semaphore_mem>>) src(%arg11 : memref<80x128xf32, #tpu.memory_space<vmem>>) dst(%dma_wait3A_128 : memref<80x128xf32, #tpu.memory_space<vmem_shared>>)
        tpu.yield
      }) : () -> ()
    } else {
    }
    %add3A_8 = arith.constant 16 : i32
    %add3A_9 = arith.addi %arg1, %add3A_8 : i32
    %lt3A_10 = arith.constant 125 : i32
    %lt3A_11 = arith.cmpi slt, %add3A_9, %lt3A_10 : i32
    %convert_element_type3A_12 = arith.extui %lt3A_11 : i1 to i32
    %cond3A_13 = arith.constant 0 : i32
    %cond3A_14 = arith.cmpi ne, %convert_element_type3A_12, %cond3A_13 : i32
    scf.if %cond3A_14 {
      %mul3A_121 = arith.constant 80 : i32
      %mul3A_122 = arith.muli %add3A_9, %mul3A_121 : i32
      "tpu.region"() ({
        %run_scoped3A = tpu.sem_alloc : memref<!tpu.dma_semaphore, #tpu.memory_space<semaphore_mem>>
        %dma_start3A = arith.constant 0 : i32
        %dma_start3A_123 = tpu.memref_slice %arg7[%mul3A_122, %dma_start3A] : memref<10000x128xf32, #tpu.memory_space<vmem_shared>> -> memref<80x128xf32, #tpu.memory_space<vmem_shared>>
        %dma_start3A_124 = arith.constant 0 : i32
        %dma_start3A_125 = tpu.memref_slice %arg7[%mul3A_122, %dma_start3A_124] : memref<10000x128xf32, #tpu.memory_space<vmem_shared>> -> memref<80x128xf32, #tpu.memory_space<vmem_shared>>
        tpu.enqueue_dma source(%arg11 : memref<80x128xf32, #tpu.memory_space<vmem>>) target(%dma_start3A_125 : memref<80x128xf32, #tpu.memory_space<vmem_shared>>) target_semaphore(%run_scoped3A : memref<!tpu.dma_semaphore, #tpu.memory_space<semaphore_mem>>)
        %dma_wait3A = arith.constant 0 : i32
        %dma_wait3A_126 = tpu.memref_slice %arg7[%mul3A_122, %dma_wait3A] : memref<10000x128xf32, #tpu.memory_space<vmem_shared>> -> memref<80x128xf32, #tpu.memory_space<vmem_shared>>
        %dma_wait3A_127 = arith.constant 0 : i32
        %dma_wait3A_128 = tpu.memref_slice %arg7[%mul3A_122, %dma_wait3A_127] : memref<10000x128xf32, #tpu.memory_space<vmem_shared>> -> memref<80x128xf32, #tpu.memory_space<vmem_shared>>
        tpu.wait_dma2 semaphore(%run_scoped3A : memref<!tpu.dma_semaphore, #tpu.memory_space<semaphore_mem>>) src(%arg11 : memref<80x128xf32, #tpu.memory_space<vmem>>) dst(%dma_wait3A_128 : memref<80x128xf32, #tpu.memory_space<vmem_shared>>)
        tpu.yield
      }) : () -> ()
    } else {
    }
    %add3A_15 = arith.constant 32 : i32
    %add3A_16 = arith.addi %arg1, %add3A_15 : i32
    %lt3A_17 = arith.constant 125 : i32
    %lt3A_18 = arith.cmpi slt, %add3A_16, %lt3A_17 : i32
    %convert_element_type3A_19 = arith.extui %lt3A_18 : i1 to i32
    %cond3A_20 = arith.constant 0 : i32
    %cond3A_21 = arith.cmpi ne, %convert_element_type3A_19, %cond3A_20 : i32
    scf.if %cond3A_21 {
      %mul3A_121 = arith.constant 80 : i32
      %mul3A_122 = arith.muli %add3A_16, %mul3A_121 : i32
      "tpu.region"() ({
        %run_scoped3A = tpu.sem_alloc : memref<!tpu.dma_semaphore, #tpu.memory_space<semaphore_mem>>
        %dma_start3A = arith.constant 0 : i32
        %dma_start3A_123 = tpu.memref_slice %arg7[%mul3A_122, %dma_start3A] : memref<10000x128xf32, #tpu.memory_space<vmem_shared>> -> memref<80x128xf32, #tpu.memory_space<vmem_shared>>
        %dma_start3A_124 = arith.constant 0 : i32
        %dma_start3A_125 = tpu.memref_slice %arg7[%mul3A_122, %dma_start3A_124] : memref<10000x128xf32, #tpu.memory_space<vmem_shared>> -> memref<80x128xf32, #tpu.memory_space<vmem_shared>>
        tpu.enqueue_dma source(%arg11 : memref<80x128xf32, #tpu.memory_space<vmem>>) target(%dma_start3A_125 : memref<80x128xf32, #tpu.memory_space<vmem_shared>>) target_semaphore(%run_scoped3A : memref<!tpu.dma_semaphore, #tpu.memory_space<semaphore_mem>>)
        %dma_wait3A = arith.constant 0 : i32
        %dma_wait3A_126 = tpu.memref_slice %arg7[%mul3A_122, %dma_wait3A] : memref<10000x128xf32, #tpu.memory_space<vmem_shared>> -> memref<80x128xf32, #tpu.memory_space<vmem_shared>>
        %dma_wait3A_127 = arith.constant 0 : i32
        %dma_wait3A_128 = tpu.memref_slice %arg7[%mul3A_122, %dma_wait3A_127] : memref<10000x128xf32, #tpu.memory_space<vmem_shared>> -> memref<80x128xf32, #tpu.memory_space<vmem_shared>>
        tpu.wait_dma2 semaphore(%run_scoped3A : memref<!tpu.dma_semaphore, #tpu.memory_space<semaphore_mem>>) src(%arg11 : memref<80x128xf32, #tpu.memory_space<vmem>>) dst(%dma_wait3A_128 : memref<80x128xf32, #tpu.memory_space<vmem_shared>>)
        tpu.yield
      }) : () -> ()
    } else {
    }
    %add3A_22 = arith.constant 48 : i32
    %add3A_23 = arith.addi %arg1, %add3A_22 : i32
    %lt3A_24 = arith.constant 125 : i32
    %lt3A_25 = arith.cmpi slt, %add3A_23, %lt3A_24 : i32
    %convert_element_type3A_26 = arith.extui %lt3A_25 : i1 to i32
    %cond3A_27 = arith.constant 0 : i32
    %cond3A_28 = arith.cmpi ne, %convert_element_type3A_26, %cond3A_27 : i32
    scf.if %cond3A_28 {
      %mul3A_121 = arith.constant 80 : i32
      %mul3A_122 = arith.muli %add3A_23, %mul3A_121 : i32
      "tpu.region"() ({
        %run_scoped3A = tpu.sem_alloc : memref<!tpu.dma_semaphore, #tpu.memory_space<semaphore_mem>>
        %dma_start3A = arith.constant 0 : i32
        %dma_start3A_123 = tpu.memref_slice %arg7[%mul3A_122, %dma_start3A] : memref<10000x128xf32, #tpu.memory_space<vmem_shared>> -> memref<80x128xf32, #tpu.memory_space<vmem_shared>>
        %dma_start3A_124 = arith.constant 0 : i32
        %dma_start3A_125 = tpu.memref_slice %arg7[%mul3A_122, %dma_start3A_124] : memref<10000x128xf32, #tpu.memory_space<vmem_shared>> -> memref<80x128xf32, #tpu.memory_space<vmem_shared>>
        tpu.enqueue_dma source(%arg11 : memref<80x128xf32, #tpu.memory_space<vmem>>) target(%dma_start3A_125 : memref<80x128xf32, #tpu.memory_space<vmem_shared>>) target_semaphore(%run_scoped3A : memref<!tpu.dma_semaphore, #tpu.memory_space<semaphore_mem>>)
        %dma_wait3A = arith.constant 0 : i32
        %dma_wait3A_126 = tpu.memref_slice %arg7[%mul3A_122, %dma_wait3A] : memref<10000x128xf32, #tpu.memory_space<vmem_shared>> -> memref<80x128xf32, #tpu.memory_space<vmem_shared>>
        %dma_wait3A_127 = arith.constant 0 : i32
        %dma_wait3A_128 = tpu.memref_slice %arg7[%mul3A_122, %dma_wait3A_127] : memref<10000x128xf32, #tpu.memory_space<vmem_shared>> -> memref<80x128xf32, #tpu.memory_space<vmem_shared>>
        tpu.wait_dma2 semaphore(%run_scoped3A : memref<!tpu.dma_semaphore, #tpu.memory_space<semaphore_mem>>) src(%arg11 : memref<80x128xf32, #tpu.memory_space<vmem>>) dst(%dma_wait3A_128 : memref<80x128xf32, #tpu.memory_space<vmem_shared>>)
        tpu.yield
      }) : () -> ()
    } else {
    }
    %add3A_29 = arith.constant 64 : i32
    %add3A_30 = arith.addi %arg1, %add3A_29 : i32
    %lt3A_31 = arith.constant 125 : i32
    %lt3A_32 = arith.cmpi slt, %add3A_30, %lt3A_31 : i32
    %convert_element_type3A_33 = arith.extui %lt3A_32 : i1 to i32
    %cond3A_34 = arith.constant 0 : i32
    %cond3A_35 = arith.cmpi ne, %convert_element_type3A_33, %cond3A_34 : i32
    scf.if %cond3A_35 {
      %mul3A_121 = arith.constant 80 : i32
      %mul3A_122 = arith.muli %add3A_30, %mul3A_121 : i32
      "tpu.region"() ({
        %run_scoped3A = tpu.sem_alloc : memref<!tpu.dma_semaphore, #tpu.memory_space<semaphore_mem>>
        %dma_start3A = arith.constant 0 : i32
        %dma_start3A_123 = tpu.memref_slice %arg7[%mul3A_122, %dma_start3A] : memref<10000x128xf32, #tpu.memory_space<vmem_shared>> -> memref<80x128xf32, #tpu.memory_space<vmem_shared>>
        %dma_start3A_124 = arith.constant 0 : i32
        %dma_start3A_125 = tpu.memref_slice %arg7[%mul3A_122, %dma_start3A_124] : memref<10000x128xf32, #tpu.memory_space<vmem_shared>> -> memref<80x128xf32, #tpu.memory_space<vmem_shared>>
        tpu.enqueue_dma source(%arg11 : memref<80x128xf32, #tpu.memory_space<vmem>>) target(%dma_start3A_125 : memref<80x128xf32, #tpu.memory_space<vmem_shared>>) target_semaphore(%run_scoped3A : memref<!tpu.dma_semaphore, #tpu.memory_space<semaphore_mem>>)
        %dma_wait3A = arith.constant 0 : i32
        %dma_wait3A_126 = tpu.memref_slice %arg7[%mul3A_122, %dma_wait3A] : memref<10000x128xf32, #tpu.memory_space<vmem_shared>> -> memref<80x128xf32, #tpu.memory_space<vmem_shared>>
        %dma_wait3A_127 = arith.constant 0 : i32
        %dma_wait3A_128 = tpu.memref_slice %arg7[%mul3A_122, %dma_wait3A_127] : memref<10000x128xf32, #tpu.memory_space<vmem_shared>> -> memref<80x128xf32, #tpu.memory_space<vmem_shared>>
        tpu.wait_dma2 semaphore(%run_scoped3A : memref<!tpu.dma_semaphore, #tpu.memory_space<semaphore_mem>>) src(%arg11 : memref<80x128xf32, #tpu.memory_space<vmem>>) dst(%dma_wait3A_128 : memref<80x128xf32, #tpu.memory_space<vmem_shared>>)
        tpu.yield
      }) : () -> ()
    } else {
    }
    %add3A_36 = arith.constant 80 : i32
    %add3A_37 = arith.addi %arg1, %add3A_36 : i32
    %lt3A_38 = arith.constant 125 : i32
    %lt3A_39 = arith.cmpi slt, %add3A_37, %lt3A_38 : i32
    %convert_element_type3A_40 = arith.extui %lt3A_39 : i1 to i32
    %cond3A_41 = arith.constant 0 : i32
    %cond3A_42 = arith.cmpi ne, %convert_element_type3A_40, %cond3A_41 : i32
    scf.if %cond3A_42 {
      %mul3A_121 = arith.constant 80 : i32
      %mul3A_122 = arith.muli %add3A_37, %mul3A_121 : i32
      "tpu.region"() ({
        %run_scoped3A = tpu.sem_alloc : memref<!tpu.dma_semaphore, #tpu.memory_space<semaphore_mem>>
        %dma_start3A = arith.constant 0 : i32
        %dma_start3A_123 = tpu.memref_slice %arg7[%mul3A_122, %dma_start3A] : memref<10000x128xf32, #tpu.memory_space<vmem_shared>> -> memref<80x128xf32, #tpu.memory_space<vmem_shared>>
        %dma_start3A_124 = arith.constant 0 : i32
        %dma_start3A_125 = tpu.memref_slice %arg7[%mul3A_122, %dma_start3A_124] : memref<10000x128xf32, #tpu.memory_space<vmem_shared>> -> memref<80x128xf32, #tpu.memory_space<vmem_shared>>
        tpu.enqueue_dma source(%arg11 : memref<80x128xf32, #tpu.memory_space<vmem>>) target(%dma_start3A_125 : memref<80x128xf32, #tpu.memory_space<vmem_shared>>) target_semaphore(%run_scoped3A : memref<!tpu.dma_semaphore, #tpu.memory_space<semaphore_mem>>)
        %dma_wait3A = arith.constant 0 : i32
        %dma_wait3A_126 = tpu.memref_slice %arg7[%mul3A_122, %dma_wait3A] : memref<10000x128xf32, #tpu.memory_space<vmem_shared>> -> memref<80x128xf32, #tpu.memory_space<vmem_shared>>
        %dma_wait3A_127 = arith.constant 0 : i32
        %dma_wait3A_128 = tpu.memref_slice %arg7[%mul3A_122, %dma_wait3A_127] : memref<10000x128xf32, #tpu.memory_space<vmem_shared>> -> memref<80x128xf32, #tpu.memory_space<vmem_shared>>
        tpu.wait_dma2 semaphore(%run_scoped3A : memref<!tpu.dma_semaphore, #tpu.memory_space<semaphore_mem>>) src(%arg11 : memref<80x128xf32, #tpu.memory_space<vmem>>) dst(%dma_wait3A_128 : memref<80x128xf32, #tpu.memory_space<vmem_shared>>)
        tpu.yield
      }) : () -> ()
    } else {
    }
    %add3A_43 = arith.constant 96 : i32
    %add3A_44 = arith.addi %arg1, %add3A_43 : i32
    %lt3A_45 = arith.constant 125 : i32
    %lt3A_46 = arith.cmpi slt, %add3A_44, %lt3A_45 : i32
    %convert_element_type3A_47 = arith.extui %lt3A_46 : i1 to i32
    %cond3A_48 = arith.constant 0 : i32
    %cond3A_49 = arith.cmpi ne, %convert_element_type3A_47, %cond3A_48 : i32
    scf.if %cond3A_49 {
      %mul3A_121 = arith.constant 80 : i32
      %mul3A_122 = arith.muli %add3A_44, %mul3A_121 : i32
      "tpu.region"() ({
        %run_scoped3A = tpu.sem_alloc : memref<!tpu.dma_semaphore, #tpu.memory_space<semaphore_mem>>
        %dma_start3A = arith.constant 0 : i32
        %dma_start3A_123 = tpu.memref_slice %arg7[%mul3A_122, %dma_start3A] : memref<10000x128xf32, #tpu.memory_space<vmem_shared>> -> memref<80x128xf32, #tpu.memory_space<vmem_shared>>
        %dma_start3A_124 = arith.constant 0 : i32
        %dma_start3A_125 = tpu.memref_slice %arg7[%mul3A_122, %dma_start3A_124] : memref<10000x128xf32, #tpu.memory_space<vmem_shared>> -> memref<80x128xf32, #tpu.memory_space<vmem_shared>>
        tpu.enqueue_dma source(%arg11 : memref<80x128xf32, #tpu.memory_space<vmem>>) target(%dma_start3A_125 : memref<80x128xf32, #tpu.memory_space<vmem_shared>>) target_semaphore(%run_scoped3A : memref<!tpu.dma_semaphore, #tpu.memory_space<semaphore_mem>>)
        %dma_wait3A = arith.constant 0 : i32
        %dma_wait3A_126 = tpu.memref_slice %arg7[%mul3A_122, %dma_wait3A] : memref<10000x128xf32, #tpu.memory_space<vmem_shared>> -> memref<80x128xf32, #tpu.memory_space<vmem_shared>>
        %dma_wait3A_127 = arith.constant 0 : i32
        %dma_wait3A_128 = tpu.memref_slice %arg7[%mul3A_122, %dma_wait3A_127] : memref<10000x128xf32, #tpu.memory_space<vmem_shared>> -> memref<80x128xf32, #tpu.memory_space<vmem_shared>>
        tpu.wait_dma2 semaphore(%run_scoped3A : memref<!tpu.dma_semaphore, #tpu.memory_space<semaphore_mem>>) src(%arg11 : memref<80x128xf32, #tpu.memory_space<vmem>>) dst(%dma_wait3A_128 : memref<80x128xf32, #tpu.memory_space<vmem_shared>>)
        tpu.yield
      }) : () -> ()
    } else {
    }
    %add3A_50 = arith.constant 112 : i32
    %add3A_51 = arith.addi %arg1, %add3A_50 : i32
    %lt3A_52 = arith.constant 125 : i32
    %lt3A_53 = arith.cmpi slt, %add3A_51, %lt3A_52 : i32
    %convert_element_type3A_54 = arith.extui %lt3A_53 : i1 to i32
    %cond3A_55 = arith.constant 0 : i32
    %cond3A_56 = arith.cmpi ne, %convert_element_type3A_54, %cond3A_55 : i32
    scf.if %cond3A_56 {
      %mul3A_121 = arith.constant 80 : i32
      %mul3A_122 = arith.muli %add3A_51, %mul3A_121 : i32
      "tpu.region"() ({
        %run_scoped3A = tpu.sem_alloc : memref<!tpu.dma_semaphore, #tpu.memory_space<semaphore_mem>>
        %dma_start3A = arith.constant 0 : i32
        %dma_start3A_123 = tpu.memref_slice %arg7[%mul3A_122, %dma_start3A] : memref<10000x128xf32, #tpu.memory_space<vmem_shared>> -> memref<80x128xf32, #tpu.memory_space<vmem_shared>>
        %dma_start3A_124 = arith.constant 0 : i32
        %dma_start3A_125 = tpu.memref_slice %arg7[%mul3A_122, %dma_start3A_124] : memref<10000x128xf32, #tpu.memory_space<vmem_shared>> -> memref<80x128xf32, #tpu.memory_space<vmem_shared>>
        tpu.enqueue_dma source(%arg11 : memref<80x128xf32, #tpu.memory_space<vmem>>) target(%dma_start3A_125 : memref<80x128xf32, #tpu.memory_space<vmem_shared>>) target_semaphore(%run_scoped3A : memref<!tpu.dma_semaphore, #tpu.memory_space<semaphore_mem>>)
        %dma_wait3A = arith.constant 0 : i32
        %dma_wait3A_126 = tpu.memref_slice %arg7[%mul3A_122, %dma_wait3A] : memref<10000x128xf32, #tpu.memory_space<vmem_shared>> -> memref<80x128xf32, #tpu.memory_space<vmem_shared>>
        %dma_wait3A_127 = arith.constant 0 : i32
        %dma_wait3A_128 = tpu.memref_slice %arg7[%mul3A_122, %dma_wait3A_127] : memref<10000x128xf32, #tpu.memory_space<vmem_shared>> -> memref<80x128xf32, #tpu.memory_space<vmem_shared>>
        tpu.wait_dma2 semaphore(%run_scoped3A : memref<!tpu.dma_semaphore, #tpu.memory_space<semaphore_mem>>) src(%arg11 : memref<80x128xf32, #tpu.memory_space<vmem>>) dst(%dma_wait3A_128 : memref<80x128xf32, #tpu.memory_space<vmem_shared>>)
        tpu.yield
      }) : () -> ()
    } else {
    }
    %barrier3A = arith.constant 0 : index
    tpu.barrier barrier_id(%barrier3A)
    %mul3A = arith.constant 10000 : i32
    %mul3A_57 = arith.muli %arg1, %mul3A : i32
    %scan3A_58 = arith.constant 0 : i32
    %scan3A_59 = arith.constant 0 : i32
    %scan3A_60 = arith.constant 125 : i32
    %scan3A_61 = arith.addi %scan3A_59, %scan3A_60 : i32
    %scan3A_62 = arith.constant 1 : i32
    scf.for %scan3A_121 = %scan3A_59 to %scan3A_61 step %scan3A_62  : i32 {
      %mul3A_122 = arith.constant 80 : i32
      %mul3A_123 = arith.muli %scan3A_121, %mul3A_122 : i32
      %add3A_124 = arith.addi %mul3A_57, %mul3A_123 : i32
      %mul3A_125 = arith.constant 160000 : i32
      %mul3A_126 = arith.muli %arg0, %mul3A_125 : i32
      %add3A_127 = arith.addi %mul3A_126, %add3A_124 : i32
      "tpu.region"() ({
        %run_scoped3A = tpu.sem_alloc : memref<!tpu.dma_semaphore, #tpu.memory_space<semaphore_mem>>
        %dma_start3A_141 = tpu.memref_slice %arg3[%add3A_127] : memref<320000xi32, #tpu.memory_space<hbm>> -> memref<80xi32, #tpu.memory_space<hbm>>
        %dma_start3A_142 = tpu.memref_slice %arg3[%add3A_127] : memref<320000xi32, #tpu.memory_space<hbm>> -> memref<80xi32, #tpu.memory_space<hbm>>
        tpu.enqueue_dma source(%dma_start3A_142 : memref<80xi32, #tpu.memory_space<hbm>>) target(%arg8 : memref<80xi32, #tpu.memory_space<vmem>>) target_semaphore(%run_scoped3A : memref<!tpu.dma_semaphore, #tpu.memory_space<semaphore_mem>>)
        %dma_wait3A_143 = tpu.memref_slice %arg3[%add3A_127] : memref<320000xi32, #tpu.memory_space<hbm>> -> memref<80xi32, #tpu.memory_space<hbm>>
        %dma_wait3A_144 = tpu.memref_slice %arg3[%add3A_127] : memref<320000xi32, #tpu.memory_space<hbm>> -> memref<80xi32, #tpu.memory_space<hbm>>
        tpu.wait_dma2 semaphore(%run_scoped3A : memref<!tpu.dma_semaphore, #tpu.memory_space<semaphore_mem>>) src(%dma_wait3A_144 : memref<80xi32, #tpu.memory_space<hbm>>) dst(%arg8 : memref<80xi32, #tpu.memory_space<vmem>>)
        tpu.yield
      }) : () -> ()
      "tpu.region"() ({
        %run_scoped3A = tpu.sem_alloc : memref<!tpu.dma_semaphore, #tpu.memory_space<semaphore_mem>>
        %dma_start3A_141 = tpu.memref_slice %arg4[%add3A_124] : memref<160000xi32, #tpu.memory_space<hbm>> -> memref<80xi32, #tpu.memory_space<hbm>>
        %dma_start3A_142 = tpu.memref_slice %arg4[%add3A_124] : memref<160000xi32, #tpu.memory_space<hbm>> -> memref<80xi32, #tpu.memory_space<hbm>>
        tpu.enqueue_dma source(%dma_start3A_142 : memref<80xi32, #tpu.memory_space<hbm>>) target(%arg9 : memref<80xi32, #tpu.memory_space<vmem>>) target_semaphore(%run_scoped3A : memref<!tpu.dma_semaphore, #tpu.memory_space<semaphore_mem>>)
        %dma_wait3A_143 = tpu.memref_slice %arg4[%add3A_124] : memref<160000xi32, #tpu.memory_space<hbm>> -> memref<80xi32, #tpu.memory_space<hbm>>
        %dma_wait3A_144 = tpu.memref_slice %arg4[%add3A_124] : memref<160000xi32, #tpu.memory_space<hbm>> -> memref<80xi32, #tpu.memory_space<hbm>>
        tpu.wait_dma2 semaphore(%run_scoped3A : memref<!tpu.dma_semaphore, #tpu.memory_space<semaphore_mem>>) src(%dma_wait3A_144 : memref<80xi32, #tpu.memory_space<hbm>>) dst(%arg9 : memref<80xi32, #tpu.memory_space<vmem>>)
        tpu.yield
      }) : () -> ()
      %mul3A_128 = arith.constant 160000 : i32
      %mul3A_129 = arith.muli %arg0, %mul3A_128 : i32
      %add3A_130 = arith.addi %mul3A_129, %add3A_124 : i32
      "tpu.region"() ({
        %run_scoped3A = tpu.sem_alloc : memref<!tpu.dma_semaphore, #tpu.memory_space<semaphore_mem>>
        %dma_start3A_141 = tpu.memref_slice %arg5[%add3A_130] : memref<320000xf32, #tpu.memory_space<hbm>> -> memref<80xf32, #tpu.memory_space<hbm>>
        %dma_start3A_142 = tpu.memref_slice %arg5[%add3A_130] : memref<320000xf32, #tpu.memory_space<hbm>> -> memref<80xf32, #tpu.memory_space<hbm>>
        tpu.enqueue_dma source(%dma_start3A_142 : memref<80xf32, #tpu.memory_space<hbm>>) target(%arg10 : memref<80xf32, #tpu.memory_space<vmem>>) target_semaphore(%run_scoped3A : memref<!tpu.dma_semaphore, #tpu.memory_space<semaphore_mem>>)
        %dma_wait3A_143 = tpu.memref_slice %arg5[%add3A_130] : memref<320000xf32, #tpu.memory_space<hbm>> -> memref<80xf32, #tpu.memory_space<hbm>>
        %dma_wait3A_144 = tpu.memref_slice %arg5[%add3A_130] : memref<320000xf32, #tpu.memory_space<hbm>> -> memref<80xf32, #tpu.memory_space<hbm>>
        tpu.wait_dma2 semaphore(%run_scoped3A : memref<!tpu.dma_semaphore, #tpu.memory_space<semaphore_mem>>) src(%dma_wait3A_144 : memref<80xf32, #tpu.memory_space<hbm>>) dst(%arg10 : memref<80xf32, #tpu.memory_space<vmem>>)
        tpu.yield
      }) : () -> ()
      %dma_start3A = arith.constant 0 : i32
      %dma_start3A_131 = arith.constant 0 : i32
      %dma_start3A_132 = tpu.memref_slice %arg2[%dma_start3A, %dma_start3A_131] : memref<20000x128xf32, #tpu.memory_space<hbm>> -> memref<20000x128xf32, #tpu.memory_space<hbm>>
      tpu.enqueue_indirect_dma source(%dma_start3A_132 : memref<20000x128xf32, #tpu.memory_space<hbm>>) target(%arg11 : memref<80x128xf32, #tpu.memory_space<vmem>>) offsets(%arg8 : memref<80xi32, #tpu.memory_space<vmem>>) semaphore(%arg12 : memref<!tpu.dma_semaphore, #tpu.memory_space<semaphore_mem>>)
      %dma_wait3A = arith.constant 0 : i32
      %dma_wait3A_133 = arith.constant 0 : i32
      %dma_wait3A_134 = tpu.memref_slice %arg2[%dma_wait3A, %dma_wait3A_133] : memref<20000x128xf32, #tpu.memory_space<hbm>> -> memref<20000x128xf32, #tpu.memory_space<hbm>>
      tpu.wait_indirect_dma semaphore(%arg12 : memref<!tpu.dma_semaphore, #tpu.memory_space<semaphore_mem>>) src(%dma_wait3A_134 : memref<20000x128xf32, #tpu.memory_space<hbm>>) dst(%arg11 : memref<80x128xf32, #tpu.memory_space<vmem>>)
      %scan3A_135 = arith.constant 0 : i32
      %scan3A_136 = arith.constant 0 : i32
      %scan3A_137 = arith.constant 5 : i32
      %scan3A_138 = arith.addi %scan3A_136, %scan3A_137 : i32
      %scan3A_139 = arith.constant 1 : i32
      scf.for %scan3A_141 = %scan3A_136 to %scan3A_138 step %scan3A_139  : i32 {
        %mul3A_142 = arith.constant 16 : i32
        %mul3A_143 = arith.muli %scan3A_141, %mul3A_142 : i32
        %get3A = arith.index_cast %mul3A_143 : i32 to index
        %get3A_144 = tpu.vector_load %arg10[%get3A] {strides = array<i32>} : memref<80xf32, #tpu.memory_space<vmem>>, vector<16xf32>,
        %get3A_145 = vector.shape_cast %get3A_144 : vector<16xf32> to vector<16xf32>
        %broadcast_in_dim3A = arith.constant 0.000000e+00 : f32
        %broadcast_in_dim3A_146 = vector.broadcast %broadcast_in_dim3A : f32 to vector<16xf32>
        %slice3A = vector.extract_strided_slice %get3A_145 {offsets = [0], sizes = [1], strides = [1]} : vector<16xf32> to vector<1xf32>
        %squeeze3A = vector.extract %slice3A[0] : f32 from vector<1xf32>
        %add3A_147 = vector.broadcast %squeeze3A : f32 to vector<16xf32>
        %add3A_148 = arith.addf %broadcast_in_dim3A_146, %add3A_147 : vector<16xf32>
        %mul3A_149 = arith.constant 16 : i32
        %mul3A_150 = arith.muli %scan3A_141, %mul3A_149 : i32
        %add3A_151 = arith.constant 0 : i32
        %add3A_152 = arith.addi %mul3A_150, %add3A_151 : i32
        %get3A_153 = arith.index_cast %add3A_152 : i32 to index
        %get3A_154 = arith.constant 0 : index
        %get3A_155 = tpu.vector_load %arg11[%get3A_153, %get3A_154] {strides = array<i32>} : memref<80x128xf32, #tpu.memory_space<vmem>>, vector<1x16xf32>,
        %get3A_156 = vector.shape_cast %get3A_155 : vector<1x16xf32> to vector<16xf32>
        %mul3A_157 = arith.mulf %get3A_156, %add3A_148 : vector<16xf32>
        %swap3A = arith.index_cast %add3A_152 : i32 to index
        %swap3A_158 = arith.constant 0 : index
        %swap3A_159 = tpu.vector_load %arg11[%swap3A, %swap3A_158] {strides = array<i32>} : memref<80x128xf32, #tpu.memory_space<vmem>>, vector<1x16xf32>,
        %swap3A_160 = vector.shape_cast %swap3A_159 : vector<1x16xf32> to vector<16xf32>
        %swap3A_161 = vector.shape_cast %mul3A_157 : vector<16xf32> to vector<1x16xf32>
        tpu.vector_store %arg11[%swap3A, %swap3A_158], %swap3A_161 {strides = array<i32>} : memref<80x128xf32, #tpu.memory_space<vmem>>, vector<1x16xf32>,
        %get3A_162 = arith.index_cast %add3A_152 : i32 to index
        %get3A_163 = arith.constant 16 : index
        %get3A_164 = tpu.vector_load %arg11[%get3A_162, %get3A_163] {strides = array<i32>} : memref<80x128xf32, #tpu.memory_space<vmem>>, vector<1x16xf32>,
        %get3A_165 = vector.shape_cast %get3A_164 : vector<1x16xf32> to vector<16xf32>
        %mul3A_166 = arith.mulf %get3A_165, %add3A_148 : vector<16xf32>
        %swap3A_167 = arith.index_cast %add3A_152 : i32 to index
        %swap3A_168 = arith.constant 16 : index
        %swap3A_169 = tpu.vector_load %arg11[%swap3A_167, %swap3A_168] {strides = array<i32>} : memref<80x128xf32, #tpu.memory_space<vmem>>, vector<1x16xf32>,
        %swap3A_170 = vector.shape_cast %swap3A_169 : vector<1x16xf32> to vector<16xf32>
        %swap3A_171 = vector.shape_cast %mul3A_166 : vector<16xf32> to vector<1x16xf32>
        tpu.vector_store %arg11[%swap3A_167, %swap3A_168], %swap3A_171 {strides = array<i32>} : memref<80x128xf32, #tpu.memory_space<vmem>>, vector<1x16xf32>,
        %get3A_172 = arith.index_cast %add3A_152 : i32 to index
        %get3A_173 = arith.constant 32 : index
        %get3A_174 = tpu.vector_load %arg11[%get3A_172, %get3A_173] {strides = array<i32>} : memref<80x128xf32, #tpu.memory_space<vmem>>, vector<1x16xf32>,
        %get3A_175 = vector.shape_cast %get3A_174 : vector<1x16xf32> to vector<16xf32>
        %mul3A_176 = arith.mulf %get3A_175, %add3A_148 : vector<16xf32>
        %swap3A_177 = arith.index_cast %add3A_152 : i32 to index
        %swap3A_178 = arith.constant 32 : index
        %swap3A_179 = tpu.vector_load %arg11[%swap3A_177, %swap3A_178] {strides = array<i32>} : memref<80x128xf32, #tpu.memory_space<vmem>>, vector<1x16xf32>,
        %swap3A_180 = vector.shape_cast %swap3A_179 : vector<1x16xf32> to vector<16xf32>
        %swap3A_181 = vector.shape_cast %mul3A_176 : vector<16xf32> to vector<1x16xf32>
        tpu.vector_store %arg11[%swap3A_177, %swap3A_178], %swap3A_181 {strides = array<i32>} : memref<80x128xf32, #tpu.memory_space<vmem>>, vector<1x16xf32>,
        %get3A_182 = arith.index_cast %add3A_152 : i32 to index
        %get3A_183 = arith.constant 48 : index
        %get3A_184 = tpu.vector_load %arg11[%get3A_182, %get3A_183] {strides = array<i32>} : memref<80x128xf32, #tpu.memory_space<vmem>>, vector<1x16xf32>,
        %get3A_185 = vector.shape_cast %get3A_184 : vector<1x16xf32> to vector<16xf32>
        %mul3A_186 = arith.mulf %get3A_185, %add3A_148 : vector<16xf32>
        %swap3A_187 = arith.index_cast %add3A_152 : i32 to index
        %swap3A_188 = arith.constant 48 : index
        %swap3A_189 = tpu.vector_load %arg11[%swap3A_187, %swap3A_188] {strides = array<i32>} : memref<80x128xf32, #tpu.memory_space<vmem>>, vector<1x16xf32>,
        %swap3A_190 = vector.shape_cast %swap3A_189 : vector<1x16xf32> to vector<16xf32>
        %swap3A_191 = vector.shape_cast %mul3A_186 : vector<16xf32> to vector<1x16xf32>
        tpu.vector_store %arg11[%swap3A_187, %swap3A_188], %swap3A_191 {strides = array<i32>} : memref<80x128xf32, #tpu.memory_space<vmem>>, vector<1x16xf32>,
        %get3A_192 = arith.index_cast %add3A_152 : i32 to index
        %get3A_193 = arith.constant 64 : index
        %get3A_194 = tpu.vector_load %arg11[%get3A_192, %get3A_193] {strides = array<i32>} : memref<80x128xf32, #tpu.memory_space<vmem>>, vector<1x16xf32>,
        %get3A_195 = vector.shape_cast %get3A_194 : vector<1x16xf32> to vector<16xf32>
        %mul3A_196 = arith.mulf %get3A_195, %add3A_148 : vector<16xf32>
        %swap3A_197 = arith.index_cast %add3A_152 : i32 to index
        %swap3A_198 = arith.constant 64 : index
        %swap3A_199 = tpu.vector_load %arg11[%swap3A_197, %swap3A_198] {strides = array<i32>} : memref<80x128xf32, #tpu.memory_space<vmem>>, vector<1x16xf32>,
        %swap3A_200 = vector.shape_cast %swap3A_199 : vector<1x16xf32> to vector<16xf32>
        %swap3A_201 = vector.shape_cast %mul3A_196 : vector<16xf32> to vector<1x16xf32>
        tpu.vector_store %arg11[%swap3A_197, %swap3A_198], %swap3A_201 {strides = array<i32>} : memref<80x128xf32, #tpu.memory_space<vmem>>, vector<1x16xf32>,
        %get3A_202 = arith.index_cast %add3A_152 : i32 to index
        %get3A_203 = arith.constant 80 : index
        %get3A_204 = tpu.vector_load %arg11[%get3A_202, %get3A_203] {strides = array<i32>} : memref<80x128xf32, #tpu.memory_space<vmem>>, vector<1x16xf32>,
        %get3A_205 = vector.shape_cast %get3A_204 : vector<1x16xf32> to vector<16xf32>
        %mul3A_206 = arith.mulf %get3A_205, %add3A_148 : vector<16xf32>
        %swap3A_207 = arith.index_cast %add3A_152 : i32 to index
        %swap3A_208 = arith.constant 80 : index
        %swap3A_209 = tpu.vector_load %arg11[%swap3A_207, %swap3A_208] {strides = array<i32>} : memref<80x128xf32, #tpu.memory_space<vmem>>, vector<1x16xf32>,
        %swap3A_210 = vector.shape_cast %swap3A_209 : vector<1x16xf32> to vector<16xf32>
        %swap3A_211 = vector.shape_cast %mul3A_206 : vector<16xf32> to vector<1x16xf32>
        tpu.vector_store %arg11[%swap3A_207, %swap3A_208], %swap3A_211 {strides = array<i32>} : memref<80x128xf32, #tpu.memory_space<vmem>>, vector<1x16xf32>,
        %get3A_212 = arith.index_cast %add3A_152 : i32 to index
        %get3A_213 = arith.constant 96 : index
        %get3A_214 = tpu.vector_load %arg11[%get3A_212, %get3A_213] {strides = array<i32>} : memref<80x128xf32, #tpu.memory_space<vmem>>, vector<1x16xf32>,
        %get3A_215 = vector.shape_cast %get3A_214 : vector<1x16xf32> to vector<16xf32>
        %mul3A_216 = arith.mulf %get3A_215, %add3A_148 : vector<16xf32>
        %swap3A_217 = arith.index_cast %add3A_152 : i32 to index
        %swap3A_218 = arith.constant 96 : index
        %swap3A_219 = tpu.vector_load %arg11[%swap3A_217, %swap3A_218] {strides = array<i32>} : memref<80x128xf32, #tpu.memory_space<vmem>>, vector<1x16xf32>,
        %swap3A_220 = vector.shape_cast %swap3A_219 : vector<1x16xf32> to vector<16xf32>
        %swap3A_221 = vector.shape_cast %mul3A_216 : vector<16xf32> to vector<1x16xf32>
        tpu.vector_store %arg11[%swap3A_217, %swap3A_218], %swap3A_221 {strides = array<i32>} : memref<80x128xf32, #tpu.memory_space<vmem>>, vector<1x16xf32>,
        %get3A_222 = arith.index_cast %add3A_152 : i32 to index
        %get3A_223 = arith.constant 112 : index
        %get3A_224 = tpu.vector_load %arg11[%get3A_222, %get3A_223] {strides = array<i32>} : memref<80x128xf32, #tpu.memory_space<vmem>>, vector<1x16xf32>,
        %get3A_225 = vector.shape_cast %get3A_224 : vector<1x16xf32> to vector<16xf32>
        %mul3A_226 = arith.mulf %get3A_225, %add3A_148 : vector<16xf32>
        %swap3A_227 = arith.index_cast %add3A_152 : i32 to index
        %swap3A_228 = arith.constant 112 : index
        %swap3A_229 = tpu.vector_load %arg11[%swap3A_227, %swap3A_228] {strides = array<i32>} : memref<80x128xf32, #tpu.memory_space<vmem>>, vector<1x16xf32>,
        %swap3A_230 = vector.shape_cast %swap3A_229 : vector<1x16xf32> to vector<16xf32>
        %swap3A_231 = vector.shape_cast %mul3A_226 : vector<16xf32> to vector<1x16xf32>
        tpu.vector_store %arg11[%swap3A_227, %swap3A_228], %swap3A_231 {strides = array<i32>} : memref<80x128xf32, #tpu.memory_space<vmem>>, vector<1x16xf32>,
        %broadcast_in_dim3A_232 = arith.constant 0.000000e+00 : f32
        %broadcast_in_dim3A_233 = vector.broadcast %broadcast_in_dim3A_232 : f32 to vector<16xf32>
        %slice3A_234 = vector.extract_strided_slice %get3A_145 {offsets = [1], sizes = [1], strides = [1]} : vector<16xf32> to vector<1xf32>
        %squeeze3A_235 = vector.extract %slice3A_234[0] : f32 from vector<1xf32>
        %add3A_236 = vector.broadcast %squeeze3A_235 : f32 to vector<16xf32>
        %add3A_237 = arith.addf %broadcast_in_dim3A_233, %add3A_236 : vector<16xf32>
        %mul3A_238 = arith.constant 16 : i32
        %mul3A_239 = arith.muli %scan3A_141, %mul3A_238 : i32
        %add3A_240 = arith.constant 1 : i32
        %add3A_241 = arith.addi %mul3A_239, %add3A_240 : i32
        %get3A_242 = arith.index_cast %add3A_241 : i32 to index
        %get3A_243 = arith.constant 0 : index
        %get3A_244 = tpu.vector_load %arg11[%get3A_242, %get3A_243] {strides = array<i32>} : memref<80x128xf32, #tpu.memory_space<vmem>>, vector<1x16xf32>,
        %get3A_245 = vector.shape_cast %get3A_244 : vector<1x16xf32> to vector<16xf32>
        %mul3A_246 = arith.mulf %get3A_245, %add3A_237 : vector<16xf32>
        %swap3A_247 = arith.index_cast %add3A_241 : i32 to index
        %swap3A_248 = arith.constant 0 : index
        %swap3A_249 = tpu.vector_load %arg11[%swap3A_247, %swap3A_248] {strides = array<i32>} : memref<80x128xf32, #tpu.memory_space<vmem>>, vector<1x16xf32>,
        %swap3A_250 = vector.shape_cast %swap3A_249 : vector<1x16xf32> to vector<16xf32>
        %swap3A_251 = vector.shape_cast %mul3A_246 : vector<16xf32> to vector<1x16xf32>
        tpu.vector_store %arg11[%swap3A_247, %swap3A_248], %swap3A_251 {strides = array<i32>} : memref<80x128xf32, #tpu.memory_space<vmem>>, vector<1x16xf32>,
        %get3A_252 = arith.index_cast %add3A_241 : i32 to index
        %get3A_253 = arith.constant 16 : index
        %get3A_254 = tpu.vector_load %arg11[%get3A_252, %get3A_253] {strides = array<i32>} : memref<80x128xf32, #tpu.memory_space<vmem>>, vector<1x16xf32>,
        %get3A_255 = vector.shape_cast %get3A_254 : vector<1x16xf32> to vector<16xf32>
        %mul3A_256 = arith.mulf %get3A_255, %add3A_237 : vector<16xf32>
        %swap3A_257 = arith.index_cast %add3A_241 : i32 to index
        %swap3A_258 = arith.constant 16 : index
        %swap3A_259 = tpu.vector_load %arg11[%swap3A_257, %swap3A_258] {strides = array<i32>} : memref<80x128xf32, #tpu.memory_space<vmem>>, vector<1x16xf32>,
        %swap3A_260 = vector.shape_cast %swap3A_259 : vector<1x16xf32> to vector<16xf32>
        %swap3A_261 = vector.shape_cast %mul3A_256 : vector<16xf32> to vector<1x16xf32>
        tpu.vector_store %arg11[%swap3A_257, %swap3A_258], %swap3A_261 {strides = array<i32>} : memref<80x128xf32, #tpu.memory_space<vmem>>, vector<1x16xf32>,
        %get3A_262 = arith.index_cast %add3A_241 : i32 to index
        %get3A_263 = arith.constant 32 : index
        %get3A_264 = tpu.vector_load %arg11[%get3A_262, %get3A_263] {strides = array<i32>} : memref<80x128xf32, #tpu.memory_space<vmem>>, vector<1x16xf32>,
        %get3A_265 = vector.shape_cast %get3A_264 : vector<1x16xf32> to vector<16xf32>
        %mul3A_266 = arith.mulf %get3A_265, %add3A_237 : vector<16xf32>
        %swap3A_267 = arith.index_cast %add3A_241 : i32 to index
        %swap3A_268 = arith.constant 32 : index
        %swap3A_269 = tpu.vector_load %arg11[%swap3A_267, %swap3A_268] {strides = array<i32>} : memref<80x128xf32, #tpu.memory_space<vmem>>, vector<1x16xf32>,
        %swap3A_270 = vector.shape_cast %swap3A_269 : vector<1x16xf32> to vector<16xf32>
        %swap3A_271 = vector.shape_cast %mul3A_266 : vector<16xf32> to vector<1x16xf32>
        tpu.vector_store %arg11[%swap3A_267, %swap3A_268], %swap3A_271 {strides = array<i32>} : memref<80x128xf32, #tpu.memory_space<vmem>>, vector<1x16xf32>,
        %get3A_272 = arith.index_cast %add3A_241 : i32 to index
        %get3A_273 = arith.constant 48 : index
        %get3A_274 = tpu.vector_load %arg11[%get3A_272, %get3A_273] {strides = array<i32>} : memref<80x128xf32, #tpu.memory_space<vmem>>, vector<1x16xf32>,
        %get3A_275 = vector.shape_cast %get3A_274 : vector<1x16xf32> to vector<16xf32>
        %mul3A_276 = arith.mulf %get3A_275, %add3A_237 : vector<16xf32>
        %swap3A_277 = arith.index_cast %add3A_241 : i32 to index
        %swap3A_278 = arith.constant 48 : index
        %swap3A_279 = tpu.vector_load %arg11[%swap3A_277, %swap3A_278] {strides = array<i32>} : memref<80x128xf32, #tpu.memory_space<vmem>>, vector<1x16xf32>,
        %swap3A_280 = vector.shape_cast %swap3A_279 : vector<1x16xf32> to vector<16xf32>
        %swap3A_281 = vector.shape_cast %mul3A_276 : vector<16xf32> to vector<1x16xf32>
        tpu.vector_store %arg11[%swap3A_277, %swap3A_278], %swap3A_281 {strides = array<i32>} : memref<80x128xf32, #tpu.memory_space<vmem>>, vector<1x16xf32>,
        %get3A_282 = arith.index_cast %add3A_241 : i32 to index
        %get3A_283 = arith.constant 64 : index
        %get3A_284 = tpu.vector_load %arg11[%get3A_282, %get3A_283] {strides = array<i32>} : memref<80x128xf32, #tpu.memory_space<vmem>>, vector<1x16xf32>,
        %get3A_285 = vector.shape_cast %get3A_284 : vector<1x16xf32> to vector<16xf32>
        %mul3A_286 = arith.mulf %get3A_285, %add3A_237 : vector<16xf32>
        %swap3A_287 = arith.index_cast %add3A_241 : i32 to index
        %swap3A_288 = arith.constant 64 : index
        %swap3A_289 = tpu.vector_load %arg11[%swap3A_287, %swap3A_288] {strides = array<i32>} : memref<80x128xf32, #tpu.memory_space<vmem>>, vector<1x16xf32>,
        %swap3A_290 = vector.shape_cast %swap3A_289 : vector<1x16xf32> to vector<16xf32>
        %swap3A_291 = vector.shape_cast %mul3A_286 : vector<16xf32> to vector<1x16xf32>
        tpu.vector_store %arg11[%swap3A_287, %swap3A_288], %swap3A_291 {strides = array<i32>} : memref<80x128xf32, #tpu.memory_space<vmem>>, vector<1x16xf32>,
        %get3A_292 = arith.index_cast %add3A_241 : i32 to index
        %get3A_293 = arith.constant 80 : index
        %get3A_294 = tpu.vector_load %arg11[%get3A_292, %get3A_293] {strides = array<i32>} : memref<80x128xf32, #tpu.memory_space<vmem>>, vector<1x16xf32>,
        %get3A_295 = vector.shape_cast %get3A_294 : vector<1x16xf32> to vector<16xf32>
        %mul3A_296 = arith.mulf %get3A_295, %add3A_237 : vector<16xf32>
        %swap3A_297 = arith.index_cast %add3A_241 : i32 to index
        %swap3A_298 = arith.constant 80 : index
        %swap3A_299 = tpu.vector_load %arg11[%swap3A_297, %swap3A_298] {strides = array<i32>} : memref<80x128xf32, #tpu.memory_space<vmem>>, vector<1x16xf32>,
        %swap3A_300 = vector.shape_cast %swap3A_299 : vector<1x16xf32> to vector<16xf32>
        %swap3A_301 = vector.shape_cast %mul3A_296 : vector<16xf32> to vector<1x16xf32>
        tpu.vector_store %arg11[%swap3A_297, %swap3A_298], %swap3A_301 {strides = array<i32>} : memref<80x128xf32, #tpu.memory_space<vmem>>, vector<1x16xf32>,
        %get3A_302 = arith.index_cast %add3A_241 : i32 to index
        %get3A_303 = arith.constant 96 : index
        %get3A_304 = tpu.vector_load %arg11[%get3A_302, %get3A_303] {strides = array<i32>} : memref<80x128xf32, #tpu.memory_space<vmem>>, vector<1x16xf32>,
        %get3A_305 = vector.shape_cast %get3A_304 : vector<1x16xf32> to vector<16xf32>
        %mul3A_306 = arith.mulf %get3A_305, %add3A_237 : vector<16xf32>
        %swap3A_307 = arith.index_cast %add3A_241 : i32 to index
        %swap3A_308 = arith.constant 96 : index
        %swap3A_309 = tpu.vector_load %arg11[%swap3A_307, %swap3A_308] {strides = array<i32>} : memref<80x128xf32, #tpu.memory_space<vmem>>, vector<1x16xf32>,
        %swap3A_310 = vector.shape_cast %swap3A_309 : vector<1x16xf32> to vector<16xf32>
        %swap3A_311 = vector.shape_cast %mul3A_306 : vector<16xf32> to vector<1x16xf32>
        tpu.vector_store %arg11[%swap3A_307, %swap3A_308], %swap3A_311 {strides = array<i32>} : memref<80x128xf32, #tpu.memory_space<vmem>>, vector<1x16xf32>,
        %get3A_312 = arith.index_cast %add3A_241 : i32 to index
        %get3A_313 = arith.constant 112 : index
        %get3A_314 = tpu.vector_load %arg11[%get3A_312, %get3A_313] {strides = array<i32>} : memref<80x128xf32, #tpu.memory_space<vmem>>, vector<1x16xf32>,
        %get3A_315 = vector.shape_cast %get3A_314 : vector<1x16xf32> to vector<16xf32>
        %mul3A_316 = arith.mulf %get3A_315, %add3A_237 : vector<16xf32>
        %swap3A_317 = arith.index_cast %add3A_241 : i32 to index
        %swap3A_318 = arith.constant 112 : index
        %swap3A_319 = tpu.vector_load %arg11[%swap3A_317, %swap3A_318] {strides = array<i32>} : memref<80x128xf32, #tpu.memory_space<vmem>>, vector<1x16xf32>,
        %swap3A_320 = vector.shape_cast %swap3A_319 : vector<1x16xf32> to vector<16xf32>
        %swap3A_321 = vector.shape_cast %mul3A_316 : vector<16xf32> to vector<1x16xf32>
        tpu.vector_store %arg11[%swap3A_317, %swap3A_318], %swap3A_321 {strides = array<i32>} : memref<80x128xf32, #tpu.memory_space<vmem>>, vector<1x16xf32>,
        %broadcast_in_dim3A_322 = arith.constant 0.000000e+00 : f32
        %broadcast_in_dim3A_323 = vector.broadcast %broadcast_in_dim3A_322 : f32 to vector<16xf32>
        %slice3A_324 = vector.extract_strided_slice %get3A_145 {offsets = [2], sizes = [1], strides = [1]} : vector<16xf32> to vector<1xf32>
        %squeeze3A_325 = vector.extract %slice3A_324[0] : f32 from vector<1xf32>
        %add3A_326 = vector.broadcast %squeeze3A_325 : f32 to vector<16xf32>
        %add3A_327 = arith.addf %broadcast_in_dim3A_323, %add3A_326 : vector<16xf32>
        %mul3A_328 = arith.constant 16 : i32
        %mul3A_329 = arith.muli %scan3A_141, %mul3A_328 : i32
        %add3A_330 = arith.constant 2 : i32
        %add3A_331 = arith.addi %mul3A_329, %add3A_330 : i32
        %get3A_332 = arith.index_cast %add3A_331 : i32 to index
        %get3A_333 = arith.constant 0 : index
        %get3A_334 = tpu.vector_load %arg11[%get3A_332, %get3A_333] {strides = array<i32>} : memref<80x128xf32, #tpu.memory_space<vmem>>, vector<1x16xf32>,
        %get3A_335 = vector.shape_cast %get3A_334 : vector<1x16xf32> to vector<16xf32>
        %mul3A_336 = arith.mulf %get3A_335, %add3A_327 : vector<16xf32>
        %swap3A_337 = arith.index_cast %add3A_331 : i32 to index
        %swap3A_338 = arith.constant 0 : index
        %swap3A_339 = tpu.vector_load %arg11[%swap3A_337, %swap3A_338] {strides = array<i32>} : memref<80x128xf32, #tpu.memory_space<vmem>>, vector<1x16xf32>,
        %swap3A_340 = vector.shape_cast %swap3A_339 : vector<1x16xf32> to vector<16xf32>
        %swap3A_341 = vector.shape_cast %mul3A_336 : vector<16xf32> to vector<1x16xf32>
        tpu.vector_store %arg11[%swap3A_337, %swap3A_338], %swap3A_341 {strides = array<i32>} : memref<80x128xf32, #tpu.memory_space<vmem>>, vector<1x16xf32>,
        %get3A_342 = arith.index_cast %add3A_331 : i32 to index
        %get3A_343 = arith.constant 16 : index
        %get3A_344 = tpu.vector_load %arg11[%get3A_342, %get3A_343] {strides = array<i32>} : memref<80x128xf32, #tpu.memory_space<vmem>>, vector<1x16xf32>,
        %get3A_345 = vector.shape_cast %get3A_344 : vector<1x16xf32> to vector<16xf32>
        %mul3A_346 = arith.mulf %get3A_345, %add3A_327 : vector<16xf32>
        %swap3A_347 = arith.index_cast %add3A_331 : i32 to index
        %swap3A_348 = arith.constant 16 : index
        %swap3A_349 = tpu.vector_load %arg11[%swap3A_347, %swap3A_348] {strides = array<i32>} : memref<80x128xf32, #tpu.memory_space<vmem>>, vector<1x16xf32>,
        %swap3A_350 = vector.shape_cast %swap3A_349 : vector<1x16xf32> to vector<16xf32>
        %swap3A_351 = vector.shape_cast %mul3A_346 : vector<16xf32> to vector<1x16xf32>
        tpu.vector_store %arg11[%swap3A_347, %swap3A_348], %swap3A_351 {strides = array<i32>} : memref<80x128xf32, #tpu.memory_space<vmem>>, vector<1x16xf32>,
        %get3A_352 = arith.index_cast %add3A_331 : i32 to index
        %get3A_353 = arith.constant 32 : index
        %get3A_354 = tpu.vector_load %arg11[%get3A_352, %get3A_353] {strides = array<i32>} : memref<80x128xf32, #tpu.memory_space<vmem>>, vector<1x16xf32>,
        %get3A_355 = vector.shape_cast %get3A_354 : vector<1x16xf32> to vector<16xf32>
        %mul3A_356 = arith.mulf %get3A_355, %add3A_327 : vector<16xf32>
        %swap3A_357 = arith.index_cast %add3A_331 : i32 to index
        %swap3A_358 = arith.constant 32 : index
        %swap3A_359 = tpu.vector_load %arg11[%swap3A_357, %swap3A_358] {strides = array<i32>} : memref<80x128xf32, #tpu.memory_space<vmem>>, vector<1x16xf32>,
        %swap3A_360 = vector.shape_cast %swap3A_359 : vector<1x16xf32> to vector<16xf32>
        %swap3A_361 = vector.shape_cast %mul3A_356 : vector<16xf32> to vector<1x16xf32>
        tpu.vector_store %arg11[%swap3A_357, %swap3A_358], %swap3A_361 {strides = array<i32>} : memref<80x128xf32, #tpu.memory_space<vmem>>, vector<1x16xf32>,
        %get3A_362 = arith.index_cast %add3A_331 : i32 to index
        %get3A_363 = arith.constant 48 : index
        %get3A_364 = tpu.vector_load %arg11[%get3A_362, %get3A_363] {strides = array<i32>} : memref<80x128xf32, #tpu.memory_space<vmem>>, vector<1x16xf32>,
        %get3A_365 = vector.shape_cast %get3A_364 : vector<1x16xf32> to vector<16xf32>
        %mul3A_366 = arith.mulf %get3A_365, %add3A_327 : vector<16xf32>
        %swap3A_367 = arith.index_cast %add3A_331 : i32 to index
        %swap3A_368 = arith.constant 48 : index
        %swap3A_369 = tpu.vector_load %arg11[%swap3A_367, %swap3A_368] {strides = array<i32>} : memref<80x128xf32, #tpu.memory_space<vmem>>, vector<1x16xf32>,
        %swap3A_370 = vector.shape_cast %swap3A_369 : vector<1x16xf32> to vector<16xf32>
        %swap3A_371 = vector.shape_cast %mul3A_366 : vector<16xf32> to vector<1x16xf32>
        tpu.vector_store %arg11[%swap3A_367, %swap3A_368], %swap3A_371 {strides = array<i32>} : memref<80x128xf32, #tpu.memory_space<vmem>>, vector<1x16xf32>,
        %get3A_372 = arith.index_cast %add3A_331 : i32 to index
        %get3A_373 = arith.constant 64 : index
        %get3A_374 = tpu.vector_load %arg11[%get3A_372, %get3A_373] {strides = array<i32>} : memref<80x128xf32, #tpu.memory_space<vmem>>, vector<1x16xf32>,
        %get3A_375 = vector.shape_cast %get3A_374 : vector<1x16xf32> to vector<16xf32>
        %mul3A_376 = arith.mulf %get3A_375, %add3A_327 : vector<16xf32>
        %swap3A_377 = arith.index_cast %add3A_331 : i32 to index
        %swap3A_378 = arith.constant 64 : index
        %swap3A_379 = tpu.vector_load %arg11[%swap3A_377, %swap3A_378] {strides = array<i32>} : memref<80x128xf32, #tpu.memory_space<vmem>>, vector<1x16xf32>,
        %swap3A_380 = vector.shape_cast %swap3A_379 : vector<1x16xf32> to vector<16xf32>
        %swap3A_381 = vector.shape_cast %mul3A_376 : vector<16xf32> to vector<1x16xf32>
        tpu.vector_store %arg11[%swap3A_377, %swap3A_378], %swap3A_381 {strides = array<i32>} : memref<80x128xf32, #tpu.memory_space<vmem>>, vector<1x16xf32>,
        %get3A_382 = arith.index_cast %add3A_331 : i32 to index
        %get3A_383 = arith.constant 80 : index
        %get3A_384 = tpu.vector_load %arg11[%get3A_382, %get3A_383] {strides = array<i32>} : memref<80x128xf32, #tpu.memory_space<vmem>>, vector<1x16xf32>,
        %get3A_385 = vector.shape_cast %get3A_384 : vector<1x16xf32> to vector<16xf32>
        %mul3A_386 = arith.mulf %get3A_385, %add3A_327 : vector<16xf32>
        %swap3A_387 = arith.index_cast %add3A_331 : i32 to index
        %swap3A_388 = arith.constant 80 : index
        %swap3A_389 = tpu.vector_load %arg11[%swap3A_387, %swap3A_388] {strides = array<i32>} : memref<80x128xf32, #tpu.memory_space<vmem>>, vector<1x16xf32>,
        %swap3A_390 = vector.shape_cast %swap3A_389 : vector<1x16xf32> to vector<16xf32>
        %swap3A_391 = vector.shape_cast %mul3A_386 : vector<16xf32> to vector<1x16xf32>
        tpu.vector_store %arg11[%swap3A_387, %swap3A_388], %swap3A_391 {strides = array<i32>} : memref<80x128xf32, #tpu.memory_space<vmem>>, vector<1x16xf32>,
        %get3A_392 = arith.index_cast %add3A_331 : i32 to index
        %get3A_393 = arith.constant 96 : index
        %get3A_394 = tpu.vector_load %arg11[%get3A_392, %get3A_393] {strides = array<i32>} : memref<80x128xf32, #tpu.memory_space<vmem>>, vector<1x16xf32>,
        %get3A_395 = vector.shape_cast %get3A_394 : vector<1x16xf32> to vector<16xf32>
        %mul3A_396 = arith.mulf %get3A_395, %add3A_327 : vector<16xf32>
        %swap3A_397 = arith.index_cast %add3A_331 : i32 to index
        %swap3A_398 = arith.constant 96 : index
        %swap3A_399 = tpu.vector_load %arg11[%swap3A_397, %swap3A_398] {strides = array<i32>} : memref<80x128xf32, #tpu.memory_space<vmem>>, vector<1x16xf32>,
        %swap3A_400 = vector.shape_cast %swap3A_399 : vector<1x16xf32> to vector<16xf32>
        %swap3A_401 = vector.shape_cast %mul3A_396 : vector<16xf32> to vector<1x16xf32>
        tpu.vector_store %arg11[%swap3A_397, %swap3A_398], %swap3A_401 {strides = array<i32>} : memref<80x128xf32, #tpu.memory_space<vmem>>, vector<1x16xf32>,
        %get3A_402 = arith.index_cast %add3A_331 : i32 to index
        %get3A_403 = arith.constant 112 : index
        %get3A_404 = tpu.vector_load %arg11[%get3A_402, %get3A_403] {strides = array<i32>} : memref<80x128xf32, #tpu.memory_space<vmem>>, vector<1x16xf32>,
        %get3A_405 = vector.shape_cast %get3A_404 : vector<1x16xf32> to vector<16xf32>
        %mul3A_406 = arith.mulf %get3A_405, %add3A_327 : vector<16xf32>
        %swap3A_407 = arith.index_cast %add3A_331 : i32 to index
        %swap3A_408 = arith.constant 112 : index
        %swap3A_409 = tpu.vector_load %arg11[%swap3A_407, %swap3A_408] {strides = array<i32>} : memref<80x128xf32, #tpu.memory_space<vmem>>, vector<1x16xf32>,
        %swap3A_410 = vector.shape_cast %swap3A_409 : vector<1x16xf32> to vector<16xf32>
        %swap3A_411 = vector.shape_cast %mul3A_406 : vector<16xf32> to vector<1x16xf32>
        tpu.vector_store %arg11[%swap3A_407, %swap3A_408], %swap3A_411 {strides = array<i32>} : memref<80x128xf32, #tpu.memory_space<vmem>>, vector<1x16xf32>,
        %broadcast_in_dim3A_412 = arith.constant 0.000000e+00 : f32
        %broadcast_in_dim3A_413 = vector.broadcast %broadcast_in_dim3A_412 : f32 to vector<16xf32>
        %slice3A_414 = vector.extract_strided_slice %get3A_145 {offsets = [3], sizes = [1], strides = [1]} : vector<16xf32> to vector<1xf32>
        %squeeze3A_415 = vector.extract %slice3A_414[0] : f32 from vector<1xf32>
        %add3A_416 = vector.broadcast %squeeze3A_415 : f32 to vector<16xf32>
        %add3A_417 = arith.addf %broadcast_in_dim3A_413, %add3A_416 : vector<16xf32>
        %mul3A_418 = arith.constant 16 : i32
        %mul3A_419 = arith.muli %scan3A_141, %mul3A_418 : i32
        %add3A_420 = arith.constant 3 : i32
        %add3A_421 = arith.addi %mul3A_419, %add3A_420 : i32
        %get3A_422 = arith.index_cast %add3A_421 : i32 to index
        %get3A_423 = arith.constant 0 : index
        %get3A_424 = tpu.vector_load %arg11[%get3A_422, %get3A_423] {strides = array<i32>} : memref<80x128xf32, #tpu.memory_space<vmem>>, vector<1x16xf32>,
        %get3A_425 = vector.shape_cast %get3A_424 : vector<1x16xf32> to vector<16xf32>
        %mul3A_426 = arith.mulf %get3A_425, %add3A_417 : vector<16xf32>
        %swap3A_427 = arith.index_cast %add3A_421 : i32 to index
        %swap3A_428 = arith.constant 0 : index
        %swap3A_429 = tpu.vector_load %arg11[%swap3A_427, %swap3A_428] {strides = array<i32>} : memref<80x128xf32, #tpu.memory_space<vmem>>, vector<1x16xf32>,
        %swap3A_430 = vector.shape_cast %swap3A_429 : vector<1x16xf32> to vector<16xf32>
        %swap3A_431 = vector.shape_cast %mul3A_426 : vector<16xf32> to vector<1x16xf32>
        tpu.vector_store %arg11[%swap3A_427, %swap3A_428], %swap3A_431 {strides = array<i32>} : memref<80x128xf32, #tpu.memory_space<vmem>>, vector<1x16xf32>,
        %get3A_432 = arith.index_cast %add3A_421 : i32 to index
        %get3A_433 = arith.constant 16 : index
        %get3A_434 = tpu.vector_load %arg11[%get3A_432, %get3A_433] {strides = array<i32>} : memref<80x128xf32, #tpu.memory_space<vmem>>, vector<1x16xf32>,
        %get3A_435 = vector.shape_cast %get3A_434 : vector<1x16xf32> to vector<16xf32>
        %mul3A_436 = arith.mulf %get3A_435, %add3A_417 : vector<16xf32>
        %swap3A_437 = arith.index_cast %add3A_421 : i32 to index
        %swap3A_438 = arith.constant 16 : index
        %swap3A_439 = tpu.vector_load %arg11[%swap3A_437, %swap3A_438] {strides = array<i32>} : memref<80x128xf32, #tpu.memory_space<vmem>>, vector<1x16xf32>,
        %swap3A_440 = vector.shape_cast %swap3A_439 : vector<1x16xf32> to vector<16xf32>
        %swap3A_441 = vector.shape_cast %mul3A_436 : vector<16xf32> to vector<1x16xf32>
        tpu.vector_store %arg11[%swap3A_437, %swap3A_438], %swap3A_441 {strides = array<i32>} : memref<80x128xf32, #tpu.memory_space<vmem>>, vector<1x16xf32>,
        %get3A_442 = arith.index_cast %add3A_421 : i32 to index
        %get3A_443 = arith.constant 32 : index
        %get3A_444 = tpu.vector_load %arg11[%get3A_442, %get3A_443] {strides = array<i32>} : memref<80x128xf32, #tpu.memory_space<vmem>>, vector<1x16xf32>,
        %get3A_445 = vector.shape_cast %get3A_444 : vector<1x16xf32> to vector<16xf32>
        %mul3A_446 = arith.mulf %get3A_445, %add3A_417 : vector<16xf32>
        %swap3A_447 = arith.index_cast %add3A_421 : i32 to index
        %swap3A_448 = arith.constant 32 : index
        %swap3A_449 = tpu.vector_load %arg11[%swap3A_447, %swap3A_448] {strides = array<i32>} : memref<80x128xf32, #tpu.memory_space<vmem>>, vector<1x16xf32>,
        %swap3A_450 = vector.shape_cast %swap3A_449 : vector<1x16xf32> to vector<16xf32>
        %swap3A_451 = vector.shape_cast %mul3A_446 : vector<16xf32> to vector<1x16xf32>
        tpu.vector_store %arg11[%swap3A_447, %swap3A_448], %swap3A_451 {strides = array<i32>} : memref<80x128xf32, #tpu.memory_space<vmem>>, vector<1x16xf32>,
        %get3A_452 = arith.index_cast %add3A_421 : i32 to index
        %get3A_453 = arith.constant 48 : index
        %get3A_454 = tpu.vector_load %arg11[%get3A_452, %get3A_453] {strides = array<i32>} : memref<80x128xf32, #tpu.memory_space<vmem>>, vector<1x16xf32>,
        %get3A_455 = vector.shape_cast %get3A_454 : vector<1x16xf32> to vector<16xf32>
        %mul3A_456 = arith.mulf %get3A_455, %add3A_417 : vector<16xf32>
        %swap3A_457 = arith.index_cast %add3A_421 : i32 to index
        %swap3A_458 = arith.constant 48 : index
        %swap3A_459 = tpu.vector_load %arg11[%swap3A_457, %swap3A_458] {strides = array<i32>} : memref<80x128xf32, #tpu.memory_space<vmem>>, vector<1x16xf32>,
        %swap3A_460 = vector.shape_cast %swap3A_459 : vector<1x16xf32> to vector<16xf32>
        %swap3A_461 = vector.shape_cast %mul3A_456 : vector<16xf32> to vector<1x16xf32>
        tpu.vector_store %arg11[%swap3A_457, %swap3A_458], %swap3A_461 {strides = array<i32>} : memref<80x128xf32, #tpu.memory_space<vmem>>, vector<1x16xf32>,
        %get3A_462 = arith.index_cast %add3A_421 : i32 to index
        %get3A_463 = arith.constant 64 : index
        %get3A_464 = tpu.vector_load %arg11[%get3A_462, %get3A_463] {strides = array<i32>} : memref<80x128xf32, #tpu.memory_space<vmem>>, vector<1x16xf32>,
        %get3A_465 = vector.shape_cast %get3A_464 : vector<1x16xf32> to vector<16xf32>
        %mul3A_466 = arith.mulf %get3A_465, %add3A_417 : vector<16xf32>
        %swap3A_467 = arith.index_cast %add3A_421 : i32 to index
        %swap3A_468 = arith.constant 64 : index
        %swap3A_469 = tpu.vector_load %arg11[%swap3A_467, %swap3A_468] {strides = array<i32>} : memref<80x128xf32, #tpu.memory_space<vmem>>, vector<1x16xf32>,
        %swap3A_470 = vector.shape_cast %swap3A_469 : vector<1x16xf32> to vector<16xf32>
        %swap3A_471 = vector.shape_cast %mul3A_466 : vector<16xf32> to vector<1x16xf32>
        tpu.vector_store %arg11[%swap3A_467, %swap3A_468], %swap3A_471 {strides = array<i32>} : memref<80x128xf32, #tpu.memory_space<vmem>>, vector<1x16xf32>,
        %get3A_472 = arith.index_cast %add3A_421 : i32 to index
        %get3A_473 = arith.constant 80 : index
        %get3A_474 = tpu.vector_load %arg11[%get3A_472, %get3A_473] {strides = array<i32>} : memref<80x128xf32, #tpu.memory_space<vmem>>, vector<1x16xf32>,
        %get3A_475 = vector.shape_cast %get3A_474 : vector<1x16xf32> to vector<16xf32>
        %mul3A_476 = arith.mulf %get3A_475, %add3A_417 : vector<16xf32>
        %swap3A_477 = arith.index_cast %add3A_421 : i32 to index
        %swap3A_478 = arith.constant 80 : index
        %swap3A_479 = tpu.vector_load %arg11[%swap3A_477, %swap3A_478] {strides = array<i32>} : memref<80x128xf32, #tpu.memory_space<vmem>>, vector<1x16xf32>,
        %swap3A_480 = vector.shape_cast %swap3A_479 : vector<1x16xf32> to vector<16xf32>
        %swap3A_481 = vector.shape_cast %mul3A_476 : vector<16xf32> to vector<1x16xf32>
        tpu.vector_store %arg11[%swap3A_477, %swap3A_478], %swap3A_481 {strides = array<i32>} : memref<80x128xf32, #tpu.memory_space<vmem>>, vector<1x16xf32>,
        %get3A_482 = arith.index_cast %add3A_421 : i32 to index
        %get3A_483 = arith.constant 96 : index
        %get3A_484 = tpu.vector_load %arg11[%get3A_482, %get3A_483] {strides = array<i32>} : memref<80x128xf32, #tpu.memory_space<vmem>>, vector<1x16xf32>,
        %get3A_485 = vector.shape_cast %get3A_484 : vector<1x16xf32> to vector<16xf32>
        %mul3A_486 = arith.mulf %get3A_485, %add3A_417 : vector<16xf32>
        %swap3A_487 = arith.index_cast %add3A_421 : i32 to index
        %swap3A_488 = arith.constant 96 : index
        %swap3A_489 = tpu.vector_load %arg11[%swap3A_487, %swap3A_488] {strides = array<i32>} : memref<80x128xf32, #tpu.memory_space<vmem>>, vector<1x16xf32>,
        %swap3A_490 = vector.shape_cast %swap3A_489 : vector<1x16xf32> to vector<16xf32>
        %swap3A_491 = vector.shape_cast %mul3A_486 : vector<16xf32> to vector<1x16xf32>
        tpu.vector_store %arg11[%swap3A_487, %swap3A_488], %swap3A_491 {strides = array<i32>} : memref<80x128xf32, #tpu.memory_space<vmem>>, vector<1x16xf32>,
        %get3A_492 = arith.index_cast %add3A_421 : i32 to index
        %get3A_493 = arith.constant 112 : index
        %get3A_494 = tpu.vector_load %arg11[%get3A_492, %get3A_493] {strides = array<i32>} : memref<80x128xf32, #tpu.memory_space<vmem>>, vector<1x16xf32>,
        %get3A_495 = vector.shape_cast %get3A_494 : vector<1x16xf32> to vector<16xf32>
        %mul3A_496 = arith.mulf %get3A_495, %add3A_417 : vector<16xf32>
        %swap3A_497 = arith.index_cast %add3A_421 : i32 to index
        %swap3A_498 = arith.constant 112 : index
        %swap3A_499 = tpu.vector_load %arg11[%swap3A_497, %swap3A_498] {strides = array<i32>} : memref<80x128xf32, #tpu.memory_space<vmem>>, vector<1x16xf32>,
        %swap3A_500 = vector.shape_cast %swap3A_499 : vector<1x16xf32> to vector<16xf32>
        %swap3A_501 = vector.shape_cast %mul3A_496 : vector<16xf32> to vector<1x16xf32>
        tpu.vector_store %arg11[%swap3A_497, %swap3A_498], %swap3A_501 {strides = array<i32>} : memref<80x128xf32, #tpu.memory_space<vmem>>, vector<1x16xf32>,
        %broadcast_in_dim3A_502 = arith.constant 0.000000e+00 : f32
        %broadcast_in_dim3A_503 = vector.broadcast %broadcast_in_dim3A_502 : f32 to vector<16xf32>
        %slice3A_504 = vector.extract_strided_slice %get3A_145 {offsets = [4], sizes = [1], strides = [1]} : vector<16xf32> to vector<1xf32>
        %squeeze3A_505 = vector.extract %slice3A_504[0] : f32 from vector<1xf32>
        %add3A_506 = vector.broadcast %squeeze3A_505 : f32 to vector<16xf32>
        %add3A_507 = arith.addf %broadcast_in_dim3A_503, %add3A_506 : vector<16xf32>
        %mul3A_508 = arith.constant 16 : i32
        %mul3A_509 = arith.muli %scan3A_141, %mul3A_508 : i32
        %add3A_510 = arith.constant 4 : i32
        %add3A_511 = arith.addi %mul3A_509, %add3A_510 : i32
        %get3A_512 = arith.index_cast %add3A_511 : i32 to index
        %get3A_513 = arith.constant 0 : index
        %get3A_514 = tpu.vector_load %arg11[%get3A_512, %get3A_513] {strides = array<i32>} : memref<80x128xf32, #tpu.memory_space<vmem>>, vector<1x16xf32>,
        %get3A_515 = vector.shape_cast %get3A_514 : vector<1x16xf32> to vector<16xf32>
        %mul3A_516 = arith.mulf %get3A_515, %add3A_507 : vector<16xf32>
        %swap3A_517 = arith.index_cast %add3A_511 : i32 to index
        %swap3A_518 = arith.constant 0 : index
        %swap3A_519 = tpu.vector_load %arg11[%swap3A_517, %swap3A_518] {strides = array<i32>} : memref<80x128xf32, #tpu.memory_space<vmem>>, vector<1x16xf32>,
        %swap3A_520 = vector.shape_cast %swap3A_519 : vector<1x16xf32> to vector<16xf32>
        %swap3A_521 = vector.shape_cast %mul3A_516 : vector<16xf32> to vector<1x16xf32>
        tpu.vector_store %arg11[%swap3A_517, %swap3A_518], %swap3A_521 {strides = array<i32>} : memref<80x128xf32, #tpu.memory_space<vmem>>, vector<1x16xf32>,
        %get3A_522 = arith.index_cast %add3A_511 : i32 to index
        %get3A_523 = arith.constant 16 : index
        %get3A_524 = tpu.vector_load %arg11[%get3A_522, %get3A_523] {strides = array<i32>} : memref<80x128xf32, #tpu.memory_space<vmem>>, vector<1x16xf32>,
        %get3A_525 = vector.shape_cast %get3A_524 : vector<1x16xf32> to vector<16xf32>
        %mul3A_526 = arith.mulf %get3A_525, %add3A_507 : vector<16xf32>
        %swap3A_527 = arith.index_cast %add3A_511 : i32 to index
        %swap3A_528 = arith.constant 16 : index
        %swap3A_529 = tpu.vector_load %arg11[%swap3A_527, %swap3A_528] {strides = array<i32>} : memref<80x128xf32, #tpu.memory_space<vmem>>, vector<1x16xf32>,
        %swap3A_530 = vector.shape_cast %swap3A_529 : vector<1x16xf32> to vector<16xf32>
        %swap3A_531 = vector.shape_cast %mul3A_526 : vector<16xf32> to vector<1x16xf32>
        tpu.vector_store %arg11[%swap3A_527, %swap3A_528], %swap3A_531 {strides = array<i32>} : memref<80x128xf32, #tpu.memory_space<vmem>>, vector<1x16xf32>,
        %get3A_532 = arith.index_cast %add3A_511 : i32 to index
        %get3A_533 = arith.constant 32 : index
        %get3A_534 = tpu.vector_load %arg11[%get3A_532, %get3A_533] {strides = array<i32>} : memref<80x128xf32, #tpu.memory_space<vmem>>, vector<1x16xf32>,
        %get3A_535 = vector.shape_cast %get3A_534 : vector<1x16xf32> to vector<16xf32>
        %mul3A_536 = arith.mulf %get3A_535, %add3A_507 : vector<16xf32>
        %swap3A_537 = arith.index_cast %add3A_511 : i32 to index
        %swap3A_538 = arith.constant 32 : index
        %swap3A_539 = tpu.vector_load %arg11[%swap3A_537, %swap3A_538] {strides = array<i32>} : memref<80x128xf32, #tpu.memory_space<vmem>>, vector<1x16xf32>,
        %swap3A_540 = vector.shape_cast %swap3A_539 : vector<1x16xf32> to vector<16xf32>
        %swap3A_541 = vector.shape_cast %mul3A_536 : vector<16xf32> to vector<1x16xf32>
        tpu.vector_store %arg11[%swap3A_537, %swap3A_538], %swap3A_541 {strides = array<i32>} : memref<80x128xf32, #tpu.memory_space<vmem>>, vector<1x16xf32>,
        %get3A_542 = arith.index_cast %add3A_511 : i32 to index
        %get3A_543 = arith.constant 48 : index
        %get3A_544 = tpu.vector_load %arg11[%get3A_542, %get3A_543] {strides = array<i32>} : memref<80x128xf32, #tpu.memory_space<vmem>>, vector<1x16xf32>,
        %get3A_545 = vector.shape_cast %get3A_544 : vector<1x16xf32> to vector<16xf32>
        %mul3A_546 = arith.mulf %get3A_545, %add3A_507 : vector<16xf32>
        %swap3A_547 = arith.index_cast %add3A_511 : i32 to index
        %swap3A_548 = arith.constant 48 : index
        %swap3A_549 = tpu.vector_load %arg11[%swap3A_547, %swap3A_548] {strides = array<i32>} : memref<80x128xf32, #tpu.memory_space<vmem>>, vector<1x16xf32>,
        %swap3A_550 = vector.shape_cast %swap3A_549 : vector<1x16xf32> to vector<16xf32>
        %swap3A_551 = vector.shape_cast %mul3A_546 : vector<16xf32> to vector<1x16xf32>
        tpu.vector_store %arg11[%swap3A_547, %swap3A_548], %swap3A_551 {strides = array<i32>} : memref<80x128xf32, #tpu.memory_space<vmem>>, vector<1x16xf32>,
        %get3A_552 = arith.index_cast %add3A_511 : i32 to index
        %get3A_553 = arith.constant 64 : index
        %get3A_554 = tpu.vector_load %arg11[%get3A_552, %get3A_553] {strides = array<i32>} : memref<80x128xf32, #tpu.memory_space<vmem>>, vector<1x16xf32>,
        %get3A_555 = vector.shape_cast %get3A_554 : vector<1x16xf32> to vector<16xf32>
        %mul3A_556 = arith.mulf %get3A_555, %add3A_507 : vector<16xf32>
        %swap3A_557 = arith.index_cast %add3A_511 : i32 to index
        %swap3A_558 = arith.constant 64 : index
        %swap3A_559 = tpu.vector_load %arg11[%swap3A_557, %swap3A_558] {strides = array<i32>} : memref<80x128xf32, #tpu.memory_space<vmem>>, vector<1x16xf32>,
        %swap3A_560 = vector.shape_cast %swap3A_559 : vector<1x16xf32> to vector<16xf32>
        %swap3A_561 = vector.shape_cast %mul3A_556 : vector<16xf32> to vector<1x16xf32>
        tpu.vector_store %arg11[%swap3A_557, %swap3A_558], %swap3A_561 {strides = array<i32>} : memref<80x128xf32, #tpu.memory_space<vmem>>, vector<1x16xf32>,
        %get3A_562 = arith.index_cast %add3A_511 : i32 to index
        %get3A_563 = arith.constant 80 : index
        %get3A_564 = tpu.vector_load %arg11[%get3A_562, %get3A_563] {strides = array<i32>} : memref<80x128xf32, #tpu.memory_space<vmem>>, vector<1x16xf32>,
        %get3A_565 = vector.shape_cast %get3A_564 : vector<1x16xf32> to vector<16xf32>
        %mul3A_566 = arith.mulf %get3A_565, %add3A_507 : vector<16xf32>
        %swap3A_567 = arith.index_cast %add3A_511 : i32 to index
        %swap3A_568 = arith.constant 80 : index
        %swap3A_569 = tpu.vector_load %arg11[%swap3A_567, %swap3A_568] {strides = array<i32>} : memref<80x128xf32, #tpu.memory_space<vmem>>, vector<1x16xf32>,
        %swap3A_570 = vector.shape_cast %swap3A_569 : vector<1x16xf32> to vector<16xf32>
        %swap3A_571 = vector.shape_cast %mul3A_566 : vector<16xf32> to vector<1x16xf32>
        tpu.vector_store %arg11[%swap3A_567, %swap3A_568], %swap3A_571 {strides = array<i32>} : memref<80x128xf32, #tpu.memory_space<vmem>>, vector<1x16xf32>,
        %get3A_572 = arith.index_cast %add3A_511 : i32 to index
        %get3A_573 = arith.constant 96 : index
        %get3A_574 = tpu.vector_load %arg11[%get3A_572, %get3A_573] {strides = array<i32>} : memref<80x128xf32, #tpu.memory_space<vmem>>, vector<1x16xf32>,
        %get3A_575 = vector.shape_cast %get3A_574 : vector<1x16xf32> to vector<16xf32>
        %mul3A_576 = arith.mulf %get3A_575, %add3A_507 : vector<16xf32>
        %swap3A_577 = arith.index_cast %add3A_511 : i32 to index
        %swap3A_578 = arith.constant 96 : index
        %swap3A_579 = tpu.vector_load %arg11[%swap3A_577, %swap3A_578] {strides = array<i32>} : memref<80x128xf32, #tpu.memory_space<vmem>>, vector<1x16xf32>,
        %swap3A_580 = vector.shape_cast %swap3A_579 : vector<1x16xf32> to vector<16xf32>
        %swap3A_581 = vector.shape_cast %mul3A_576 : vector<16xf32> to vector<1x16xf32>
        tpu.vector_store %arg11[%swap3A_577, %swap3A_578], %swap3A_581 {strides = array<i32>} : memref<80x128xf32, #tpu.memory_space<vmem>>, vector<1x16xf32>,
        %get3A_582 = arith.index_cast %add3A_511 : i32 to index
        %get3A_583 = arith.constant 112 : index
        %get3A_584 = tpu.vector_load %arg11[%get3A_582, %get3A_583] {strides = array<i32>} : memref<80x128xf32, #tpu.memory_space<vmem>>, vector<1x16xf32>,
        %get3A_585 = vector.shape_cast %get3A_584 : vector<1x16xf32> to vector<16xf32>
        %mul3A_586 = arith.mulf %get3A_585, %add3A_507 : vector<16xf32>
        %swap3A_587 = arith.index_cast %add3A_511 : i32 to index
        %swap3A_588 = arith.constant 112 : index
        %swap3A_589 = tpu.vector_load %arg11[%swap3A_587, %swap3A_588] {strides = array<i32>} : memref<80x128xf32, #tpu.memory_space<vmem>>, vector<1x16xf32>,
        %swap3A_590 = vector.shape_cast %swap3A_589 : vector<1x16xf32> to vector<16xf32>
        %swap3A_591 = vector.shape_cast %mul3A_586 : vector<16xf32> to vector<1x16xf32>
        tpu.vector_store %arg11[%swap3A_587, %swap3A_588], %swap3A_591 {strides = array<i32>} : memref<80x128xf32, #tpu.memory_space<vmem>>, vector<1x16xf32>,
        %broadcast_in_dim3A_592 = arith.constant 0.000000e+00 : f32
        %broadcast_in_dim3A_593 = vector.broadcast %broadcast_in_dim3A_592 : f32 to vector<16xf32>
        %slice3A_594 = vector.extract_strided_slice %get3A_145 {offsets = [5], sizes = [1], strides = [1]} : vector<16xf32> to vector<1xf32>
        %squeeze3A_595 = vector.extract %slice3A_594[0] : f32 from vector<1xf32>
        %add3A_596 = vector.broadcast %squeeze3A_595 : f32 to vector<16xf32>
        %add3A_597 = arith.addf %broadcast_in_dim3A_593, %add3A_596 : vector<16xf32>
        %mul3A_598 = arith.constant 16 : i32
        %mul3A_599 = arith.muli %scan3A_141, %mul3A_598 : i32
        %add3A_600 = arith.constant 5 : i32
        %add3A_601 = arith.addi %mul3A_599, %add3A_600 : i32
        %get3A_602 = arith.index_cast %add3A_601 : i32 to index
        %get3A_603 = arith.constant 0 : index
        %get3A_604 = tpu.vector_load %arg11[%get3A_602, %get3A_603] {strides = array<i32>} : memref<80x128xf32, #tpu.memory_space<vmem>>, vector<1x16xf32>,
        %get3A_605 = vector.shape_cast %get3A_604 : vector<1x16xf32> to vector<16xf32>
        %mul3A_606 = arith.mulf %get3A_605, %add3A_597 : vector<16xf32>
        %swap3A_607 = arith.index_cast %add3A_601 : i32 to index
        %swap3A_608 = arith.constant 0 : index
        %swap3A_609 = tpu.vector_load %arg11[%swap3A_607, %swap3A_608] {strides = array<i32>} : memref<80x128xf32, #tpu.memory_space<vmem>>, vector<1x16xf32>,
        %swap3A_610 = vector.shape_cast %swap3A_609 : vector<1x16xf32> to vector<16xf32>
        %swap3A_611 = vector.shape_cast %mul3A_606 : vector<16xf32> to vector<1x16xf32>
        tpu.vector_store %arg11[%swap3A_607, %swap3A_608], %swap3A_611 {strides = array<i32>} : memref<80x128xf32, #tpu.memory_space<vmem>>, vector<1x16xf32>,
        %get3A_612 = arith.index_cast %add3A_601 : i32 to index
        %get3A_613 = arith.constant 16 : index
        %get3A_614 = tpu.vector_load %arg11[%get3A_612, %get3A_613] {strides = array<i32>} : memref<80x128xf32, #tpu.memory_space<vmem>>, vector<1x16xf32>,
        %get3A_615 = vector.shape_cast %get3A_614 : vector<1x16xf32> to vector<16xf32>
        %mul3A_616 = arith.mulf %get3A_615, %add3A_597 : vector<16xf32>
        %swap3A_617 = arith.index_cast %add3A_601 : i32 to index
        %swap3A_618 = arith.constant 16 : index
        %swap3A_619 = tpu.vector_load %arg11[%swap3A_617, %swap3A_618] {strides = array<i32>} : memref<80x128xf32, #tpu.memory_space<vmem>>, vector<1x16xf32>,
        %swap3A_620 = vector.shape_cast %swap3A_619 : vector<1x16xf32> to vector<16xf32>
        %swap3A_621 = vector.shape_cast %mul3A_616 : vector<16xf32> to vector<1x16xf32>
        tpu.vector_store %arg11[%swap3A_617, %swap3A_618], %swap3A_621 {strides = array<i32>} : memref<80x128xf32, #tpu.memory_space<vmem>>, vector<1x16xf32>,
        %get3A_622 = arith.index_cast %add3A_601 : i32 to index
        %get3A_623 = arith.constant 32 : index
        %get3A_624 = tpu.vector_load %arg11[%get3A_622, %get3A_623] {strides = array<i32>} : memref<80x128xf32, #tpu.memory_space<vmem>>, vector<1x16xf32>,
        %get3A_625 = vector.shape_cast %get3A_624 : vector<1x16xf32> to vector<16xf32>
        %mul3A_626 = arith.mulf %get3A_625, %add3A_597 : vector<16xf32>
        %swap3A_627 = arith.index_cast %add3A_601 : i32 to index
        %swap3A_628 = arith.constant 32 : index
        %swap3A_629 = tpu.vector_load %arg11[%swap3A_627, %swap3A_628] {strides = array<i32>} : memref<80x128xf32, #tpu.memory_space<vmem>>, vector<1x16xf32>,
        %swap3A_630 = vector.shape_cast %swap3A_629 : vector<1x16xf32> to vector<16xf32>
        %swap3A_631 = vector.shape_cast %mul3A_626 : vector<16xf32> to vector<1x16xf32>
        tpu.vector_store %arg11[%swap3A_627, %swap3A_628], %swap3A_631 {strides = array<i32>} : memref<80x128xf32, #tpu.memory_space<vmem>>, vector<1x16xf32>,
        %get3A_632 = arith.index_cast %add3A_601 : i32 to index
        %get3A_633 = arith.constant 48 : index
        %get3A_634 = tpu.vector_load %arg11[%get3A_632, %get3A_633] {strides = array<i32>} : memref<80x128xf32, #tpu.memory_space<vmem>>, vector<1x16xf32>,
        %get3A_635 = vector.shape_cast %get3A_634 : vector<1x16xf32> to vector<16xf32>
        %mul3A_636 = arith.mulf %get3A_635, %add3A_597 : vector<16xf32>
        %swap3A_637 = arith.index_cast %add3A_601 : i32 to index
        %swap3A_638 = arith.constant 48 : index
        %swap3A_639 = tpu.vector_load %arg11[%swap3A_637, %swap3A_638] {strides = array<i32>} : memref<80x128xf32, #tpu.memory_space<vmem>>, vector<1x16xf32>,
        %swap3A_640 = vector.shape_cast %swap3A_639 : vector<1x16xf32> to vector<16xf32>
        %swap3A_641 = vector.shape_cast %mul3A_636 : vector<16xf32> to vector<1x16xf32>
        tpu.vector_store %arg11[%swap3A_637, %swap3A_638], %swap3A_641 {strides = array<i32>} : memref<80x128xf32, #tpu.memory_space<vmem>>, vector<1x16xf32>,
        %get3A_642 = arith.index_cast %add3A_601 : i32 to index
        %get3A_643 = arith.constant 64 : index
        %get3A_644 = tpu.vector_load %arg11[%get3A_642, %get3A_643] {strides = array<i32>} : memref<80x128xf32, #tpu.memory_space<vmem>>, vector<1x16xf32>,
        %get3A_645 = vector.shape_cast %get3A_644 : vector<1x16xf32> to vector<16xf32>
        %mul3A_646 = arith.mulf %get3A_645, %add3A_597 : vector<16xf32>
        %swap3A_647 = arith.index_cast %add3A_601 : i32 to index
        %swap3A_648 = arith.constant 64 : index
        %swap3A_649 = tpu.vector_load %arg11[%swap3A_647, %swap3A_648] {strides = array<i32>} : memref<80x128xf32, #tpu.memory_space<vmem>>, vector<1x16xf32>,
        %swap3A_650 = vector.shape_cast %swap3A_649 : vector<1x16xf32> to vector<16xf32>
        %swap3A_651 = vector.shape_cast %mul3A_646 : vector<16xf32> to vector<1x16xf32>
        tpu.vector_store %arg11[%swap3A_647, %swap3A_648], %swap3A_651 {strides = array<i32>} : memref<80x128xf32, #tpu.memory_space<vmem>>, vector<1x16xf32>,
        %get3A_652 = arith.index_cast %add3A_601 : i32 to index
        %get3A_653 = arith.constant 80 : index
        %get3A_654 = tpu.vector_load %arg11[%get3A_652, %get3A_653] {strides = array<i32>} : memref<80x128xf32, #tpu.memory_space<vmem>>, vector<1x16xf32>,
        %get3A_655 = vector.shape_cast %get3A_654 : vector<1x16xf32> to vector<16xf32>
        %mul3A_656 = arith.mulf %get3A_655, %add3A_597 : vector<16xf32>
        %swap3A_657 = arith.index_cast %add3A_601 : i32 to index
        %swap3A_658 = arith.constant 80 : index
        %swap3A_659 = tpu.vector_load %arg11[%swap3A_657, %swap3A_658] {strides = array<i32>} : memref<80x128xf32, #tpu.memory_space<vmem>>, vector<1x16xf32>,
        %swap3A_660 = vector.shape_cast %swap3A_659 : vector<1x16xf32> to vector<16xf32>
        %swap3A_661 = vector.shape_cast %mul3A_656 : vector<16xf32> to vector<1x16xf32>
        tpu.vector_store %arg11[%swap3A_657, %swap3A_658], %swap3A_661 {strides = array<i32>} : memref<80x128xf32, #tpu.memory_space<vmem>>, vector<1x16xf32>,
        %get3A_662 = arith.index_cast %add3A_601 : i32 to index
        %get3A_663 = arith.constant 96 : index
        %get3A_664 = tpu.vector_load %arg11[%get3A_662, %get3A_663] {strides = array<i32>} : memref<80x128xf32, #tpu.memory_space<vmem>>, vector<1x16xf32>,
        %get3A_665 = vector.shape_cast %get3A_664 : vector<1x16xf32> to vector<16xf32>
        %mul3A_666 = arith.mulf %get3A_665, %add3A_597 : vector<16xf32>
        %swap3A_667 = arith.index_cast %add3A_601 : i32 to index
        %swap3A_668 = arith.constant 96 : index
        %swap3A_669 = tpu.vector_load %arg11[%swap3A_667, %swap3A_668] {strides = array<i32>} : memref<80x128xf32, #tpu.memory_space<vmem>>, vector<1x16xf32>,
        %swap3A_670 = vector.shape_cast %swap3A_669 : vector<1x16xf32> to vector<16xf32>
        %swap3A_671 = vector.shape_cast %mul3A_666 : vector<16xf32> to vector<1x16xf32>
        tpu.vector_store %arg11[%swap3A_667, %swap3A_668], %swap3A_671 {strides = array<i32>} : memref<80x128xf32, #tpu.memory_space<vmem>>, vector<1x16xf32>,
        %get3A_672 = arith.index_cast %add3A_601 : i32 to index
        %get3A_673 = arith.constant 112 : index
        %get3A_674 = tpu.vector_load %arg11[%get3A_672, %get3A_673] {strides = array<i32>} : memref<80x128xf32, #tpu.memory_space<vmem>>, vector<1x16xf32>,
        %get3A_675 = vector.shape_cast %get3A_674 : vector<1x16xf32> to vector<16xf32>
        %mul3A_676 = arith.mulf %get3A_675, %add3A_597 : vector<16xf32>
        %swap3A_677 = arith.index_cast %add3A_601 : i32 to index
        %swap3A_678 = arith.constant 112 : index
        %swap3A_679 = tpu.vector_load %arg11[%swap3A_677, %swap3A_678] {strides = array<i32>} : memref<80x128xf32, #tpu.memory_space<vmem>>, vector<1x16xf32>,
        %swap3A_680 = vector.shape_cast %swap3A_679 : vector<1x16xf32> to vector<16xf32>
        %swap3A_681 = vector.shape_cast %mul3A_676 : vector<16xf32> to vector<1x16xf32>
        tpu.vector_store %arg11[%swap3A_677, %swap3A_678], %swap3A_681 {strides = array<i32>} : memref<80x128xf32, #tpu.memory_space<vmem>>, vector<1x16xf32>,
        %broadcast_in_dim3A_682 = arith.constant 0.000000e+00 : f32
        %broadcast_in_dim3A_683 = vector.broadcast %broadcast_in_dim3A_682 : f32 to vector<16xf32>
        %slice3A_684 = vector.extract_strided_slice %get3A_145 {offsets = [6], sizes = [1], strides = [1]} : vector<16xf32> to vector<1xf32>
        %squeeze3A_685 = vector.extract %slice3A_684[0] : f32 from vector<1xf32>
        %add3A_686 = vector.broadcast %squeeze3A_685 : f32 to vector<16xf32>
        %add3A_687 = arith.addf %broadcast_in_dim3A_683, %add3A_686 : vector<16xf32>
        %mul3A_688 = arith.constant 16 : i32
        %mul3A_689 = arith.muli %scan3A_141, %mul3A_688 : i32
        %add3A_690 = arith.constant 6 : i32
        %add3A_691 = arith.addi %mul3A_689, %add3A_690 : i32
        %get3A_692 = arith.index_cast %add3A_691 : i32 to index
        %get3A_693 = arith.constant 0 : index
        %get3A_694 = tpu.vector_load %arg11[%get3A_692, %get3A_693] {strides = array<i32>} : memref<80x128xf32, #tpu.memory_space<vmem>>, vector<1x16xf32>,
        %get3A_695 = vector.shape_cast %get3A_694 : vector<1x16xf32> to vector<16xf32>
        %mul3A_696 = arith.mulf %get3A_695, %add3A_687 : vector<16xf32>
        %swap3A_697 = arith.index_cast %add3A_691 : i32 to index
        %swap3A_698 = arith.constant 0 : index
        %swap3A_699 = tpu.vector_load %arg11[%swap3A_697, %swap3A_698] {strides = array<i32>} : memref<80x128xf32, #tpu.memory_space<vmem>>, vector<1x16xf32>,
        %swap3A_700 = vector.shape_cast %swap3A_699 : vector<1x16xf32> to vector<16xf32>
        %swap3A_701 = vector.shape_cast %mul3A_696 : vector<16xf32> to vector<1x16xf32>
        tpu.vector_store %arg11[%swap3A_697, %swap3A_698], %swap3A_701 {strides = array<i32>} : memref<80x128xf32, #tpu.memory_space<vmem>>, vector<1x16xf32>,
        %get3A_702 = arith.index_cast %add3A_691 : i32 to index
        %get3A_703 = arith.constant 16 : index
        %get3A_704 = tpu.vector_load %arg11[%get3A_702, %get3A_703] {strides = array<i32>} : memref<80x128xf32, #tpu.memory_space<vmem>>, vector<1x16xf32>,
        %get3A_705 = vector.shape_cast %get3A_704 : vector<1x16xf32> to vector<16xf32>
        %mul3A_706 = arith.mulf %get3A_705, %add3A_687 : vector<16xf32>
        %swap3A_707 = arith.index_cast %add3A_691 : i32 to index
        %swap3A_708 = arith.constant 16 : index
        %swap3A_709 = tpu.vector_load %arg11[%swap3A_707, %swap3A_708] {strides = array<i32>} : memref<80x128xf32, #tpu.memory_space<vmem>>, vector<1x16xf32>,
        %swap3A_710 = vector.shape_cast %swap3A_709 : vector<1x16xf32> to vector<16xf32>
        %swap3A_711 = vector.shape_cast %mul3A_706 : vector<16xf32> to vector<1x16xf32>
        tpu.vector_store %arg11[%swap3A_707, %swap3A_708], %swap3A_711 {strides = array<i32>} : memref<80x128xf32, #tpu.memory_space<vmem>>, vector<1x16xf32>,
        %get3A_712 = arith.index_cast %add3A_691 : i32 to index
        %get3A_713 = arith.constant 32 : index
        %get3A_714 = tpu.vector_load %arg11[%get3A_712, %get3A_713] {strides = array<i32>} : memref<80x128xf32, #tpu.memory_space<vmem>>, vector<1x16xf32>,
        %get3A_715 = vector.shape_cast %get3A_714 : vector<1x16xf32> to vector<16xf32>
        %mul3A_716 = arith.mulf %get3A_715, %add3A_687 : vector<16xf32>
        %swap3A_717 = arith.index_cast %add3A_691 : i32 to index
        %swap3A_718 = arith.constant 32 : index
        %swap3A_719 = tpu.vector_load %arg11[%swap3A_717, %swap3A_718] {strides = array<i32>} : memref<80x128xf32, #tpu.memory_space<vmem>>, vector<1x16xf32>,
        %swap3A_720 = vector.shape_cast %swap3A_719 : vector<1x16xf32> to vector<16xf32>
        %swap3A_721 = vector.shape_cast %mul3A_716 : vector<16xf32> to vector<1x16xf32>
        tpu.vector_store %arg11[%swap3A_717, %swap3A_718], %swap3A_721 {strides = array<i32>} : memref<80x128xf32, #tpu.memory_space<vmem>>, vector<1x16xf32>,
        %get3A_722 = arith.index_cast %add3A_691 : i32 to index
        %get3A_723 = arith.constant 48 : index
        %get3A_724 = tpu.vector_load %arg11[%get3A_722, %get3A_723] {strides = array<i32>} : memref<80x128xf32, #tpu.memory_space<vmem>>, vector<1x16xf32>,
        %get3A_725 = vector.shape_cast %get3A_724 : vector<1x16xf32> to vector<16xf32>
        %mul3A_726 = arith.mulf %get3A_725, %add3A_687 : vector<16xf32>
        %swap3A_727 = arith.index_cast %add3A_691 : i32 to index
        %swap3A_728 = arith.constant 48 : index
        %swap3A_729 = tpu.vector_load %arg11[%swap3A_727, %swap3A_728] {strides = array<i32>} : memref<80x128xf32, #tpu.memory_space<vmem>>, vector<1x16xf32>,
        %swap3A_730 = vector.shape_cast %swap3A_729 : vector<1x16xf32> to vector<16xf32>
        %swap3A_731 = vector.shape_cast %mul3A_726 : vector<16xf32> to vector<1x16xf32>
        tpu.vector_store %arg11[%swap3A_727, %swap3A_728], %swap3A_731 {strides = array<i32>} : memref<80x128xf32, #tpu.memory_space<vmem>>, vector<1x16xf32>,
        %get3A_732 = arith.index_cast %add3A_691 : i32 to index
        %get3A_733 = arith.constant 64 : index
        %get3A_734 = tpu.vector_load %arg11[%get3A_732, %get3A_733] {strides = array<i32>} : memref<80x128xf32, #tpu.memory_space<vmem>>, vector<1x16xf32>,
        %get3A_735 = vector.shape_cast %get3A_734 : vector<1x16xf32> to vector<16xf32>
        %mul3A_736 = arith.mulf %get3A_735, %add3A_687 : vector<16xf32>
        %swap3A_737 = arith.index_cast %add3A_691 : i32 to index
        %swap3A_738 = arith.constant 64 : index
        %swap3A_739 = tpu.vector_load %arg11[%swap3A_737, %swap3A_738] {strides = array<i32>} : memref<80x128xf32, #tpu.memory_space<vmem>>, vector<1x16xf32>,
        %swap3A_740 = vector.shape_cast %swap3A_739 : vector<1x16xf32> to vector<16xf32>
        %swap3A_741 = vector.shape_cast %mul3A_736 : vector<16xf32> to vector<1x16xf32>
        tpu.vector_store %arg11[%swap3A_737, %swap3A_738], %swap3A_741 {strides = array<i32>} : memref<80x128xf32, #tpu.memory_space<vmem>>, vector<1x16xf32>,
        %get3A_742 = arith.index_cast %add3A_691 : i32 to index
        %get3A_743 = arith.constant 80 : index
        %get3A_744 = tpu.vector_load %arg11[%get3A_742, %get3A_743] {strides = array<i32>} : memref<80x128xf32, #tpu.memory_space<vmem>>, vector<1x16xf32>,
        %get3A_745 = vector.shape_cast %get3A_744 : vector<1x16xf32> to vector<16xf32>
        %mul3A_746 = arith.mulf %get3A_745, %add3A_687 : vector<16xf32>
        %swap3A_747 = arith.index_cast %add3A_691 : i32 to index
        %swap3A_748 = arith.constant 80 : index
        %swap3A_749 = tpu.vector_load %arg11[%swap3A_747, %swap3A_748] {strides = array<i32>} : memref<80x128xf32, #tpu.memory_space<vmem>>, vector<1x16xf32>,
        %swap3A_750 = vector.shape_cast %swap3A_749 : vector<1x16xf32> to vector<16xf32>
        %swap3A_751 = vector.shape_cast %mul3A_746 : vector<16xf32> to vector<1x16xf32>
        tpu.vector_store %arg11[%swap3A_747, %swap3A_748], %swap3A_751 {strides = array<i32>} : memref<80x128xf32, #tpu.memory_space<vmem>>, vector<1x16xf32>,
        %get3A_752 = arith.index_cast %add3A_691 : i32 to index
        %get3A_753 = arith.constant 96 : index
        %get3A_754 = tpu.vector_load %arg11[%get3A_752, %get3A_753] {strides = array<i32>} : memref<80x128xf32, #tpu.memory_space<vmem>>, vector<1x16xf32>,
        %get3A_755 = vector.shape_cast %get3A_754 : vector<1x16xf32> to vector<16xf32>
        %mul3A_756 = arith.mulf %get3A_755, %add3A_687 : vector<16xf32>
        %swap3A_757 = arith.index_cast %add3A_691 : i32 to index
        %swap3A_758 = arith.constant 96 : index
        %swap3A_759 = tpu.vector_load %arg11[%swap3A_757, %swap3A_758] {strides = array<i32>} : memref<80x128xf32, #tpu.memory_space<vmem>>, vector<1x16xf32>,
        %swap3A_760 = vector.shape_cast %swap3A_759 : vector<1x16xf32> to vector<16xf32>
        %swap3A_761 = vector.shape_cast %mul3A_756 : vector<16xf32> to vector<1x16xf32>
        tpu.vector_store %arg11[%swap3A_757, %swap3A_758], %swap3A_761 {strides = array<i32>} : memref<80x128xf32, #tpu.memory_space<vmem>>, vector<1x16xf32>,
        %get3A_762 = arith.index_cast %add3A_691 : i32 to index
        %get3A_763 = arith.constant 112 : index
        %get3A_764 = tpu.vector_load %arg11[%get3A_762, %get3A_763] {strides = array<i32>} : memref<80x128xf32, #tpu.memory_space<vmem>>, vector<1x16xf32>,
        %get3A_765 = vector.shape_cast %get3A_764 : vector<1x16xf32> to vector<16xf32>
        %mul3A_766 = arith.mulf %get3A_765, %add3A_687 : vector<16xf32>
        %swap3A_767 = arith.index_cast %add3A_691 : i32 to index
        %swap3A_768 = arith.constant 112 : index
        %swap3A_769 = tpu.vector_load %arg11[%swap3A_767, %swap3A_768] {strides = array<i32>} : memref<80x128xf32, #tpu.memory_space<vmem>>, vector<1x16xf32>,
        %swap3A_770 = vector.shape_cast %swap3A_769 : vector<1x16xf32> to vector<16xf32>
        %swap3A_771 = vector.shape_cast %mul3A_766 : vector<16xf32> to vector<1x16xf32>
        tpu.vector_store %arg11[%swap3A_767, %swap3A_768], %swap3A_771 {strides = array<i32>} : memref<80x128xf32, #tpu.memory_space<vmem>>, vector<1x16xf32>,
        %broadcast_in_dim3A_772 = arith.constant 0.000000e+00 : f32
        %broadcast_in_dim3A_773 = vector.broadcast %broadcast_in_dim3A_772 : f32 to vector<16xf32>
        %slice3A_774 = vector.extract_strided_slice %get3A_145 {offsets = [7], sizes = [1], strides = [1]} : vector<16xf32> to vector<1xf32>
        %squeeze3A_775 = vector.extract %slice3A_774[0] : f32 from vector<1xf32>
        %add3A_776 = vector.broadcast %squeeze3A_775 : f32 to vector<16xf32>
        %add3A_777 = arith.addf %broadcast_in_dim3A_773, %add3A_776 : vector<16xf32>
        %mul3A_778 = arith.constant 16 : i32
        %mul3A_779 = arith.muli %scan3A_141, %mul3A_778 : i32
        %add3A_780 = arith.constant 7 : i32
        %add3A_781 = arith.addi %mul3A_779, %add3A_780 : i32
        %get3A_782 = arith.index_cast %add3A_781 : i32 to index
        %get3A_783 = arith.constant 0 : index
        %get3A_784 = tpu.vector_load %arg11[%get3A_782, %get3A_783] {strides = array<i32>} : memref<80x128xf32, #tpu.memory_space<vmem>>, vector<1x16xf32>,
        %get3A_785 = vector.shape_cast %get3A_784 : vector<1x16xf32> to vector<16xf32>
        %mul3A_786 = arith.mulf %get3A_785, %add3A_777 : vector<16xf32>
        %swap3A_787 = arith.index_cast %add3A_781 : i32 to index
        %swap3A_788 = arith.constant 0 : index
        %swap3A_789 = tpu.vector_load %arg11[%swap3A_787, %swap3A_788] {strides = array<i32>} : memref<80x128xf32, #tpu.memory_space<vmem>>, vector<1x16xf32>,
        %swap3A_790 = vector.shape_cast %swap3A_789 : vector<1x16xf32> to vector<16xf32>
        %swap3A_791 = vector.shape_cast %mul3A_786 : vector<16xf32> to vector<1x16xf32>
        tpu.vector_store %arg11[%swap3A_787, %swap3A_788], %swap3A_791 {strides = array<i32>} : memref<80x128xf32, #tpu.memory_space<vmem>>, vector<1x16xf32>,
        %get3A_792 = arith.index_cast %add3A_781 : i32 to index
        %get3A_793 = arith.constant 16 : index
        %get3A_794 = tpu.vector_load %arg11[%get3A_792, %get3A_793] {strides = array<i32>} : memref<80x128xf32, #tpu.memory_space<vmem>>, vector<1x16xf32>,
        %get3A_795 = vector.shape_cast %get3A_794 : vector<1x16xf32> to vector<16xf32>
        %mul3A_796 = arith.mulf %get3A_795, %add3A_777 : vector<16xf32>
        %swap3A_797 = arith.index_cast %add3A_781 : i32 to index
        %swap3A_798 = arith.constant 16 : index
        %swap3A_799 = tpu.vector_load %arg11[%swap3A_797, %swap3A_798] {strides = array<i32>} : memref<80x128xf32, #tpu.memory_space<vmem>>, vector<1x16xf32>,
        %swap3A_800 = vector.shape_cast %swap3A_799 : vector<1x16xf32> to vector<16xf32>
        %swap3A_801 = vector.shape_cast %mul3A_796 : vector<16xf32> to vector<1x16xf32>
        tpu.vector_store %arg11[%swap3A_797, %swap3A_798], %swap3A_801 {strides = array<i32>} : memref<80x128xf32, #tpu.memory_space<vmem>>, vector<1x16xf32>,
        %get3A_802 = arith.index_cast %add3A_781 : i32 to index
        %get3A_803 = arith.constant 32 : index
        %get3A_804 = tpu.vector_load %arg11[%get3A_802, %get3A_803] {strides = array<i32>} : memref<80x128xf32, #tpu.memory_space<vmem>>, vector<1x16xf32>,
        %get3A_805 = vector.shape_cast %get3A_804 : vector<1x16xf32> to vector<16xf32>
        %mul3A_806 = arith.mulf %get3A_805, %add3A_777 : vector<16xf32>
        %swap3A_807 = arith.index_cast %add3A_781 : i32 to index
        %swap3A_808 = arith.constant 32 : index
        %swap3A_809 = tpu.vector_load %arg11[%swap3A_807, %swap3A_808] {strides = array<i32>} : memref<80x128xf32, #tpu.memory_space<vmem>>, vector<1x16xf32>,
        %swap3A_810 = vector.shape_cast %swap3A_809 : vector<1x16xf32> to vector<16xf32>
        %swap3A_811 = vector.shape_cast %mul3A_806 : vector<16xf32> to vector<1x16xf32>
        tpu.vector_store %arg11[%swap3A_807, %swap3A_808], %swap3A_811 {strides = array<i32>} : memref<80x128xf32, #tpu.memory_space<vmem>>, vector<1x16xf32>,
        %get3A_812 = arith.index_cast %add3A_781 : i32 to index
        %get3A_813 = arith.constant 48 : index
        %get3A_814 = tpu.vector_load %arg11[%get3A_812, %get3A_813] {strides = array<i32>} : memref<80x128xf32, #tpu.memory_space<vmem>>, vector<1x16xf32>,
        %get3A_815 = vector.shape_cast %get3A_814 : vector<1x16xf32> to vector<16xf32>
        %mul3A_816 = arith.mulf %get3A_815, %add3A_777 : vector<16xf32>
        %swap3A_817 = arith.index_cast %add3A_781 : i32 to index
        %swap3A_818 = arith.constant 48 : index
        %swap3A_819 = tpu.vector_load %arg11[%swap3A_817, %swap3A_818] {strides = array<i32>} : memref<80x128xf32, #tpu.memory_space<vmem>>, vector<1x16xf32>,
        %swap3A_820 = vector.shape_cast %swap3A_819 : vector<1x16xf32> to vector<16xf32>
        %swap3A_821 = vector.shape_cast %mul3A_816 : vector<16xf32> to vector<1x16xf32>
        tpu.vector_store %arg11[%swap3A_817, %swap3A_818], %swap3A_821 {strides = array<i32>} : memref<80x128xf32, #tpu.memory_space<vmem>>, vector<1x16xf32>,
        %get3A_822 = arith.index_cast %add3A_781 : i32 to index
        %get3A_823 = arith.constant 64 : index
        %get3A_824 = tpu.vector_load %arg11[%get3A_822, %get3A_823] {strides = array<i32>} : memref<80x128xf32, #tpu.memory_space<vmem>>, vector<1x16xf32>,
        %get3A_825 = vector.shape_cast %get3A_824 : vector<1x16xf32> to vector<16xf32>
        %mul3A_826 = arith.mulf %get3A_825, %add3A_777 : vector<16xf32>
        %swap3A_827 = arith.index_cast %add3A_781 : i32 to index
        %swap3A_828 = arith.constant 64 : index
        %swap3A_829 = tpu.vector_load %arg11[%swap3A_827, %swap3A_828] {strides = array<i32>} : memref<80x128xf32, #tpu.memory_space<vmem>>, vector<1x16xf32>,
        %swap3A_830 = vector.shape_cast %swap3A_829 : vector<1x16xf32> to vector<16xf32>
        %swap3A_831 = vector.shape_cast %mul3A_826 : vector<16xf32> to vector<1x16xf32>
        tpu.vector_store %arg11[%swap3A_827, %swap3A_828], %swap3A_831 {strides = array<i32>} : memref<80x128xf32, #tpu.memory_space<vmem>>, vector<1x16xf32>,
        %get3A_832 = arith.index_cast %add3A_781 : i32 to index
        %get3A_833 = arith.constant 80 : index
        %get3A_834 = tpu.vector_load %arg11[%get3A_832, %get3A_833] {strides = array<i32>} : memref<80x128xf32, #tpu.memory_space<vmem>>, vector<1x16xf32>,
        %get3A_835 = vector.shape_cast %get3A_834 : vector<1x16xf32> to vector<16xf32>
        %mul3A_836 = arith.mulf %get3A_835, %add3A_777 : vector<16xf32>
        %swap3A_837 = arith.index_cast %add3A_781 : i32 to index
        %swap3A_838 = arith.constant 80 : index
        %swap3A_839 = tpu.vector_load %arg11[%swap3A_837, %swap3A_838] {strides = array<i32>} : memref<80x128xf32, #tpu.memory_space<vmem>>, vector<1x16xf32>,
        %swap3A_840 = vector.shape_cast %swap3A_839 : vector<1x16xf32> to vector<16xf32>
        %swap3A_841 = vector.shape_cast %mul3A_836 : vector<16xf32> to vector<1x16xf32>
        tpu.vector_store %arg11[%swap3A_837, %swap3A_838], %swap3A_841 {strides = array<i32>} : memref<80x128xf32, #tpu.memory_space<vmem>>, vector<1x16xf32>,
        %get3A_842 = arith.index_cast %add3A_781 : i32 to index
        %get3A_843 = arith.constant 96 : index
        %get3A_844 = tpu.vector_load %arg11[%get3A_842, %get3A_843] {strides = array<i32>} : memref<80x128xf32, #tpu.memory_space<vmem>>, vector<1x16xf32>,
        %get3A_845 = vector.shape_cast %get3A_844 : vector<1x16xf32> to vector<16xf32>
        %mul3A_846 = arith.mulf %get3A_845, %add3A_777 : vector<16xf32>
        %swap3A_847 = arith.index_cast %add3A_781 : i32 to index
        %swap3A_848 = arith.constant 96 : index
        %swap3A_849 = tpu.vector_load %arg11[%swap3A_847, %swap3A_848] {strides = array<i32>} : memref<80x128xf32, #tpu.memory_space<vmem>>, vector<1x16xf32>,
        %swap3A_850 = vector.shape_cast %swap3A_849 : vector<1x16xf32> to vector<16xf32>
        %swap3A_851 = vector.shape_cast %mul3A_846 : vector<16xf32> to vector<1x16xf32>
        tpu.vector_store %arg11[%swap3A_847, %swap3A_848], %swap3A_851 {strides = array<i32>} : memref<80x128xf32, #tpu.memory_space<vmem>>, vector<1x16xf32>,
        %get3A_852 = arith.index_cast %add3A_781 : i32 to index
        %get3A_853 = arith.constant 112 : index
        %get3A_854 = tpu.vector_load %arg11[%get3A_852, %get3A_853] {strides = array<i32>} : memref<80x128xf32, #tpu.memory_space<vmem>>, vector<1x16xf32>,
        %get3A_855 = vector.shape_cast %get3A_854 : vector<1x16xf32> to vector<16xf32>
        %mul3A_856 = arith.mulf %get3A_855, %add3A_777 : vector<16xf32>
        %swap3A_857 = arith.index_cast %add3A_781 : i32 to index
        %swap3A_858 = arith.constant 112 : index
        %swap3A_859 = tpu.vector_load %arg11[%swap3A_857, %swap3A_858] {strides = array<i32>} : memref<80x128xf32, #tpu.memory_space<vmem>>, vector<1x16xf32>,
        %swap3A_860 = vector.shape_cast %swap3A_859 : vector<1x16xf32> to vector<16xf32>
        %swap3A_861 = vector.shape_cast %mul3A_856 : vector<16xf32> to vector<1x16xf32>
        tpu.vector_store %arg11[%swap3A_857, %swap3A_858], %swap3A_861 {strides = array<i32>} : memref<80x128xf32, #tpu.memory_space<vmem>>, vector<1x16xf32>,
        %broadcast_in_dim3A_862 = arith.constant 0.000000e+00 : f32
        %broadcast_in_dim3A_863 = vector.broadcast %broadcast_in_dim3A_862 : f32 to vector<16xf32>
        %slice3A_864 = vector.extract_strided_slice %get3A_145 {offsets = [8], sizes = [1], strides = [1]} : vector<16xf32> to vector<1xf32>
        %squeeze3A_865 = vector.extract %slice3A_864[0] : f32 from vector<1xf32>
        %add3A_866 = vector.broadcast %squeeze3A_865 : f32 to vector<16xf32>
        %add3A_867 = arith.addf %broadcast_in_dim3A_863, %add3A_866 : vector<16xf32>
        %mul3A_868 = arith.constant 16 : i32
        %mul3A_869 = arith.muli %scan3A_141, %mul3A_868 : i32
        %add3A_870 = arith.constant 8 : i32
        %add3A_871 = arith.addi %mul3A_869, %add3A_870 : i32
        %get3A_872 = arith.index_cast %add3A_871 : i32 to index
        %get3A_873 = arith.constant 0 : index
        %get3A_874 = tpu.vector_load %arg11[%get3A_872, %get3A_873] {strides = array<i32>} : memref<80x128xf32, #tpu.memory_space<vmem>>, vector<1x16xf32>,
        %get3A_875 = vector.shape_cast %get3A_874 : vector<1x16xf32> to vector<16xf32>
        %mul3A_876 = arith.mulf %get3A_875, %add3A_867 : vector<16xf32>
        %swap3A_877 = arith.index_cast %add3A_871 : i32 to index
        %swap3A_878 = arith.constant 0 : index
        %swap3A_879 = tpu.vector_load %arg11[%swap3A_877, %swap3A_878] {strides = array<i32>} : memref<80x128xf32, #tpu.memory_space<vmem>>, vector<1x16xf32>,
        %swap3A_880 = vector.shape_cast %swap3A_879 : vector<1x16xf32> to vector<16xf32>
        %swap3A_881 = vector.shape_cast %mul3A_876 : vector<16xf32> to vector<1x16xf32>
        tpu.vector_store %arg11[%swap3A_877, %swap3A_878], %swap3A_881 {strides = array<i32>} : memref<80x128xf32, #tpu.memory_space<vmem>>, vector<1x16xf32>,
        %get3A_882 = arith.index_cast %add3A_871 : i32 to index
        %get3A_883 = arith.constant 16 : index
        %get3A_884 = tpu.vector_load %arg11[%get3A_882, %get3A_883] {strides = array<i32>} : memref<80x128xf32, #tpu.memory_space<vmem>>, vector<1x16xf32>,
        %get3A_885 = vector.shape_cast %get3A_884 : vector<1x16xf32> to vector<16xf32>
        %mul3A_886 = arith.mulf %get3A_885, %add3A_867 : vector<16xf32>
        %swap3A_887 = arith.index_cast %add3A_871 : i32 to index
        %swap3A_888 = arith.constant 16 : index
        %swap3A_889 = tpu.vector_load %arg11[%swap3A_887, %swap3A_888] {strides = array<i32>} : memref<80x128xf32, #tpu.memory_space<vmem>>, vector<1x16xf32>,
        %swap3A_890 = vector.shape_cast %swap3A_889 : vector<1x16xf32> to vector<16xf32>
        %swap3A_891 = vector.shape_cast %mul3A_886 : vector<16xf32> to vector<1x16xf32>
        tpu.vector_store %arg11[%swap3A_887, %swap3A_888], %swap3A_891 {strides = array<i32>} : memref<80x128xf32, #tpu.memory_space<vmem>>, vector<1x16xf32>,
        %get3A_892 = arith.index_cast %add3A_871 : i32 to index
        %get3A_893 = arith.constant 32 : index
        %get3A_894 = tpu.vector_load %arg11[%get3A_892, %get3A_893] {strides = array<i32>} : memref<80x128xf32, #tpu.memory_space<vmem>>, vector<1x16xf32>,
        %get3A_895 = vector.shape_cast %get3A_894 : vector<1x16xf32> to vector<16xf32>
        %mul3A_896 = arith.mulf %get3A_895, %add3A_867 : vector<16xf32>
        %swap3A_897 = arith.index_cast %add3A_871 : i32 to index
        %swap3A_898 = arith.constant 32 : index
        %swap3A_899 = tpu.vector_load %arg11[%swap3A_897, %swap3A_898] {strides = array<i32>} : memref<80x128xf32, #tpu.memory_space<vmem>>, vector<1x16xf32>,
        %swap3A_900 = vector.shape_cast %swap3A_899 : vector<1x16xf32> to vector<16xf32>
        %swap3A_901 = vector.shape_cast %mul3A_896 : vector<16xf32> to vector<1x16xf32>
        tpu.vector_store %arg11[%swap3A_897, %swap3A_898], %swap3A_901 {strides = array<i32>} : memref<80x128xf32, #tpu.memory_space<vmem>>, vector<1x16xf32>,
        %get3A_902 = arith.index_cast %add3A_871 : i32 to index
        %get3A_903 = arith.constant 48 : index
        %get3A_904 = tpu.vector_load %arg11[%get3A_902, %get3A_903] {strides = array<i32>} : memref<80x128xf32, #tpu.memory_space<vmem>>, vector<1x16xf32>,
        %get3A_905 = vector.shape_cast %get3A_904 : vector<1x16xf32> to vector<16xf32>
        %mul3A_906 = arith.mulf %get3A_905, %add3A_867 : vector<16xf32>
        %swap3A_907 = arith.index_cast %add3A_871 : i32 to index
        %swap3A_908 = arith.constant 48 : index
        %swap3A_909 = tpu.vector_load %arg11[%swap3A_907, %swap3A_908] {strides = array<i32>} : memref<80x128xf32, #tpu.memory_space<vmem>>, vector<1x16xf32>,
        %swap3A_910 = vector.shape_cast %swap3A_909 : vector<1x16xf32> to vector<16xf32>
        %swap3A_911 = vector.shape_cast %mul3A_906 : vector<16xf32> to vector<1x16xf32>
        tpu.vector_store %arg11[%swap3A_907, %swap3A_908], %swap3A_911 {strides = array<i32>} : memref<80x128xf32, #tpu.memory_space<vmem>>, vector<1x16xf32>,
        %get3A_912 = arith.index_cast %add3A_871 : i32 to index
        %get3A_913 = arith.constant 64 : index
        %get3A_914 = tpu.vector_load %arg11[%get3A_912, %get3A_913] {strides = array<i32>} : memref<80x128xf32, #tpu.memory_space<vmem>>, vector<1x16xf32>,
        %get3A_915 = vector.shape_cast %get3A_914 : vector<1x16xf32> to vector<16xf32>
        %mul3A_916 = arith.mulf %get3A_915, %add3A_867 : vector<16xf32>
        %swap3A_917 = arith.index_cast %add3A_871 : i32 to index
        %swap3A_918 = arith.constant 64 : index
        %swap3A_919 = tpu.vector_load %arg11[%swap3A_917, %swap3A_918] {strides = array<i32>} : memref<80x128xf32, #tpu.memory_space<vmem>>, vector<1x16xf32>,
        %swap3A_920 = vector.shape_cast %swap3A_919 : vector<1x16xf32> to vector<16xf32>
        %swap3A_921 = vector.shape_cast %mul3A_916 : vector<16xf32> to vector<1x16xf32>
        tpu.vector_store %arg11[%swap3A_917, %swap3A_918], %swap3A_921 {strides = array<i32>} : memref<80x128xf32, #tpu.memory_space<vmem>>, vector<1x16xf32>,
        %get3A_922 = arith.index_cast %add3A_871 : i32 to index
        %get3A_923 = arith.constant 80 : index
        %get3A_924 = tpu.vector_load %arg11[%get3A_922, %get3A_923] {strides = array<i32>} : memref<80x128xf32, #tpu.memory_space<vmem>>, vector<1x16xf32>,
        %get3A_925 = vector.shape_cast %get3A_924 : vector<1x16xf32> to vector<16xf32>
        %mul3A_926 = arith.mulf %get3A_925, %add3A_867 : vector<16xf32>
        %swap3A_927 = arith.index_cast %add3A_871 : i32 to index
        %swap3A_928 = arith.constant 80 : index
        %swap3A_929 = tpu.vector_load %arg11[%swap3A_927, %swap3A_928] {strides = array<i32>} : memref<80x128xf32, #tpu.memory_space<vmem>>, vector<1x16xf32>,
        %swap3A_930 = vector.shape_cast %swap3A_929 : vector<1x16xf32> to vector<16xf32>
        %swap3A_931 = vector.shape_cast %mul3A_926 : vector<16xf32> to vector<1x16xf32>
        tpu.vector_store %arg11[%swap3A_927, %swap3A_928], %swap3A_931 {strides = array<i32>} : memref<80x128xf32, #tpu.memory_space<vmem>>, vector<1x16xf32>,
        %get3A_932 = arith.index_cast %add3A_871 : i32 to index
        %get3A_933 = arith.constant 96 : index
        %get3A_934 = tpu.vector_load %arg11[%get3A_932, %get3A_933] {strides = array<i32>} : memref<80x128xf32, #tpu.memory_space<vmem>>, vector<1x16xf32>,
        %get3A_935 = vector.shape_cast %get3A_934 : vector<1x16xf32> to vector<16xf32>
        %mul3A_936 = arith.mulf %get3A_935, %add3A_867 : vector<16xf32>
        %swap3A_937 = arith.index_cast %add3A_871 : i32 to index
        %swap3A_938 = arith.constant 96 : index
        %swap3A_939 = tpu.vector_load %arg11[%swap3A_937, %swap3A_938] {strides = array<i32>} : memref<80x128xf32, #tpu.memory_space<vmem>>, vector<1x16xf32>,
        %swap3A_940 = vector.shape_cast %swap3A_939 : vector<1x16xf32> to vector<16xf32>
        %swap3A_941 = vector.shape_cast %mul3A_936 : vector<16xf32> to vector<1x16xf32>
        tpu.vector_store %arg11[%swap3A_937, %swap3A_938], %swap3A_941 {strides = array<i32>} : memref<80x128xf32, #tpu.memory_space<vmem>>, vector<1x16xf32>,
        %get3A_942 = arith.index_cast %add3A_871 : i32 to index
        %get3A_943 = arith.constant 112 : index
        %get3A_944 = tpu.vector_load %arg11[%get3A_942, %get3A_943] {strides = array<i32>} : memref<80x128xf32, #tpu.memory_space<vmem>>, vector<1x16xf32>,
        %get3A_945 = vector.shape_cast %get3A_944 : vector<1x16xf32> to vector<16xf32>
        %mul3A_946 = arith.mulf %get3A_945, %add3A_867 : vector<16xf32>
        %swap3A_947 = arith.index_cast %add3A_871 : i32 to index
        %swap3A_948 = arith.constant 112 : index
        %swap3A_949 = tpu.vector_load %arg11[%swap3A_947, %swap3A_948] {strides = array<i32>} : memref<80x128xf32, #tpu.memory_space<vmem>>, vector<1x16xf32>,
        %swap3A_950 = vector.shape_cast %swap3A_949 : vector<1x16xf32> to vector<16xf32>
        %swap3A_951 = vector.shape_cast %mul3A_946 : vector<16xf32> to vector<1x16xf32>
        tpu.vector_store %arg11[%swap3A_947, %swap3A_948], %swap3A_951 {strides = array<i32>} : memref<80x128xf32, #tpu.memory_space<vmem>>, vector<1x16xf32>,
        %broadcast_in_dim3A_952 = arith.constant 0.000000e+00 : f32
        %broadcast_in_dim3A_953 = vector.broadcast %broadcast_in_dim3A_952 : f32 to vector<16xf32>
        %slice3A_954 = vector.extract_strided_slice %get3A_145 {offsets = [9], sizes = [1], strides = [1]} : vector<16xf32> to vector<1xf32>
        %squeeze3A_955 = vector.extract %slice3A_954[0] : f32 from vector<1xf32>
        %add3A_956 = vector.broadcast %squeeze3A_955 : f32 to vector<16xf32>
        %add3A_957 = arith.addf %broadcast_in_dim3A_953, %add3A_956 : vector<16xf32>
        %mul3A_958 = arith.constant 16 : i32
        %mul3A_959 = arith.muli %scan3A_141, %mul3A_958 : i32
        %add3A_960 = arith.constant 9 : i32
        %add3A_961 = arith.addi %mul3A_959, %add3A_960 : i32
        %get3A_962 = arith.index_cast %add3A_961 : i32 to index
        %get3A_963 = arith.constant 0 : index
        %get3A_964 = tpu.vector_load %arg11[%get3A_962, %get3A_963] {strides = array<i32>} : memref<80x128xf32, #tpu.memory_space<vmem>>, vector<1x16xf32>,
        %get3A_965 = vector.shape_cast %get3A_964 : vector<1x16xf32> to vector<16xf32>
        %mul3A_966 = arith.mulf %get3A_965, %add3A_957 : vector<16xf32>
        %swap3A_967 = arith.index_cast %add3A_961 : i32 to index
        %swap3A_968 = arith.constant 0 : index
        %swap3A_969 = tpu.vector_load %arg11[%swap3A_967, %swap3A_968] {strides = array<i32>} : memref<80x128xf32, #tpu.memory_space<vmem>>, vector<1x16xf32>,
        %swap3A_970 = vector.shape_cast %swap3A_969 : vector<1x16xf32> to vector<16xf32>
        %swap3A_971 = vector.shape_cast %mul3A_966 : vector<16xf32> to vector<1x16xf32>
        tpu.vector_store %arg11[%swap3A_967, %swap3A_968], %swap3A_971 {strides = array<i32>} : memref<80x128xf32, #tpu.memory_space<vmem>>, vector<1x16xf32>,
        %get3A_972 = arith.index_cast %add3A_961 : i32 to index
        %get3A_973 = arith.constant 16 : index
        %get3A_974 = tpu.vector_load %arg11[%get3A_972, %get3A_973] {strides = array<i32>} : memref<80x128xf32, #tpu.memory_space<vmem>>, vector<1x16xf32>,
        %get3A_975 = vector.shape_cast %get3A_974 : vector<1x16xf32> to vector<16xf32>
        %mul3A_976 = arith.mulf %get3A_975, %add3A_957 : vector<16xf32>
        %swap3A_977 = arith.index_cast %add3A_961 : i32 to index
        %swap3A_978 = arith.constant 16 : index
        %swap3A_979 = tpu.vector_load %arg11[%swap3A_977, %swap3A_978] {strides = array<i32>} : memref<80x128xf32, #tpu.memory_space<vmem>>, vector<1x16xf32>,
        %swap3A_980 = vector.shape_cast %swap3A_979 : vector<1x16xf32> to vector<16xf32>
        %swap3A_981 = vector.shape_cast %mul3A_976 : vector<16xf32> to vector<1x16xf32>
        tpu.vector_store %arg11[%swap3A_977, %swap3A_978], %swap3A_981 {strides = array<i32>} : memref<80x128xf32, #tpu.memory_space<vmem>>, vector<1x16xf32>,
        %get3A_982 = arith.index_cast %add3A_961 : i32 to index
        %get3A_983 = arith.constant 32 : index
        %get3A_984 = tpu.vector_load %arg11[%get3A_982, %get3A_983] {strides = array<i32>} : memref<80x128xf32, #tpu.memory_space<vmem>>, vector<1x16xf32>,
        %get3A_985 = vector.shape_cast %get3A_984 : vector<1x16xf32> to vector<16xf32>
        %mul3A_986 = arith.mulf %get3A_985, %add3A_957 : vector<16xf32>
        %swap3A_987 = arith.index_cast %add3A_961 : i32 to index
        %swap3A_988 = arith.constant 32 : index
        %swap3A_989 = tpu.vector_load %arg11[%swap3A_987, %swap3A_988] {strides = array<i32>} : memref<80x128xf32, #tpu.memory_space<vmem>>, vector<1x16xf32>,
        %swap3A_990 = vector.shape_cast %swap3A_989 : vector<1x16xf32> to vector<16xf32>
        %swap3A_991 = vector.shape_cast %mul3A_986 : vector<16xf32> to vector<1x16xf32>
        tpu.vector_store %arg11[%swap3A_987, %swap3A_988], %swap3A_991 {strides = array<i32>} : memref<80x128xf32, #tpu.memory_space<vmem>>, vector<1x16xf32>,
        %get3A_992 = arith.index_cast %add3A_961 : i32 to index
        %get3A_993 = arith.constant 48 : index
        %get3A_994 = tpu.vector_load %arg11[%get3A_992, %get3A_993] {strides = array<i32>} : memref<80x128xf32, #tpu.memory_space<vmem>>, vector<1x16xf32>,
        %get3A_995 = vector.shape_cast %get3A_994 : vector<1x16xf32> to vector<16xf32>
        %mul3A_996 = arith.mulf %get3A_995, %add3A_957 : vector<16xf32>
        %swap3A_997 = arith.index_cast %add3A_961 : i32 to index
        %swap3A_998 = arith.constant 48 : index
        %swap3A_999 = tpu.vector_load %arg11[%swap3A_997, %swap3A_998] {strides = array<i32>} : memref<80x128xf32, #tpu.memory_space<vmem>>, vector<1x16xf32>,
        %swap3A_1000 = vector.shape_cast %swap3A_999 : vector<1x16xf32> to vector<16xf32>
        %swap3A_1001 = vector.shape_cast %mul3A_996 : vector<16xf32> to vector<1x16xf32>
        tpu.vector_store %arg11[%swap3A_997, %swap3A_998], %swap3A_1001 {strides = array<i32>} : memref<80x128xf32, #tpu.memory_space<vmem>>, vector<1x16xf32>,
        %get3A_1002 = arith.index_cast %add3A_961 : i32 to index
        %get3A_1003 = arith.constant 64 : index
        %get3A_1004 = tpu.vector_load %arg11[%get3A_1002, %get3A_1003] {strides = array<i32>} : memref<80x128xf32, #tpu.memory_space<vmem>>, vector<1x16xf32>,
        %get3A_1005 = vector.shape_cast %get3A_1004 : vector<1x16xf32> to vector<16xf32>
        %mul3A_1006 = arith.mulf %get3A_1005, %add3A_957 : vector<16xf32>
        %swap3A_1007 = arith.index_cast %add3A_961 : i32 to index
        %swap3A_1008 = arith.constant 64 : index
        %swap3A_1009 = tpu.vector_load %arg11[%swap3A_1007, %swap3A_1008] {strides = array<i32>} : memref<80x128xf32, #tpu.memory_space<vmem>>, vector<1x16xf32>,
        %swap3A_1010 = vector.shape_cast %swap3A_1009 : vector<1x16xf32> to vector<16xf32>
        %swap3A_1011 = vector.shape_cast %mul3A_1006 : vector<16xf32> to vector<1x16xf32>
        tpu.vector_store %arg11[%swap3A_1007, %swap3A_1008], %swap3A_1011 {strides = array<i32>} : memref<80x128xf32, #tpu.memory_space<vmem>>, vector<1x16xf32>,
        %get3A_1012 = arith.index_cast %add3A_961 : i32 to index
        %get3A_1013 = arith.constant 80 : index
        %get3A_1014 = tpu.vector_load %arg11[%get3A_1012, %get3A_1013] {strides = array<i32>} : memref<80x128xf32, #tpu.memory_space<vmem>>, vector<1x16xf32>,
        %get3A_1015 = vector.shape_cast %get3A_1014 : vector<1x16xf32> to vector<16xf32>
        %mul3A_1016 = arith.mulf %get3A_1015, %add3A_957 : vector<16xf32>
        %swap3A_1017 = arith.index_cast %add3A_961 : i32 to index
        %swap3A_1018 = arith.constant 80 : index
        %swap3A_1019 = tpu.vector_load %arg11[%swap3A_1017, %swap3A_1018] {strides = array<i32>} : memref<80x128xf32, #tpu.memory_space<vmem>>, vector<1x16xf32>,
        %swap3A_1020 = vector.shape_cast %swap3A_1019 : vector<1x16xf32> to vector<16xf32>
        %swap3A_1021 = vector.shape_cast %mul3A_1016 : vector<16xf32> to vector<1x16xf32>
        tpu.vector_store %arg11[%swap3A_1017, %swap3A_1018], %swap3A_1021 {strides = array<i32>} : memref<80x128xf32, #tpu.memory_space<vmem>>, vector<1x16xf32>,
        %get3A_1022 = arith.index_cast %add3A_961 : i32 to index
        %get3A_1023 = arith.constant 96 : index
        %get3A_1024 = tpu.vector_load %arg11[%get3A_1022, %get3A_1023] {strides = array<i32>} : memref<80x128xf32, #tpu.memory_space<vmem>>, vector<1x16xf32>,
        %get3A_1025 = vector.shape_cast %get3A_1024 : vector<1x16xf32> to vector<16xf32>
        %mul3A_1026 = arith.mulf %get3A_1025, %add3A_957 : vector<16xf32>
        %swap3A_1027 = arith.index_cast %add3A_961 : i32 to index
        %swap3A_1028 = arith.constant 96 : index
        %swap3A_1029 = tpu.vector_load %arg11[%swap3A_1027, %swap3A_1028] {strides = array<i32>} : memref<80x128xf32, #tpu.memory_space<vmem>>, vector<1x16xf32>,
        %swap3A_1030 = vector.shape_cast %swap3A_1029 : vector<1x16xf32> to vector<16xf32>
        %swap3A_1031 = vector.shape_cast %mul3A_1026 : vector<16xf32> to vector<1x16xf32>
        tpu.vector_store %arg11[%swap3A_1027, %swap3A_1028], %swap3A_1031 {strides = array<i32>} : memref<80x128xf32, #tpu.memory_space<vmem>>, vector<1x16xf32>,
        %get3A_1032 = arith.index_cast %add3A_961 : i32 to index
        %get3A_1033 = arith.constant 112 : index
        %get3A_1034 = tpu.vector_load %arg11[%get3A_1032, %get3A_1033] {strides = array<i32>} : memref<80x128xf32, #tpu.memory_space<vmem>>, vector<1x16xf32>,
        %get3A_1035 = vector.shape_cast %get3A_1034 : vector<1x16xf32> to vector<16xf32>
        %mul3A_1036 = arith.mulf %get3A_1035, %add3A_957 : vector<16xf32>
        %swap3A_1037 = arith.index_cast %add3A_961 : i32 to index
        %swap3A_1038 = arith.constant 112 : index
        %swap3A_1039 = tpu.vector_load %arg11[%swap3A_1037, %swap3A_1038] {strides = array<i32>} : memref<80x128xf32, #tpu.memory_space<vmem>>, vector<1x16xf32>,
        %swap3A_1040 = vector.shape_cast %swap3A_1039 : vector<1x16xf32> to vector<16xf32>
        %swap3A_1041 = vector.shape_cast %mul3A_1036 : vector<16xf32> to vector<1x16xf32>
        tpu.vector_store %arg11[%swap3A_1037, %swap3A_1038], %swap3A_1041 {strides = array<i32>} : memref<80x128xf32, #tpu.memory_space<vmem>>, vector<1x16xf32>,
        %broadcast_in_dim3A_1042 = arith.constant 0.000000e+00 : f32
        %broadcast_in_dim3A_1043 = vector.broadcast %broadcast_in_dim3A_1042 : f32 to vector<16xf32>
        %slice3A_1044 = vector.extract_strided_slice %get3A_145 {offsets = [10], sizes = [1], strides = [1]} : vector<16xf32> to vector<1xf32>
        %squeeze3A_1045 = vector.extract %slice3A_1044[0] : f32 from vector<1xf32>
        %add3A_1046 = vector.broadcast %squeeze3A_1045 : f32 to vector<16xf32>
        %add3A_1047 = arith.addf %broadcast_in_dim3A_1043, %add3A_1046 : vector<16xf32>
        %mul3A_1048 = arith.constant 16 : i32
        %mul3A_1049 = arith.muli %scan3A_141, %mul3A_1048 : i32
        %add3A_1050 = arith.constant 10 : i32
        %add3A_1051 = arith.addi %mul3A_1049, %add3A_1050 : i32
        %get3A_1052 = arith.index_cast %add3A_1051 : i32 to index
        %get3A_1053 = arith.constant 0 : index
        %get3A_1054 = tpu.vector_load %arg11[%get3A_1052, %get3A_1053] {strides = array<i32>} : memref<80x128xf32, #tpu.memory_space<vmem>>, vector<1x16xf32>,
        %get3A_1055 = vector.shape_cast %get3A_1054 : vector<1x16xf32> to vector<16xf32>
        %mul3A_1056 = arith.mulf %get3A_1055, %add3A_1047 : vector<16xf32>
        %swap3A_1057 = arith.index_cast %add3A_1051 : i32 to index
        %swap3A_1058 = arith.constant 0 : index
        %swap3A_1059 = tpu.vector_load %arg11[%swap3A_1057, %swap3A_1058] {strides = array<i32>} : memref<80x128xf32, #tpu.memory_space<vmem>>, vector<1x16xf32>,
        %swap3A_1060 = vector.shape_cast %swap3A_1059 : vector<1x16xf32> to vector<16xf32>
        %swap3A_1061 = vector.shape_cast %mul3A_1056 : vector<16xf32> to vector<1x16xf32>
        tpu.vector_store %arg11[%swap3A_1057, %swap3A_1058], %swap3A_1061 {strides = array<i32>} : memref<80x128xf32, #tpu.memory_space<vmem>>, vector<1x16xf32>,
        %get3A_1062 = arith.index_cast %add3A_1051 : i32 to index
        %get3A_1063 = arith.constant 16 : index
        %get3A_1064 = tpu.vector_load %arg11[%get3A_1062, %get3A_1063] {strides = array<i32>} : memref<80x128xf32, #tpu.memory_space<vmem>>, vector<1x16xf32>,
        %get3A_1065 = vector.shape_cast %get3A_1064 : vector<1x16xf32> to vector<16xf32>
        %mul3A_1066 = arith.mulf %get3A_1065, %add3A_1047 : vector<16xf32>
        %swap3A_1067 = arith.index_cast %add3A_1051 : i32 to index
        %swap3A_1068 = arith.constant 16 : index
        %swap3A_1069 = tpu.vector_load %arg11[%swap3A_1067, %swap3A_1068] {strides = array<i32>} : memref<80x128xf32, #tpu.memory_space<vmem>>, vector<1x16xf32>,
        %swap3A_1070 = vector.shape_cast %swap3A_1069 : vector<1x16xf32> to vector<16xf32>
        %swap3A_1071 = vector.shape_cast %mul3A_1066 : vector<16xf32> to vector<1x16xf32>
        tpu.vector_store %arg11[%swap3A_1067, %swap3A_1068], %swap3A_1071 {strides = array<i32>} : memref<80x128xf32, #tpu.memory_space<vmem>>, vector<1x16xf32>,
        %get3A_1072 = arith.index_cast %add3A_1051 : i32 to index
        %get3A_1073 = arith.constant 32 : index
        %get3A_1074 = tpu.vector_load %arg11[%get3A_1072, %get3A_1073] {strides = array<i32>} : memref<80x128xf32, #tpu.memory_space<vmem>>, vector<1x16xf32>,
        %get3A_1075 = vector.shape_cast %get3A_1074 : vector<1x16xf32> to vector<16xf32>
        %mul3A_1076 = arith.mulf %get3A_1075, %add3A_1047 : vector<16xf32>
        %swap3A_1077 = arith.index_cast %add3A_1051 : i32 to index
        %swap3A_1078 = arith.constant 32 : index
        %swap3A_1079 = tpu.vector_load %arg11[%swap3A_1077, %swap3A_1078] {strides = array<i32>} : memref<80x128xf32, #tpu.memory_space<vmem>>, vector<1x16xf32>,
        %swap3A_1080 = vector.shape_cast %swap3A_1079 : vector<1x16xf32> to vector<16xf32>
        %swap3A_1081 = vector.shape_cast %mul3A_1076 : vector<16xf32> to vector<1x16xf32>
        tpu.vector_store %arg11[%swap3A_1077, %swap3A_1078], %swap3A_1081 {strides = array<i32>} : memref<80x128xf32, #tpu.memory_space<vmem>>, vector<1x16xf32>,
        %get3A_1082 = arith.index_cast %add3A_1051 : i32 to index
        %get3A_1083 = arith.constant 48 : index
        %get3A_1084 = tpu.vector_load %arg11[%get3A_1082, %get3A_1083] {strides = array<i32>} : memref<80x128xf32, #tpu.memory_space<vmem>>, vector<1x16xf32>,
        %get3A_1085 = vector.shape_cast %get3A_1084 : vector<1x16xf32> to vector<16xf32>
        %mul3A_1086 = arith.mulf %get3A_1085, %add3A_1047 : vector<16xf32>
        %swap3A_1087 = arith.index_cast %add3A_1051 : i32 to index
        %swap3A_1088 = arith.constant 48 : index
        %swap3A_1089 = tpu.vector_load %arg11[%swap3A_1087, %swap3A_1088] {strides = array<i32>} : memref<80x128xf32, #tpu.memory_space<vmem>>, vector<1x16xf32>,
        %swap3A_1090 = vector.shape_cast %swap3A_1089 : vector<1x16xf32> to vector<16xf32>
        %swap3A_1091 = vector.shape_cast %mul3A_1086 : vector<16xf32> to vector<1x16xf32>
        tpu.vector_store %arg11[%swap3A_1087, %swap3A_1088], %swap3A_1091 {strides = array<i32>} : memref<80x128xf32, #tpu.memory_space<vmem>>, vector<1x16xf32>,
        %get3A_1092 = arith.index_cast %add3A_1051 : i32 to index
        %get3A_1093 = arith.constant 64 : index
        %get3A_1094 = tpu.vector_load %arg11[%get3A_1092, %get3A_1093] {strides = array<i32>} : memref<80x128xf32, #tpu.memory_space<vmem>>, vector<1x16xf32>,
        %get3A_1095 = vector.shape_cast %get3A_1094 : vector<1x16xf32> to vector<16xf32>
        %mul3A_1096 = arith.mulf %get3A_1095, %add3A_1047 : vector<16xf32>
        %swap3A_1097 = arith.index_cast %add3A_1051 : i32 to index
        %swap3A_1098 = arith.constant 64 : index
        %swap3A_1099 = tpu.vector_load %arg11[%swap3A_1097, %swap3A_1098] {strides = array<i32>} : memref<80x128xf32, #tpu.memory_space<vmem>>, vector<1x16xf32>,
        %swap3A_1100 = vector.shape_cast %swap3A_1099 : vector<1x16xf32> to vector<16xf32>
        %swap3A_1101 = vector.shape_cast %mul3A_1096 : vector<16xf32> to vector<1x16xf32>
        tpu.vector_store %arg11[%swap3A_1097, %swap3A_1098], %swap3A_1101 {strides = array<i32>} : memref<80x128xf32, #tpu.memory_space<vmem>>, vector<1x16xf32>,
        %get3A_1102 = arith.index_cast %add3A_1051 : i32 to index
        %get3A_1103 = arith.constant 80 : index
        %get3A_1104 = tpu.vector_load %arg11[%get3A_1102, %get3A_1103] {strides = array<i32>} : memref<80x128xf32, #tpu.memory_space<vmem>>, vector<1x16xf32>,
        %get3A_1105 = vector.shape_cast %get3A_1104 : vector<1x16xf32> to vector<16xf32>
        %mul3A_1106 = arith.mulf %get3A_1105, %add3A_1047 : vector<16xf32>
        %swap3A_1107 = arith.index_cast %add3A_1051 : i32 to index
        %swap3A_1108 = arith.constant 80 : index
        %swap3A_1109 = tpu.vector_load %arg11[%swap3A_1107, %swap3A_1108] {strides = array<i32>} : memref<80x128xf32, #tpu.memory_space<vmem>>, vector<1x16xf32>,
        %swap3A_1110 = vector.shape_cast %swap3A_1109 : vector<1x16xf32> to vector<16xf32>
        %swap3A_1111 = vector.shape_cast %mul3A_1106 : vector<16xf32> to vector<1x16xf32>
        tpu.vector_store %arg11[%swap3A_1107, %swap3A_1108], %swap3A_1111 {strides = array<i32>} : memref<80x128xf32, #tpu.memory_space<vmem>>, vector<1x16xf32>,
        %get3A_1112 = arith.index_cast %add3A_1051 : i32 to index
        %get3A_1113 = arith.constant 96 : index
        %get3A_1114 = tpu.vector_load %arg11[%get3A_1112, %get3A_1113] {strides = array<i32>} : memref<80x128xf32, #tpu.memory_space<vmem>>, vector<1x16xf32>,
        %get3A_1115 = vector.shape_cast %get3A_1114 : vector<1x16xf32> to vector<16xf32>
        %mul3A_1116 = arith.mulf %get3A_1115, %add3A_1047 : vector<16xf32>
        %swap3A_1117 = arith.index_cast %add3A_1051 : i32 to index
        %swap3A_1118 = arith.constant 96 : index
        %swap3A_1119 = tpu.vector_load %arg11[%swap3A_1117, %swap3A_1118] {strides = array<i32>} : memref<80x128xf32, #tpu.memory_space<vmem>>, vector<1x16xf32>,
        %swap3A_1120 = vector.shape_cast %swap3A_1119 : vector<1x16xf32> to vector<16xf32>
        %swap3A_1121 = vector.shape_cast %mul3A_1116 : vector<16xf32> to vector<1x16xf32>
        tpu.vector_store %arg11[%swap3A_1117, %swap3A_1118], %swap3A_1121 {strides = array<i32>} : memref<80x128xf32, #tpu.memory_space<vmem>>, vector<1x16xf32>,
        %get3A_1122 = arith.index_cast %add3A_1051 : i32 to index
        %get3A_1123 = arith.constant 112 : index
        %get3A_1124 = tpu.vector_load %arg11[%get3A_1122, %get3A_1123] {strides = array<i32>} : memref<80x128xf32, #tpu.memory_space<vmem>>, vector<1x16xf32>,
        %get3A_1125 = vector.shape_cast %get3A_1124 : vector<1x16xf32> to vector<16xf32>
        %mul3A_1126 = arith.mulf %get3A_1125, %add3A_1047 : vector<16xf32>
        %swap3A_1127 = arith.index_cast %add3A_1051 : i32 to index
        %swap3A_1128 = arith.constant 112 : index
        %swap3A_1129 = tpu.vector_load %arg11[%swap3A_1127, %swap3A_1128] {strides = array<i32>} : memref<80x128xf32, #tpu.memory_space<vmem>>, vector<1x16xf32>,
        %swap3A_1130 = vector.shape_cast %swap3A_1129 : vector<1x16xf32> to vector<16xf32>
        %swap3A_1131 = vector.shape_cast %mul3A_1126 : vector<16xf32> to vector<1x16xf32>
        tpu.vector_store %arg11[%swap3A_1127, %swap3A_1128], %swap3A_1131 {strides = array<i32>} : memref<80x128xf32, #tpu.memory_space<vmem>>, vector<1x16xf32>,
        %broadcast_in_dim3A_1132 = arith.constant 0.000000e+00 : f32
        %broadcast_in_dim3A_1133 = vector.broadcast %broadcast_in_dim3A_1132 : f32 to vector<16xf32>
        %slice3A_1134 = vector.extract_strided_slice %get3A_145 {offsets = [11], sizes = [1], strides = [1]} : vector<16xf32> to vector<1xf32>
        %squeeze3A_1135 = vector.extract %slice3A_1134[0] : f32 from vector<1xf32>
        %add3A_1136 = vector.broadcast %squeeze3A_1135 : f32 to vector<16xf32>
        %add3A_1137 = arith.addf %broadcast_in_dim3A_1133, %add3A_1136 : vector<16xf32>
        %mul3A_1138 = arith.constant 16 : i32
        %mul3A_1139 = arith.muli %scan3A_141, %mul3A_1138 : i32
        %add3A_1140 = arith.constant 11 : i32
        %add3A_1141 = arith.addi %mul3A_1139, %add3A_1140 : i32
        %get3A_1142 = arith.index_cast %add3A_1141 : i32 to index
        %get3A_1143 = arith.constant 0 : index
        %get3A_1144 = tpu.vector_load %arg11[%get3A_1142, %get3A_1143] {strides = array<i32>} : memref<80x128xf32, #tpu.memory_space<vmem>>, vector<1x16xf32>,
        %get3A_1145 = vector.shape_cast %get3A_1144 : vector<1x16xf32> to vector<16xf32>
        %mul3A_1146 = arith.mulf %get3A_1145, %add3A_1137 : vector<16xf32>
        %swap3A_1147 = arith.index_cast %add3A_1141 : i32 to index
        %swap3A_1148 = arith.constant 0 : index
        %swap3A_1149 = tpu.vector_load %arg11[%swap3A_1147, %swap3A_1148] {strides = array<i32>} : memref<80x128xf32, #tpu.memory_space<vmem>>, vector<1x16xf32>,
        %swap3A_1150 = vector.shape_cast %swap3A_1149 : vector<1x16xf32> to vector<16xf32>
        %swap3A_1151 = vector.shape_cast %mul3A_1146 : vector<16xf32> to vector<1x16xf32>
        tpu.vector_store %arg11[%swap3A_1147, %swap3A_1148], %swap3A_1151 {strides = array<i32>} : memref<80x128xf32, #tpu.memory_space<vmem>>, vector<1x16xf32>,
        %get3A_1152 = arith.index_cast %add3A_1141 : i32 to index
        %get3A_1153 = arith.constant 16 : index
        %get3A_1154 = tpu.vector_load %arg11[%get3A_1152, %get3A_1153] {strides = array<i32>} : memref<80x128xf32, #tpu.memory_space<vmem>>, vector<1x16xf32>,
        %get3A_1155 = vector.shape_cast %get3A_1154 : vector<1x16xf32> to vector<16xf32>
        %mul3A_1156 = arith.mulf %get3A_1155, %add3A_1137 : vector<16xf32>
        %swap3A_1157 = arith.index_cast %add3A_1141 : i32 to index
        %swap3A_1158 = arith.constant 16 : index
        %swap3A_1159 = tpu.vector_load %arg11[%swap3A_1157, %swap3A_1158] {strides = array<i32>} : memref<80x128xf32, #tpu.memory_space<vmem>>, vector<1x16xf32>,
        %swap3A_1160 = vector.shape_cast %swap3A_1159 : vector<1x16xf32> to vector<16xf32>
        %swap3A_1161 = vector.shape_cast %mul3A_1156 : vector<16xf32> to vector<1x16xf32>
        tpu.vector_store %arg11[%swap3A_1157, %swap3A_1158], %swap3A_1161 {strides = array<i32>} : memref<80x128xf32, #tpu.memory_space<vmem>>, vector<1x16xf32>,
        %get3A_1162 = arith.index_cast %add3A_1141 : i32 to index
        %get3A_1163 = arith.constant 32 : index
        %get3A_1164 = tpu.vector_load %arg11[%get3A_1162, %get3A_1163] {strides = array<i32>} : memref<80x128xf32, #tpu.memory_space<vmem>>, vector<1x16xf32>,
        %get3A_1165 = vector.shape_cast %get3A_1164 : vector<1x16xf32> to vector<16xf32>
        %mul3A_1166 = arith.mulf %get3A_1165, %add3A_1137 : vector<16xf32>
        %swap3A_1167 = arith.index_cast %add3A_1141 : i32 to index
        %swap3A_1168 = arith.constant 32 : index
        %swap3A_1169 = tpu.vector_load %arg11[%swap3A_1167, %swap3A_1168] {strides = array<i32>} : memref<80x128xf32, #tpu.memory_space<vmem>>, vector<1x16xf32>,
        %swap3A_1170 = vector.shape_cast %swap3A_1169 : vector<1x16xf32> to vector<16xf32>
        %swap3A_1171 = vector.shape_cast %mul3A_1166 : vector<16xf32> to vector<1x16xf32>
        tpu.vector_store %arg11[%swap3A_1167, %swap3A_1168], %swap3A_1171 {strides = array<i32>} : memref<80x128xf32, #tpu.memory_space<vmem>>, vector<1x16xf32>,
        %get3A_1172 = arith.index_cast %add3A_1141 : i32 to index
        %get3A_1173 = arith.constant 48 : index
        %get3A_1174 = tpu.vector_load %arg11[%get3A_1172, %get3A_1173] {strides = array<i32>} : memref<80x128xf32, #tpu.memory_space<vmem>>, vector<1x16xf32>,
        %get3A_1175 = vector.shape_cast %get3A_1174 : vector<1x16xf32> to vector<16xf32>
        %mul3A_1176 = arith.mulf %get3A_1175, %add3A_1137 : vector<16xf32>
        %swap3A_1177 = arith.index_cast %add3A_1141 : i32 to index
        %swap3A_1178 = arith.constant 48 : index
        %swap3A_1179 = tpu.vector_load %arg11[%swap3A_1177, %swap3A_1178] {strides = array<i32>} : memref<80x128xf32, #tpu.memory_space<vmem>>, vector<1x16xf32>,
        %swap3A_1180 = vector.shape_cast %swap3A_1179 : vector<1x16xf32> to vector<16xf32>
        %swap3A_1181 = vector.shape_cast %mul3A_1176 : vector<16xf32> to vector<1x16xf32>
        tpu.vector_store %arg11[%swap3A_1177, %swap3A_1178], %swap3A_1181 {strides = array<i32>} : memref<80x128xf32, #tpu.memory_space<vmem>>, vector<1x16xf32>,
        %get3A_1182 = arith.index_cast %add3A_1141 : i32 to index
        %get3A_1183 = arith.constant 64 : index
        %get3A_1184 = tpu.vector_load %arg11[%get3A_1182, %get3A_1183] {strides = array<i32>} : memref<80x128xf32, #tpu.memory_space<vmem>>, vector<1x16xf32>,
        %get3A_1185 = vector.shape_cast %get3A_1184 : vector<1x16xf32> to vector<16xf32>
        %mul3A_1186 = arith.mulf %get3A_1185, %add3A_1137 : vector<16xf32>
        %swap3A_1187 = arith.index_cast %add3A_1141 : i32 to index
        %swap3A_1188 = arith.constant 64 : index
        %swap3A_1189 = tpu.vector_load %arg11[%swap3A_1187, %swap3A_1188] {strides = array<i32>} : memref<80x128xf32, #tpu.memory_space<vmem>>, vector<1x16xf32>,
        %swap3A_1190 = vector.shape_cast %swap3A_1189 : vector<1x16xf32> to vector<16xf32>
        %swap3A_1191 = vector.shape_cast %mul3A_1186 : vector<16xf32> to vector<1x16xf32>
        tpu.vector_store %arg11[%swap3A_1187, %swap3A_1188], %swap3A_1191 {strides = array<i32>} : memref<80x128xf32, #tpu.memory_space<vmem>>, vector<1x16xf32>,
        %get3A_1192 = arith.index_cast %add3A_1141 : i32 to index
        %get3A_1193 = arith.constant 80 : index
        %get3A_1194 = tpu.vector_load %arg11[%get3A_1192, %get3A_1193] {strides = array<i32>} : memref<80x128xf32, #tpu.memory_space<vmem>>, vector<1x16xf32>,
        %get3A_1195 = vector.shape_cast %get3A_1194 : vector<1x16xf32> to vector<16xf32>
        %mul3A_1196 = arith.mulf %get3A_1195, %add3A_1137 : vector<16xf32>
        %swap3A_1197 = arith.index_cast %add3A_1141 : i32 to index
        %swap3A_1198 = arith.constant 80 : index
        %swap3A_1199 = tpu.vector_load %arg11[%swap3A_1197, %swap3A_1198] {strides = array<i32>} : memref<80x128xf32, #tpu.memory_space<vmem>>, vector<1x16xf32>,
        %swap3A_1200 = vector.shape_cast %swap3A_1199 : vector<1x16xf32> to vector<16xf32>
        %swap3A_1201 = vector.shape_cast %mul3A_1196 : vector<16xf32> to vector<1x16xf32>
        tpu.vector_store %arg11[%swap3A_1197, %swap3A_1198], %swap3A_1201 {strides = array<i32>} : memref<80x128xf32, #tpu.memory_space<vmem>>, vector<1x16xf32>,
        %get3A_1202 = arith.index_cast %add3A_1141 : i32 to index
        %get3A_1203 = arith.constant 96 : index
        %get3A_1204 = tpu.vector_load %arg11[%get3A_1202, %get3A_1203] {strides = array<i32>} : memref<80x128xf32, #tpu.memory_space<vmem>>, vector<1x16xf32>,
        %get3A_1205 = vector.shape_cast %get3A_1204 : vector<1x16xf32> to vector<16xf32>
        %mul3A_1206 = arith.mulf %get3A_1205, %add3A_1137 : vector<16xf32>
        %swap3A_1207 = arith.index_cast %add3A_1141 : i32 to index
        %swap3A_1208 = arith.constant 96 : index
        %swap3A_1209 = tpu.vector_load %arg11[%swap3A_1207, %swap3A_1208] {strides = array<i32>} : memref<80x128xf32, #tpu.memory_space<vmem>>, vector<1x16xf32>,
        %swap3A_1210 = vector.shape_cast %swap3A_1209 : vector<1x16xf32> to vector<16xf32>
        %swap3A_1211 = vector.shape_cast %mul3A_1206 : vector<16xf32> to vector<1x16xf32>
        tpu.vector_store %arg11[%swap3A_1207, %swap3A_1208], %swap3A_1211 {strides = array<i32>} : memref<80x128xf32, #tpu.memory_space<vmem>>, vector<1x16xf32>,
        %get3A_1212 = arith.index_cast %add3A_1141 : i32 to index
        %get3A_1213 = arith.constant 112 : index
        %get3A_1214 = tpu.vector_load %arg11[%get3A_1212, %get3A_1213] {strides = array<i32>} : memref<80x128xf32, #tpu.memory_space<vmem>>, vector<1x16xf32>,
        %get3A_1215 = vector.shape_cast %get3A_1214 : vector<1x16xf32> to vector<16xf32>
        %mul3A_1216 = arith.mulf %get3A_1215, %add3A_1137 : vector<16xf32>
        %swap3A_1217 = arith.index_cast %add3A_1141 : i32 to index
        %swap3A_1218 = arith.constant 112 : index
        %swap3A_1219 = tpu.vector_load %arg11[%swap3A_1217, %swap3A_1218] {strides = array<i32>} : memref<80x128xf32, #tpu.memory_space<vmem>>, vector<1x16xf32>,
        %swap3A_1220 = vector.shape_cast %swap3A_1219 : vector<1x16xf32> to vector<16xf32>
        %swap3A_1221 = vector.shape_cast %mul3A_1216 : vector<16xf32> to vector<1x16xf32>
        tpu.vector_store %arg11[%swap3A_1217, %swap3A_1218], %swap3A_1221 {strides = array<i32>} : memref<80x128xf32, #tpu.memory_space<vmem>>, vector<1x16xf32>,
        %broadcast_in_dim3A_1222 = arith.constant 0.000000e+00 : f32
        %broadcast_in_dim3A_1223 = vector.broadcast %broadcast_in_dim3A_1222 : f32 to vector<16xf32>
        %slice3A_1224 = vector.extract_strided_slice %get3A_145 {offsets = [12], sizes = [1], strides = [1]} : vector<16xf32> to vector<1xf32>
        %squeeze3A_1225 = vector.extract %slice3A_1224[0] : f32 from vector<1xf32>
        %add3A_1226 = vector.broadcast %squeeze3A_1225 : f32 to vector<16xf32>
        %add3A_1227 = arith.addf %broadcast_in_dim3A_1223, %add3A_1226 : vector<16xf32>
        %mul3A_1228 = arith.constant 16 : i32
        %mul3A_1229 = arith.muli %scan3A_141, %mul3A_1228 : i32
        %add3A_1230 = arith.constant 12 : i32
        %add3A_1231 = arith.addi %mul3A_1229, %add3A_1230 : i32
        %get3A_1232 = arith.index_cast %add3A_1231 : i32 to index
        %get3A_1233 = arith.constant 0 : index
        %get3A_1234 = tpu.vector_load %arg11[%get3A_1232, %get3A_1233] {strides = array<i32>} : memref<80x128xf32, #tpu.memory_space<vmem>>, vector<1x16xf32>,
        %get3A_1235 = vector.shape_cast %get3A_1234 : vector<1x16xf32> to vector<16xf32>
        %mul3A_1236 = arith.mulf %get3A_1235, %add3A_1227 : vector<16xf32>
        %swap3A_1237 = arith.index_cast %add3A_1231 : i32 to index
        %swap3A_1238 = arith.constant 0 : index
        %swap3A_1239 = tpu.vector_load %arg11[%swap3A_1237, %swap3A_1238] {strides = array<i32>} : memref<80x128xf32, #tpu.memory_space<vmem>>, vector<1x16xf32>,
        %swap3A_1240 = vector.shape_cast %swap3A_1239 : vector<1x16xf32> to vector<16xf32>
        %swap3A_1241 = vector.shape_cast %mul3A_1236 : vector<16xf32> to vector<1x16xf32>
        tpu.vector_store %arg11[%swap3A_1237, %swap3A_1238], %swap3A_1241 {strides = array<i32>} : memref<80x128xf32, #tpu.memory_space<vmem>>, vector<1x16xf32>,
        %get3A_1242 = arith.index_cast %add3A_1231 : i32 to index
        %get3A_1243 = arith.constant 16 : index
        %get3A_1244 = tpu.vector_load %arg11[%get3A_1242, %get3A_1243] {strides = array<i32>} : memref<80x128xf32, #tpu.memory_space<vmem>>, vector<1x16xf32>,
        %get3A_1245 = vector.shape_cast %get3A_1244 : vector<1x16xf32> to vector<16xf32>
        %mul3A_1246 = arith.mulf %get3A_1245, %add3A_1227 : vector<16xf32>
        %swap3A_1247 = arith.index_cast %add3A_1231 : i32 to index
        %swap3A_1248 = arith.constant 16 : index
        %swap3A_1249 = tpu.vector_load %arg11[%swap3A_1247, %swap3A_1248] {strides = array<i32>} : memref<80x128xf32, #tpu.memory_space<vmem>>, vector<1x16xf32>,
        %swap3A_1250 = vector.shape_cast %swap3A_1249 : vector<1x16xf32> to vector<16xf32>
        %swap3A_1251 = vector.shape_cast %mul3A_1246 : vector<16xf32> to vector<1x16xf32>
        tpu.vector_store %arg11[%swap3A_1247, %swap3A_1248], %swap3A_1251 {strides = array<i32>} : memref<80x128xf32, #tpu.memory_space<vmem>>, vector<1x16xf32>,
        %get3A_1252 = arith.index_cast %add3A_1231 : i32 to index
        %get3A_1253 = arith.constant 32 : index
        %get3A_1254 = tpu.vector_load %arg11[%get3A_1252, %get3A_1253] {strides = array<i32>} : memref<80x128xf32, #tpu.memory_space<vmem>>, vector<1x16xf32>,
        %get3A_1255 = vector.shape_cast %get3A_1254 : vector<1x16xf32> to vector<16xf32>
        %mul3A_1256 = arith.mulf %get3A_1255, %add3A_1227 : vector<16xf32>
        %swap3A_1257 = arith.index_cast %add3A_1231 : i32 to index
        %swap3A_1258 = arith.constant 32 : index
        %swap3A_1259 = tpu.vector_load %arg11[%swap3A_1257, %swap3A_1258] {strides = array<i32>} : memref<80x128xf32, #tpu.memory_space<vmem>>, vector<1x16xf32>,
        %swap3A_1260 = vector.shape_cast %swap3A_1259 : vector<1x16xf32> to vector<16xf32>
        %swap3A_1261 = vector.shape_cast %mul3A_1256 : vector<16xf32> to vector<1x16xf32>
        tpu.vector_store %arg11[%swap3A_1257, %swap3A_1258], %swap3A_1261 {strides = array<i32>} : memref<80x128xf32, #tpu.memory_space<vmem>>, vector<1x16xf32>,
        %get3A_1262 = arith.index_cast %add3A_1231 : i32 to index
        %get3A_1263 = arith.constant 48 : index
        %get3A_1264 = tpu.vector_load %arg11[%get3A_1262, %get3A_1263] {strides = array<i32>} : memref<80x128xf32, #tpu.memory_space<vmem>>, vector<1x16xf32>,
        %get3A_1265 = vector.shape_cast %get3A_1264 : vector<1x16xf32> to vector<16xf32>
        %mul3A_1266 = arith.mulf %get3A_1265, %add3A_1227 : vector<16xf32>
        %swap3A_1267 = arith.index_cast %add3A_1231 : i32 to index
        %swap3A_1268 = arith.constant 48 : index
        %swap3A_1269 = tpu.vector_load %arg11[%swap3A_1267, %swap3A_1268] {strides = array<i32>} : memref<80x128xf32, #tpu.memory_space<vmem>>, vector<1x16xf32>,
        %swap3A_1270 = vector.shape_cast %swap3A_1269 : vector<1x16xf32> to vector<16xf32>
        %swap3A_1271 = vector.shape_cast %mul3A_1266 : vector<16xf32> to vector<1x16xf32>
        tpu.vector_store %arg11[%swap3A_1267, %swap3A_1268], %swap3A_1271 {strides = array<i32>} : memref<80x128xf32, #tpu.memory_space<vmem>>, vector<1x16xf32>,
        %get3A_1272 = arith.index_cast %add3A_1231 : i32 to index
        %get3A_1273 = arith.constant 64 : index
        %get3A_1274 = tpu.vector_load %arg11[%get3A_1272, %get3A_1273] {strides = array<i32>} : memref<80x128xf32, #tpu.memory_space<vmem>>, vector<1x16xf32>,
        %get3A_1275 = vector.shape_cast %get3A_1274 : vector<1x16xf32> to vector<16xf32>
        %mul3A_1276 = arith.mulf %get3A_1275, %add3A_1227 : vector<16xf32>
        %swap3A_1277 = arith.index_cast %add3A_1231 : i32 to index
        %swap3A_1278 = arith.constant 64 : index
        %swap3A_1279 = tpu.vector_load %arg11[%swap3A_1277, %swap3A_1278] {strides = array<i32>} : memref<80x128xf32, #tpu.memory_space<vmem>>, vector<1x16xf32>,
        %swap3A_1280 = vector.shape_cast %swap3A_1279 : vector<1x16xf32> to vector<16xf32>
        %swap3A_1281 = vector.shape_cast %mul3A_1276 : vector<16xf32> to vector<1x16xf32>
        tpu.vector_store %arg11[%swap3A_1277, %swap3A_1278], %swap3A_1281 {strides = array<i32>} : memref<80x128xf32, #tpu.memory_space<vmem>>, vector<1x16xf32>,
        %get3A_1282 = arith.index_cast %add3A_1231 : i32 to index
        %get3A_1283 = arith.constant 80 : index
        %get3A_1284 = tpu.vector_load %arg11[%get3A_1282, %get3A_1283] {strides = array<i32>} : memref<80x128xf32, #tpu.memory_space<vmem>>, vector<1x16xf32>,
        %get3A_1285 = vector.shape_cast %get3A_1284 : vector<1x16xf32> to vector<16xf32>
        %mul3A_1286 = arith.mulf %get3A_1285, %add3A_1227 : vector<16xf32>
        %swap3A_1287 = arith.index_cast %add3A_1231 : i32 to index
        %swap3A_1288 = arith.constant 80 : index
        %swap3A_1289 = tpu.vector_load %arg11[%swap3A_1287, %swap3A_1288] {strides = array<i32>} : memref<80x128xf32, #tpu.memory_space<vmem>>, vector<1x16xf32>,
        %swap3A_1290 = vector.shape_cast %swap3A_1289 : vector<1x16xf32> to vector<16xf32>
        %swap3A_1291 = vector.shape_cast %mul3A_1286 : vector<16xf32> to vector<1x16xf32>
        tpu.vector_store %arg11[%swap3A_1287, %swap3A_1288], %swap3A_1291 {strides = array<i32>} : memref<80x128xf32, #tpu.memory_space<vmem>>, vector<1x16xf32>,
        %get3A_1292 = arith.index_cast %add3A_1231 : i32 to index
        %get3A_1293 = arith.constant 96 : index
        %get3A_1294 = tpu.vector_load %arg11[%get3A_1292, %get3A_1293] {strides = array<i32>} : memref<80x128xf32, #tpu.memory_space<vmem>>, vector<1x16xf32>,
        %get3A_1295 = vector.shape_cast %get3A_1294 : vector<1x16xf32> to vector<16xf32>
        %mul3A_1296 = arith.mulf %get3A_1295, %add3A_1227 : vector<16xf32>
        %swap3A_1297 = arith.index_cast %add3A_1231 : i32 to index
        %swap3A_1298 = arith.constant 96 : index
        %swap3A_1299 = tpu.vector_load %arg11[%swap3A_1297, %swap3A_1298] {strides = array<i32>} : memref<80x128xf32, #tpu.memory_space<vmem>>, vector<1x16xf32>,
        %swap3A_1300 = vector.shape_cast %swap3A_1299 : vector<1x16xf32> to vector<16xf32>
        %swap3A_1301 = vector.shape_cast %mul3A_1296 : vector<16xf32> to vector<1x16xf32>
        tpu.vector_store %arg11[%swap3A_1297, %swap3A_1298], %swap3A_1301 {strides = array<i32>} : memref<80x128xf32, #tpu.memory_space<vmem>>, vector<1x16xf32>,
        %get3A_1302 = arith.index_cast %add3A_1231 : i32 to index
        %get3A_1303 = arith.constant 112 : index
        %get3A_1304 = tpu.vector_load %arg11[%get3A_1302, %get3A_1303] {strides = array<i32>} : memref<80x128xf32, #tpu.memory_space<vmem>>, vector<1x16xf32>,
        %get3A_1305 = vector.shape_cast %get3A_1304 : vector<1x16xf32> to vector<16xf32>
        %mul3A_1306 = arith.mulf %get3A_1305, %add3A_1227 : vector<16xf32>
        %swap3A_1307 = arith.index_cast %add3A_1231 : i32 to index
        %swap3A_1308 = arith.constant 112 : index
        %swap3A_1309 = tpu.vector_load %arg11[%swap3A_1307, %swap3A_1308] {strides = array<i32>} : memref<80x128xf32, #tpu.memory_space<vmem>>, vector<1x16xf32>,
        %swap3A_1310 = vector.shape_cast %swap3A_1309 : vector<1x16xf32> to vector<16xf32>
        %swap3A_1311 = vector.shape_cast %mul3A_1306 : vector<16xf32> to vector<1x16xf32>
        tpu.vector_store %arg11[%swap3A_1307, %swap3A_1308], %swap3A_1311 {strides = array<i32>} : memref<80x128xf32, #tpu.memory_space<vmem>>, vector<1x16xf32>,
        %broadcast_in_dim3A_1312 = arith.constant 0.000000e+00 : f32
        %broadcast_in_dim3A_1313 = vector.broadcast %broadcast_in_dim3A_1312 : f32 to vector<16xf32>
        %slice3A_1314 = vector.extract_strided_slice %get3A_145 {offsets = [13], sizes = [1], strides = [1]} : vector<16xf32> to vector<1xf32>
        %squeeze3A_1315 = vector.extract %slice3A_1314[0] : f32 from vector<1xf32>
        %add3A_1316 = vector.broadcast %squeeze3A_1315 : f32 to vector<16xf32>
        %add3A_1317 = arith.addf %broadcast_in_dim3A_1313, %add3A_1316 : vector<16xf32>
        %mul3A_1318 = arith.constant 16 : i32
        %mul3A_1319 = arith.muli %scan3A_141, %mul3A_1318 : i32
        %add3A_1320 = arith.constant 13 : i32
        %add3A_1321 = arith.addi %mul3A_1319, %add3A_1320 : i32
        %get3A_1322 = arith.index_cast %add3A_1321 : i32 to index
        %get3A_1323 = arith.constant 0 : index
        %get3A_1324 = tpu.vector_load %arg11[%get3A_1322, %get3A_1323] {strides = array<i32>} : memref<80x128xf32, #tpu.memory_space<vmem>>, vector<1x16xf32>,
        %get3A_1325 = vector.shape_cast %get3A_1324 : vector<1x16xf32> to vector<16xf32>
        %mul3A_1326 = arith.mulf %get3A_1325, %add3A_1317 : vector<16xf32>
        %swap3A_1327 = arith.index_cast %add3A_1321 : i32 to index
        %swap3A_1328 = arith.constant 0 : index
        %swap3A_1329 = tpu.vector_load %arg11[%swap3A_1327, %swap3A_1328] {strides = array<i32>} : memref<80x128xf32, #tpu.memory_space<vmem>>, vector<1x16xf32>,
        %swap3A_1330 = vector.shape_cast %swap3A_1329 : vector<1x16xf32> to vector<16xf32>
        %swap3A_1331 = vector.shape_cast %mul3A_1326 : vector<16xf32> to vector<1x16xf32>
        tpu.vector_store %arg11[%swap3A_1327, %swap3A_1328], %swap3A_1331 {strides = array<i32>} : memref<80x128xf32, #tpu.memory_space<vmem>>, vector<1x16xf32>,
        %get3A_1332 = arith.index_cast %add3A_1321 : i32 to index
        %get3A_1333 = arith.constant 16 : index
        %get3A_1334 = tpu.vector_load %arg11[%get3A_1332, %get3A_1333] {strides = array<i32>} : memref<80x128xf32, #tpu.memory_space<vmem>>, vector<1x16xf32>,
        %get3A_1335 = vector.shape_cast %get3A_1334 : vector<1x16xf32> to vector<16xf32>
        %mul3A_1336 = arith.mulf %get3A_1335, %add3A_1317 : vector<16xf32>
        %swap3A_1337 = arith.index_cast %add3A_1321 : i32 to index
        %swap3A_1338 = arith.constant 16 : index
        %swap3A_1339 = tpu.vector_load %arg11[%swap3A_1337, %swap3A_1338] {strides = array<i32>} : memref<80x128xf32, #tpu.memory_space<vmem>>, vector<1x16xf32>,
        %swap3A_1340 = vector.shape_cast %swap3A_1339 : vector<1x16xf32> to vector<16xf32>
        %swap3A_1341 = vector.shape_cast %mul3A_1336 : vector<16xf32> to vector<1x16xf32>
        tpu.vector_store %arg11[%swap3A_1337, %swap3A_1338], %swap3A_1341 {strides = array<i32>} : memref<80x128xf32, #tpu.memory_space<vmem>>, vector<1x16xf32>,
        %get3A_1342 = arith.index_cast %add3A_1321 : i32 to index
        %get3A_1343 = arith.constant 32 : index
        %get3A_1344 = tpu.vector_load %arg11[%get3A_1342, %get3A_1343] {strides = array<i32>} : memref<80x128xf32, #tpu.memory_space<vmem>>, vector<1x16xf32>,
        %get3A_1345 = vector.shape_cast %get3A_1344 : vector<1x16xf32> to vector<16xf32>
        %mul3A_1346 = arith.mulf %get3A_1345, %add3A_1317 : vector<16xf32>
        %swap3A_1347 = arith.index_cast %add3A_1321 : i32 to index
        %swap3A_1348 = arith.constant 32 : index
        %swap3A_1349 = tpu.vector_load %arg11[%swap3A_1347, %swap3A_1348] {strides = array<i32>} : memref<80x128xf32, #tpu.memory_space<vmem>>, vector<1x16xf32>,
        %swap3A_1350 = vector.shape_cast %swap3A_1349 : vector<1x16xf32> to vector<16xf32>
        %swap3A_1351 = vector.shape_cast %mul3A_1346 : vector<16xf32> to vector<1x16xf32>
        tpu.vector_store %arg11[%swap3A_1347, %swap3A_1348], %swap3A_1351 {strides = array<i32>} : memref<80x128xf32, #tpu.memory_space<vmem>>, vector<1x16xf32>,
        %get3A_1352 = arith.index_cast %add3A_1321 : i32 to index
        %get3A_1353 = arith.constant 48 : index
        %get3A_1354 = tpu.vector_load %arg11[%get3A_1352, %get3A_1353] {strides = array<i32>} : memref<80x128xf32, #tpu.memory_space<vmem>>, vector<1x16xf32>,
        %get3A_1355 = vector.shape_cast %get3A_1354 : vector<1x16xf32> to vector<16xf32>
        %mul3A_1356 = arith.mulf %get3A_1355, %add3A_1317 : vector<16xf32>
        %swap3A_1357 = arith.index_cast %add3A_1321 : i32 to index
        %swap3A_1358 = arith.constant 48 : index
        %swap3A_1359 = tpu.vector_load %arg11[%swap3A_1357, %swap3A_1358] {strides = array<i32>} : memref<80x128xf32, #tpu.memory_space<vmem>>, vector<1x16xf32>,
        %swap3A_1360 = vector.shape_cast %swap3A_1359 : vector<1x16xf32> to vector<16xf32>
        %swap3A_1361 = vector.shape_cast %mul3A_1356 : vector<16xf32> to vector<1x16xf32>
        tpu.vector_store %arg11[%swap3A_1357, %swap3A_1358], %swap3A_1361 {strides = array<i32>} : memref<80x128xf32, #tpu.memory_space<vmem>>, vector<1x16xf32>,
        %get3A_1362 = arith.index_cast %add3A_1321 : i32 to index
        %get3A_1363 = arith.constant 64 : index
        %get3A_1364 = tpu.vector_load %arg11[%get3A_1362, %get3A_1363] {strides = array<i32>} : memref<80x128xf32, #tpu.memory_space<vmem>>, vector<1x16xf32>,
        %get3A_1365 = vector.shape_cast %get3A_1364 : vector<1x16xf32> to vector<16xf32>
        %mul3A_1366 = arith.mulf %get3A_1365, %add3A_1317 : vector<16xf32>
        %swap3A_1367 = arith.index_cast %add3A_1321 : i32 to index
        %swap3A_1368 = arith.constant 64 : index
        %swap3A_1369 = tpu.vector_load %arg11[%swap3A_1367, %swap3A_1368] {strides = array<i32>} : memref<80x128xf32, #tpu.memory_space<vmem>>, vector<1x16xf32>,
        %swap3A_1370 = vector.shape_cast %swap3A_1369 : vector<1x16xf32> to vector<16xf32>
        %swap3A_1371 = vector.shape_cast %mul3A_1366 : vector<16xf32> to vector<1x16xf32>
        tpu.vector_store %arg11[%swap3A_1367, %swap3A_1368], %swap3A_1371 {strides = array<i32>} : memref<80x128xf32, #tpu.memory_space<vmem>>, vector<1x16xf32>,
        %get3A_1372 = arith.index_cast %add3A_1321 : i32 to index
        %get3A_1373 = arith.constant 80 : index
        %get3A_1374 = tpu.vector_load %arg11[%get3A_1372, %get3A_1373] {strides = array<i32>} : memref<80x128xf32, #tpu.memory_space<vmem>>, vector<1x16xf32>,
        %get3A_1375 = vector.shape_cast %get3A_1374 : vector<1x16xf32> to vector<16xf32>
        %mul3A_1376 = arith.mulf %get3A_1375, %add3A_1317 : vector<16xf32>
        %swap3A_1377 = arith.index_cast %add3A_1321 : i32 to index
        %swap3A_1378 = arith.constant 80 : index
        %swap3A_1379 = tpu.vector_load %arg11[%swap3A_1377, %swap3A_1378] {strides = array<i32>} : memref<80x128xf32, #tpu.memory_space<vmem>>, vector<1x16xf32>,
        %swap3A_1380 = vector.shape_cast %swap3A_1379 : vector<1x16xf32> to vector<16xf32>
        %swap3A_1381 = vector.shape_cast %mul3A_1376 : vector<16xf32> to vector<1x16xf32>
        tpu.vector_store %arg11[%swap3A_1377, %swap3A_1378], %swap3A_1381 {strides = array<i32>} : memref<80x128xf32, #tpu.memory_space<vmem>>, vector<1x16xf32>,
        %get3A_1382 = arith.index_cast %add3A_1321 : i32 to index
        %get3A_1383 = arith.constant 96 : index
        %get3A_1384 = tpu.vector_load %arg11[%get3A_1382, %get3A_1383] {strides = array<i32>} : memref<80x128xf32, #tpu.memory_space<vmem>>, vector<1x16xf32>,
        %get3A_1385 = vector.shape_cast %get3A_1384 : vector<1x16xf32> to vector<16xf32>
        %mul3A_1386 = arith.mulf %get3A_1385, %add3A_1317 : vector<16xf32>
        %swap3A_1387 = arith.index_cast %add3A_1321 : i32 to index
        %swap3A_1388 = arith.constant 96 : index
        %swap3A_1389 = tpu.vector_load %arg11[%swap3A_1387, %swap3A_1388] {strides = array<i32>} : memref<80x128xf32, #tpu.memory_space<vmem>>, vector<1x16xf32>,
        %swap3A_1390 = vector.shape_cast %swap3A_1389 : vector<1x16xf32> to vector<16xf32>
        %swap3A_1391 = vector.shape_cast %mul3A_1386 : vector<16xf32> to vector<1x16xf32>
        tpu.vector_store %arg11[%swap3A_1387, %swap3A_1388], %swap3A_1391 {strides = array<i32>} : memref<80x128xf32, #tpu.memory_space<vmem>>, vector<1x16xf32>,
        %get3A_1392 = arith.index_cast %add3A_1321 : i32 to index
        %get3A_1393 = arith.constant 112 : index
        %get3A_1394 = tpu.vector_load %arg11[%get3A_1392, %get3A_1393] {strides = array<i32>} : memref<80x128xf32, #tpu.memory_space<vmem>>, vector<1x16xf32>,
        %get3A_1395 = vector.shape_cast %get3A_1394 : vector<1x16xf32> to vector<16xf32>
        %mul3A_1396 = arith.mulf %get3A_1395, %add3A_1317 : vector<16xf32>
        %swap3A_1397 = arith.index_cast %add3A_1321 : i32 to index
        %swap3A_1398 = arith.constant 112 : index
        %swap3A_1399 = tpu.vector_load %arg11[%swap3A_1397, %swap3A_1398] {strides = array<i32>} : memref<80x128xf32, #tpu.memory_space<vmem>>, vector<1x16xf32>,
        %swap3A_1400 = vector.shape_cast %swap3A_1399 : vector<1x16xf32> to vector<16xf32>
        %swap3A_1401 = vector.shape_cast %mul3A_1396 : vector<16xf32> to vector<1x16xf32>
        tpu.vector_store %arg11[%swap3A_1397, %swap3A_1398], %swap3A_1401 {strides = array<i32>} : memref<80x128xf32, #tpu.memory_space<vmem>>, vector<1x16xf32>,
        %broadcast_in_dim3A_1402 = arith.constant 0.000000e+00 : f32
        %broadcast_in_dim3A_1403 = vector.broadcast %broadcast_in_dim3A_1402 : f32 to vector<16xf32>
        %slice3A_1404 = vector.extract_strided_slice %get3A_145 {offsets = [14], sizes = [1], strides = [1]} : vector<16xf32> to vector<1xf32>
        %squeeze3A_1405 = vector.extract %slice3A_1404[0] : f32 from vector<1xf32>
        %add3A_1406 = vector.broadcast %squeeze3A_1405 : f32 to vector<16xf32>
        %add3A_1407 = arith.addf %broadcast_in_dim3A_1403, %add3A_1406 : vector<16xf32>
        %mul3A_1408 = arith.constant 16 : i32
        %mul3A_1409 = arith.muli %scan3A_141, %mul3A_1408 : i32
        %add3A_1410 = arith.constant 14 : i32
        %add3A_1411 = arith.addi %mul3A_1409, %add3A_1410 : i32
        %get3A_1412 = arith.index_cast %add3A_1411 : i32 to index
        %get3A_1413 = arith.constant 0 : index
        %get3A_1414 = tpu.vector_load %arg11[%get3A_1412, %get3A_1413] {strides = array<i32>} : memref<80x128xf32, #tpu.memory_space<vmem>>, vector<1x16xf32>,
        %get3A_1415 = vector.shape_cast %get3A_1414 : vector<1x16xf32> to vector<16xf32>
        %mul3A_1416 = arith.mulf %get3A_1415, %add3A_1407 : vector<16xf32>
        %swap3A_1417 = arith.index_cast %add3A_1411 : i32 to index
        %swap3A_1418 = arith.constant 0 : index
        %swap3A_1419 = tpu.vector_load %arg11[%swap3A_1417, %swap3A_1418] {strides = array<i32>} : memref<80x128xf32, #tpu.memory_space<vmem>>, vector<1x16xf32>,
        %swap3A_1420 = vector.shape_cast %swap3A_1419 : vector<1x16xf32> to vector<16xf32>
        %swap3A_1421 = vector.shape_cast %mul3A_1416 : vector<16xf32> to vector<1x16xf32>
        tpu.vector_store %arg11[%swap3A_1417, %swap3A_1418], %swap3A_1421 {strides = array<i32>} : memref<80x128xf32, #tpu.memory_space<vmem>>, vector<1x16xf32>,
        %get3A_1422 = arith.index_cast %add3A_1411 : i32 to index
        %get3A_1423 = arith.constant 16 : index
        %get3A_1424 = tpu.vector_load %arg11[%get3A_1422, %get3A_1423] {strides = array<i32>} : memref<80x128xf32, #tpu.memory_space<vmem>>, vector<1x16xf32>,
        %get3A_1425 = vector.shape_cast %get3A_1424 : vector<1x16xf32> to vector<16xf32>
        %mul3A_1426 = arith.mulf %get3A_1425, %add3A_1407 : vector<16xf32>
        %swap3A_1427 = arith.index_cast %add3A_1411 : i32 to index
        %swap3A_1428 = arith.constant 16 : index
        %swap3A_1429 = tpu.vector_load %arg11[%swap3A_1427, %swap3A_1428] {strides = array<i32>} : memref<80x128xf32, #tpu.memory_space<vmem>>, vector<1x16xf32>,
        %swap3A_1430 = vector.shape_cast %swap3A_1429 : vector<1x16xf32> to vector<16xf32>
        %swap3A_1431 = vector.shape_cast %mul3A_1426 : vector<16xf32> to vector<1x16xf32>
        tpu.vector_store %arg11[%swap3A_1427, %swap3A_1428], %swap3A_1431 {strides = array<i32>} : memref<80x128xf32, #tpu.memory_space<vmem>>, vector<1x16xf32>,
        %get3A_1432 = arith.index_cast %add3A_1411 : i32 to index
        %get3A_1433 = arith.constant 32 : index
        %get3A_1434 = tpu.vector_load %arg11[%get3A_1432, %get3A_1433] {strides = array<i32>} : memref<80x128xf32, #tpu.memory_space<vmem>>, vector<1x16xf32>,
        %get3A_1435 = vector.shape_cast %get3A_1434 : vector<1x16xf32> to vector<16xf32>
        %mul3A_1436 = arith.mulf %get3A_1435, %add3A_1407 : vector<16xf32>
        %swap3A_1437 = arith.index_cast %add3A_1411 : i32 to index
        %swap3A_1438 = arith.constant 32 : index
        %swap3A_1439 = tpu.vector_load %arg11[%swap3A_1437, %swap3A_1438] {strides = array<i32>} : memref<80x128xf32, #tpu.memory_space<vmem>>, vector<1x16xf32>,
        %swap3A_1440 = vector.shape_cast %swap3A_1439 : vector<1x16xf32> to vector<16xf32>
        %swap3A_1441 = vector.shape_cast %mul3A_1436 : vector<16xf32> to vector<1x16xf32>
        tpu.vector_store %arg11[%swap3A_1437, %swap3A_1438], %swap3A_1441 {strides = array<i32>} : memref<80x128xf32, #tpu.memory_space<vmem>>, vector<1x16xf32>,
        %get3A_1442 = arith.index_cast %add3A_1411 : i32 to index
        %get3A_1443 = arith.constant 48 : index
        %get3A_1444 = tpu.vector_load %arg11[%get3A_1442, %get3A_1443] {strides = array<i32>} : memref<80x128xf32, #tpu.memory_space<vmem>>, vector<1x16xf32>,
        %get3A_1445 = vector.shape_cast %get3A_1444 : vector<1x16xf32> to vector<16xf32>
        %mul3A_1446 = arith.mulf %get3A_1445, %add3A_1407 : vector<16xf32>
        %swap3A_1447 = arith.index_cast %add3A_1411 : i32 to index
        %swap3A_1448 = arith.constant 48 : index
        %swap3A_1449 = tpu.vector_load %arg11[%swap3A_1447, %swap3A_1448] {strides = array<i32>} : memref<80x128xf32, #tpu.memory_space<vmem>>, vector<1x16xf32>,
        %swap3A_1450 = vector.shape_cast %swap3A_1449 : vector<1x16xf32> to vector<16xf32>
        %swap3A_1451 = vector.shape_cast %mul3A_1446 : vector<16xf32> to vector<1x16xf32>
        tpu.vector_store %arg11[%swap3A_1447, %swap3A_1448], %swap3A_1451 {strides = array<i32>} : memref<80x128xf32, #tpu.memory_space<vmem>>, vector<1x16xf32>,
        %get3A_1452 = arith.index_cast %add3A_1411 : i32 to index
        %get3A_1453 = arith.constant 64 : index
        %get3A_1454 = tpu.vector_load %arg11[%get3A_1452, %get3A_1453] {strides = array<i32>} : memref<80x128xf32, #tpu.memory_space<vmem>>, vector<1x16xf32>,
        %get3A_1455 = vector.shape_cast %get3A_1454 : vector<1x16xf32> to vector<16xf32>
        %mul3A_1456 = arith.mulf %get3A_1455, %add3A_1407 : vector<16xf32>
        %swap3A_1457 = arith.index_cast %add3A_1411 : i32 to index
        %swap3A_1458 = arith.constant 64 : index
        %swap3A_1459 = tpu.vector_load %arg11[%swap3A_1457, %swap3A_1458] {strides = array<i32>} : memref<80x128xf32, #tpu.memory_space<vmem>>, vector<1x16xf32>,
        %swap3A_1460 = vector.shape_cast %swap3A_1459 : vector<1x16xf32> to vector<16xf32>
        %swap3A_1461 = vector.shape_cast %mul3A_1456 : vector<16xf32> to vector<1x16xf32>
        tpu.vector_store %arg11[%swap3A_1457, %swap3A_1458], %swap3A_1461 {strides = array<i32>} : memref<80x128xf32, #tpu.memory_space<vmem>>, vector<1x16xf32>,
        %get3A_1462 = arith.index_cast %add3A_1411 : i32 to index
        %get3A_1463 = arith.constant 80 : index
        %get3A_1464 = tpu.vector_load %arg11[%get3A_1462, %get3A_1463] {strides = array<i32>} : memref<80x128xf32, #tpu.memory_space<vmem>>, vector<1x16xf32>,
        %get3A_1465 = vector.shape_cast %get3A_1464 : vector<1x16xf32> to vector<16xf32>
        %mul3A_1466 = arith.mulf %get3A_1465, %add3A_1407 : vector<16xf32>
        %swap3A_1467 = arith.index_cast %add3A_1411 : i32 to index
        %swap3A_1468 = arith.constant 80 : index
        %swap3A_1469 = tpu.vector_load %arg11[%swap3A_1467, %swap3A_1468] {strides = array<i32>} : memref<80x128xf32, #tpu.memory_space<vmem>>, vector<1x16xf32>,
        %swap3A_1470 = vector.shape_cast %swap3A_1469 : vector<1x16xf32> to vector<16xf32>
        %swap3A_1471 = vector.shape_cast %mul3A_1466 : vector<16xf32> to vector<1x16xf32>
        tpu.vector_store %arg11[%swap3A_1467, %swap3A_1468], %swap3A_1471 {strides = array<i32>} : memref<80x128xf32, #tpu.memory_space<vmem>>, vector<1x16xf32>,
        %get3A_1472 = arith.index_cast %add3A_1411 : i32 to index
        %get3A_1473 = arith.constant 96 : index
        %get3A_1474 = tpu.vector_load %arg11[%get3A_1472, %get3A_1473] {strides = array<i32>} : memref<80x128xf32, #tpu.memory_space<vmem>>, vector<1x16xf32>,
        %get3A_1475 = vector.shape_cast %get3A_1474 : vector<1x16xf32> to vector<16xf32>
        %mul3A_1476 = arith.mulf %get3A_1475, %add3A_1407 : vector<16xf32>
        %swap3A_1477 = arith.index_cast %add3A_1411 : i32 to index
        %swap3A_1478 = arith.constant 96 : index
        %swap3A_1479 = tpu.vector_load %arg11[%swap3A_1477, %swap3A_1478] {strides = array<i32>} : memref<80x128xf32, #tpu.memory_space<vmem>>, vector<1x16xf32>,
        %swap3A_1480 = vector.shape_cast %swap3A_1479 : vector<1x16xf32> to vector<16xf32>
        %swap3A_1481 = vector.shape_cast %mul3A_1476 : vector<16xf32> to vector<1x16xf32>
        tpu.vector_store %arg11[%swap3A_1477, %swap3A_1478], %swap3A_1481 {strides = array<i32>} : memref<80x128xf32, #tpu.memory_space<vmem>>, vector<1x16xf32>,
        %get3A_1482 = arith.index_cast %add3A_1411 : i32 to index
        %get3A_1483 = arith.constant 112 : index
        %get3A_1484 = tpu.vector_load %arg11[%get3A_1482, %get3A_1483] {strides = array<i32>} : memref<80x128xf32, #tpu.memory_space<vmem>>, vector<1x16xf32>,
        %get3A_1485 = vector.shape_cast %get3A_1484 : vector<1x16xf32> to vector<16xf32>
        %mul3A_1486 = arith.mulf %get3A_1485, %add3A_1407 : vector<16xf32>
        %swap3A_1487 = arith.index_cast %add3A_1411 : i32 to index
        %swap3A_1488 = arith.constant 112 : index
        %swap3A_1489 = tpu.vector_load %arg11[%swap3A_1487, %swap3A_1488] {strides = array<i32>} : memref<80x128xf32, #tpu.memory_space<vmem>>, vector<1x16xf32>,
        %swap3A_1490 = vector.shape_cast %swap3A_1489 : vector<1x16xf32> to vector<16xf32>
        %swap3A_1491 = vector.shape_cast %mul3A_1486 : vector<16xf32> to vector<1x16xf32>
        tpu.vector_store %arg11[%swap3A_1487, %swap3A_1488], %swap3A_1491 {strides = array<i32>} : memref<80x128xf32, #tpu.memory_space<vmem>>, vector<1x16xf32>,
        %broadcast_in_dim3A_1492 = arith.constant 0.000000e+00 : f32
        %broadcast_in_dim3A_1493 = vector.broadcast %broadcast_in_dim3A_1492 : f32 to vector<16xf32>
        %slice3A_1494 = vector.extract_strided_slice %get3A_145 {offsets = [15], sizes = [1], strides = [1]} : vector<16xf32> to vector<1xf32>
        %squeeze3A_1495 = vector.extract %slice3A_1494[0] : f32 from vector<1xf32>
        %add3A_1496 = vector.broadcast %squeeze3A_1495 : f32 to vector<16xf32>
        %add3A_1497 = arith.addf %broadcast_in_dim3A_1493, %add3A_1496 : vector<16xf32>
        %mul3A_1498 = arith.constant 16 : i32
        %mul3A_1499 = arith.muli %scan3A_141, %mul3A_1498 : i32
        %add3A_1500 = arith.constant 15 : i32
        %add3A_1501 = arith.addi %mul3A_1499, %add3A_1500 : i32
        %get3A_1502 = arith.index_cast %add3A_1501 : i32 to index
        %get3A_1503 = arith.constant 0 : index
        %get3A_1504 = tpu.vector_load %arg11[%get3A_1502, %get3A_1503] {strides = array<i32>} : memref<80x128xf32, #tpu.memory_space<vmem>>, vector<1x16xf32>,
        %get3A_1505 = vector.shape_cast %get3A_1504 : vector<1x16xf32> to vector<16xf32>
        %mul3A_1506 = arith.mulf %get3A_1505, %add3A_1497 : vector<16xf32>
        %swap3A_1507 = arith.index_cast %add3A_1501 : i32 to index
        %swap3A_1508 = arith.constant 0 : index
        %swap3A_1509 = tpu.vector_load %arg11[%swap3A_1507, %swap3A_1508] {strides = array<i32>} : memref<80x128xf32, #tpu.memory_space<vmem>>, vector<1x16xf32>,
        %swap3A_1510 = vector.shape_cast %swap3A_1509 : vector<1x16xf32> to vector<16xf32>
        %swap3A_1511 = vector.shape_cast %mul3A_1506 : vector<16xf32> to vector<1x16xf32>
        tpu.vector_store %arg11[%swap3A_1507, %swap3A_1508], %swap3A_1511 {strides = array<i32>} : memref<80x128xf32, #tpu.memory_space<vmem>>, vector<1x16xf32>,
        %get3A_1512 = arith.index_cast %add3A_1501 : i32 to index
        %get3A_1513 = arith.constant 16 : index
        %get3A_1514 = tpu.vector_load %arg11[%get3A_1512, %get3A_1513] {strides = array<i32>} : memref<80x128xf32, #tpu.memory_space<vmem>>, vector<1x16xf32>,
        %get3A_1515 = vector.shape_cast %get3A_1514 : vector<1x16xf32> to vector<16xf32>
        %mul3A_1516 = arith.mulf %get3A_1515, %add3A_1497 : vector<16xf32>
        %swap3A_1517 = arith.index_cast %add3A_1501 : i32 to index
        %swap3A_1518 = arith.constant 16 : index
        %swap3A_1519 = tpu.vector_load %arg11[%swap3A_1517, %swap3A_1518] {strides = array<i32>} : memref<80x128xf32, #tpu.memory_space<vmem>>, vector<1x16xf32>,
        %swap3A_1520 = vector.shape_cast %swap3A_1519 : vector<1x16xf32> to vector<16xf32>
        %swap3A_1521 = vector.shape_cast %mul3A_1516 : vector<16xf32> to vector<1x16xf32>
        tpu.vector_store %arg11[%swap3A_1517, %swap3A_1518], %swap3A_1521 {strides = array<i32>} : memref<80x128xf32, #tpu.memory_space<vmem>>, vector<1x16xf32>,
        %get3A_1522 = arith.index_cast %add3A_1501 : i32 to index
        %get3A_1523 = arith.constant 32 : index
        %get3A_1524 = tpu.vector_load %arg11[%get3A_1522, %get3A_1523] {strides = array<i32>} : memref<80x128xf32, #tpu.memory_space<vmem>>, vector<1x16xf32>,
        %get3A_1525 = vector.shape_cast %get3A_1524 : vector<1x16xf32> to vector<16xf32>
        %mul3A_1526 = arith.mulf %get3A_1525, %add3A_1497 : vector<16xf32>
        %swap3A_1527 = arith.index_cast %add3A_1501 : i32 to index
        %swap3A_1528 = arith.constant 32 : index
        %swap3A_1529 = tpu.vector_load %arg11[%swap3A_1527, %swap3A_1528] {strides = array<i32>} : memref<80x128xf32, #tpu.memory_space<vmem>>, vector<1x16xf32>,
        %swap3A_1530 = vector.shape_cast %swap3A_1529 : vector<1x16xf32> to vector<16xf32>
        %swap3A_1531 = vector.shape_cast %mul3A_1526 : vector<16xf32> to vector<1x16xf32>
        tpu.vector_store %arg11[%swap3A_1527, %swap3A_1528], %swap3A_1531 {strides = array<i32>} : memref<80x128xf32, #tpu.memory_space<vmem>>, vector<1x16xf32>,
        %get3A_1532 = arith.index_cast %add3A_1501 : i32 to index
        %get3A_1533 = arith.constant 48 : index
        %get3A_1534 = tpu.vector_load %arg11[%get3A_1532, %get3A_1533] {strides = array<i32>} : memref<80x128xf32, #tpu.memory_space<vmem>>, vector<1x16xf32>,
        %get3A_1535 = vector.shape_cast %get3A_1534 : vector<1x16xf32> to vector<16xf32>
        %mul3A_1536 = arith.mulf %get3A_1535, %add3A_1497 : vector<16xf32>
        %swap3A_1537 = arith.index_cast %add3A_1501 : i32 to index
        %swap3A_1538 = arith.constant 48 : index
        %swap3A_1539 = tpu.vector_load %arg11[%swap3A_1537, %swap3A_1538] {strides = array<i32>} : memref<80x128xf32, #tpu.memory_space<vmem>>, vector<1x16xf32>,
        %swap3A_1540 = vector.shape_cast %swap3A_1539 : vector<1x16xf32> to vector<16xf32>
        %swap3A_1541 = vector.shape_cast %mul3A_1536 : vector<16xf32> to vector<1x16xf32>
        tpu.vector_store %arg11[%swap3A_1537, %swap3A_1538], %swap3A_1541 {strides = array<i32>} : memref<80x128xf32, #tpu.memory_space<vmem>>, vector<1x16xf32>,
        %get3A_1542 = arith.index_cast %add3A_1501 : i32 to index
        %get3A_1543 = arith.constant 64 : index
        %get3A_1544 = tpu.vector_load %arg11[%get3A_1542, %get3A_1543] {strides = array<i32>} : memref<80x128xf32, #tpu.memory_space<vmem>>, vector<1x16xf32>,
        %get3A_1545 = vector.shape_cast %get3A_1544 : vector<1x16xf32> to vector<16xf32>
        %mul3A_1546 = arith.mulf %get3A_1545, %add3A_1497 : vector<16xf32>
        %swap3A_1547 = arith.index_cast %add3A_1501 : i32 to index
        %swap3A_1548 = arith.constant 64 : index
        %swap3A_1549 = tpu.vector_load %arg11[%swap3A_1547, %swap3A_1548] {strides = array<i32>} : memref<80x128xf32, #tpu.memory_space<vmem>>, vector<1x16xf32>,
        %swap3A_1550 = vector.shape_cast %swap3A_1549 : vector<1x16xf32> to vector<16xf32>
        %swap3A_1551 = vector.shape_cast %mul3A_1546 : vector<16xf32> to vector<1x16xf32>
        tpu.vector_store %arg11[%swap3A_1547, %swap3A_1548], %swap3A_1551 {strides = array<i32>} : memref<80x128xf32, #tpu.memory_space<vmem>>, vector<1x16xf32>,
        %get3A_1552 = arith.index_cast %add3A_1501 : i32 to index
        %get3A_1553 = arith.constant 80 : index
        %get3A_1554 = tpu.vector_load %arg11[%get3A_1552, %get3A_1553] {strides = array<i32>} : memref<80x128xf32, #tpu.memory_space<vmem>>, vector<1x16xf32>,
        %get3A_1555 = vector.shape_cast %get3A_1554 : vector<1x16xf32> to vector<16xf32>
        %mul3A_1556 = arith.mulf %get3A_1555, %add3A_1497 : vector<16xf32>
        %swap3A_1557 = arith.index_cast %add3A_1501 : i32 to index
        %swap3A_1558 = arith.constant 80 : index
        %swap3A_1559 = tpu.vector_load %arg11[%swap3A_1557, %swap3A_1558] {strides = array<i32>} : memref<80x128xf32, #tpu.memory_space<vmem>>, vector<1x16xf32>,
        %swap3A_1560 = vector.shape_cast %swap3A_1559 : vector<1x16xf32> to vector<16xf32>
        %swap3A_1561 = vector.shape_cast %mul3A_1556 : vector<16xf32> to vector<1x16xf32>
        tpu.vector_store %arg11[%swap3A_1557, %swap3A_1558], %swap3A_1561 {strides = array<i32>} : memref<80x128xf32, #tpu.memory_space<vmem>>, vector<1x16xf32>,
        %get3A_1562 = arith.index_cast %add3A_1501 : i32 to index
        %get3A_1563 = arith.constant 96 : index
        %get3A_1564 = tpu.vector_load %arg11[%get3A_1562, %get3A_1563] {strides = array<i32>} : memref<80x128xf32, #tpu.memory_space<vmem>>, vector<1x16xf32>,
        %get3A_1565 = vector.shape_cast %get3A_1564 : vector<1x16xf32> to vector<16xf32>
        %mul3A_1566 = arith.mulf %get3A_1565, %add3A_1497 : vector<16xf32>
        %swap3A_1567 = arith.index_cast %add3A_1501 : i32 to index
        %swap3A_1568 = arith.constant 96 : index
        %swap3A_1569 = tpu.vector_load %arg11[%swap3A_1567, %swap3A_1568] {strides = array<i32>} : memref<80x128xf32, #tpu.memory_space<vmem>>, vector<1x16xf32>,
        %swap3A_1570 = vector.shape_cast %swap3A_1569 : vector<1x16xf32> to vector<16xf32>
        %swap3A_1571 = vector.shape_cast %mul3A_1566 : vector<16xf32> to vector<1x16xf32>
        tpu.vector_store %arg11[%swap3A_1567, %swap3A_1568], %swap3A_1571 {strides = array<i32>} : memref<80x128xf32, #tpu.memory_space<vmem>>, vector<1x16xf32>,
        %get3A_1572 = arith.index_cast %add3A_1501 : i32 to index
        %get3A_1573 = arith.constant 112 : index
        %get3A_1574 = tpu.vector_load %arg11[%get3A_1572, %get3A_1573] {strides = array<i32>} : memref<80x128xf32, #tpu.memory_space<vmem>>, vector<1x16xf32>,
        %get3A_1575 = vector.shape_cast %get3A_1574 : vector<1x16xf32> to vector<16xf32>
        %mul3A_1576 = arith.mulf %get3A_1575, %add3A_1497 : vector<16xf32>
        %swap3A_1577 = arith.index_cast %add3A_1501 : i32 to index
        %swap3A_1578 = arith.constant 112 : index
        %swap3A_1579 = tpu.vector_load %arg11[%swap3A_1577, %swap3A_1578] {strides = array<i32>} : memref<80x128xf32, #tpu.memory_space<vmem>>, vector<1x16xf32>,
        %swap3A_1580 = vector.shape_cast %swap3A_1579 : vector<1x16xf32> to vector<16xf32>
        %swap3A_1581 = vector.shape_cast %mul3A_1576 : vector<16xf32> to vector<1x16xf32>
        tpu.vector_store %arg11[%swap3A_1577, %swap3A_1578], %swap3A_1581 {strides = array<i32>} : memref<80x128xf32, #tpu.memory_space<vmem>>, vector<1x16xf32>,
      }
      %scan3A_140 = arith.constant 5 : i32
      "tpu.region"() ({
        %run_scoped3A = tpu.sem_alloc : memref<!tpu.dma_semaphore, #tpu.memory_space<semaphore_mem>>
        %dma_start3A_141 = arith.constant 0 : i32
        %dma_start3A_142 = arith.constant 0 : i32
        %dma_start3A_143 = tpu.memref_slice %arg7[%dma_start3A_141, %dma_start3A_142] : memref<10000x128xf32, #tpu.memory_space<vmem_shared>> -> memref<10000x128xf32, #tpu.memory_space<vmem_shared>>
        tpu.enqueue_indirect_dma source(%arg11 : memref<80x128xf32, #tpu.memory_space<vmem>>) target(%dma_start3A_143 : memref<10000x128xf32, #tpu.memory_space<vmem_shared>>) offsets(%arg9 : memref<80xi32, #tpu.memory_space<vmem>>) semaphore(%run_scoped3A : memref<!tpu.dma_semaphore, #tpu.memory_space<semaphore_mem>>) {add = true}
        %dma_wait3A_144 = arith.constant 0 : i32
        %dma_wait3A_145 = arith.constant 0 : i32
        %dma_wait3A_146 = tpu.memref_slice %arg7[%dma_wait3A_144, %dma_wait3A_145] : memref<10000x128xf32, #tpu.memory_space<vmem_shared>> -> memref<10000x128xf32, #tpu.memory_space<vmem_shared>>
        tpu.wait_indirect_dma semaphore(%run_scoped3A : memref<!tpu.dma_semaphore, #tpu.memory_space<semaphore_mem>>) src(%arg11 : memref<80x128xf32, #tpu.memory_space<vmem>>) dst(%dma_wait3A_146 : memref<10000x128xf32, #tpu.memory_space<vmem_shared>>)
        tpu.yield
      }) : () -> ()
    }
    %scan3A_63 = arith.constant 125 : i32
    %barrier3A_64 = arith.constant 0 : index
    tpu.barrier barrier_id(%barrier3A_64)
    %add3A_65 = arith.constant 0 : i32
    %add3A_66 = arith.addi %arg1, %add3A_65 : i32
    %lt3A_67 = arith.constant 125 : i32
    %lt3A_68 = arith.cmpi slt, %add3A_66, %lt3A_67 : i32
    %convert_element_type3A_69 = arith.extui %lt3A_68 : i1 to i32
    %cond3A_70 = arith.constant 0 : i32
    %cond3A_71 = arith.cmpi ne, %convert_element_type3A_69, %cond3A_70 : i32
    scf.if %cond3A_71 {
      %mul3A_121 = arith.constant 80 : i32
      %mul3A_122 = arith.muli %add3A_66, %mul3A_121 : i32
      %mul3A_123 = arith.constant 10000 : i32
      %mul3A_124 = arith.muli %arg0, %mul3A_123 : i32
      %mul3A_125 = arith.constant 80 : i32
      %mul3A_126 = arith.muli %add3A_66, %mul3A_125 : i32
      %add3A_127 = arith.addi %mul3A_124, %mul3A_126 : i32
      "tpu.region"() ({
        %run_scoped3A = tpu.sem_alloc : memref<!tpu.dma_semaphore, #tpu.memory_space<semaphore_mem>>
        %dma_start3A = arith.constant 0 : i32
        %dma_start3A_128 = tpu.memref_slice %arg6[%add3A_127, %dma_start3A] : memref<20000x128xf32, #tpu.memory_space<hbm>> -> memref<80x128xf32, #tpu.memory_space<hbm>>
        %dma_start3A_129 = arith.constant 0 : i32
        %dma_start3A_130 = tpu.memref_slice %arg7[%mul3A_122, %dma_start3A_129] : memref<10000x128xf32, #tpu.memory_space<vmem_shared>> -> memref<80x128xf32, #tpu.memory_space<vmem_shared>>
        tpu.enqueue_dma source(%dma_start3A_130 : memref<80x128xf32, #tpu.memory_space<vmem_shared>>) target(%dma_start3A_128 : memref<80x128xf32, #tpu.memory_space<hbm>>) target_semaphore(%run_scoped3A : memref<!tpu.dma_semaphore, #tpu.memory_space<semaphore_mem>>)
        %dma_wait3A = arith.constant 0 : i32
        %dma_wait3A_131 = tpu.memref_slice %arg6[%add3A_127, %dma_wait3A] : memref<20000x128xf32, #tpu.memory_space<hbm>> -> memref<80x128xf32, #tpu.memory_space<hbm>>
        %dma_wait3A_132 = arith.constant 0 : i32
        %dma_wait3A_133 = tpu.memref_slice %arg7[%mul3A_122, %dma_wait3A_132] : memref<10000x128xf32, #tpu.memory_space<vmem_shared>> -> memref<80x128xf32, #tpu.memory_space<vmem_shared>>
        tpu.wait_dma2 semaphore(%run_scoped3A : memref<!tpu.dma_semaphore, #tpu.memory_space<semaphore_mem>>) src(%dma_wait3A_133 : memref<80x128xf32, #tpu.memory_space<vmem_shared>>) dst(%dma_wait3A_131 : memref<80x128xf32, #tpu.memory_space<hbm>>)
        tpu.yield
      }) : () -> ()
    } else {
    }
    %add3A_72 = arith.constant 16 : i32
    %add3A_73 = arith.addi %arg1, %add3A_72 : i32
    %lt3A_74 = arith.constant 125 : i32
    %lt3A_75 = arith.cmpi slt, %add3A_73, %lt3A_74 : i32
    %convert_element_type3A_76 = arith.extui %lt3A_75 : i1 to i32
    %cond3A_77 = arith.constant 0 : i32
    %cond3A_78 = arith.cmpi ne, %convert_element_type3A_76, %cond3A_77 : i32
    scf.if %cond3A_78 {
      %mul3A_121 = arith.constant 80 : i32
      %mul3A_122 = arith.muli %add3A_73, %mul3A_121 : i32
      %mul3A_123 = arith.constant 10000 : i32
      %mul3A_124 = arith.muli %arg0, %mul3A_123 : i32
      %mul3A_125 = arith.constant 80 : i32
      %mul3A_126 = arith.muli %add3A_73, %mul3A_125 : i32
      %add3A_127 = arith.addi %mul3A_124, %mul3A_126 : i32
      "tpu.region"() ({
        %run_scoped3A = tpu.sem_alloc : memref<!tpu.dma_semaphore, #tpu.memory_space<semaphore_mem>>
        %dma_start3A = arith.constant 0 : i32
        %dma_start3A_128 = tpu.memref_slice %arg6[%add3A_127, %dma_start3A] : memref<20000x128xf32, #tpu.memory_space<hbm>> -> memref<80x128xf32, #tpu.memory_space<hbm>>
        %dma_start3A_129 = arith.constant 0 : i32
        %dma_start3A_130 = tpu.memref_slice %arg7[%mul3A_122, %dma_start3A_129] : memref<10000x128xf32, #tpu.memory_space<vmem_shared>> -> memref<80x128xf32, #tpu.memory_space<vmem_shared>>
        tpu.enqueue_dma source(%dma_start3A_130 : memref<80x128xf32, #tpu.memory_space<vmem_shared>>) target(%dma_start3A_128 : memref<80x128xf32, #tpu.memory_space<hbm>>) target_semaphore(%run_scoped3A : memref<!tpu.dma_semaphore, #tpu.memory_space<semaphore_mem>>)
        %dma_wait3A = arith.constant 0 : i32
        %dma_wait3A_131 = tpu.memref_slice %arg6[%add3A_127, %dma_wait3A] : memref<20000x128xf32, #tpu.memory_space<hbm>> -> memref<80x128xf32, #tpu.memory_space<hbm>>
        %dma_wait3A_132 = arith.constant 0 : i32
        %dma_wait3A_133 = tpu.memref_slice %arg7[%mul3A_122, %dma_wait3A_132] : memref<10000x128xf32, #tpu.memory_space<vmem_shared>> -> memref<80x128xf32, #tpu.memory_space<vmem_shared>>
        tpu.wait_dma2 semaphore(%run_scoped3A : memref<!tpu.dma_semaphore, #tpu.memory_space<semaphore_mem>>) src(%dma_wait3A_133 : memref<80x128xf32, #tpu.memory_space<vmem_shared>>) dst(%dma_wait3A_131 : memref<80x128xf32, #tpu.memory_space<hbm>>)
        tpu.yield
      }) : () -> ()
    } else {
    }
    %add3A_79 = arith.constant 32 : i32
    %add3A_80 = arith.addi %arg1, %add3A_79 : i32
    %lt3A_81 = arith.constant 125 : i32
    %lt3A_82 = arith.cmpi slt, %add3A_80, %lt3A_81 : i32
    %convert_element_type3A_83 = arith.extui %lt3A_82 : i1 to i32
    %cond3A_84 = arith.constant 0 : i32
    %cond3A_85 = arith.cmpi ne, %convert_element_type3A_83, %cond3A_84 : i32
    scf.if %cond3A_85 {
      %mul3A_121 = arith.constant 80 : i32
      %mul3A_122 = arith.muli %add3A_80, %mul3A_121 : i32
      %mul3A_123 = arith.constant 10000 : i32
      %mul3A_124 = arith.muli %arg0, %mul3A_123 : i32
      %mul3A_125 = arith.constant 80 : i32
      %mul3A_126 = arith.muli %add3A_80, %mul3A_125 : i32
      %add3A_127 = arith.addi %mul3A_124, %mul3A_126 : i32
      "tpu.region"() ({
        %run_scoped3A = tpu.sem_alloc : memref<!tpu.dma_semaphore, #tpu.memory_space<semaphore_mem>>
        %dma_start3A = arith.constant 0 : i32
        %dma_start3A_128 = tpu.memref_slice %arg6[%add3A_127, %dma_start3A] : memref<20000x128xf32, #tpu.memory_space<hbm>> -> memref<80x128xf32, #tpu.memory_space<hbm>>
        %dma_start3A_129 = arith.constant 0 : i32
        %dma_start3A_130 = tpu.memref_slice %arg7[%mul3A_122, %dma_start3A_129] : memref<10000x128xf32, #tpu.memory_space<vmem_shared>> -> memref<80x128xf32, #tpu.memory_space<vmem_shared>>
        tpu.enqueue_dma source(%dma_start3A_130 : memref<80x128xf32, #tpu.memory_space<vmem_shared>>) target(%dma_start3A_128 : memref<80x128xf32, #tpu.memory_space<hbm>>) target_semaphore(%run_scoped3A : memref<!tpu.dma_semaphore, #tpu.memory_space<semaphore_mem>>)
        %dma_wait3A = arith.constant 0 : i32
        %dma_wait3A_131 = tpu.memref_slice %arg6[%add3A_127, %dma_wait3A] : memref<20000x128xf32, #tpu.memory_space<hbm>> -> memref<80x128xf32, #tpu.memory_space<hbm>>
        %dma_wait3A_132 = arith.constant 0 : i32
        %dma_wait3A_133 = tpu.memref_slice %arg7[%mul3A_122, %dma_wait3A_132] : memref<10000x128xf32, #tpu.memory_space<vmem_shared>> -> memref<80x128xf32, #tpu.memory_space<vmem_shared>>
        tpu.wait_dma2 semaphore(%run_scoped3A : memref<!tpu.dma_semaphore, #tpu.memory_space<semaphore_mem>>) src(%dma_wait3A_133 : memref<80x128xf32, #tpu.memory_space<vmem_shared>>) dst(%dma_wait3A_131 : memref<80x128xf32, #tpu.memory_space<hbm>>)
        tpu.yield
      }) : () -> ()
    } else {
    }
    %add3A_86 = arith.constant 48 : i32
    %add3A_87 = arith.addi %arg1, %add3A_86 : i32
    %lt3A_88 = arith.constant 125 : i32
    %lt3A_89 = arith.cmpi slt, %add3A_87, %lt3A_88 : i32
    %convert_element_type3A_90 = arith.extui %lt3A_89 : i1 to i32
    %cond3A_91 = arith.constant 0 : i32
    %cond3A_92 = arith.cmpi ne, %convert_element_type3A_90, %cond3A_91 : i32
    scf.if %cond3A_92 {
      %mul3A_121 = arith.constant 80 : i32
      %mul3A_122 = arith.muli %add3A_87, %mul3A_121 : i32
      %mul3A_123 = arith.constant 10000 : i32
      %mul3A_124 = arith.muli %arg0, %mul3A_123 : i32
      %mul3A_125 = arith.constant 80 : i32
      %mul3A_126 = arith.muli %add3A_87, %mul3A_125 : i32
      %add3A_127 = arith.addi %mul3A_124, %mul3A_126 : i32
      "tpu.region"() ({
        %run_scoped3A = tpu.sem_alloc : memref<!tpu.dma_semaphore, #tpu.memory_space<semaphore_mem>>
        %dma_start3A = arith.constant 0 : i32
        %dma_start3A_128 = tpu.memref_slice %arg6[%add3A_127, %dma_start3A] : memref<20000x128xf32, #tpu.memory_space<hbm>> -> memref<80x128xf32, #tpu.memory_space<hbm>>
        %dma_start3A_129 = arith.constant 0 : i32
        %dma_start3A_130 = tpu.memref_slice %arg7[%mul3A_122, %dma_start3A_129] : memref<10000x128xf32, #tpu.memory_space<vmem_shared>> -> memref<80x128xf32, #tpu.memory_space<vmem_shared>>
        tpu.enqueue_dma source(%dma_start3A_130 : memref<80x128xf32, #tpu.memory_space<vmem_shared>>) target(%dma_start3A_128 : memref<80x128xf32, #tpu.memory_space<hbm>>) target_semaphore(%run_scoped3A : memref<!tpu.dma_semaphore, #tpu.memory_space<semaphore_mem>>)
        %dma_wait3A = arith.constant 0 : i32
        %dma_wait3A_131 = tpu.memref_slice %arg6[%add3A_127, %dma_wait3A] : memref<20000x128xf32, #tpu.memory_space<hbm>> -> memref<80x128xf32, #tpu.memory_space<hbm>>
        %dma_wait3A_132 = arith.constant 0 : i32
        %dma_wait3A_133 = tpu.memref_slice %arg7[%mul3A_122, %dma_wait3A_132] : memref<10000x128xf32, #tpu.memory_space<vmem_shared>> -> memref<80x128xf32, #tpu.memory_space<vmem_shared>>
        tpu.wait_dma2 semaphore(%run_scoped3A : memref<!tpu.dma_semaphore, #tpu.memory_space<semaphore_mem>>) src(%dma_wait3A_133 : memref<80x128xf32, #tpu.memory_space<vmem_shared>>) dst(%dma_wait3A_131 : memref<80x128xf32, #tpu.memory_space<hbm>>)
        tpu.yield
      }) : () -> ()
    } else {
    }
    %add3A_93 = arith.constant 64 : i32
    %add3A_94 = arith.addi %arg1, %add3A_93 : i32
    %lt3A_95 = arith.constant 125 : i32
    %lt3A_96 = arith.cmpi slt, %add3A_94, %lt3A_95 : i32
    %convert_element_type3A_97 = arith.extui %lt3A_96 : i1 to i32
    %cond3A_98 = arith.constant 0 : i32
    %cond3A_99 = arith.cmpi ne, %convert_element_type3A_97, %cond3A_98 : i32
    scf.if %cond3A_99 {
      %mul3A_121 = arith.constant 80 : i32
      %mul3A_122 = arith.muli %add3A_94, %mul3A_121 : i32
      %mul3A_123 = arith.constant 10000 : i32
      %mul3A_124 = arith.muli %arg0, %mul3A_123 : i32
      %mul3A_125 = arith.constant 80 : i32
      %mul3A_126 = arith.muli %add3A_94, %mul3A_125 : i32
      %add3A_127 = arith.addi %mul3A_124, %mul3A_126 : i32
      "tpu.region"() ({
        %run_scoped3A = tpu.sem_alloc : memref<!tpu.dma_semaphore, #tpu.memory_space<semaphore_mem>>
        %dma_start3A = arith.constant 0 : i32
        %dma_start3A_128 = tpu.memref_slice %arg6[%add3A_127, %dma_start3A] : memref<20000x128xf32, #tpu.memory_space<hbm>> -> memref<80x128xf32, #tpu.memory_space<hbm>>
        %dma_start3A_129 = arith.constant 0 : i32
        %dma_start3A_130 = tpu.memref_slice %arg7[%mul3A_122, %dma_start3A_129] : memref<10000x128xf32, #tpu.memory_space<vmem_shared>> -> memref<80x128xf32, #tpu.memory_space<vmem_shared>>
        tpu.enqueue_dma source(%dma_start3A_130 : memref<80x128xf32, #tpu.memory_space<vmem_shared>>) target(%dma_start3A_128 : memref<80x128xf32, #tpu.memory_space<hbm>>) target_semaphore(%run_scoped3A : memref<!tpu.dma_semaphore, #tpu.memory_space<semaphore_mem>>)
        %dma_wait3A = arith.constant 0 : i32
        %dma_wait3A_131 = tpu.memref_slice %arg6[%add3A_127, %dma_wait3A] : memref<20000x128xf32, #tpu.memory_space<hbm>> -> memref<80x128xf32, #tpu.memory_space<hbm>>
        %dma_wait3A_132 = arith.constant 0 : i32
        %dma_wait3A_133 = tpu.memref_slice %arg7[%mul3A_122, %dma_wait3A_132] : memref<10000x128xf32, #tpu.memory_space<vmem_shared>> -> memref<80x128xf32, #tpu.memory_space<vmem_shared>>
        tpu.wait_dma2 semaphore(%run_scoped3A : memref<!tpu.dma_semaphore, #tpu.memory_space<semaphore_mem>>) src(%dma_wait3A_133 : memref<80x128xf32, #tpu.memory_space<vmem_shared>>) dst(%dma_wait3A_131 : memref<80x128xf32, #tpu.memory_space<hbm>>)
        tpu.yield
      }) : () -> ()
    } else {
    }
    %add3A_100 = arith.constant 80 : i32
    %add3A_101 = arith.addi %arg1, %add3A_100 : i32
    %lt3A_102 = arith.constant 125 : i32
    %lt3A_103 = arith.cmpi slt, %add3A_101, %lt3A_102 : i32
    %convert_element_type3A_104 = arith.extui %lt3A_103 : i1 to i32
    %cond3A_105 = arith.constant 0 : i32
    %cond3A_106 = arith.cmpi ne, %convert_element_type3A_104, %cond3A_105 : i32
    scf.if %cond3A_106 {
      %mul3A_121 = arith.constant 80 : i32
      %mul3A_122 = arith.muli %add3A_101, %mul3A_121 : i32
      %mul3A_123 = arith.constant 10000 : i32
      %mul3A_124 = arith.muli %arg0, %mul3A_123 : i32
      %mul3A_125 = arith.constant 80 : i32
      %mul3A_126 = arith.muli %add3A_101, %mul3A_125 : i32
      %add3A_127 = arith.addi %mul3A_124, %mul3A_126 : i32
      "tpu.region"() ({
        %run_scoped3A = tpu.sem_alloc : memref<!tpu.dma_semaphore, #tpu.memory_space<semaphore_mem>>
        %dma_start3A = arith.constant 0 : i32
        %dma_start3A_128 = tpu.memref_slice %arg6[%add3A_127, %dma_start3A] : memref<20000x128xf32, #tpu.memory_space<hbm>> -> memref<80x128xf32, #tpu.memory_space<hbm>>
        %dma_start3A_129 = arith.constant 0 : i32
        %dma_start3A_130 = tpu.memref_slice %arg7[%mul3A_122, %dma_start3A_129] : memref<10000x128xf32, #tpu.memory_space<vmem_shared>> -> memref<80x128xf32, #tpu.memory_space<vmem_shared>>
        tpu.enqueue_dma source(%dma_start3A_130 : memref<80x128xf32, #tpu.memory_space<vmem_shared>>) target(%dma_start3A_128 : memref<80x128xf32, #tpu.memory_space<hbm>>) target_semaphore(%run_scoped3A : memref<!tpu.dma_semaphore, #tpu.memory_space<semaphore_mem>>)
        %dma_wait3A = arith.constant 0 : i32
        %dma_wait3A_131 = tpu.memref_slice %arg6[%add3A_127, %dma_wait3A] : memref<20000x128xf32, #tpu.memory_space<hbm>> -> memref<80x128xf32, #tpu.memory_space<hbm>>
        %dma_wait3A_132 = arith.constant 0 : i32
        %dma_wait3A_133 = tpu.memref_slice %arg7[%mul3A_122, %dma_wait3A_132] : memref<10000x128xf32, #tpu.memory_space<vmem_shared>> -> memref<80x128xf32, #tpu.memory_space<vmem_shared>>
        tpu.wait_dma2 semaphore(%run_scoped3A : memref<!tpu.dma_semaphore, #tpu.memory_space<semaphore_mem>>) src(%dma_wait3A_133 : memref<80x128xf32, #tpu.memory_space<vmem_shared>>) dst(%dma_wait3A_131 : memref<80x128xf32, #tpu.memory_space<hbm>>)
        tpu.yield
      }) : () -> ()
    } else {
    }
    %add3A_107 = arith.constant 96 : i32
    %add3A_108 = arith.addi %arg1, %add3A_107 : i32
    %lt3A_109 = arith.constant 125 : i32
    %lt3A_110 = arith.cmpi slt, %add3A_108, %lt3A_109 : i32
    %convert_element_type3A_111 = arith.extui %lt3A_110 : i1 to i32
    %cond3A_112 = arith.constant 0 : i32
    %cond3A_113 = arith.cmpi ne, %convert_element_type3A_111, %cond3A_112 : i32
    scf.if %cond3A_113 {
      %mul3A_121 = arith.constant 80 : i32
      %mul3A_122 = arith.muli %add3A_108, %mul3A_121 : i32
      %mul3A_123 = arith.constant 10000 : i32
      %mul3A_124 = arith.muli %arg0, %mul3A_123 : i32
      %mul3A_125 = arith.constant 80 : i32
      %mul3A_126 = arith.muli %add3A_108, %mul3A_125 : i32
      %add3A_127 = arith.addi %mul3A_124, %mul3A_126 : i32
      "tpu.region"() ({
        %run_scoped3A = tpu.sem_alloc : memref<!tpu.dma_semaphore, #tpu.memory_space<semaphore_mem>>
        %dma_start3A = arith.constant 0 : i32
        %dma_start3A_128 = tpu.memref_slice %arg6[%add3A_127, %dma_start3A] : memref<20000x128xf32, #tpu.memory_space<hbm>> -> memref<80x128xf32, #tpu.memory_space<hbm>>
        %dma_start3A_129 = arith.constant 0 : i32
        %dma_start3A_130 = tpu.memref_slice %arg7[%mul3A_122, %dma_start3A_129] : memref<10000x128xf32, #tpu.memory_space<vmem_shared>> -> memref<80x128xf32, #tpu.memory_space<vmem_shared>>
        tpu.enqueue_dma source(%dma_start3A_130 : memref<80x128xf32, #tpu.memory_space<vmem_shared>>) target(%dma_start3A_128 : memref<80x128xf32, #tpu.memory_space<hbm>>) target_semaphore(%run_scoped3A : memref<!tpu.dma_semaphore, #tpu.memory_space<semaphore_mem>>)
        %dma_wait3A = arith.constant 0 : i32
        %dma_wait3A_131 = tpu.memref_slice %arg6[%add3A_127, %dma_wait3A] : memref<20000x128xf32, #tpu.memory_space<hbm>> -> memref<80x128xf32, #tpu.memory_space<hbm>>
        %dma_wait3A_132 = arith.constant 0 : i32
        %dma_wait3A_133 = tpu.memref_slice %arg7[%mul3A_122, %dma_wait3A_132] : memref<10000x128xf32, #tpu.memory_space<vmem_shared>> -> memref<80x128xf32, #tpu.memory_space<vmem_shared>>
        tpu.wait_dma2 semaphore(%run_scoped3A : memref<!tpu.dma_semaphore, #tpu.memory_space<semaphore_mem>>) src(%dma_wait3A_133 : memref<80x128xf32, #tpu.memory_space<vmem_shared>>) dst(%dma_wait3A_131 : memref<80x128xf32, #tpu.memory_space<hbm>>)
        tpu.yield
      }) : () -> ()
    } else {
    }
    %add3A_114 = arith.constant 112 : i32
    %add3A_115 = arith.addi %arg1, %add3A_114 : i32
    %lt3A_116 = arith.constant 125 : i32
    %lt3A_117 = arith.cmpi slt, %add3A_115, %lt3A_116 : i32
    %convert_element_type3A_118 = arith.extui %lt3A_117 : i1 to i32
    %cond3A_119 = arith.constant 0 : i32
    %cond3A_120 = arith.cmpi ne, %convert_element_type3A_118, %cond3A_119 : i32
    scf.if %cond3A_120 {
      %mul3A_121 = arith.constant 80 : i32
      %mul3A_122 = arith.muli %add3A_115, %mul3A_121 : i32
      %mul3A_123 = arith.constant 10000 : i32
      %mul3A_124 = arith.muli %arg0, %mul3A_123 : i32
      %mul3A_125 = arith.constant 80 : i32
      %mul3A_126 = arith.muli %add3A_115, %mul3A_125 : i32
      %add3A_127 = arith.addi %mul3A_124, %mul3A_126 : i32
      "tpu.region"() ({
        %run_scoped3A = tpu.sem_alloc : memref<!tpu.dma_semaphore, #tpu.memory_space<semaphore_mem>>
        %dma_start3A = arith.constant 0 : i32
        %dma_start3A_128 = tpu.memref_slice %arg6[%add3A_127, %dma_start3A] : memref<20000x128xf32, #tpu.memory_space<hbm>> -> memref<80x128xf32, #tpu.memory_space<hbm>>
        %dma_start3A_129 = arith.constant 0 : i32
        %dma_start3A_130 = tpu.memref_slice %arg7[%mul3A_122, %dma_start3A_129] : memref<10000x128xf32, #tpu.memory_space<vmem_shared>> -> memref<80x128xf32, #tpu.memory_space<vmem_shared>>
        tpu.enqueue_dma source(%dma_start3A_130 : memref<80x128xf32, #tpu.memory_space<vmem_shared>>) target(%dma_start3A_128 : memref<80x128xf32, #tpu.memory_space<hbm>>) target_semaphore(%run_scoped3A : memref<!tpu.dma_semaphore, #tpu.memory_space<semaphore_mem>>)
        %dma_wait3A = arith.constant 0 : i32
        %dma_wait3A_131 = tpu.memref_slice %arg6[%add3A_127, %dma_wait3A] : memref<20000x128xf32, #tpu.memory_space<hbm>> -> memref<80x128xf32, #tpu.memory_space<hbm>>
        %dma_wait3A_132 = arith.constant 0 : i32
        %dma_wait3A_133 = tpu.memref_slice %arg7[%mul3A_122, %dma_wait3A_132] : memref<10000x128xf32, #tpu.memory_space<vmem_shared>> -> memref<80x128xf32, #tpu.memory_space<vmem_shared>>
        tpu.wait_dma2 semaphore(%run_scoped3A : memref<!tpu.dma_semaphore, #tpu.memory_space<semaphore_mem>>) src(%dma_wait3A_133 : memref<80x128xf32, #tpu.memory_space<vmem_shared>>) dst(%dma_wait3A_131 : memref<80x128xf32, #tpu.memory_space<hbm>>)
        tpu.yield
      }) : () -> ()
    } else {
    }
    return
  }
}

module attributes {stable_mosaic.version = 14 : i64} {
  func.func @_lin_sums_body(%arg0: i32, %arg1: memref<1000x128xf32, #tpu.memory_space<vmem>>, %arg2: memref<128x128xf32, #tpu.memory_space<vmem>>, %arg3: memref<1x128xf32, #tpu.memory_space<vmem>>, %arg4: memref<1000x128xf32, #tpu.memory_space<vmem>>, %arg5: memref<8x128xf32, #tpu.memory_space<vmem>>) attributes {dimension_semantics = [#tpu.dimension_semantics<arbitrary>], iteration_bounds = array<i64: 20>, scalar_prefetch = 0 : i64, scratch_operands = 0 : i64, tpu.core_type = #tpu.core_type<tc>, window_params = [{transform_indices = @transform_0, window_bounds = array<i64: 1000, 128>}, {pipeline_mode = #tpu.pipeline_mode<synchronous>, transform_indices = @transform_1, window_bounds = array<i64: 128, 128>}, {pipeline_mode = #tpu.pipeline_mode<synchronous>, transform_indices = @transform_2, window_bounds = array<i64: 1, 128>}, {transform_indices = @transform_3, window_bounds = array<i64: 1000, 128>}, {pipeline_mode = #tpu.pipeline_mode<synchronous>, transform_indices = @transform_4, window_bounds = array<i64: 8, 128>}]} {
    %get3A = arith.constant 0 : index
    %get3A_0 = arith.constant 0 : index
    %get3A_1 = vector.load %arg1[%get3A, %get3A_0] : memref<1000x128xf32, #tpu.memory_space<vmem>>, vector<1000x128xf32>
    %get3A_2 = arith.constant 0 : index
    %get3A_3 = arith.constant 0 : index
    %get3A_4 = vector.load %arg2[%get3A_2, %get3A_3] : memref<128x128xf32, #tpu.memory_space<vmem>>, vector<128x128xf32>
    %dot_general3A = arith.constant dense<0.000000e+00> : vector<1000x128xf32>
    %dot_general3A_5 = tpu.matmul %get3A_1, %get3A_4, %dot_general3A {dimension_numbers = #tpu.dot_dimension_numbers<[1], [0], [0], [1], [0, 0, 1, 1], [], []>, transpose_lhs_hint = false} : vector<1000x128xf32>, vector<128x128xf32>, vector<1000x128xf32> -> vector<1000x128xf32>
    %get3A_6 = arith.constant 0 : index
    %get3A_7 = arith.constant 0 : index
    %get3A_8 = vector.load %arg3[%get3A_6, %get3A_7] : memref<1x128xf32, #tpu.memory_space<vmem>>, vector<1x128xf32>
    %add3A = vector.broadcast %get3A_8 : vector<1x128xf32> to vector<1000x128xf32>
    %add3A_9 = arith.addf %dot_general3A_5, %add3A : vector<1000x128xf32>
    %swap3A = arith.constant 0 : index
    %swap3A_10 = arith.constant 0 : index
    %swap3A_11 = vector.load %arg4[%swap3A, %swap3A_10] : memref<1000x128xf32, #tpu.memory_space<vmem>>, vector<1000x128xf32>
    tpu.vector_store %arg4[%swap3A, %swap3A_10], %add3A_9 {strides = array<i32>} : memref<1000x128xf32, #tpu.memory_space<vmem>>, vector<1000x128xf32>,
    %reduce_sum3A = arith.constant dense<0.000000e+00> : vector<128xf32>
    %reduce_sum3A_12 = vector.multi_reduction <add>, %add3A_9, %reduce_sum3A [0] : vector<1000x128xf32> to vector<128xf32>
    %mul3A = arith.mulf %add3A_9, %add3A_9 : vector<1000x128xf32>
    %reduce_sum3A_13 = arith.constant dense<0.000000e+00> : vector<128xf32>
    %reduce_sum3A_14 = vector.multi_reduction <add>, %mul3A, %reduce_sum3A_13 [0] : vector<1000x128xf32> to vector<128xf32>
    %broadcast_in_dim3A = vector.shape_cast %reduce_sum3A_12 : vector<128xf32> to vector<1x128xf32>
    %broadcast_in_dim3A_15 = vector.shape_cast %reduce_sum3A_14 : vector<128xf32> to vector<1x128xf32>
    %broadcast_in_dim3A_16 = arith.constant 0.000000e+00 : f32
    %broadcast_in_dim3A_17 = vector.broadcast %broadcast_in_dim3A_16 : f32 to vector<6x128xf32>
    %concatenate3A = tpu.concatenate %broadcast_in_dim3A, %broadcast_in_dim3A_15, %broadcast_in_dim3A_17 in 0 : vector<1x128xf32>, vector<1x128xf32>, vector<6x128xf32> -> vector<8x128xf32>
    %eq3A = arith.constant 0 : i32
    %eq3A_18 = arith.cmpi eq, %arg0, %eq3A : i32
    %convert_element_type3A = arith.extui %eq3A_18 : i1 to i32
    %cond3A = arith.constant 0 : i32
    %cond3A_19 = arith.cmpi ne, %convert_element_type3A, %cond3A : i32
    scf.if %cond3A_19 {
      %broadcast_in_dim3A_27 = arith.constant 0.000000e+00 : f32
      %broadcast_in_dim3A_28 = vector.broadcast %broadcast_in_dim3A_27 : f32 to vector<8x128xf32>
      %swap3A_29 = arith.constant 0 : index
      %swap3A_30 = arith.constant 0 : index
      %swap3A_31 = vector.load %arg5[%swap3A_29, %swap3A_30] : memref<8x128xf32, #tpu.memory_space<vmem>>, vector<8x128xf32>
      tpu.vector_store %arg5[%swap3A_29, %swap3A_30], %broadcast_in_dim3A_28 {strides = array<i32>} : memref<8x128xf32, #tpu.memory_space<vmem>>, vector<8x128xf32>,
    } else {
    }
    %get3A_20 = arith.constant 0 : index
    %get3A_21 = arith.constant 0 : index
    %get3A_22 = vector.load %arg5[%get3A_20, %get3A_21] : memref<8x128xf32, #tpu.memory_space<vmem>>, vector<8x128xf32>
    %add3A_23 = arith.addf %get3A_22, %concatenate3A : vector<8x128xf32>
    %swap3A_24 = arith.constant 0 : index
    %swap3A_25 = arith.constant 0 : index
    %swap3A_26 = vector.load %arg5[%swap3A_24, %swap3A_25] : memref<8x128xf32, #tpu.memory_space<vmem>>, vector<8x128xf32>
    tpu.vector_store %arg5[%swap3A_24, %swap3A_25], %add3A_23 {strides = array<i32>} : memref<8x128xf32, #tpu.memory_space<vmem>>, vector<8x128xf32>,
    return
  }
  func.func @transform_0(%arg0: i32) -> (i32, i32) {
    %c0_i32 = arith.constant 0 : i32
    %c0_i32_0 = arith.constant 0 : i32
    return %arg0, %c0_i32 : i32, i32
  }
  func.func @transform_1(%arg0: i32) -> (i32, i32) {
    %c0_i32 = arith.constant 0 : i32
    %c0_i32_0 = arith.constant 0 : i32
    %c0_i32_1 = arith.constant 0 : i32
    return %c0_i32, %c0_i32_0 : i32, i32
  }
  func.func @transform_2(%arg0: i32) -> (i32, i32) {
    %c0_i32 = arith.constant 0 : i32
    %c0_i32_0 = arith.constant 0 : i32
    %c0_i32_1 = arith.constant 0 : i32
    return %c0_i32, %c0_i32_0 : i32, i32
  }
  func.func @transform_3(%arg0: i32) -> (i32, i32) {
    %c0_i32 = arith.constant 0 : i32
    %c0_i32_0 = arith.constant 0 : i32
    return %arg0, %c0_i32 : i32, i32
  }
  func.func @transform_4(%arg0: i32) -> (i32, i32) {
    %c0_i32 = arith.constant 0 : i32
    %c0_i32_0 = arith.constant 0 : i32
    %c0_i32_1 = arith.constant 0 : i32
    return %c0_i32, %c0_i32_0 : i32, i32
  }
}

module attributes {stable_mosaic.version = 14 : i64} {
  func.func @_bn_relu_body(%arg0: i32, %arg1: memref<1000x128xf32, #tpu.memory_space<vmem>>, %arg2: memref<8x128xf32, #tpu.memory_space<vmem>>, %arg3: memref<1x128xf32, #tpu.memory_space<vmem>>, %arg4: memref<1x128xf32, #tpu.memory_space<vmem>>, %arg5: memref<1000x128xf32, #tpu.memory_space<vmem>>) attributes {dimension_semantics = [#tpu.dimension_semantics<arbitrary>], iteration_bounds = array<i64: 20>, scalar_prefetch = 0 : i64, scratch_operands = 0 : i64, tpu.core_type = #tpu.core_type<tc>, window_params = [{transform_indices = @transform_0, window_bounds = array<i64: 1000, 128>}, {pipeline_mode = #tpu.pipeline_mode<synchronous>, transform_indices = @transform_1, window_bounds = array<i64: 8, 128>}, {pipeline_mode = #tpu.pipeline_mode<synchronous>, transform_indices = @transform_2, window_bounds = array<i64: 1, 128>}, {pipeline_mode = #tpu.pipeline_mode<synchronous>, transform_indices = @transform_3, window_bounds = array<i64: 1, 128>}, {transform_indices = @transform_4, window_bounds = array<i64: 1000, 128>}]} {
    %get3A = arith.constant 0 : index
    %get3A_0 = arith.constant 0 : index
    %get3A_1 = vector.load %arg2[%get3A, %get3A_0] : memref<8x128xf32, #tpu.memory_space<vmem>>, vector<8x128xf32>
    %slice3A = vector.extract_strided_slice %get3A_1 {offsets = [0, 0], sizes = [1, 128], strides = [1, 1]} : vector<8x128xf32> to vector<1x128xf32>
    %div3A = arith.constant 2.000000e+04 : f32
    %div3A_2 = vector.broadcast %div3A : f32 to vector<1x128xf32>
    %div3A_3 = arith.divf %slice3A, %div3A_2 : vector<1x128xf32>
    %slice3A_4 = vector.extract_strided_slice %get3A_1 {offsets = [1, 0], sizes = [1, 128], strides = [1, 1]} : vector<8x128xf32> to vector<1x128xf32>
    %div3A_5 = arith.constant 2.000000e+04 : f32
    %div3A_6 = vector.broadcast %div3A_5 : f32 to vector<1x128xf32>
    %div3A_7 = arith.divf %slice3A_4, %div3A_6 : vector<1x128xf32>
    %mul3A = arith.mulf %div3A_3, %div3A_3 : vector<1x128xf32>
    %sub3A = arith.subf %div3A_7, %mul3A : vector<1x128xf32>
    %add3A = arith.constant 9.99999974E-6 : f32
    %add3A_8 = vector.broadcast %add3A : f32 to vector<1x128xf32>
    %add3A_9 = arith.addf %sub3A, %add3A_8 : vector<1x128xf32>
    %rsqrt3A = math.rsqrt %add3A_9 : vector<1x128xf32>
    %get3A_10 = arith.constant 0 : index
    %get3A_11 = arith.constant 0 : index
    %get3A_12 = vector.load %arg1[%get3A_10, %get3A_11] : memref<1000x128xf32, #tpu.memory_space<vmem>>, vector<1000x128xf32>
    %sub3A_13 = vector.broadcast %div3A_3 : vector<1x128xf32> to vector<1000x128xf32>
    %sub3A_14 = arith.subf %get3A_12, %sub3A_13 : vector<1000x128xf32>
    %mul3A_15 = vector.broadcast %rsqrt3A : vector<1x128xf32> to vector<1000x128xf32>
    %mul3A_16 = arith.mulf %sub3A_14, %mul3A_15 : vector<1000x128xf32>
    %get3A_17 = arith.constant 0 : index
    %get3A_18 = arith.constant 0 : index
    %get3A_19 = vector.load %arg3[%get3A_17, %get3A_18] : memref<1x128xf32, #tpu.memory_space<vmem>>, vector<1x128xf32>
    %mul3A_20 = vector.broadcast %get3A_19 : vector<1x128xf32> to vector<1000x128xf32>
    %mul3A_21 = arith.mulf %mul3A_16, %mul3A_20 : vector<1000x128xf32>
    %get3A_22 = arith.constant 0 : index
    %get3A_23 = arith.constant 0 : index
    %get3A_24 = vector.load %arg4[%get3A_22, %get3A_23] : memref<1x128xf32, #tpu.memory_space<vmem>>, vector<1x128xf32>
    %add3A_25 = vector.broadcast %get3A_24 : vector<1x128xf32> to vector<1000x128xf32>
    %add3A_26 = arith.addf %mul3A_21, %add3A_25 : vector<1000x128xf32>
    %max3A = arith.constant 0.000000e+00 : f32
    %max3A_27 = vector.broadcast %max3A : f32 to vector<1000x128xf32>
    %max3A_28 = arith.maximumf %add3A_26, %max3A_27 : vector<1000x128xf32>
    %swap3A = arith.constant 0 : index
    %swap3A_29 = arith.constant 0 : index
    %swap3A_30 = vector.load %arg5[%swap3A, %swap3A_29] : memref<1000x128xf32, #tpu.memory_space<vmem>>, vector<1000x128xf32>
    tpu.vector_store %arg5[%swap3A, %swap3A_29], %max3A_28 {strides = array<i32>} : memref<1000x128xf32, #tpu.memory_space<vmem>>, vector<1000x128xf32>,
    return
  }
  func.func @transform_0(%arg0: i32) -> (i32, i32) {
    %c0_i32 = arith.constant 0 : i32
    %c0_i32_0 = arith.constant 0 : i32
    return %arg0, %c0_i32 : i32, i32
  }
  func.func @transform_1(%arg0: i32) -> (i32, i32) {
    %c0_i32 = arith.constant 0 : i32
    %c0_i32_0 = arith.constant 0 : i32
    %c0_i32_1 = arith.constant 0 : i32
    return %c0_i32, %c0_i32_0 : i32, i32
  }
  func.func @transform_2(%arg0: i32) -> (i32, i32) {
    %c0_i32 = arith.constant 0 : i32
    %c0_i32_0 = arith.constant 0 : i32
    %c0_i32_1 = arith.constant 0 : i32
    return %c0_i32, %c0_i32_0 : i32, i32
  }
  func.func @transform_3(%arg0: i32) -> (i32, i32) {
    %c0_i32 = arith.constant 0 : i32
    %c0_i32_0 = arith.constant 0 : i32
    %c0_i32_1 = arith.constant 0 : i32
    return %c0_i32, %c0_i32_0 : i32, i32
  }
  func.func @transform_4(%arg0: i32) -> (i32, i32) {
    %c0_i32 = arith.constant 0 : i32
    %c0_i32_0 = arith.constant 0 : i32
    return %arg0, %c0_i32 : i32, i32
  }
}

module attributes {stable_mosaic.version = 14 : i64} {
  func.func @_bn_relu_final_body(%arg0: i32, %arg1: memref<400x128xf32, #tpu.memory_space<vmem>>, %arg2: memref<400x128xf32, #tpu.memory_space<vmem>>, %arg3: memref<8x128xf32, #tpu.memory_space<vmem>>, %arg4: memref<1x128xf32, #tpu.memory_space<vmem>>, %arg5: memref<1x128xf32, #tpu.memory_space<vmem>>, %arg6: memref<400x2x128xf32, #tpu.memory_space<vmem>>) attributes {dimension_semantics = [#tpu.dimension_semantics<arbitrary>], iteration_bounds = array<i64: 25>, scalar_prefetch = 0 : i64, scratch_operands = 0 : i64, tpu.core_type = #tpu.core_type<tc>, window_params = [{transform_indices = @transform_0, window_bounds = array<i64: 400, 128>}, {transform_indices = @transform_1, window_bounds = array<i64: 400, 128>}, {pipeline_mode = #tpu.pipeline_mode<synchronous>, transform_indices = @transform_2, window_bounds = array<i64: 8, 128>}, {pipeline_mode = #tpu.pipeline_mode<synchronous>, transform_indices = @transform_3, window_bounds = array<i64: 1, 128>}, {pipeline_mode = #tpu.pipeline_mode<synchronous>, transform_indices = @transform_4, window_bounds = array<i64: 1, 128>}, {transform_indices = @transform_5, window_bounds = array<i64: 400, 2, 128>}]} {
    %get3A = arith.constant 0 : index
    %get3A_0 = arith.constant 0 : index
    %get3A_1 = vector.load %arg3[%get3A, %get3A_0] : memref<8x128xf32, #tpu.memory_space<vmem>>, vector<8x128xf32>
    %slice3A = vector.extract_strided_slice %get3A_1 {offsets = [0, 0], sizes = [1, 128], strides = [1, 1]} : vector<8x128xf32> to vector<1x128xf32>
    %div3A = arith.constant 2.000000e+04 : f32
    %div3A_2 = vector.broadcast %div3A : f32 to vector<1x128xf32>
    %div3A_3 = arith.divf %slice3A, %div3A_2 : vector<1x128xf32>
    %slice3A_4 = vector.extract_strided_slice %get3A_1 {offsets = [1, 0], sizes = [1, 128], strides = [1, 1]} : vector<8x128xf32> to vector<1x128xf32>
    %div3A_5 = arith.constant 2.000000e+04 : f32
    %div3A_6 = vector.broadcast %div3A_5 : f32 to vector<1x128xf32>
    %div3A_7 = arith.divf %slice3A_4, %div3A_6 : vector<1x128xf32>
    %mul3A = arith.mulf %div3A_3, %div3A_3 : vector<1x128xf32>
    %sub3A = arith.subf %div3A_7, %mul3A : vector<1x128xf32>
    %add3A = arith.constant 9.99999974E-6 : f32
    %add3A_8 = vector.broadcast %add3A : f32 to vector<1x128xf32>
    %add3A_9 = arith.addf %sub3A, %add3A_8 : vector<1x128xf32>
    %rsqrt3A = math.rsqrt %add3A_9 : vector<1x128xf32>
    %get3A_10 = arith.constant 0 : index
    %get3A_11 = arith.constant 0 : index
    %get3A_12 = vector.load %arg1[%get3A_10, %get3A_11] : memref<400x128xf32, #tpu.memory_space<vmem>>, vector<400x128xf32>
    %sub3A_13 = vector.broadcast %div3A_3 : vector<1x128xf32> to vector<400x128xf32>
    %sub3A_14 = arith.subf %get3A_12, %sub3A_13 : vector<400x128xf32>
    %mul3A_15 = vector.broadcast %rsqrt3A : vector<1x128xf32> to vector<400x128xf32>
    %mul3A_16 = arith.mulf %sub3A_14, %mul3A_15 : vector<400x128xf32>
    %get3A_17 = arith.constant 0 : index
    %get3A_18 = arith.constant 0 : index
    %get3A_19 = vector.load %arg4[%get3A_17, %get3A_18] : memref<1x128xf32, #tpu.memory_space<vmem>>, vector<1x128xf32>
    %mul3A_20 = vector.broadcast %get3A_19 : vector<1x128xf32> to vector<400x128xf32>
    %mul3A_21 = arith.mulf %mul3A_16, %mul3A_20 : vector<400x128xf32>
    %get3A_22 = arith.constant 0 : index
    %get3A_23 = arith.constant 0 : index
    %get3A_24 = vector.load %arg5[%get3A_22, %get3A_23] : memref<1x128xf32, #tpu.memory_space<vmem>>, vector<1x128xf32>
    %add3A_25 = vector.broadcast %get3A_24 : vector<1x128xf32> to vector<400x128xf32>
    %add3A_26 = arith.addf %mul3A_21, %add3A_25 : vector<400x128xf32>
    %max3A = arith.constant 0.000000e+00 : f32
    %max3A_27 = vector.broadcast %max3A : f32 to vector<400x128xf32>
    %max3A_28 = arith.maximumf %add3A_26, %max3A_27 : vector<400x128xf32>
    %get3A_29 = arith.constant 0 : index
    %get3A_30 = arith.constant 0 : index
    %get3A_31 = vector.load %arg2[%get3A_29, %get3A_30] : memref<400x128xf32, #tpu.memory_space<vmem>>, vector<400x128xf32>
    %sub3A_32 = vector.broadcast %div3A_3 : vector<1x128xf32> to vector<400x128xf32>
    %sub3A_33 = arith.subf %get3A_31, %sub3A_32 : vector<400x128xf32>
    %mul3A_34 = vector.broadcast %rsqrt3A : vector<1x128xf32> to vector<400x128xf32>
    %mul3A_35 = arith.mulf %sub3A_33, %mul3A_34 : vector<400x128xf32>
    %get3A_36 = arith.constant 0 : index
    %get3A_37 = arith.constant 0 : index
    %get3A_38 = vector.load %arg4[%get3A_36, %get3A_37] : memref<1x128xf32, #tpu.memory_space<vmem>>, vector<1x128xf32>
    %mul3A_39 = vector.broadcast %get3A_38 : vector<1x128xf32> to vector<400x128xf32>
    %mul3A_40 = arith.mulf %mul3A_35, %mul3A_39 : vector<400x128xf32>
    %get3A_41 = arith.constant 0 : index
    %get3A_42 = arith.constant 0 : index
    %get3A_43 = vector.load %arg5[%get3A_41, %get3A_42] : memref<1x128xf32, #tpu.memory_space<vmem>>, vector<1x128xf32>
    %add3A_44 = vector.broadcast %get3A_43 : vector<1x128xf32> to vector<400x128xf32>
    %add3A_45 = arith.addf %mul3A_40, %add3A_44 : vector<400x128xf32>
    %max3A_46 = arith.constant 0.000000e+00 : f32
    %max3A_47 = vector.broadcast %max3A_46 : f32 to vector<400x128xf32>
    %max3A_48 = arith.maximumf %add3A_45, %max3A_47 : vector<400x128xf32>
    %stack3A = vector.shape_cast %max3A_28 : vector<400x128xf32> to vector<400x1x128xf32>
    %stack3A_49 = vector.shape_cast %max3A_48 : vector<400x128xf32> to vector<400x1x128xf32>
    %stack3A_50 = tpu.concatenate %stack3A, %stack3A_49 in 1 : vector<400x1x128xf32>, vector<400x1x128xf32> -> vector<400x2x128xf32>
    %swap3A = arith.constant 0 : index
    %swap3A_51 = arith.constant 0 : index
    %swap3A_52 = arith.constant 0 : index
    %swap3A_53 = vector.load %arg6[%swap3A, %swap3A_51, %swap3A_52] : memref<400x2x128xf32, #tpu.memory_space<vmem>>, vector<400x2x128xf32>
    tpu.vector_store %arg6[%swap3A, %swap3A_51, %swap3A_52], %stack3A_50 {strides = array<i32>} : memref<400x2x128xf32, #tpu.memory_space<vmem>>, vector<400x2x128xf32>,
    return
  }
  func.func @transform_0(%arg0: i32) -> (i32, i32) {
    %c0_i32 = arith.constant 0 : i32
    %c0_i32_0 = arith.constant 0 : i32
    return %arg0, %c0_i32 : i32, i32
  }
  func.func @transform_1(%arg0: i32) -> (i32, i32) {
    %add3A = arith.constant 25 : i32
    %add3A_0 = arith.addi %arg0, %add3A : i32
    %c0_i32 = arith.constant 0 : i32
    %c0_i32_1 = arith.constant 0 : i32
    return %add3A_0, %c0_i32 : i32, i32
  }
  func.func @transform_2(%arg0: i32) -> (i32, i32) {
    %c0_i32 = arith.constant 0 : i32
    %c0_i32_0 = arith.constant 0 : i32
    %c0_i32_1 = arith.constant 0 : i32
    return %c0_i32, %c0_i32_0 : i32, i32
  }
  func.func @transform_3(%arg0: i32) -> (i32, i32) {
    %c0_i32 = arith.constant 0 : i32
    %c0_i32_0 = arith.constant 0 : i32
    %c0_i32_1 = arith.constant 0 : i32
    return %c0_i32, %c0_i32_0 : i32, i32
  }
  func.func @transform_4(%arg0: i32) -> (i32, i32) {
    %c0_i32 = arith.constant 0 : i32
    %c0_i32_0 = arith.constant 0 : i32
    %c0_i32_1 = arith.constant 0 : i32
    return %c0_i32, %c0_i32_0 : i32, i32
  }
  func.func @transform_5(%arg0: i32) -> (i32, i32, i32) {
    %c0_i32 = arith.constant 0 : i32
    %c0_i32_0 = arith.constant 0 : i32
    %c0_i32_1 = arith.constant 0 : i32
    return %arg0, %c0_i32, %c0_i32_0 : i32, i32, i32
  }
}

</mosaic_0001>

<sc_bundles>
// kernel: kernel.11.cloned.1.call-start
scs
__scs_entry_jumppad:
0x0: {  	(pc) =	sbr.rel $0x88, $3  }
0x1: {  	(tag) =	ssettag $0x0;
	lr =	simm.s32 $0x1  }
0x2: {  	[smem:$0x3F96] =	sst lr;
	_ =	strace $0xD0000000  }
0x3: {  	_ = 	snop  }
0x4: {  	_ = 	snop  }
0x5: {  	_ = 	snop  }
0x6: {  	_ = 	snop  }
0x7: {  	_ = 	snop  }
__scs_overlays_trampoline_lowered:
0x8: {  	[smem:$0x3FA5] =	sst s0  }
0x9: {  	[smem:$0x3FA6] =	sst s1  }
0xa: {  	[smem:$0x3FA7] =	sst s2  }
0xb: {  	[smem:$0x3FA8] =	sst s3  }
0xc: {  	[smem:$0x3FA9] =	sst s4  }
0xd: {  	[smem:$0x3FAA] =	sst s5  }
0xe: {  	[smem:$0x3FAB] =	sst s6  }
0xf: {  	[smem:$0x3FAC] =	sst s7  }
0x10: {  	[smem:$0x3FAD] =	sst s8  }
0x11: {  	[smem:$0x3FAE] =	sst s9;
	s0 =	simm.s32 @!p0 $0x0  }
0x12: {  	s1 =	sld [smem:$0x3F94];
	s0 =	simm.s32 @p0 $0x1  }
0x13: {  	[smem:$0x3FAF] =	sst s0;
	s0 =	simm.s32 @!p1 $0x0  }
0x14: {  	s2 =	sld [smem:$0x3F93];
	s0 =	simm.s32 @p1 $0x1  }
0x15: {  	[smem:$0x3FB0] =	sst s0;
	s0 =	simm.s32 @!p2 $0x0  }
0x16: {  	s3 =	sld [smem:$0x3FDB];
	s0 =	simm.s32 @p2 $0x1  }
0x17: {  	s4 =	simm.s32 $0x1BF5;
	[smem:$0x3FB2] =	sst s0  }
0x18: {  	s0 =	sld [smem:$0x3F95];
	_ =	swait.ge [sflag:s4], $0x0  }
0x19: {  	s7 =	sld [smem:$0x3F96]  }
0x1a: {  	s8 =	sadd.s32 $0xFFFFE003, lr  }
0x1b: {  	s9 =	sadd.s32 $0xFFFFFEF7, lr;
	s5 =	simm.s32 $0xFFFFFFFF;
	p2 =	slt.u32 s8, $0xFFFFF086  }
0x1c: {  	p1 =	slt.u32 s9, $0xF7A;
	s5 =	simm.s32 @!p2 $0x0  }
0x1d: {  	s5 =	simm.s32 @p1 $0x1;
	p0 =	seq.s32 s7, s2  }
0x1e: {  	s7 =	smul.u32 @!p0 $0xF7A, s2;
	p2 =	seq.s32 @!p0 s5, $0x0  }
0x1f: {  	s9 =	smul.u32 $0xF7A, s1;
	s8 =	simm.s32 @!p0 $0x1BF5;
	p2 =	por !p2, p0  }
0x20: {  	[sflag:s8] =	ssyncset.s32 @!p0 $0xFFFFF086;
	s6 =	sadd.s32 @!p0 s3, s7;
	s7 =	simm.s32 @!p0 $0x108  }
0x21: {  	s3 =	sadd.s32 s3, s9;
	s6 =	sadd.s32 @!p0 $0x88, s6;
	s7 =	simm.s32 @p2 $0x1082  }
0x22: {  	[simem:s7], [sflag:s8] =	dma.local @!p0 [hbm:s6], $0xF7A  }
0x23: {  	s9 =	sor.u32 $0xD0000000, s2;
	s6 =	simm.s32 $0x108;
	_ =	swait.ge @!p0 [sflag:s8], $0x0  }
0x24: {  	s3 =	sadd.s32 $0x88, s3;
	s6 =	simm.s32 @!p1 $0x1082;
	[sflag:s4] =	ssyncset.s32 $0xFFFFF086  }
0x25: {  	[simem:s6], [sflag:s4] =	dma.local [hbm:s3], $0xF7A  }
0x26: {  	[smem:$0x3F96] =	sst s1;
	(tag) =	ssettag s2;
	_ =	strace s9  }
0x27: {  	s1 =	sld [smem:$0x3FA6]  }
0x28: {  	s2 =	sld [smem:$0x3FA7]  }
0x29: {  	s4 =	sld [smem:$0x3FA9]  }
0x2a: {  	p0 =	seq.s32 s5, $0x0;
	s5 =	sld [smem:$0x3FAA]  }
0x2b: {  	s6 =	sld [smem:$0x3FAB]  }
0x2c: {  	s7 =	sld [smem:$0x3FAC]  }
0x2d: {  	s3 =	simm.s32 $0x108;
	s8 =	sld [smem:$0x3FAD]  }
0x2e: {  	s3 =	simm.s32 @!p0 $0x1082;
	s9 =	sld [smem:$0x3FAE]  }
0x2f: {  	lr =	sadd.s32 s0, s3;
	s0 =	sld [smem:$0x3FA5]  }
0x30: {  	s3 =	sld [smem:$0x3FA8]  }
0x31: {  	[smem:$0x3FB1] =	sst s10  }
0x32: {  	s10 =	sld [smem:$0x3FAF];
	_ =	sdelay $0x3  }
0x33: {  	p0 =	seq.s32 s10, $0x1;
	s10 =	sld [smem:$0x3FB1];
	_ =	sdelay $0x3  }
0x34: {  	[smem:$0x3FB1] =	sst s10  }
0x35: {  	s10 =	sld [smem:$0x3FB0];
	_ =	sdelay $0x3  }
0x36: {  	p1 =	seq.s32 s10, $0x1;
	s10 =	sld [smem:$0x3FB1];
	_ =	sdelay $0x3  }
0x37: {  	[smem:$0x3FB1] =	sst s10  }
0x38: {  	s10 =	sld [smem:$0x3FB2]  }
0x39: {  	_ = 	snop;
	(pc) =	sbr.ind lr, $3  }
0x3a: {  	_ = 	snop  }
0x3b: {  	_ = 	snop  }
0x3c: {  	p2 =	seq.s32 s10, $0x1;
	s10 =	sld [smem:$0x3FB1]  }
0x3d: {  	_ =	shalt  }
0x3e: {  	_ =	shalt  }
0x3f: {  	_ =	shalt  }
0x40: {  	_ =	shalt  }
0x41: {  	_ =	shalt  }
0x42: {  	_ =	shalt  }
0x43: {  	_ =	shalt  }
0x44: {  	_ =	shalt  }
0x45: {  	_ =	shalt  }
0x46: {  	_ =	shalt  }
0x47: {  	_ =	shalt  }
0x48: {  	_ =	shalt  }
0x49: {  	_ =	shalt  }
0x4a: {  	_ =	shalt  }
0x4b: {  	_ =	shalt  }
0x4c: {  	_ =	shalt  }
0x4d: {  	_ =	shalt  }
0x4e: {  	_ =	shalt  }
0x4f: {  	_ =	shalt  }
0x50: {  	_ =	shalt  }
0x51: {  	_ =	shalt  }
0x52: {  	_ =	shalt  }
0x53: {  	_ =	shalt  }
0x54: {  	_ =	shalt  }
0x55: {  	_ =	shalt  }
0x56: {  	_ =	shalt  }
0x57: {  	_ =	shalt  }
0x58: {  	_ =	shalt  }
0x59: {  	_ =	shalt  }
0x5a: {  	_ =	shalt  }
0x5b: {  	_ =	shalt  }
0x5c: {  	_ =	shalt  }
0x5d: {  	_ =	shalt  }
0x5e: {  	_ =	shalt  }
0x5f: {  	_ =	shalt  }
0x60: {  	_ =	shalt  }
0x61: {  	_ =	shalt  }
0x62: {  	_ =	shalt  }
0x63: {  	_ =	shalt  }
0x64: {  	_ =	shalt  }
0x65: {  	_ =	shalt  }
0x66: {  	_ =	shalt  }
0x67: {  	_ =	shalt  }
0x68: {  	_ =	shalt  }
0x69: {  	_ =	shalt  }
0x6a: {  	_ =	shalt  }
0x6b: {  	_ =	shalt  }
0x6c: {  	_ =	shalt  }
0x6d: {  	_ =	shalt  }
0x6e: {  	_ =	shalt  }
0x6f: {  	_ =	shalt  }
0x70: {  	_ =	shalt  }
0x71: {  	_ =	shalt  }
0x72: {  	_ =	shalt  }
0x73: {  	_ =	shalt  }
0x74: {  	_ =	shalt  }
0x75: {  	_ =	shalt  }
0x76: {  	_ =	shalt  }
0x77: {  	_ =	shalt  }
0x78: {  	_ =	shalt  }
0x79: {  	_ =	shalt  }
0x7a: {  	_ =	shalt  }
0x7b: {  	_ =	shalt  }
0x7c: {  	_ =	shalt  }
0x7d: {  	_ =	shalt  }
0x7e: {  	_ =	shalt  }
0x7f: {  	_ =	shalt  }
0x80: {  	_ =	shalt  }
0x81: {  	_ =	shalt  }
0x82: {  	_ =	shalt  }
0x83: {  	_ =	shalt  }
0x84: {  	_ =	shalt  }
0x85: {  	_ =	shalt  }
0x86: {  	_ =	shalt  }
0x87: {  	_ =	shalt  }
.Lfunc_end0:
.L_simem_size_0:
called_computation.1_lowered:
.L_overlay_start_0:
0x88: {  	s2 =	sld [smem:$0x3FD9]  }
0x89: {  	s3 =	sld [smem:$0x3FFE];
	_ =	sdelay $0x1  }
0x8a: {  	s1 =	srdreg.scid  }
0x8b: {  	s0 =	sand.u32 $0x1, s1  }
0x8c: {  	s17 =	sshll.u32 s0, $0xA;
	s2 =	sadd.s32 s3, s2  }
0x8d: {  	s2 =	sadd.s32 s2, s17  }
0x8e: {  	[smem:$0x3FBD] =	sst s2  }
0x8f: {  	_ = 	snop  }
0x90: {  	s2 =	sld [smem:$0x3FD0];
	(tm) =	ssettm $0x1  }
0x91: {  	s18 =	sld [smem:$0x3FFB];
	_ =	sdelay $0x3  }
0x92: {  	_ =	strace s18  }
0x93: {  	s3 =	sld [smem:$0x3FFC];
	_ =	sdelay $0x3  }
0x94: {  	_ =	strace s3  }
0x95: {  	s3 =	sld [smem:$0x3FFD];
	_ =	sdelay $0x3  }
0x96: {  	_ =	strace s3  }
0x97: {  	_ =	strace $0x8FFFFFFF  }
0x98: {  	s19 =	sld [smem:$0x3FDB];
	_ =	sdelay $0x1  }
0x99: {  	s4 =	simm.s32 $_scs_section_size  }
0x9a: {  	s5 =	simm.s32 $_size__tile_overlayer_lowered;
	s6 =	simm.s32 $_tile_overlayer_lowered  }
0x9b: {  	s22 =	simm.s32 $0x1BFF;
	s21 =	sshll.u32 s6, $0x1;
	s3 =	sadd.s32 s4, s19  }
0x9c: {  	s7 =	simm.s32 $0x0;
	s20 =	sshll.u32 s5, $0x1;
	s5 =	sadd.s32 s21, s3  }
0x9d: {  	[timem:s7], [sflag:s22] =	dma.local [hbm:s5], s20  }
0x9e: {  	_ =	swait.ge [sflag:s22], s20  }
0x9f: {  	s4 =	ssub.s32 $0x0, s20;
	[sflag:s22] =	ssyncset.done $0x0  }
0xa0: {  	[sflag:s22] =	ssyncadd.s32 s4;
	_ =	sdelay $0x1  }
0xa1: {  	s23 =	simm.s32 $0x1B8B  }
0xa2: {  	_ =	swait.ge [sflag:s23], $0x1  }
0xa3: {  	[sflag:s23] =	ssyncset.done $0x0  }
0xa4: {  	s25 =	simm.s32 $0x1B8E;
	s24 =	sld [smem:$0x3FFE];
	[sflag:s23] =	ssyncadd.s32 $0xFFFFFFFF  }
0xa5: {  	s26 =	simm.s32 $execute0_lowered;
	[smem:$0x3FD2] =	sst s25  }
0xa6: {  	s5 =	sshll.u32 s26, $0x1;
	_ =	strace $0x80000049;
	[dreg:$0x1] =	wrdreg $0xFFFFFFFF  }
0xa7: {  	s28 =	simm.s32 $_size_execute0_lowered;
	s3 =	sadd.s32 s3, s5;
	[dreg:$0x0] =	wrdreg $0x0  }
0xa8: {  	s5 =	sshll.u32 s28, $0x1;
	[dreg:$0x2] =	wrdreg s3  }
0xa9: {  	[dreg:$0x3] =	wrdreg s5  }
0xaa: {  	[dreg:$0x4] =	wrdreg $0xC0  }
0xab: {  	_ =	task [dreg:s7], $0x5FFFF  }
0xac: {  	[dreg:$0x1] =	wrdreg $0xFFFFFFFF  }
0xad: {  	[dreg:$0x0] =	wrdreg $0x60  }
0xae: {  	[dreg:$0x2] =	wrdreg s2  }
0xaf: {  	[dreg:$0x3] =	wrdreg s24  }
0xb0: {  	[dreg:$0x4] =	wrdreg $0x0  }
0xb1: {  	[dreg:$0x5] =	wrdreg $0x9  }
0xb2: {  	_ =	task.clear_ibuf [dreg:s7], $0x6FFFF;
	_ =	strace $0x90000049  }
0xb3: {  	s29 =	simm.s32 $0x9;
	_ =	strace $0x8000004B  }
0xb4: {  	_ =	swait.ge [sflag:s29], $0x1  }
0xb5: {  	[sflag:s29] =	ssyncadd.s32 $0xFFFFFFFF  }
0xb6: {  	_ =	strace $0x9000004B  }
0xb7: {  	_ =	sfence  }
0xb8: {  	s30 =	sld [smem:$0x0];
	_ =	sdelay $0x2  }
0xb9: {  	s31 =	sshll.u32 s1, $0xD;
	s1 =	sshrl.u32 s1, $0x2  }
0xba: {  	s3 =	sand.u32 $0x4000, s31;
	s1 =	sadd.s32 s1, s30  }
0xbb: {  	s0 =	sor.u32 s3, s0;
	s1 =	sshll.u32 s1, $0x11  }
0xbc: {  	s0 =	sor.u32 s1, s0  }
0xbd: {  	s0 =	sadd.s32 $0x8F2B, s0  }
0xbe: {  	[sflag:s0] =	ssyncadd.remote.s32 $0x1  }
0xbf: {  	_ =	sfence.sel $0xFFFF  }
0xc0: {  	[dreg:$0x0] =	wrdreg $0xFFFFFFFF;
	(pc) =	sbr.abs _section_cstart, $3  }
0xc1: {  	[dreg:$0x1] =	wrdreg $0xFFFFFFFF  }
0xc2: {  	_ =	task.clear_ibuf [dreg:s7], $0x2FFFF;
	_ =	strace $0x9FFFFFFF  }
0xc3: {  	(tm) =	ssettm $0x7FFFFFFF  }
tec
execute0_lowered:
.L_overlay_start_1:
0x0: {  	(tag) =	ssettag $0x1  }
0x1: {  	s1 =	rddreg [dreg:$0x0]  }
0x2: {  	s4 =	rddreg [dreg:$0x1]  }
0x3: {  	s0 =	srdreg.scid;
	s26 =	stileid.u32  }
0x4: {  	s2 =	rddreg [dreg:$0x2];
	s0 =	sand.u32 $0x1, s0;
	s8 =	smul.u32 $0x50, s26  }
0x5: {  	s3 =	simm.s32 $0x0;
	s7 =	sor.u32 $0x10, s26;
	s6 =	smul.u32 $0x2710, s0  }
0x6: {  	s28 =	simm.s32 $0x13A00;
	s10 =	sor.u32 $0x20, s26;
	s11 =	smul.u32 $0x50, s7  }
0x7: {  	s29 =	simm.s32 $0x2;
	s16 =	sor.u32 $0x30, s26;
	s13 =	smul.u32 $0x50, s10  }
0x8: {  	s30 =	simm.s32 $0x13880;
	s17 =	sor.u32 $0x40, s26;
	s15 =	smul.u32 $0x50, s16  }
0x9: {  	s31 =	simm.s32 $0x13900;
	s18 =	sor.u32 $0x50, s26;
	s23 =	smul.u32 $0x50, s17  }
0xa: {  	[smem:$0x7FF] =	sst s3;
	s19 =	sor.u32 $0x60, s26;
	s24 =	smul.u32 $0x50, s18  }
0xb: {  	s20 =	sor.u32 $0x70, s26;
	s12 =	ssub.s32 $0x2, s0;
	s21 =	smul.u32 $0x50, s19  }
0xc: {  	s5 =	sadd.s32 $0x1AC00, s4;
	s22 =	smul.u32 $0x50, s20;
	s14 =	sshrl.u32 s12, $0x1  }
0xd: {  	s9 =	sadd.s32 $0x24A00, s4;
	s7 =	smul.u32 $0xA000, s7;
	s25 =	ssub.s32 s12, s14  }
0xe: {  	s8 =	sadd.s32 s8, s6;
	s11 =	sadd.s32 s6, s11;
	s13 =	sadd.s32 s6, s13  }
0xf: {  	s15 =	sadd.s32 s6, s15;
	s12 =	sadd.s32 s6, s23;
	s14 =	sadd.s32 s6, s24  }
0x10: {  	s21 =	sadd.s32 s6, s21;
	s6 =	sadd.s32 s6, s22;
	s22 =	smul.u32 $0xA000, s26  }
0x11: {  	p0 =	sgt.u32 s26, $0xC;
	_ =	strace $0x8000004A;
	s26 =	smul.u32 $0x2710, s26  }
0x12: {  	s8 =	sshll.u32 s8, $0x4;
	s11 =	sshll.u32 s11, $0x4;
	s23 =	sshll.u32 s13, $0x4  }
0x13: {  	s24 =	sshll.u32 s15, $0x4;
	s15 =	sshll.u32 s12, $0x4;
	s6 =	sshll.u32 s6, $0x4  }
0x14: {  	s25 =	smax.u32 s25, $0x1;
	s8 =	sadd.s32 s9, s8;
	s13 =	sadd.s32 s9, s24  }
0x15: {  	s24 =	sshll.u32 s21, $0x4;
	s21 =	sshrl.u32 s7, $0x2;
	[dreg:$0x4] =	wrdreg s8  }
0x16: {  	s8 =	sadd.s32 s9, s11;
	[dreg:$0x7] =	wrdreg s13;
	s11 =	smul.u32 $0xA000, s16  }
0x17: {  	s12 =	sadd.s32 s9, s24;
	s13 =	sadd.s32 s9, s6;
	s24 =	smul.u32 $0xA000, s18  }
0x18: {  	s6 =	simm.s32 $0x1;
	[dreg:$0x5] =	wrdreg s8;
	s8 =	sadd.s32 s9, s23  }
0x19: {  	s23 =	sshll.u32 s14, $0x4;
	s14 =	sadd.s32 $0xBE00, s4;
	[dreg:$0x6] =	wrdreg s8  }
0x1a: {  	s8 =	sadd.s32 s9, s15;
	s15 =	sadd.s32 $0x2000, s4;
	s4 =	simm.s32 $0x50  }
0x1b: {  	[dreg:$0x8] =	wrdreg s8;
	s8 =	sadd.s32 s9, s23;
	s9 =	smul.u32 $0xA000, s10  }
0x1c: {  	s10 =	sshrl.u32 s22, $0x2;
	s22 =	smul.u32 $0xA000, s17;
	s17 =	sadd.s32 s21, s2  }
0x1d: {  	[dreg:$0x9] =	wrdreg s8;
	s8 =	sshrl.u32 s11, $0x2;
	s11 =	smul.u32 $0xA000, s20  }
0x1e: {  	s16 =	sadd.s32 s10, s2;
	s23 =	sshrl.u32 s9, $0x2;
	s9 =	smul.u32 $0xA000, s19  }
0x1f: {  	s19 =	sadd.s32 s8, s2;
	s10 =	sshrl.u32 s22, $0x2;
	s22 =	sshrl.u32 s24, $0x2  }
0x20: {  	s18 =	sadd.s32 s23, s2;
	s20 =	sadd.s32 s10, s2;
	s23 =	sshrl.u32 s9, $0x2  }
0x21: {  	s21 =	sadd.s32 s22, s2;
	s24 =	sshrl.u32 s11, $0x2;
	s22 =	sadd.s32 s23, s2  }
0x22: {  	v0 =	vimm.f32 $0.0e+00;
	s23 =	sadd.s32 s24, s2;
	s24 =	smul.u32 $0x27100, s0;
	s0 =	simm.s32 $0x13980  }
.LBB2_1:
0x23: {  	s7 =	simm.s32 $0x0;
	s8 =	simm.s32 $0x200  }
.LBB2_2:
0x24: {  	p1 =	sne.s32 s8, $0x9E00;
	[tilespmem:s7+$0x13A70] =	vst v0  }
0x25: {  	[tilespmem:s7+$0x13A00] =	vst v0  }
0x26: {  	[tilespmem:s7+$0x13A10] =	vst v0  }
.Ltmp0:
0x27: {  	[tilespmem:s7+$0x13A20] =	vst v0;
	(pc) =	sbr.rel @p1 .LBB2_2-.Ltmp0, $4  }
0x28: {  	[tilespmem:s7+$0x13A30] =	vst v0  }
0x29: {  	[tilespmem:s7+$0x13A40] =	vst v0  }
0x2a: {  	[tilespmem:s7+$0x13A50] =	vst v0  }
0x2b: {  	[tilespmem:s7+$0x13A60] =	vst v0;
	s7 =	sshra.s32 s8, $0x2;
	s8 =	sadd.s32 $0x200, s8  }
0x2c: {  	[tilespmem:s7+$0x13A70] =	vst v0  }
0x2d: {  	[tilespmem:s7+$0x13A00] =	vst v0  }
0x2e: {  	[tilespmem:s7+$0x13A10] =	vst v0  }
0x2f: {  	[tilespmem:s7+$0x13A20] =	vst v0  }
0x30: {  	[tilespmem:s7+$0x13A30] =	vst v0  }
0x31: {  	[tilespmem:s7+$0x13A40] =	vst v0  }
0x32: {  	[tilespmem:s7+$0x13A50] =	vst v0  }
0x33: {  	[tilespmem:s7+$0x13A60] =	vst v0  }
0x34: {  	[spmem:s16] =	stream.linear.scatter [tilespmem:s28], [sflag:$0x2], $0x2800, $0x38;
	[tilespmem:$0x16200] =	vst v63  }
0x35: {  	_ =	swait.ge [sflag:s29], $0x2800  }
0x36: {  	[sflag:s29] =	ssyncset.done $0x0  }
0x37: {  	[sflag:s29] =	ssyncadd.s32 $0xFFFFD800  }
0x38: {  	[spmem:s17] =	stream.linear.scatter [tilespmem:s28], [sflag:$0x2], $0x2800, $0x38;
	[tilespmem:$0x16200] =	vst v63  }
0x39: {  	_ =	swait.ge [sflag:s29], $0x2800  }
0x3a: {  	[sflag:s29] =	ssyncset.done $0x0  }
0x3b: {  	[sflag:s29] =	ssyncadd.s32 $0xFFFFD800  }
0x3c: {  	[spmem:s18] =	stream.linear.scatter [tilespmem:s28], [sflag:$0x2], $0x2800, $0x38;
	[tilespmem:$0x16200] =	vst v63  }
0x3d: {  	_ =	swait.ge [sflag:s29], $0x2800  }
0x3e: {  	[sflag:s29] =	ssyncset.done $0x0  }
0x3f: {  	[sflag:s29] =	ssyncadd.s32 $0xFFFFD800  }
0x40: {  	[spmem:s19] =	stream.linear.scatter [tilespmem:s28], [sflag:$0x2], $0x2800, $0x38;
	[tilespmem:$0x16200] =	vst v63  }
0x41: {  	_ =	swait.ge [sflag:s29], $0x2800  }
0x42: {  	[sflag:s29] =	ssyncset.done $0x0  }
0x43: {  	[sflag:s29] =	ssyncadd.s32 $0xFFFFD800  }
0x44: {  	[spmem:s20] =	stream.linear.scatter [tilespmem:s28], [sflag:$0x2], $0x2800, $0x38;
	[tilespmem:$0x16200] =	vst v63  }
0x45: {  	_ =	swait.ge [sflag:s29], $0x2800  }
0x46: {  	[sflag:s29] =	ssyncset.done $0x0  }
0x47: {  	[sflag:s29] =	ssyncadd.s32 $0xFFFFD800  }
0x48: {  	[spmem:s21] =	stream.linear.scatter [tilespmem:s28], [sflag:$0x2], $0x2800, $0x38;
	[tilespmem:$0x16200] =	vst v63  }
0x49: {  	_ =	swait.ge [sflag:s29], $0x2800  }
0x4a: {  	[sflag:s29] =	ssyncset.done $0x0  }
0x4b: {  	[sflag:s29] =	ssyncadd.s32 $0xFFFFD800  }
0x4c: {  	[spmem:s22] =	stream.linear.scatter [tilespmem:s28], [sflag:$0x2], $0x2800, $0x38;
	[tilespmem:$0x16200] =	vst v63  }
0x4d: {  	_ =	swait.ge [sflag:s29], $0x2800  }
0x4e: {  	[sflag:s29] =	ssyncset.done $0x0  }
0x4f: {  	s7 =	simm.s32 @!p0 $0x13A00;
	[sflag:s29] =	ssyncadd.s32 $0xFFFFD800  }
0x50: {  	[spmem:s23] =	stream.linear.scatter @!p0 [tilespmem:s7], [sflag:$0x2], $0x2800, $0x38;
	[tilespmem:$0x16200] =	vst v63  }
0x51: {  	s7 =	simm.s32 @!p0 $0x2  }
0x52: {  	_ =	swait.ge @!p0 [sflag:s7], $0x2800  }
0x53: {  	[sflag:s7] =	ssyncset.done @!p0 $0x0  }
0x54: {  	[sflag:s7] =	ssyncadd.s32 @!p0 $0xFFFFD800  }
0x55: {  	s8 =	simm.s32 $0x0;
	s7 =	simm.s32 $0x0;
	[bflag:$0x0] =	sbarrier.arrive $0xFFFF  }
.LBB2_4:
0x56: {  	s9 =	smul.u32 $0x50, s8;
	_ =	sdelay $0x1  }
0x57: {  	s9 =	sadd.s32 s26, s9  }
0x58: {  	s10 =	sadd.s32 s24, s9  }
0x59: {  	s10 =	sshrl.u32 s10, $0x3  }
0x5a: {  	s11 =	sadd.s32 s5, s10  }
0x5b: {  	[tilespmem:s30], [sflag:$0x2] =	stream.linear.gather [hbm4b:s11+s7], $0x50, $0x38;
	[tilespmem:$0x16200] =	vst v63  }
0x5c: {  	_ =	swait.ge [sflag:s29], $0x50  }
0x5d: {  	s9 =	sshrl.u32 s9, $0x3;
	[sflag:s29] =	ssyncset.done $0x0  }
0x5e: {  	s9 =	sadd.s32 s14, s9;
	[sflag:s29] =	ssyncadd.s32 $0xFFFFFFB0  }
0x5f: {  	[tilespmem:s31], [sflag:$0x2] =	stream.linear.gather [hbm4b:s9+s7], $0x50, $0x38;
	[tilespmem:$0x16200] =	vst v63  }
0x60: {  	_ =	swait.ge [sflag:s29], $0x50  }
0x61: {  	[sflag:s29] =	ssyncset.done $0x0  }
0x62: {  	s11 =	sadd.s32 s15, s10;
	[sflag:s29] =	ssyncadd.s32 $0xFFFFFFB0  }
0x63: {  	[tilespmem:s0], [sflag:$0x2] =	stream.linear.gather [hbm4b:s11+s7], $0x50, $0x38;
	[tilespmem:$0x16200] =	vst v63  }
0x64: {  	_ =	swait.ge [sflag:s29], $0x50  }
0x65: {  	[sflag:s29] =	ssyncset.done $0x0  }
0x66: {  	[sflag:s29] =	ssyncadd.s32 $0xFFFFFFB0  }
0x67: {  	[tilespmem:s28], [sflag:$0x1] =	stream.indirect.gather [hbm4b:s1+s4], $0x80, s30, s4, $0xb8;
	[tilespmem:$0x16200] =	vst v63  }
0x68: {  	_ =	swait.ge [sflag:s6], $0x2800  }
0x69: {  	[sflag:s6] =	ssyncset.done $0x0  }
0x6a: {  	s9 =	simm.s32 $0x0;
	[sflag:s6] =	ssyncadd.s32 $0xFFFFD800  }
.LBB2_5:
0x6b: {  	s10 =	sshll.u32 s9, $0x4  }
0x6c: {  	s10 =	sand.u32 $0x3FFFFFF0, s10  }
0x6d: {  	v1 =	vld [tilespmem:s10+$0x13980];
	_ =	sdelay $0x1  }
0x6e: {  	s11 =	sshll.u32 s9, $0xB  }
0x6f: {  	s10 =	sand.u32 $0x3FFFF800, s11  }
0x70: {  	v2 =	vld [tilespmem:s10+$0x13A00]  }
0x71: {  	v3 =	vld [tilespmem:s10+$0x13A10];
	v1 =	vadd.f32 $0.0e+00, v1  }
0x72: {  	v4 =	vld [tilespmem:s10+$0x13A20]  }
0x73: {  	v6 =	vld [tilespmem:s10+$0x13A30];
	v5 =	vbroadcast v1, $0x0  }
0x74: {  	v7 =	vld [tilespmem:s10+$0x13A40]  }
0x75: {  	v8 =	vld [tilespmem:s10+$0x13A50];
	v2 =	vmul.f32 v5, v2  }
0x76: {  	v9 =	vld [tilespmem:s10+$0x13A60];
	v3 =	vmul.f32 v3, v5  }
0x77: {  	v34 =	vld [tilespmem:s10+$0x13A70];
	[tilespmem:s10+$0x13A00] =	vst v2;
	v2 =	vmul.f32 v4, v5  }
0x78: {  	v35 =	vld [tilespmem:s10+$0x13A80];
	[tilespmem:s10+$0x13A10] =	vst v3;
	v3 =	vmul.f32 v6, v5  }
0x79: {  	v36 =	vld [tilespmem:s10+$0x13A90];
	[tilespmem:s10+$0x13A20] =	vst v2;
	v2 =	vmul.f32 v7, v5  }
0x7a: {  	v37 =	vld [tilespmem:s10+$0x13AA0];
	[tilespmem:s10+$0x13A30] =	vst v3;
	v3 =	vmul.f32 v8, v5  }
0x7b: {  	v10 =	vld [tilespmem:s10+$0x13AB0];
	v38 =	vbroadcast v1, $0x1;
	[tilespmem:s10+$0x13A40] =	vst v2;
	v2 =	vmul.f32 v9, v5  }
0x7c: {  	v39 =	vld [tilespmem:s10+$0x13AC0];
	[tilespmem:s10+$0x13A50] =	vst v3;
	v3 =	vmul.f32 v34, v5  }
0x7d: {  	v40 =	vld [tilespmem:s10+$0x13AD0];
	[tilespmem:s10+$0x13A60] =	vst v2;
	v2 =	vmul.f32 v35, v38  }
0x7e: {  	v41 =	vld [tilespmem:s10+$0x13AE0];
	[tilespmem:s10+$0x13A70] =	vst v3;
	v3 =	vmul.f32 v36, v38  }
0x7f: {  	v42 =	vld [tilespmem:s10+$0x13AF0];
	[tilespmem:s10+$0x13A80] =	vst v2;
	v2 =	vmul.f32 v37, v38  }
0x80: {  	v43 =	vld [tilespmem:s10+$0x13B00];
	[tilespmem:s10+$0x13A90] =	vst v3;
	v3 =	vmul.f32 v10, v38  }
0x81: {  	v44 =	vld [tilespmem:s10+$0x13B10];
	[tilespmem:s10+$0x13AA0] =	vst v2;
	v2 =	vmul.f32 v39, v38  }
0x82: {  	v45 =	vld [tilespmem:s10+$0x13B20];
	[tilespmem:s10+$0x13AB0] =	vst v3;
	v3 =	vmul.f32 v40, v38  }
0x83: {  	v47 =	vld [tilespmem:s10+$0x13B30];
	v46 =	vbroadcast v1, $0x2;
	[tilespmem:s10+$0x13AC0] =	vst v2;
	v2 =	vmul.f32 v41, v38  }
0x84: {  	v48 =	vld [tilespmem:s10+$0x13B40];
	[tilespmem:s10+$0x13AD0] =	vst v3;
	v3 =	vmul.f32 v42, v38  }
0x85: {  	v49 =	vld [tilespmem:s10+$0x13B50];
	[tilespmem:s10+$0x13AE0] =	vst v2;
	v2 =	vmul.f32 v43, v46  }
0x86: {  	v50 =	vld [tilespmem:s10+$0x13B60];
	[tilespmem:s10+$0x13AF0] =	vst v3;
	v3 =	vmul.f32 v44, v46  }
0x87: {  	v51 =	vld [tilespmem:s10+$0x13B70];
	[tilespmem:s10+$0x13B00] =	vst v2;
	v2 =	vmul.f32 v45, v46  }
0x88: {  	v52 =	vld [tilespmem:s10+$0x13B80];
	[tilespmem:s10+$0x13B10] =	vst v3;
	v3 =	vmul.f32 v47, v46  }
0x89: {  	v53 =	vld [tilespmem:s10+$0x13B90];
	[tilespmem:s10+$0x13B20] =	vst v2;
	v2 =	vmul.f32 v48, v46  }
0x8a: {  	v54 =	vld [tilespmem:s10+$0x13BA0];
	[tilespmem:s10+$0x13B30] =	vst v3;
	v3 =	vmul.f32 v49, v46  }
0x8b: {  	v56 =	vld [tilespmem:s10+$0x13BB0];
	v55 =	vbroadcast v1, $0x3;
	[tilespmem:s10+$0x13B40] =	vst v2;
	v2 =	vmul.f32 v50, v46  }
0x8c: {  	v57 =	vld [tilespmem:s10+$0x13BC0];
	[tilespmem:s10+$0x13B50] =	vst v3;
	v3 =	vmul.f32 v51, v46  }
0x8d: {  	v58 =	vld [tilespmem:s10+$0x13BD0];
	[tilespmem:s10+$0x13B60] =	vst v2;
	v2 =	vmul.f32 v52, v55  }
0x8e: {  	v59 =	vld [tilespmem:s10+$0x13BE0];
	[tilespmem:s10+$0x13B70] =	vst v3;
	v3 =	vmul.f32 v53, v55  }
0x8f: {  	v60 =	vld [tilespmem:s10+$0x13BF0];
	[tilespmem:s10+$0x13B80] =	vst v2;
	v2 =	vmul.f32 v54, v55  }
0x90: {  	v61 =	vld [tilespmem:s10+$0x13C00];
	[tilespmem:s10+$0x13B90] =	vst v3;
	v3 =	vmul.f32 v56, v55  }
0x91: {  	v62 =	vld [tilespmem:s10+$0x13C10];
	[tilespmem:s10+$0x13BA0] =	vst v2;
	v2 =	vmul.f32 v57, v55  }
0x92: {  	v63 =	vld [tilespmem:s10+$0x13C20];
	[tilespmem:s10+$0x13BB0] =	vst v3;
	v3 =	vmul.f32 v58, v55  }
0x93: {  	v13 =	vld [tilespmem:s10+$0x13C30];
	v12 =	vbroadcast v1, $0x4;
	[tilespmem:s10+$0x13BC0] =	vst v2;
	v2 =	vmul.f32 v59, v55  }
0x94: {  	v14 =	vld [tilespmem:s10+$0x13C40];
	[tilespmem:s10+$0x13BD0] =	vst v3;
	v3 =	vmul.f32 v60, v55  }
0x95: {  	v15 =	vld [tilespmem:s10+$0x13C50];
	[tilespmem:s10+$0x13BE0] =	vst v2;
	v2 =	vmul.f32 v61, v12  }
0x96: {  	v16 =	vld [tilespmem:s10+$0x13C60];
	[tilespmem:s10+$0x13BF0] =	vst v3;
	v3 =	vmul.f32 v62, v12  }
0x97: {  	v17 =	vld [tilespmem:s10+$0x13C70];
	[tilespmem:s10+$0x13C00] =	vst v2;
	v2 =	vmul.f32 v63, v12  }
0x98: {  	v18 =	vld [tilespmem:s10+$0x13C80];
	[tilespmem:s10+$0x13C10] =	vst v3;
	v3 =	vmul.f32 v13, v12  }
0x99: {  	v19 =	vld [tilespmem:s10+$0x13C90];
	[tilespmem:s10+$0x13C20] =	vst v2;
	v2 =	vmul.f32 v14, v12  }
0x9a: {  	v20 =	vld [tilespmem:s10+$0x13CA0];
	[tilespmem:s10+$0x13C30] =	vst v3;
	v3 =	vmul.f32 v15, v12  }
0x9b: {  	v22 =	vld [tilespmem:s10+$0x13CB0];
	v21 =	vbroadcast v1, $0x5;
	[tilespmem:s10+$0x13C40] =	vst v2;
	v2 =	vmul.f32 v16, v12  }
0x9c: {  	v23 =	vld [tilespmem:s10+$0x13CC0];
	[tilespmem:s10+$0x13C50] =	vst v3;
	v3 =	vmul.f32 v17, v12  }
0x9d: {  	v24 =	vld [tilespmem:s10+$0x13CD0];
	[tilespmem:s10+$0x13C60] =	vst v2;
	v2 =	vmul.f32 v18, v21  }
0x9e: {  	v25 =	vld [tilespmem:s10+$0x13CE0];
	[tilespmem:s10+$0x13C70] =	vst v3;
	v3 =	vmul.f32 v19, v21  }
0x9f: {  	v26 =	vld [tilespmem:s10+$0x13CF0];
	[tilespmem:s10+$0x13C80] =	vst v2;
	v2 =	vmul.f32 v20, v21  }
0xa0: {  	v27 =	vld [tilespmem:s10+$0x13D00];
	[tilespmem:s10+$0x13C90] =	vst v3;
	v3 =	vmul.f32 v22, v21  }
0xa1: {  	v28 =	vld [tilespmem:s10+$0x13D10];
	[tilespmem:s10+$0x13CA0] =	vst v2;
	v2 =	vmul.f32 v23, v21  }
0xa2: {  	v29 =	vld [tilespmem:s10+$0x13D20];
	[tilespmem:s10+$0x13CB0] =	vst v3;
	v3 =	vmul.f32 v24, v21  }
0xa3: {  	v31 =	vld [tilespmem:s10+$0x13D30];
	v30 =	vbroadcast v1, $0x6;
	[tilespmem:s10+$0x13CC0] =	vst v2;
	v2 =	vmul.f32 v25, v21  }
0xa4: {  	v32 =	vld [tilespmem:s10+$0x13D40];
	[tilespmem:s10+$0x13CD0] =	vst v3;
	v3 =	vmul.f32 v26, v21  }
0xa5: {  	v33 =	vld [tilespmem:s10+$0x13D50];
	[tilespmem:s10+$0x13CE0] =	vst v2;
	v2 =	vmul.f32 v27, v30  }
0xa6: {  	v34 =	vld [tilespmem:s10+$0x13D60];
	[tilespmem:s10+$0x13CF0] =	vst v3;
	v3 =	vmul.f32 v28, v30  }
0xa7: {  	v35 =	vld [tilespmem:s10+$0x13D70];
	[tilespmem:s10+$0x13D00] =	vst v2;
	v2 =	vmul.f32 v29, v30  }
0xa8: {  	v36 =	vld [tilespmem:s10+$0x13D80];
	[tilespmem:s10+$0x13D10] =	vst v3;
	v3 =	vmul.f32 v31, v30  }
0xa9: {  	v37 =	vld [tilespmem:s10+$0x13D90];
	[tilespmem:s10+$0x13D20] =	vst v2;
	v2 =	vmul.f32 v32, v30  }
0xaa: {  	v38 =	vld [tilespmem:s10+$0x13DA0];
	[tilespmem:s10+$0x13D30] =	vst v3;
	v3 =	vmul.f32 v33, v30  }
0xab: {  	v39 =	vbroadcast v1, $0x7;
	v40 =	vld [tilespmem:s10+$0x13DB0];
	[tilespmem:s10+$0x13D40] =	vst v2;
	v2 =	vmul.f32 v34, v30  }
0xac: {  	v41 =	vld [tilespmem:s10+$0x13DC0];
	[tilespmem:s10+$0x13D50] =	vst v3;
	v3 =	vmul.f32 v35, v30  }
0xad: {  	v42 =	vld [tilespmem:s10+$0x13DD0];
	[tilespmem:s10+$0x13D60] =	vst v2;
	v2 =	vmul.f32 v36, v39  }
0xae: {  	v43 =	vld [tilespmem:s10+$0x13DE0];
	[tilespmem:s10+$0x13D70] =	vst v3;
	v3 =	vmul.f32 v37, v39  }
0xaf: {  	v44 =	vld [tilespmem:s10+$0x13DF0];
	[tilespmem:s10+$0x13D80] =	vst v2;
	v2 =	vmul.f32 v38, v39  }
0xb0: {  	v45 =	vld [tilespmem:s10+$0x13E00];
	[tilespmem:s10+$0x13D90] =	vst v3;
	v3 =	vmul.f32 v40, v39  }
0xb1: {  	v46 =	vld [tilespmem:s10+$0x13E10];
	[tilespmem:s10+$0x13DA0] =	vst v2;
	v2 =	vmul.f32 v41, v39  }
0xb2: {  	v47 =	vld [tilespmem:s10+$0x13E20];
	[tilespmem:s10+$0x13DB0] =	vst v3;
	v3 =	vmul.f32 v42, v39  }
0xb3: {  	v48 =	vbroadcast v1, $0x8;
	v49 =	vld [tilespmem:s10+$0x13E30];
	[tilespmem:s10+$0x13DC0] =	vst v2;
	v2 =	vmul.f32 v43, v39  }
0xb4: {  	v50 =	vld [tilespmem:s10+$0x13E40];
	[tilespmem:s10+$0x13DD0] =	vst v3;
	v3 =	vmul.f32 v44, v39  }
0xb5: {  	v51 =	vld [tilespmem:s10+$0x13E50];
	[tilespmem:s10+$0x13DE0] =	vst v2;
	v2 =	vmul.f32 v45, v48  }
0xb6: {  	v52 =	vld [tilespmem:s10+$0x13E60];
	[tilespmem:s10+$0x13DF0] =	vst v3;
	v3 =	vmul.f32 v46, v48  }
0xb7: {  	v53 =	vld [tilespmem:s10+$0x13E70];
	[tilespmem:s10+$0x13E00] =	vst v2;
	v2 =	vmul.f32 v47, v48  }
0xb8: {  	v54 =	vld [tilespmem:s10+$0x13E80];
	[tilespmem:s10+$0x13E10] =	vst v3;
	v3 =	vmul.f32 v49, v48  }
0xb9: {  	v55 =	vld [tilespmem:s10+$0x13E90];
	[tilespmem:s10+$0x13E20] =	vst v2;
	v2 =	vmul.f32 v50, v48  }
0xba: {  	v56 =	vld [tilespmem:s10+$0x13EA0];
	[tilespmem:s10+$0x13E30] =	vst v3;
	v3 =	vmul.f32 v51, v48  }
0xbb: {  	v57 =	vbroadcast v1, $0x9;
	v58 =	vld [tilespmem:s10+$0x13EB0];
	[tilespmem:s10+$0x13E40] =	vst v2;
	v2 =	vmul.f32 v52, v48  }
0xbc: {  	v59 =	vld [tilespmem:s10+$0x13EC0];
	[tilespmem:s10+$0x13E50] =	vst v3;
	v3 =	vmul.f32 v53, v48  }
0xbd: {  	v60 =	vld [tilespmem:s10+$0x13ED0];
	[tilespmem:s10+$0x13E60] =	vst v2;
	v2 =	vmul.f32 v54, v57  }
0xbe: {  	v61 =	vld [tilespmem:s10+$0x13EE0];
	[tilespmem:s10+$0x13E70] =	vst v3;
	v3 =	vmul.f32 v55, v57  }
0xbf: {  	v62 =	vld [tilespmem:s10+$0x13EF0];
	[tilespmem:s10+$0x13E80] =	vst v2;
	v2 =	vmul.f32 v56, v57  }
0xc0: {  	v63 =	vld [tilespmem:s10+$0x13F00];
	[tilespmem:s10+$0x13E90] =	vst v3;
	v3 =	vmul.f32 v58, v57  }
0xc1: {  	v12 =	vld [tilespmem:s10+$0x13F10];
	[tilespmem:s10+$0x13EA0] =	vst v2;
	v2 =	vmul.f32 v59, v57  }
0xc2: {  	v13 =	vld [tilespmem:s10+$0x13F20];
	[tilespmem:s10+$0x13EB0] =	vst v3;
	v3 =	vmul.f32 v60, v57  }
0xc3: {  	v14 =	vbroadcast v1, $0xA;
	v15 =	vld [tilespmem:s10+$0x13F30];
	[tilespmem:s10+$0x13EC0] =	vst v2;
	v2 =	vmul.f32 v61, v57  }
0xc4: {  	v16 =	vld [tilespmem:s10+$0x13F40];
	[tilespmem:s10+$0x13ED0] =	vst v3;
	v3 =	vmul.f32 v62, v57  }
0xc5: {  	v17 =	vld [tilespmem:s10+$0x13F50];
	[tilespmem:s10+$0x13EE0] =	vst v2;
	v2 =	vmul.f32 v63, v14  }
0xc6: {  	v18 =	vld [tilespmem:s10+$0x13F60];
	[tilespmem:s10+$0x13EF0] =	vst v3;
	v3 =	vmul.f32 v12, v14  }
0xc7: {  	v19 =	vld [tilespmem:s10+$0x13F70];
	[tilespmem:s10+$0x13F00] =	vst v2;
	v2 =	vmul.f32 v13, v14  }
0xc8: {  	v20 =	vld [tilespmem:s10+$0x13F80];
	[tilespmem:s10+$0x13F10] =	vst v3;
	v3 =	vmul.f32 v15, v14  }
0xc9: {  	v21 =	vld [tilespmem:s10+$0x13F90];
	[tilespmem:s10+$0x13F20] =	vst v2;
	v2 =	vmul.f32 v16, v14  }
0xca: {  	v22 =	vld [tilespmem:s10+$0x13FA0];
	[tilespmem:s10+$0x13F30] =	vst v3;
	v3 =	vmul.f32 v17, v14  }
0xcb: {  	v23 =	vbroadcast v1, $0xB;
	v24 =	vld [tilespmem:s10+$0x13FB0];
	[tilespmem:s10+$0x13F40] =	vst v2;
	v2 =	vmul.f32 v18, v14  }
0xcc: {  	v25 =	vld [tilespmem:s10+$0x13FC0];
	[tilespmem:s10+$0x13F50] =	vst v3;
	v3 =	vmul.f32 v19, v14  }
0xcd: {  	v26 =	vld [tilespmem:s10+$0x13FD0];
	[tilespmem:s10+$0x13F60] =	vst v2;
	v2 =	vmul.f32 v20, v23  }
0xce: {  	v27 =	vld [tilespmem:s10+$0x13FE0];
	[tilespmem:s10+$0x13F70] =	vst v3;
	v3 =	vmul.f32 v21, v23  }
0xcf: {  	v28 =	vld [tilespmem:s10+$0x13FF0];
	[tilespmem:s10+$0x13F80] =	vst v2;
	v2 =	vmul.f32 v22, v23  }
0xd0: {  	v29 =	vld [tilespmem:s10+$0x14000];
	[tilespmem:s10+$0x13F90] =	vst v3;
	v3 =	vmul.f32 v24, v23  }
0xd1: {  	v30 =	vld [tilespmem:s10+$0x14010];
	[tilespmem:s10+$0x13FA0] =	vst v2;
	v2 =	vmul.f32 v25, v23  }
0xd2: {  	v31 =	vld [tilespmem:s10+$0x14020];
	[tilespmem:s10+$0x13FB0] =	vst v3;
	v3 =	vmul.f32 v26, v23  }
0xd3: {  	v32 =	vbroadcast v1, $0xC;
	v33 =	vld [tilespmem:s10+$0x14030];
	[tilespmem:s10+$0x13FC0] =	vst v2;
	v2 =	vmul.f32 v27, v23  }
0xd4: {  	v34 =	vld [tilespmem:s10+$0x14040];
	[tilespmem:s10+$0x13FD0] =	vst v3;
	v3 =	vmul.f32 v28, v23  }
0xd5: {  	v35 =	vld [tilespmem:s10+$0x14050];
	[tilespmem:s10+$0x13FE0] =	vst v2;
	v2 =	vmul.f32 v29, v32  }
0xd6: {  	v36 =	vld [tilespmem:s10+$0x14060];
	[tilespmem:s10+$0x13FF0] =	vst v3;
	v3 =	vmul.f32 v30, v32  }
0xd7: {  	v37 =	vld [tilespmem:s10+$0x14070];
	[tilespmem:s10+$0x14000] =	vst v2;
	v2 =	vmul.f32 v31, v32  }
0xd8: {  	v38 =	vld [tilespmem:s10+$0x14080];
	[tilespmem:s10+$0x14010] =	vst v3;
	v3 =	vmul.f32 v33, v32  }
0xd9: {  	v39 =	vld [tilespmem:s10+$0x14090];
	[tilespmem:s10+$0x14020] =	vst v2;
	v2 =	vmul.f32 v34, v32  }
0xda: {  	v40 =	vld [tilespmem:s10+$0x140A0];
	[tilespmem:s10+$0x14030] =	vst v3;
	v3 =	vmul.f32 v35, v32  }
0xdb: {  	v41 =	vbroadcast v1, $0xD;
	v42 =	vld [tilespmem:s10+$0x140B0];
	[tilespmem:s10+$0x14040] =	vst v2;
	v2 =	vmul.f32 v36, v32  }
0xdc: {  	v43 =	vld [tilespmem:s10+$0x140C0];
	[tilespmem:s10+$0x14050] =	vst v3;
	v3 =	vmul.f32 v37, v32  }
0xdd: {  	v44 =	vld [tilespmem:s10+$0x140D0];
	[tilespmem:s10+$0x14060] =	vst v2;
	v2 =	vmul.f32 v38, v41  }
0xde: {  	v45 =	vld [tilespmem:s10+$0x140E0];
	[tilespmem:s10+$0x14070] =	vst v3;
	v3 =	vmul.f32 v39, v41  }
0xdf: {  	v46 =	vld [tilespmem:s10+$0x140F0];
	[tilespmem:s10+$0x14080] =	vst v2;
	v2 =	vmul.f32 v40, v41  }
0xe0: {  	v47 =	vld [tilespmem:s10+$0x14100];
	[tilespmem:s10+$0x14090] =	vst v3;
	v3 =	vmul.f32 v42, v41  }
0xe1: {  	v48 =	vld [tilespmem:s10+$0x14110];
	[tilespmem:s10+$0x140A0] =	vst v2;
	v2 =	vmul.f32 v43, v41  }
0xe2: {  	v49 =	vld [tilespmem:s10+$0x14120];
	[tilespmem:s10+$0x140B0] =	vst v3;
	v3 =	vmul.f32 v44, v41  }
0xe3: {  	v50 =	vbroadcast v1, $0xE;
	v51 =	vld [tilespmem:s10+$0x14130];
	[tilespmem:s10+$0x140C0] =	vst v2;
	v2 =	vmul.f32 v45, v41  }
0xe4: {  	v52 =	vld [tilespmem:s10+$0x14140];
	[tilespmem:s10+$0x140D0] =	vst v3;
	v3 =	vmul.f32 v46, v41  }
0xe5: {  	v53 =	vld [tilespmem:s10+$0x14150];
	[tilespmem:s10+$0x140E0] =	vst v2;
	v2 =	vmul.f32 v47, v50  }
0xe6: {  	v54 =	vld [tilespmem:s10+$0x14160];
	[tilespmem:s10+$0x140F0] =	vst v3;
	v3 =	vmul.f32 v48, v50  }
0xe7: {  	v55 =	vld [tilespmem:s10+$0x14170];
	[tilespmem:s10+$0x14100] =	vst v2;
	v2 =	vmul.f32 v49, v50  }
0xe8: {  	v56 =	vld [tilespmem:s10+$0x14180];
	[tilespmem:s10+$0x14110] =	vst v3;
	v3 =	vmul.f32 v51, v50  }
0xe9: {  	v57 =	vld [tilespmem:s10+$0x14190];
	[tilespmem:s10+$0x14120] =	vst v2;
	v2 =	vmul.f32 v52, v50  }
0xea: {  	v58 =	vld [tilespmem:s10+$0x141A0];
	[tilespmem:s10+$0x14130] =	vst v3;
	v3 =	vmul.f32 v53, v50  }
0xeb: {  	v1 =	vbroadcast v1, $0xF;
	v59 =	vld [tilespmem:s10+$0x141B0];
	[tilespmem:s10+$0x14140] =	vst v2;
	v2 =	vmul.f32 v54, v50  }
0xec: {  	v60 =	vld [tilespmem:s10+$0x141C0];
	[tilespmem:s10+$0x14150] =	vst v3;
	v3 =	vmul.f32 v55, v50  }
0xed: {  	v61 =	vld [tilespmem:s10+$0x141D0];
	[tilespmem:s10+$0x14160] =	vst v2;
	v2 =	vmul.f32 v56, v1  }
0xee: {  	v62 =	vld [tilespmem:s10+$0x141E0];
	[tilespmem:s10+$0x14170] =	vst v3;
	v3 =	vmul.f32 v57, v1  }
0xef: {  	v63 =	vld [tilespmem:s10+$0x141F0];
	[tilespmem:s10+$0x14180] =	vst v2;
	v2 =	vmul.f32 v58, v1  }
0xf0: {  	[tilespmem:s10+$0x14190] =	vst v3;
	v3 =	vmul.f32 v59, v1  }
0xf1: {  	p1 =	sne.s32 s9, $0x4;
	[tilespmem:s10+$0x141A0] =	vst v2;
	v2 =	vmul.f32 v60, v1  }
.Ltmp1:
0xf2: {  	[tilespmem:s10+$0x141B0] =	vst v3;
	v3 =	vmul.f32 v61, v1;
	(pc) =	sbr.rel @p1 .LBB2_5-.Ltmp1, $4  }
0xf3: {  	[tilespmem:s10+$0x141C0] =	vst v2;
	v2 =	vmul.f32 v62, v1  }
0xf4: {  	[tilespmem:s10+$0x141D0] =	vst v3;
	v1 =	vmul.f32 v63, v1  }
0xf5: {  	[tilespmem:s10+$0x141E0] =	vst v2  }
0xf6: {  	s9 =	sadd.s32 $0x1, s9;
	[tilespmem:s10+$0x141F0] =	vst v1  }
0xf7: {  	s8 =	sadd.s32 $0x1, s8  }
0xf8: {  	p1 =	sne.s32 s8, $0x7D  }
.Ltmp2:
0xf9: {  	_ = 	snop;
	(pc) =	sbr.rel @p1 .LBB2_4-.Ltmp2, $4  }
0xfa: {  	[spmem:s2] =	stream.indirect.scatter.add.f32 [tilespmem:s28], [sflag:$0x2], $0x80, s31, s4, $0xb8;
	[tilespmem:$0x16200] =	vst v63  }
0xfb: {  	_ =	swait.ge [sflag:s29], $0x2800  }
0xfc: {  	[sflag:s29] =	ssyncset.done $0x0  }
0xfd: {  	[sflag:s29] =	ssyncadd.s32 $0xFFFFD800  }
0xfe: {  	s7 =	stileid.u32  }
0xff: {  	[bflag:$0x0] =	sbarrier.arrive $0xFFFF;
	s7 =	sshll.u32 s7, $0x6  }
0x100: {  	s8 =	sshrl.u32 s16, $0x3;
	s9 =	rddreg [dreg:$0x4];
	s7 =	sor.u32 $0x1C02, s7  }
0x101: {  	[hbm:s9], [sflag:s7] =	dma.local [spmem:s8], $0x500  }
0x102: {  	_ =	swait.ge [sflag:s29], $0x500  }
0x103: {  	[sflag:s29] =	ssyncset.done $0x0  }
0x104: {  	s10 =	sshrl.u32 s17, $0x3;
	s11 =	rddreg [dreg:$0x5];
	[sflag:s29] =	ssyncadd.s32 $0xFFFFFB00  }
0x105: {  	[hbm:s11], [sflag:s7] =	dma.local [spmem:s10], $0x500  }
0x106: {  	_ =	swait.ge [sflag:s29], $0x500  }
0x107: {  	[sflag:s29] =	ssyncset.done $0x0  }
0x108: {  	s10 =	sshrl.u32 s18, $0x3;
	s11 =	rddreg [dreg:$0x6];
	[sflag:s29] =	ssyncadd.s32 $0xFFFFFB00  }
0x109: {  	[hbm:s11], [sflag:s7] =	dma.local [spmem:s10], $0x500  }
0x10a: {  	_ =	swait.ge [sflag:s29], $0x500  }
0x10b: {  	[sflag:s29] =	ssyncset.done $0x0  }
0x10c: {  	s10 =	sshrl.u32 s19, $0x3;
	s11 =	rddreg [dreg:$0x7];
	[sflag:s29] =	ssyncadd.s32 $0xFFFFFB00  }
0x10d: {  	[hbm:s11], [sflag:s7] =	dma.local [spmem:s10], $0x500  }
0x10e: {  	_ =	swait.ge [sflag:s29], $0x500  }
0x10f: {  	[sflag:s29] =	ssyncset.done $0x0  }
0x110: {  	s10 =	sshrl.u32 s20, $0x3;
	s11 =	rddreg [dreg:$0x8];
	[sflag:s29] =	ssyncadd.s32 $0xFFFFFB00  }
0x111: {  	[hbm:s11], [sflag:s7] =	dma.local [spmem:s10], $0x500  }
0x112: {  	_ =	swait.ge [sflag:s29], $0x500  }
0x113: {  	[sflag:s29] =	ssyncset.done $0x0  }
0x114: {  	s9 =	sshrl.u32 s21, $0x3;
	s10 =	rddreg [dreg:$0x9];
	[sflag:s29] =	ssyncadd.s32 $0xFFFFFB00  }
0x115: {  	[hbm:s10], [sflag:s7] =	dma.local [spmem:s9], $0x500  }
0x116: {  	_ =	swait.ge [sflag:s29], $0x500  }
0x117: {  	[sflag:s29] =	ssyncset.done $0x0  }
0x118: {  	s11 =	sshrl.u32 s22, $0x3;
	[sflag:s29] =	ssyncadd.s32 $0xFFFFFB00  }
0x119: {  	[hbm:s12], [sflag:s7] =	dma.local [spmem:s11], $0x500  }
0x11a: {  	_ =	swait.ge [sflag:s29], $0x500  }
0x11b: {  	s3 =	sadd.s32 $0x1, s3;
	[sflag:s29] =	ssyncset.done $0x0  }
0x11c: {  	p1 =	sne.s32 s3, s25;
	s8 =	sshrl.u32 @!p0 s23, $0x3;
	[sflag:s29] =	ssyncadd.s32 $0xFFFFFB00  }
0x11d: {  	[hbm:s13], [sflag:s7] =	dma.local @!p0 [spmem:s8], $0x500  }
.Ltmp3:
0x11e: {  	_ = 	snop;
	(pc) =	sbr.rel @p1 .LBB2_1-.Ltmp3, $4  }
0x11f: {  	s7 =	simm.s32 @!p0 $0x2  }
0x120: {  	_ =	swait.ge @!p0 [sflag:s7], $0x500  }
0x121: {  	[sflag:s7] =	ssyncset.done @!p0 $0x0  }
0x122: {  	[sflag:s7] =	ssyncadd.s32 @!p0 $0xFFFFFB00  }
0x123: {  	_ =	sfence.sel $0x180000  }
0x124: {  	[bflag:$0x0] =	sbarrier.arrive $0xFFFF  }
0x125: {  	_ =	strace $0x9000004A  }
0x126: {  	s0 =	stileid.u32;
	[bflag:$0x2] =	sbarrier.arrive $0xFFFF  }
0x127: {  	p0 =	sne.s32 s0, $0x0;
	s0 =	rddreg [dreg:$0x3]  }
0x128: {  	s0 =	sadd.s32 @!p0 $0x100000, s0  }
0x129: {  	[sflag:s0] =	ssyncadd.tile.s32 @!p0 $0x1;
	_ =	shalt  }
.Lfunc_end2:
_tile_overlayer_lowered:
.L_overlay_start_2:
0x12a: {  	(tag) =	ssettag $0x2  }
0x12b: {  	s0 =	rddreg [dreg:$0x0];
	s2 =	stileid.u32  }
0x12c: {  	s1 =	rddreg [dreg:$0x1];
	p0 =	sne.s32 s2, $0x0  }
0x12d: {  	s3 =	rddreg [dreg:$0x2];
	[bflag:$0x3] =	sbarrier.arrive $0xFFFF;
	s2 =	simm.s32 @!p0 $0x1C02  }
0x12e: {  	[timem:s3], [sflag:s2] =	dma.local @!p0 [hbm:s0], s1  }
0x12f: {  	s0 =	simm.s32 @!p0 $0x2  }
0x130: {  	_ =	swait.ge @!p0 [sflag:s0], s1  }
0x131: {  	s1 =	ssub.s32 @!p0 $0x0, s1;
	[sflag:s0] =	ssyncset.done @!p0 $0x0  }
0x132: {  	[sflag:s0] =	ssyncadd.s32 @!p0 s1  }
0x133: {  	[bflag:$0x3] =	sbarrier.arrive $0xFFFF  }
0x134: {  	_ =	shalt  }

// kernel: kernel.8.cloned.1.call-start
scs
__scs_entry_jumppad:
0x0: {  	(pc) =	sbr.rel $0x88, $3  }
0x1: {  	(tag) =	ssettag $0x0;
	lr =	simm.s32 $0x1  }
0x2: {  	[smem:$0x3F96] =	sst lr;
	_ =	strace $0xD0000000  }
0x3: {  	_ = 	snop  }
0x4: {  	_ = 	snop  }
0x5: {  	_ = 	snop  }
0x6: {  	_ = 	snop  }
0x7: {  	_ = 	snop  }
__scs_overlays_trampoline_lowered:
0x8: {  	[smem:$0x3FA5] =	sst s0  }
0x9: {  	[smem:$0x3FA6] =	sst s1  }
0xa: {  	[smem:$0x3FA7] =	sst s2  }
0xb: {  	[smem:$0x3FA8] =	sst s3  }
0xc: {  	[smem:$0x3FA9] =	sst s4  }
0xd: {  	[smem:$0x3FAA] =	sst s5  }
0xe: {  	[smem:$0x3FAB] =	sst s6  }
0xf: {  	[smem:$0x3FAC] =	sst s7  }
0x10: {  	[smem:$0x3FAD] =	sst s8  }
0x11: {  	[smem:$0x3FAE] =	sst s9;
	s0 =	simm.s32 @!p0 $0x0  }
0x12: {  	s1 =	sld [smem:$0x3F94];
	s0 =	simm.s32 @p0 $0x1  }
0x13: {  	[smem:$0x3FAF] =	sst s0;
	s0 =	simm.s32 @!p1 $0x0  }
0x14: {  	s2 =	sld [smem:$0x3F93];
	s0 =	simm.s32 @p1 $0x1  }
0x15: {  	[smem:$0x3FB0] =	sst s0;
	s0 =	simm.s32 @!p2 $0x0  }
0x16: {  	s3 =	sld [smem:$0x3FDB];
	s0 =	simm.s32 @p2 $0x1  }
0x17: {  	s4 =	simm.s32 $0x1BF5;
	[smem:$0x3FB2] =	sst s0  }
0x18: {  	s0 =	sld [smem:$0x3F95];
	_ =	swait.ge [sflag:s4], $0x0  }
0x19: {  	s7 =	sld [smem:$0x3F96]  }
0x1a: {  	s8 =	sadd.s32 $0xFFFFE003, lr  }
0x1b: {  	s9 =	sadd.s32 $0xFFFFFEF7, lr;
	s5 =	simm.s32 $0xFFFFFFFF;
	p2 =	slt.u32 s8, $0xFFFFF086  }
0x1c: {  	p1 =	slt.u32 s9, $0xF7A;
	s5 =	simm.s32 @!p2 $0x0  }
0x1d: {  	s5 =	simm.s32 @p1 $0x1;
	p0 =	seq.s32 s7, s2  }
0x1e: {  	s7 =	smul.u32 @!p0 $0xF7A, s2;
	p2 =	seq.s32 @!p0 s5, $0x0  }
0x1f: {  	s9 =	smul.u32 $0xF7A, s1;
	s8 =	simm.s32 @!p0 $0x1BF5;
	p2 =	por !p2, p0  }
0x20: {  	[sflag:s8] =	ssyncset.s32 @!p0 $0xFFFFF086;
	s6 =	sadd.s32 @!p0 s3, s7;
	s7 =	simm.s32 @!p0 $0x108  }
0x21: {  	s3 =	sadd.s32 s3, s9;
	s6 =	sadd.s32 @!p0 $0x88, s6;
	s7 =	simm.s32 @p2 $0x1082  }
0x22: {  	[simem:s7], [sflag:s8] =	dma.local @!p0 [hbm:s6], $0xF7A  }
0x23: {  	s9 =	sor.u32 $0xD0000000, s2;
	s6 =	simm.s32 $0x108;
	_ =	swait.ge @!p0 [sflag:s8], $0x0  }
0x24: {  	s3 =	sadd.s32 $0x88, s3;
	s6 =	simm.s32 @!p1 $0x1082;
	[sflag:s4] =	ssyncset.s32 $0xFFFFF086  }
0x25: {  	[simem:s6], [sflag:s4] =	dma.local [hbm:s3], $0xF7A  }
0x26: {  	[smem:$0x3F96] =	sst s1;
	(tag) =	ssettag s2;
	_ =	strace s9  }
0x27: {  	s1 =	sld [smem:$0x3FA6]  }
0x28: {  	s2 =	sld [smem:$0x3FA7]  }
0x29: {  	s4 =	sld [smem:$0x3FA9]  }
0x2a: {  	p0 =	seq.s32 s5, $0x0;
	s5 =	sld [smem:$0x3FAA]  }
0x2b: {  	s6 =	sld [smem:$0x3FAB]  }
0x2c: {  	s7 =	sld [smem:$0x3FAC]  }
0x2d: {  	s3 =	simm.s32 $0x108;
	s8 =	sld [smem:$0x3FAD]  }
0x2e: {  	s3 =	simm.s32 @!p0 $0x1082;
	s9 =	sld [smem:$0x3FAE]  }
0x2f: {  	lr =	sadd.s32 s0, s3;
	s0 =	sld [smem:$0x3FA5]  }
0x30: {  	s3 =	sld [smem:$0x3FA8]  }
0x31: {  	[smem:$0x3FB1] =	sst s10  }
0x32: {  	s10 =	sld [smem:$0x3FAF];
	_ =	sdelay $0x3  }
0x33: {  	p0 =	seq.s32 s10, $0x1;
	s10 =	sld [smem:$0x3FB1];
	_ =	sdelay $0x3  }
0x34: {  	[smem:$0x3FB1] =	sst s10  }
0x35: {  	s10 =	sld [smem:$0x3FB0];
	_ =	sdelay $0x3  }
0x36: {  	p1 =	seq.s32 s10, $0x1;
	s10 =	sld [smem:$0x3FB1];
	_ =	sdelay $0x3  }
0x37: {  	[smem:$0x3FB1] =	sst s10  }
0x38: {  	s10 =	sld [smem:$0x3FB2]  }
0x39: {  	_ = 	snop;
	(pc) =	sbr.ind lr, $3  }
0x3a: {  	_ = 	snop  }
0x3b: {  	_ = 	snop  }
0x3c: {  	p2 =	seq.s32 s10, $0x1;
	s10 =	sld [smem:$0x3FB1]  }
0x3d: {  	_ =	shalt  }
0x3e: {  	_ =	shalt  }
0x3f: {  	_ =	shalt  }
0x40: {  	_ =	shalt  }
0x41: {  	_ =	shalt  }
0x42: {  	_ =	shalt  }
0x43: {  	_ =	shalt  }
0x44: {  	_ =	shalt  }
0x45: {  	_ =	shalt  }
0x46: {  	_ =	shalt  }
0x47: {  	_ =	shalt  }
0x48: {  	_ =	shalt  }
0x49: {  	_ =	shalt  }
0x4a: {  	_ =	shalt  }
0x4b: {  	_ =	shalt  }
0x4c: {  	_ =	shalt  }
0x4d: {  	_ =	shalt  }
0x4e: {  	_ =	shalt  }
0x4f: {  	_ =	shalt  }
0x50: {  	_ =	shalt  }
0x51: {  	_ =	shalt  }
0x52: {  	_ =	shalt  }
0x53: {  	_ =	shalt  }
0x54: {  	_ =	shalt  }
0x55: {  	_ =	shalt  }
0x56: {  	_ =	shalt  }
0x57: {  	_ =	shalt  }
0x58: {  	_ =	shalt  }
0x59: {  	_ =	shalt  }
0x5a: {  	_ =	shalt  }
0x5b: {  	_ =	shalt  }
0x5c: {  	_ =	shalt  }
0x5d: {  	_ =	shalt  }
0x5e: {  	_ =	shalt  }
0x5f: {  	_ =	shalt  }
0x60: {  	_ =	shalt  }
0x61: {  	_ =	shalt  }
0x62: {  	_ =	shalt  }
0x63: {  	_ =	shalt  }
0x64: {  	_ =	shalt  }
0x65: {  	_ =	shalt  }
0x66: {  	_ =	shalt  }
0x67: {  	_ =	shalt  }
0x68: {  	_ =	shalt  }
0x69: {  	_ =	shalt  }
0x6a: {  	_ =	shalt  }
0x6b: {  	_ =	shalt  }
0x6c: {  	_ =	shalt  }
0x6d: {  	_ =	shalt  }
0x6e: {  	_ =	shalt  }
0x6f: {  	_ =	shalt  }
0x70: {  	_ =	shalt  }
0x71: {  	_ =	shalt  }
0x72: {  	_ =	shalt  }
0x73: {  	_ =	shalt  }
0x74: {  	_ =	shalt  }
0x75: {  	_ =	shalt  }
0x76: {  	_ =	shalt  }
0x77: {  	_ =	shalt  }
0x78: {  	_ =	shalt  }
0x79: {  	_ =	shalt  }
0x7a: {  	_ =	shalt  }
0x7b: {  	_ =	shalt  }
0x7c: {  	_ =	shalt  }
0x7d: {  	_ =	shalt  }
0x7e: {  	_ =	shalt  }
0x7f: {  	_ =	shalt  }
0x80: {  	_ =	shalt  }
0x81: {  	_ =	shalt  }
0x82: {  	_ =	shalt  }
0x83: {  	_ =	shalt  }
0x84: {  	_ =	shalt  }
0x85: {  	_ =	shalt  }
0x86: {  	_ =	shalt  }
0x87: {  	_ =	shalt  }
.Lfunc_end0:
.L_simem_size_0:
called_computation_lowered:
.L_overlay_start_0:
0x88: {  	s2 =	sld [smem:$0x3FD9]  }
0x89: {  	s3 =	sld [smem:$0x3FFE];
	_ =	sdelay $0x1  }
0x8a: {  	s1 =	srdreg.scid  }
0x8b: {  	s0 =	sand.u32 $0x1, s1  }
0x8c: {  	s17 =	sshll.u32 s0, $0xA;
	s2 =	sadd.s32 s3, s2  }
0x8d: {  	s2 =	sadd.s32 s2, s17  }
0x8e: {  	[smem:$0x3FBD] =	sst s2  }
0x8f: {  	_ = 	snop  }
0x90: {  	s2 =	sld [smem:$0x3FC9]  }
0x91: {  	s18 =	sld [smem:$0x3FD0];
	(tm) =	ssettm $0x1  }
0x92: {  	s4 =	sld [smem:$0x3FFB];
	_ =	sdelay $0x3  }
0x93: {  	_ =	strace s4  }
0x94: {  	s4 =	sld [smem:$0x3FFC];
	_ =	sdelay $0x3  }
0x95: {  	_ =	strace s4  }
0x96: {  	s4 =	sld [smem:$0x3FFD];
	_ =	sdelay $0x3  }
0x97: {  	_ =	strace s4  }
0x98: {  	_ =	strace $0x8FFFFFFF  }
0x99: {  	s19 =	sld [smem:$0x3FDB];
	_ =	sdelay $0x1  }
0x9a: {  	s5 =	simm.s32 $_scs_section_size  }
0x9b: {  	s6 =	simm.s32 $_size__tile_overlayer_lowered;
	s7 =	simm.s32 $_tile_overlayer_lowered  }
0x9c: {  	s22 =	simm.s32 $0x1BFF;
	s21 =	sshll.u32 s7, $0x1;
	s4 =	sadd.s32 s5, s19  }
0x9d: {  	s8 =	simm.s32 $0x0;
	s20 =	sshll.u32 s6, $0x1;
	s6 =	sadd.s32 s21, s4  }
0x9e: {  	[timem:s8], [sflag:s22] =	dma.local [hbm:s6], s20  }
0x9f: {  	_ =	swait.ge [sflag:s22], s20  }
0xa0: {  	s5 =	ssub.s32 $0x0, s20;
	[sflag:s22] =	ssyncset.done $0x0  }
0xa1: {  	[sflag:s22] =	ssyncadd.s32 s5;
	_ =	sdelay $0x1  }
0xa2: {  	s23 =	simm.s32 $0x1B8B  }
0xa3: {  	_ =	swait.ge [sflag:s23], $0x1  }
0xa4: {  	[sflag:s23] =	ssyncset.done $0x0  }
0xa5: {  	s25 =	simm.s32 $0x1B8E;
	s24 =	sld [smem:$0x3FFE];
	[sflag:s23] =	ssyncadd.s32 $0xFFFFFFFF  }
0xa6: {  	s26 =	simm.s32 $execute0_lowered;
	[smem:$0x3FD2] =	sst s25  }
0xa7: {  	s6 =	sshll.u32 s26, $0x1;
	_ =	strace $0x80000046;
	[dreg:$0x1] =	wrdreg $0xFFFFFFFF  }
0xa8: {  	s28 =	simm.s32 $_size_execute0_lowered;
	s4 =	sadd.s32 s4, s6;
	[dreg:$0x0] =	wrdreg $0x0  }
0xa9: {  	s6 =	sshll.u32 s28, $0x1;
	[dreg:$0x2] =	wrdreg s4  }
0xaa: {  	[dreg:$0x3] =	wrdreg s6  }
0xab: {  	[dreg:$0x4] =	wrdreg $0xC0  }
0xac: {  	_ =	task [dreg:s8], $0x5FFFF  }
0xad: {  	[dreg:$0x1] =	wrdreg $0xFFFFFFFF  }
0xae: {  	[dreg:$0x0] =	wrdreg $0x60  }
0xaf: {  	[dreg:$0x2] =	wrdreg s2  }
0xb0: {  	[dreg:$0x3] =	wrdreg s24  }
0xb1: {  	[dreg:$0x4] =	wrdreg s18  }
0xb2: {  	[dreg:$0x5] =	wrdreg $0x0  }
0xb3: {  	[dreg:$0x6] =	wrdreg $0x9  }
0xb4: {  	_ =	task.clear_ibuf [dreg:s8], $0x7FFFF;
	_ =	strace $0x90000046  }
0xb5: {  	s29 =	simm.s32 $0x9;
	_ =	strace $0x80000048  }
0xb6: {  	_ =	swait.ge [sflag:s29], $0x1  }
0xb7: {  	[sflag:s29] =	ssyncadd.s32 $0xFFFFFFFF  }
0xb8: {  	_ =	strace $0x90000048  }
0xb9: {  	_ =	sfence  }
0xba: {  	s30 =	sld [smem:$0x0];
	_ =	sdelay $0x2  }
0xbb: {  	s31 =	sshll.u32 s1, $0xD;
	s1 =	sshrl.u32 s1, $0x2  }
0xbc: {  	s3 =	sand.u32 $0x4000, s31;
	s1 =	sadd.s32 s1, s30  }
0xbd: {  	s0 =	sor.u32 s3, s0;
	s1 =	sshll.u32 s1, $0x11  }
0xbe: {  	s0 =	sor.u32 s1, s0  }
0xbf: {  	s0 =	sadd.s32 $0x8F2B, s0  }
0xc0: {  	[sflag:s0] =	ssyncadd.remote.s32 $0x1  }
0xc1: {  	_ =	sfence.sel $0xFFFF  }
0xc2: {  	[dreg:$0x0] =	wrdreg $0xFFFFFFFF;
	(pc) =	sbr.abs _section_cstart, $3  }
0xc3: {  	[dreg:$0x1] =	wrdreg $0xFFFFFFFF  }
0xc4: {  	_ =	task.clear_ibuf [dreg:s8], $0x2FFFF;
	_ =	strace $0x9FFFFFFF  }
0xc5: {  	(tm) =	ssettm $0x7FFFFFFF  }
tec
execute0_lowered:
.L_overlay_start_1:
0x0: {  	(tag) =	ssettag $0x1  }
0x1: {  	s1 =	rddreg [dreg:$0x0]  }
0x2: {  	s3 =	rddreg [dreg:$0x1]  }
0x3: {  	s0 =	srdreg.scid;
	s26 =	stileid.u32  }
0x4: {  	s6 =	rddreg [dreg:$0x2];
	s0 =	sand.u32 $0x1, s0;
	s9 =	smul.u32 $0x50, s26  }
0x5: {  	s2 =	rddreg [dreg:$0x3];
	s8 =	sor.u32 $0x10, s26;
	s7 =	smul.u32 $0x2710, s0  }
0x6: {  	s4 =	simm.s32 $0x0;
	s10 =	sor.u32 $0x20, s26;
	s11 =	smul.u32 $0x50, s8  }
0x7: {  	s28 =	simm.s32 $0x13A00;
	s16 =	sor.u32 $0x30, s26;
	s13 =	smul.u32 $0x50, s10  }
0x8: {  	s29 =	simm.s32 $0x2;
	s17 =	sor.u32 $0x40, s26;
	s15 =	smul.u32 $0x50, s16  }
0x9: {  	s30 =	simm.s32 $0x13880;
	s18 =	sor.u32 $0x50, s26;
	s23 =	smul.u32 $0x50, s17  }
0xa: {  	s31 =	simm.s32 $0x13900;
	s19 =	sor.u32 $0x60, s26;
	s24 =	smul.u32 $0x50, s18  }
0xb: {  	s20 =	sor.u32 $0x70, s26;
	s12 =	ssub.s32 $0x2, s0;
	s21 =	smul.u32 $0x50, s19  }
0xc: {  	[smem:$0x7FF] =	sst s4;
	s22 =	smul.u32 $0x50, s20;
	s14 =	sshrl.u32 s12, $0x1  }
0xd: {  	s5 =	sadd.s32 $0x10E00, s3;
	s8 =	smul.u32 $0xA000, s8;
	s25 =	ssub.s32 s12, s14  }
0xe: {  	s9 =	sadd.s32 s9, s7;
	s11 =	sadd.s32 s7, s11;
	s13 =	sadd.s32 s7, s13  }
0xf: {  	s15 =	sadd.s32 s7, s15;
	s12 =	sadd.s32 s7, s23;
	s14 =	sadd.s32 s7, s24  }
0x10: {  	s21 =	sadd.s32 s7, s21;
	s7 =	sadd.s32 s7, s22;
	s22 =	smul.u32 $0xA000, s26  }
0x11: {  	p0 =	sgt.u32 s26, $0xC;
	_ =	strace $0x80000047;
	s26 =	smul.u32 $0x2710, s26  }
0x12: {  	s9 =	sshll.u32 s9, $0x4;
	s11 =	sshll.u32 s11, $0x4;
	s23 =	sshll.u32 s13, $0x4  }
0x13: {  	s24 =	sshll.u32 s15, $0x4;
	s15 =	sshll.u32 s12, $0x4;
	s7 =	sshll.u32 s7, $0x4  }
0x14: {  	s25 =	smax.u32 s25, $0x1;
	s9 =	sadd.s32 s6, s9;
	s13 =	sadd.s32 s6, s24  }
0x15: {  	s24 =	sshll.u32 s21, $0x4;
	s21 =	sshrl.u32 s8, $0x2;
	[dreg:$0x5] =	wrdreg s9  }
0x16: {  	s9 =	sadd.s32 s6, s11;
	[dreg:$0x8] =	wrdreg s13;
	s11 =	smul.u32 $0xA000, s16  }
0x17: {  	s12 =	sadd.s32 s6, s24;
	s13 =	sadd.s32 s6, s7;
	s24 =	smul.u32 $0xA000, s18  }
0x18: {  	[dreg:$0x6] =	wrdreg s9;
	s9 =	sadd.s32 s6, s23;
	s23 =	sshll.u32 s14, $0x4  }
0x19: {  	s14 =	sadd.s32 $0xBE00, s3;
	[dreg:$0x7] =	wrdreg s9;
	s9 =	sadd.s32 s6, s15  }
0x1a: {  	s15 =	sadd.s32 $0x2000, s3;
	s7 =	sshrl.u32 s11, $0x2;
	s11 =	smul.u32 $0xA000, s20  }
0x1b: {  	s3 =	simm.s32 $0x50;
	[dreg:$0x9] =	wrdreg s9;
	s9 =	sadd.s32 s6, s23  }
0x1c: {  	s6 =	simm.s32 $0x1;
	[dreg:$0xa] =	wrdreg s9;
	s9 =	smul.u32 $0xA000, s10  }
0x1d: {  	s10 =	sshrl.u32 s22, $0x2;
	s22 =	smul.u32 $0xA000, s17;
	s17 =	sadd.s32 s21, s2  }
0x1e: {  	s16 =	sadd.s32 s10, s2;
	s23 =	sshrl.u32 s9, $0x2;
	s9 =	smul.u32 $0xA000, s19  }
0x1f: {  	s19 =	sadd.s32 s7, s2;
	s10 =	sshrl.u32 s22, $0x2;
	s22 =	sshrl.u32 s24, $0x2  }
0x20: {  	s24 =	sshrl.u32 s11, $0x2;
	s18 =	sadd.s32 s23, s2;
	s23 =	sshrl.u32 s9, $0x2  }
0x21: {  	s20 =	sadd.s32 s10, s2;
	s21 =	sadd.s32 s22, s2;
	s22 =	sadd.s32 s23, s2  }
0x22: {  	v0 =	vimm.f32 $0.0e+00;
	s23 =	sadd.s32 s24, s2;
	s24 =	smul.u32 $0x27100, s0;
	s0 =	simm.s32 $0x13980  }
.LBB2_1:
0x23: {  	s7 =	simm.s32 $0x0;
	s8 =	simm.s32 $0x200  }
.LBB2_2:
0x24: {  	p1 =	sne.s32 s8, $0x9E00;
	[tilespmem:s7+$0x13A70] =	vst v0  }
0x25: {  	[tilespmem:s7+$0x13A00] =	vst v0  }
0x26: {  	[tilespmem:s7+$0x13A10] =	vst v0  }
.Ltmp0:
0x27: {  	[tilespmem:s7+$0x13A20] =	vst v0;
	(pc) =	sbr.rel @p1 .LBB2_2-.Ltmp0, $4  }
0x28: {  	[tilespmem:s7+$0x13A30] =	vst v0  }
0x29: {  	[tilespmem:s7+$0x13A40] =	vst v0  }
0x2a: {  	[tilespmem:s7+$0x13A50] =	vst v0  }
0x2b: {  	[tilespmem:s7+$0x13A60] =	vst v0;
	s7 =	sshra.s32 s8, $0x2;
	s8 =	sadd.s32 $0x200, s8  }
0x2c: {  	[tilespmem:s7+$0x13A70] =	vst v0  }
0x2d: {  	[tilespmem:s7+$0x13A00] =	vst v0  }
0x2e: {  	[tilespmem:s7+$0x13A10] =	vst v0  }
0x2f: {  	[tilespmem:s7+$0x13A20] =	vst v0  }
0x30: {  	[tilespmem:s7+$0x13A30] =	vst v0  }
0x31: {  	[tilespmem:s7+$0x13A40] =	vst v0  }
0x32: {  	[tilespmem:s7+$0x13A50] =	vst v0  }
0x33: {  	[tilespmem:s7+$0x13A60] =	vst v0  }
0x34: {  	[spmem:s16] =	stream.linear.scatter [tilespmem:s28], [sflag:$0x2], $0x2800, $0x38;
	[tilespmem:$0x16200] =	vst v63  }
0x35: {  	_ =	swait.ge [sflag:s29], $0x2800  }
0x36: {  	[sflag:s29] =	ssyncset.done $0x0  }
0x37: {  	[sflag:s29] =	ssyncadd.s32 $0xFFFFD800  }
0x38: {  	[spmem:s17] =	stream.linear.scatter [tilespmem:s28], [sflag:$0x2], $0x2800, $0x38;
	[tilespmem:$0x16200] =	vst v63  }
0x39: {  	_ =	swait.ge [sflag:s29], $0x2800  }
0x3a: {  	[sflag:s29] =	ssyncset.done $0x0  }
0x3b: {  	[sflag:s29] =	ssyncadd.s32 $0xFFFFD800  }
0x3c: {  	[spmem:s18] =	stream.linear.scatter [tilespmem:s28], [sflag:$0x2], $0x2800, $0x38;
	[tilespmem:$0x16200] =	vst v63  }
0x3d: {  	_ =	swait.ge [sflag:s29], $0x2800  }
0x3e: {  	[sflag:s29] =	ssyncset.done $0x0  }
0x3f: {  	[sflag:s29] =	ssyncadd.s32 $0xFFFFD800  }
0x40: {  	[spmem:s19] =	stream.linear.scatter [tilespmem:s28], [sflag:$0x2], $0x2800, $0x38;
	[tilespmem:$0x16200] =	vst v63  }
0x41: {  	_ =	swait.ge [sflag:s29], $0x2800  }
0x42: {  	[sflag:s29] =	ssyncset.done $0x0  }
0x43: {  	[sflag:s29] =	ssyncadd.s32 $0xFFFFD800  }
0x44: {  	[spmem:s20] =	stream.linear.scatter [tilespmem:s28], [sflag:$0x2], $0x2800, $0x38;
	[tilespmem:$0x16200] =	vst v63  }
0x45: {  	_ =	swait.ge [sflag:s29], $0x2800  }
0x46: {  	[sflag:s29] =	ssyncset.done $0x0  }
0x47: {  	[sflag:s29] =	ssyncadd.s32 $0xFFFFD800  }
0x48: {  	[spmem:s21] =	stream.linear.scatter [tilespmem:s28], [sflag:$0x2], $0x2800, $0x38;
	[tilespmem:$0x16200] =	vst v63  }
0x49: {  	_ =	swait.ge [sflag:s29], $0x2800  }
0x4a: {  	[sflag:s29] =	ssyncset.done $0x0  }
0x4b: {  	[sflag:s29] =	ssyncadd.s32 $0xFFFFD800  }
0x4c: {  	[spmem:s22] =	stream.linear.scatter [tilespmem:s28], [sflag:$0x2], $0x2800, $0x38;
	[tilespmem:$0x16200] =	vst v63  }
0x4d: {  	_ =	swait.ge [sflag:s29], $0x2800  }
0x4e: {  	[sflag:s29] =	ssyncset.done $0x0  }
0x4f: {  	s7 =	simm.s32 @!p0 $0x13A00;
	[sflag:s29] =	ssyncadd.s32 $0xFFFFD800  }
0x50: {  	[spmem:s23] =	stream.linear.scatter @!p0 [tilespmem:s7], [sflag:$0x2], $0x2800, $0x38;
	[tilespmem:$0x16200] =	vst v63  }
0x51: {  	s7 =	simm.s32 @!p0 $0x2  }
0x52: {  	_ =	swait.ge @!p0 [sflag:s7], $0x2800  }
0x53: {  	[sflag:s7] =	ssyncset.done @!p0 $0x0  }
0x54: {  	[sflag:s7] =	ssyncadd.s32 @!p0 $0xFFFFD800  }
0x55: {  	s8 =	simm.s32 $0x0;
	s7 =	simm.s32 $0x0;
	[bflag:$0x0] =	sbarrier.arrive $0xFFFF  }
.LBB2_4:
0x56: {  	s9 =	smul.u32 $0x50, s8;
	_ =	sdelay $0x1  }
0x57: {  	s9 =	sadd.s32 s26, s9  }
0x58: {  	s10 =	sadd.s32 s24, s9  }
0x59: {  	s10 =	sshrl.u32 s10, $0x3  }
0x5a: {  	s11 =	sadd.s32 s5, s10  }
0x5b: {  	[tilespmem:s30], [sflag:$0x2] =	stream.linear.gather [hbm4b:s11+s7], $0x50, $0x38;
	[tilespmem:$0x16200] =	vst v63  }
0x5c: {  	_ =	swait.ge [sflag:s29], $0x50  }
0x5d: {  	s9 =	sshrl.u32 s9, $0x3;
	[sflag:s29] =	ssyncset.done $0x0  }
0x5e: {  	s9 =	sadd.s32 s14, s9;
	[sflag:s29] =	ssyncadd.s32 $0xFFFFFFB0  }
0x5f: {  	[tilespmem:s31], [sflag:$0x2] =	stream.linear.gather [hbm4b:s9+s7], $0x50, $0x38;
	[tilespmem:$0x16200] =	vst v63  }
0x60: {  	_ =	swait.ge [sflag:s29], $0x50  }
0x61: {  	[sflag:s29] =	ssyncset.done $0x0  }
0x62: {  	s11 =	sadd.s32 s15, s10;
	[sflag:s29] =	ssyncadd.s32 $0xFFFFFFB0  }
0x63: {  	[tilespmem:s0], [sflag:$0x2] =	stream.linear.gather [hbm4b:s11+s7], $0x50, $0x38;
	[tilespmem:$0x16200] =	vst v63  }
0x64: {  	_ =	swait.ge [sflag:s29], $0x50  }
0x65: {  	[sflag:s29] =	ssyncset.done $0x0  }
0x66: {  	[sflag:s29] =	ssyncadd.s32 $0xFFFFFFB0  }
0x67: {  	[tilespmem:s28], [sflag:$0x1] =	stream.indirect.gather [hbm4b:s1+s3], $0x80, s30, s3, $0xb8;
	[tilespmem:$0x16200] =	vst v63  }
0x68: {  	_ =	swait.ge [sflag:s6], $0x2800  }
0x69: {  	[sflag:s6] =	ssyncset.done $0x0  }
0x6a: {  	s9 =	simm.s32 $0x0;
	[sflag:s6] =	ssyncadd.s32 $0xFFFFD800  }
.LBB2_5:
0x6b: {  	s10 =	sshll.u32 s9, $0x4  }
0x6c: {  	s10 =	sand.u32 $0x3FFFFFF0, s10  }
0x6d: {  	v1 =	vld [tilespmem:s10+$0x13980];
	_ =	sdelay $0x1  }
0x6e: {  	s11 =	sshll.u32 s9, $0xB  }
0x6f: {  	s10 =	sand.u32 $0x3FFFF800, s11  }
0x70: {  	v2 =	vld [tilespmem:s10+$0x13A00]  }
0x71: {  	v3 =	vld [tilespmem:s10+$0x13A10];
	v1 =	vadd.f32 $0.0e+00, v1  }
0x72: {  	v4 =	vld [tilespmem:s10+$0x13A20]  }
0x73: {  	v6 =	vld [tilespmem:s10+$0x13A30];
	v5 =	vbroadcast v1, $0x0  }
0x74: {  	v7 =	vld [tilespmem:s10+$0x13A40]  }
0x75: {  	v8 =	vld [tilespmem:s10+$0x13A50];
	v2 =	vmul.f32 v5, v2  }
0x76: {  	v9 =	vld [tilespmem:s10+$0x13A60];
	v3 =	vmul.f32 v3, v5  }
0x77: {  	v34 =	vld [tilespmem:s10+$0x13A70];
	[tilespmem:s10+$0x13A00] =	vst v2;
	v2 =	vmul.f32 v4, v5  }
0x78: {  	v35 =	vld [tilespmem:s10+$0x13A80];
	[tilespmem:s10+$0x13A10] =	vst v3;
	v3 =	vmul.f32 v6, v5  }
0x79: {  	v36 =	vld [tilespmem:s10+$0x13A90];
	[tilespmem:s10+$0x13A20] =	vst v2;
	v2 =	vmul.f32 v7, v5  }
0x7a: {  	v37 =	vld [tilespmem:s10+$0x13AA0];
	[tilespmem:s10+$0x13A30] =	vst v3;
	v3 =	vmul.f32 v8, v5  }
0x7b: {  	v10 =	vld [tilespmem:s10+$0x13AB0];
	v38 =	vbroadcast v1, $0x1;
	[tilespmem:s10+$0x13A40] =	vst v2;
	v2 =	vmul.f32 v9, v5  }
0x7c: {  	v39 =	vld [tilespmem:s10+$0x13AC0];
	[tilespmem:s10+$0x13A50] =	vst v3;
	v3 =	vmul.f32 v34, v5  }
0x7d: {  	v40 =	vld [tilespmem:s10+$0x13AD0];
	[tilespmem:s10+$0x13A60] =	vst v2;
	v2 =	vmul.f32 v35, v38  }
0x7e: {  	v41 =	vld [tilespmem:s10+$0x13AE0];
	[tilespmem:s10+$0x13A70] =	vst v3;
	v3 =	vmul.f32 v36, v38  }
0x7f: {  	v42 =	vld [tilespmem:s10+$0x13AF0];
	[tilespmem:s10+$0x13A80] =	vst v2;
	v2 =	vmul.f32 v37, v38  }
0x80: {  	v43 =	vld [tilespmem:s10+$0x13B00];
	[tilespmem:s10+$0x13A90] =	vst v3;
	v3 =	vmul.f32 v10, v38  }
0x81: {  	v44 =	vld [tilespmem:s10+$0x13B10];
	[tilespmem:s10+$0x13AA0] =	vst v2;
	v2 =	vmul.f32 v39, v38  }
0x82: {  	v45 =	vld [tilespmem:s10+$0x13B20];
	[tilespmem:s10+$0x13AB0] =	vst v3;
	v3 =	vmul.f32 v40, v38  }
0x83: {  	v47 =	vld [tilespmem:s10+$0x13B30];
	v46 =	vbroadcast v1, $0x2;
	[tilespmem:s10+$0x13AC0] =	vst v2;
	v2 =	vmul.f32 v41, v38  }
0x84: {  	v48 =	vld [tilespmem:s10+$0x13B40];
	[tilespmem:s10+$0x13AD0] =	vst v3;
	v3 =	vmul.f32 v42, v38  }
0x85: {  	v49 =	vld [tilespmem:s10+$0x13B50];
	[tilespmem:s10+$0x13AE0] =	vst v2;
	v2 =	vmul.f32 v43, v46  }
0x86: {  	v50 =	vld [tilespmem:s10+$0x13B60];
	[tilespmem:s10+$0x13AF0] =	vst v3;
	v3 =	vmul.f32 v44, v46  }
0x87: {  	v51 =	vld [tilespmem:s10+$0x13B70];
	[tilespmem:s10+$0x13B00] =	vst v2;
	v2 =	vmul.f32 v45, v46  }
0x88: {  	v52 =	vld [tilespmem:s10+$0x13B80];
	[tilespmem:s10+$0x13B10] =	vst v3;
	v3 =	vmul.f32 v47, v46  }
0x89: {  	v53 =	vld [tilespmem:s10+$0x13B90];
	[tilespmem:s10+$0x13B20] =	vst v2;
	v2 =	vmul.f32 v48, v46  }
0x8a: {  	v54 =	vld [tilespmem:s10+$0x13BA0];
	[tilespmem:s10+$0x13B30] =	vst v3;
	v3 =	vmul.f32 v49, v46  }
0x8b: {  	v56 =	vld [tilespmem:s10+$0x13BB0];
	v55 =	vbroadcast v1, $0x3;
	[tilespmem:s10+$0x13B40] =	vst v2;
	v2 =	vmul.f32 v50, v46  }
0x8c: {  	v57 =	vld [tilespmem:s10+$0x13BC0];
	[tilespmem:s10+$0x13B50] =	vst v3;
	v3 =	vmul.f32 v51, v46  }
0x8d: {  	v58 =	vld [tilespmem:s10+$0x13BD0];
	[tilespmem:s10+$0x13B60] =	vst v2;
	v2 =	vmul.f32 v52, v55  }
0x8e: {  	v59 =	vld [tilespmem:s10+$0x13BE0];
	[tilespmem:s10+$0x13B70] =	vst v3;
	v3 =	vmul.f32 v53, v55  }
0x8f: {  	v60 =	vld [tilespmem:s10+$0x13BF0];
	[tilespmem:s10+$0x13B80] =	vst v2;
	v2 =	vmul.f32 v54, v55  }
0x90: {  	v61 =	vld [tilespmem:s10+$0x13C00];
	[tilespmem:s10+$0x13B90] =	vst v3;
	v3 =	vmul.f32 v56, v55  }
0x91: {  	v62 =	vld [tilespmem:s10+$0x13C10];
	[tilespmem:s10+$0x13BA0] =	vst v2;
	v2 =	vmul.f32 v57, v55  }
0x92: {  	v63 =	vld [tilespmem:s10+$0x13C20];
	[tilespmem:s10+$0x13BB0] =	vst v3;
	v3 =	vmul.f32 v58, v55  }
0x93: {  	v13 =	vld [tilespmem:s10+$0x13C30];
	v12 =	vbroadcast v1, $0x4;
	[tilespmem:s10+$0x13BC0] =	vst v2;
	v2 =	vmul.f32 v59, v55  }
0x94: {  	v14 =	vld [tilespmem:s10+$0x13C40];
	[tilespmem:s10+$0x13BD0] =	vst v3;
	v3 =	vmul.f32 v60, v55  }
0x95: {  	v15 =	vld [tilespmem:s10+$0x13C50];
	[tilespmem:s10+$0x13BE0] =	vst v2;
	v2 =	vmul.f32 v61, v12  }
0x96: {  	v16 =	vld [tilespmem:s10+$0x13C60];
	[tilespmem:s10+$0x13BF0] =	vst v3;
	v3 =	vmul.f32 v62, v12  }
0x97: {  	v17 =	vld [tilespmem:s10+$0x13C70];
	[tilespmem:s10+$0x13C00] =	vst v2;
	v2 =	vmul.f32 v63, v12  }
0x98: {  	v18 =	vld [tilespmem:s10+$0x13C80];
	[tilespmem:s10+$0x13C10] =	vst v3;
	v3 =	vmul.f32 v13, v12  }
0x99: {  	v19 =	vld [tilespmem:s10+$0x13C90];
	[tilespmem:s10+$0x13C20] =	vst v2;
	v2 =	vmul.f32 v14, v12  }
0x9a: {  	v20 =	vld [tilespmem:s10+$0x13CA0];
	[tilespmem:s10+$0x13C30] =	vst v3;
	v3 =	vmul.f32 v15, v12  }
0x9b: {  	v22 =	vld [tilespmem:s10+$0x13CB0];
	v21 =	vbroadcast v1, $0x5;
	[tilespmem:s10+$0x13C40] =	vst v2;
	v2 =	vmul.f32 v16, v12  }
0x9c: {  	v23 =	vld [tilespmem:s10+$0x13CC0];
	[tilespmem:s10+$0x13C50] =	vst v3;
	v3 =	vmul.f32 v17, v12  }
0x9d: {  	v24 =	vld [tilespmem:s10+$0x13CD0];
	[tilespmem:s10+$0x13C60] =	vst v2;
	v2 =	vmul.f32 v18, v21  }
0x9e: {  	v25 =	vld [tilespmem:s10+$0x13CE0];
	[tilespmem:s10+$0x13C70] =	vst v3;
	v3 =	vmul.f32 v19, v21  }
0x9f: {  	v26 =	vld [tilespmem:s10+$0x13CF0];
	[tilespmem:s10+$0x13C80] =	vst v2;
	v2 =	vmul.f32 v20, v21  }
0xa0: {  	v27 =	vld [tilespmem:s10+$0x13D00];
	[tilespmem:s10+$0x13C90] =	vst v3;
	v3 =	vmul.f32 v22, v21  }
0xa1: {  	v28 =	vld [tilespmem:s10+$0x13D10];
	[tilespmem:s10+$0x13CA0] =	vst v2;
	v2 =	vmul.f32 v23, v21  }
0xa2: {  	v29 =	vld [tilespmem:s10+$0x13D20];
	[tilespmem:s10+$0x13CB0] =	vst v3;
	v3 =	vmul.f32 v24, v21  }
0xa3: {  	v31 =	vld [tilespmem:s10+$0x13D30];
	v30 =	vbroadcast v1, $0x6;
	[tilespmem:s10+$0x13CC0] =	vst v2;
	v2 =	vmul.f32 v25, v21  }
0xa4: {  	v32 =	vld [tilespmem:s10+$0x13D40];
	[tilespmem:s10+$0x13CD0] =	vst v3;
	v3 =	vmul.f32 v26, v21  }
0xa5: {  	v33 =	vld [tilespmem:s10+$0x13D50];
	[tilespmem:s10+$0x13CE0] =	vst v2;
	v2 =	vmul.f32 v27, v30  }
0xa6: {  	v34 =	vld [tilespmem:s10+$0x13D60];
	[tilespmem:s10+$0x13CF0] =	vst v3;
	v3 =	vmul.f32 v28, v30  }
0xa7: {  	v35 =	vld [tilespmem:s10+$0x13D70];
	[tilespmem:s10+$0x13D00] =	vst v2;
	v2 =	vmul.f32 v29, v30  }
0xa8: {  	v36 =	vld [tilespmem:s10+$0x13D80];
	[tilespmem:s10+$0x13D10] =	vst v3;
	v3 =	vmul.f32 v31, v30  }
0xa9: {  	v37 =	vld [tilespmem:s10+$0x13D90];
	[tilespmem:s10+$0x13D20] =	vst v2;
	v2 =	vmul.f32 v32, v30  }
0xaa: {  	v38 =	vld [tilespmem:s10+$0x13DA0];
	[tilespmem:s10+$0x13D30] =	vst v3;
	v3 =	vmul.f32 v33, v30  }
0xab: {  	v39 =	vbroadcast v1, $0x7;
	v40 =	vld [tilespmem:s10+$0x13DB0];
	[tilespmem:s10+$0x13D40] =	vst v2;
	v2 =	vmul.f32 v34, v30  }
0xac: {  	v41 =	vld [tilespmem:s10+$0x13DC0];
	[tilespmem:s10+$0x13D50] =	vst v3;
	v3 =	vmul.f32 v35, v30  }
0xad: {  	v42 =	vld [tilespmem:s10+$0x13DD0];
	[tilespmem:s10+$0x13D60] =	vst v2;
	v2 =	vmul.f32 v36, v39  }
0xae: {  	v43 =	vld [tilespmem:s10+$0x13DE0];
	[tilespmem:s10+$0x13D70] =	vst v3;
	v3 =	vmul.f32 v37, v39  }
0xaf: {  	v44 =	vld [tilespmem:s10+$0x13DF0];
	[tilespmem:s10+$0x13D80] =	vst v2;
	v2 =	vmul.f32 v38, v39  }
0xb0: {  	v45 =	vld [tilespmem:s10+$0x13E00];
	[tilespmem:s10+$0x13D90] =	vst v3;
	v3 =	vmul.f32 v40, v39  }
0xb1: {  	v46 =	vld [tilespmem:s10+$0x13E10];
	[tilespmem:s10+$0x13DA0] =	vst v2;
	v2 =	vmul.f32 v41, v39  }
0xb2: {  	v47 =	vld [tilespmem:s10+$0x13E20];
	[tilespmem:s10+$0x13DB0] =	vst v3;
	v3 =	vmul.f32 v42, v39  }
0xb3: {  	v48 =	vbroadcast v1, $0x8;
	v49 =	vld [tilespmem:s10+$0x13E30];
	[tilespmem:s10+$0x13DC0] =	vst v2;
	v2 =	vmul.f32 v43, v39  }
0xb4: {  	v50 =	vld [tilespmem:s10+$0x13E40];
	[tilespmem:s10+$0x13DD0] =	vst v3;
	v3 =	vmul.f32 v44, v39  }
0xb5: {  	v51 =	vld [tilespmem:s10+$0x13E50];
	[tilespmem:s10+$0x13DE0] =	vst v2;
	v2 =	vmul.f32 v45, v48  }
0xb6: {  	v52 =	vld [tilespmem:s10+$0x13E60];
	[tilespmem:s10+$0x13DF0] =	vst v3;
	v3 =	vmul.f32 v46, v48  }
0xb7: {  	v53 =	vld [tilespmem:s10+$0x13E70];
	[tilespmem:s10+$0x13E00] =	vst v2;
	v2 =	vmul.f32 v47, v48  }
0xb8: {  	v54 =	vld [tilespmem:s10+$0x13E80];
	[tilespmem:s10+$0x13E10] =	vst v3;
	v3 =	vmul.f32 v49, v48  }
0xb9: {  	v55 =	vld [tilespmem:s10+$0x13E90];
	[tilespmem:s10+$0x13E20] =	vst v2;
	v2 =	vmul.f32 v50, v48  }
0xba: {  	v56 =	vld [tilespmem:s10+$0x13EA0];
	[tilespmem:s10+$0x13E30] =	vst v3;
	v3 =	vmul.f32 v51, v48  }
0xbb: {  	v57 =	vbroadcast v1, $0x9;
	v58 =	vld [tilespmem:s10+$0x13EB0];
	[tilespmem:s10+$0x13E40] =	vst v2;
	v2 =	vmul.f32 v52, v48  }
0xbc: {  	v59 =	vld [tilespmem:s10+$0x13EC0];
	[tilespmem:s10+$0x13E50] =	vst v3;
	v3 =	vmul.f32 v53, v48  }
0xbd: {  	v60 =	vld [tilespmem:s10+$0x13ED0];
	[tilespmem:s10+$0x13E60] =	vst v2;
	v2 =	vmul.f32 v54, v57  }
0xbe: {  	v61 =	vld [tilespmem:s10+$0x13EE0];
	[tilespmem:s10+$0x13E70] =	vst v3;
	v3 =	vmul.f32 v55, v57  }
0xbf: {  	v62 =	vld [tilespmem:s10+$0x13EF0];
	[tilespmem:s10+$0x13E80] =	vst v2;
	v2 =	vmul.f32 v56, v57  }
0xc0: {  	v63 =	vld [tilespmem:s10+$0x13F00];
	[tilespmem:s10+$0x13E90] =	vst v3;
	v3 =	vmul.f32 v58, v57  }
0xc1: {  	v12 =	vld [tilespmem:s10+$0x13F10];
	[tilespmem:s10+$0x13EA0] =	vst v2;
	v2 =	vmul.f32 v59, v57  }
0xc2: {  	v13 =	vld [tilespmem:s10+$0x13F20];
	[tilespmem:s10+$0x13EB0] =	vst v3;
	v3 =	vmul.f32 v60, v57  }
0xc3: {  	v14 =	vbroadcast v1, $0xA;
	v15 =	vld [tilespmem:s10+$0x13F30];
	[tilespmem:s10+$0x13EC0] =	vst v2;
	v2 =	vmul.f32 v61, v57  }
0xc4: {  	v16 =	vld [tilespmem:s10+$0x13F40];
	[tilespmem:s10+$0x13ED0] =	vst v3;
	v3 =	vmul.f32 v62, v57  }
0xc5: {  	v17 =	vld [tilespmem:s10+$0x13F50];
	[tilespmem:s10+$0x13EE0] =	vst v2;
	v2 =	vmul.f32 v63, v14  }
0xc6: {  	v18 =	vld [tilespmem:s10+$0x13F60];
	[tilespmem:s10+$0x13EF0] =	vst v3;
	v3 =	vmul.f32 v12, v14  }
0xc7: {  	v19 =	vld [tilespmem:s10+$0x13F70];
	[tilespmem:s10+$0x13F00] =	vst v2;
	v2 =	vmul.f32 v13, v14  }
0xc8: {  	v20 =	vld [tilespmem:s10+$0x13F80];
	[tilespmem:s10+$0x13F10] =	vst v3;
	v3 =	vmul.f32 v15, v14  }
0xc9: {  	v21 =	vld [tilespmem:s10+$0x13F90];
	[tilespmem:s10+$0x13F20] =	vst v2;
	v2 =	vmul.f32 v16, v14  }
0xca: {  	v22 =	vld [tilespmem:s10+$0x13FA0];
	[tilespmem:s10+$0x13F30] =	vst v3;
	v3 =	vmul.f32 v17, v14  }
0xcb: {  	v23 =	vbroadcast v1, $0xB;
	v24 =	vld [tilespmem:s10+$0x13FB0];
	[tilespmem:s10+$0x13F40] =	vst v2;
	v2 =	vmul.f32 v18, v14  }
0xcc: {  	v25 =	vld [tilespmem:s10+$0x13FC0];
	[tilespmem:s10+$0x13F50] =	vst v3;
	v3 =	vmul.f32 v19, v14  }
0xcd: {  	v26 =	vld [tilespmem:s10+$0x13FD0];
	[tilespmem:s10+$0x13F60] =	vst v2;
	v2 =	vmul.f32 v20, v23  }
0xce: {  	v27 =	vld [tilespmem:s10+$0x13FE0];
	[tilespmem:s10+$0x13F70] =	vst v3;
	v3 =	vmul.f32 v21, v23  }
0xcf: {  	v28 =	vld [tilespmem:s10+$0x13FF0];
	[tilespmem:s10+$0x13F80] =	vst v2;
	v2 =	vmul.f32 v22, v23  }
0xd0: {  	v29 =	vld [tilespmem:s10+$0x14000];
	[tilespmem:s10+$0x13F90] =	vst v3;
	v3 =	vmul.f32 v24, v23  }
0xd1: {  	v30 =	vld [tilespmem:s10+$0x14010];
	[tilespmem:s10+$0x13FA0] =	vst v2;
	v2 =	vmul.f32 v25, v23  }
0xd2: {  	v31 =	vld [tilespmem:s10+$0x14020];
	[tilespmem:s10+$0x13FB0] =	vst v3;
	v3 =	vmul.f32 v26, v23  }
0xd3: {  	v32 =	vbroadcast v1, $0xC;
	v33 =	vld [tilespmem:s10+$0x14030];
	[tilespmem:s10+$0x13FC0] =	vst v2;
	v2 =	vmul.f32 v27, v23  }
0xd4: {  	v34 =	vld [tilespmem:s10+$0x14040];
	[tilespmem:s10+$0x13FD0] =	vst v3;
	v3 =	vmul.f32 v28, v23  }
0xd5: {  	v35 =	vld [tilespmem:s10+$0x14050];
	[tilespmem:s10+$0x13FE0] =	vst v2;
	v2 =	vmul.f32 v29, v32  }
0xd6: {  	v36 =	vld [tilespmem:s10+$0x14060];
	[tilespmem:s10+$0x13FF0] =	vst v3;
	v3 =	vmul.f32 v30, v32  }
0xd7: {  	v37 =	vld [tilespmem:s10+$0x14070];
	[tilespmem:s10+$0x14000] =	vst v2;
	v2 =	vmul.f32 v31, v32  }
0xd8: {  	v38 =	vld [tilespmem:s10+$0x14080];
	[tilespmem:s10+$0x14010] =	vst v3;
	v3 =	vmul.f32 v33, v32  }
0xd9: {  	v39 =	vld [tilespmem:s10+$0x14090];
	[tilespmem:s10+$0x14020] =	vst v2;
	v2 =	vmul.f32 v34, v32  }
0xda: {  	v40 =	vld [tilespmem:s10+$0x140A0];
	[tilespmem:s10+$0x14030] =	vst v3;
	v3 =	vmul.f32 v35, v32  }
0xdb: {  	v41 =	vbroadcast v1, $0xD;
	v42 =	vld [tilespmem:s10+$0x140B0];
	[tilespmem:s10+$0x14040] =	vst v2;
	v2 =	vmul.f32 v36, v32  }
0xdc: {  	v43 =	vld [tilespmem:s10+$0x140C0];
	[tilespmem:s10+$0x14050] =	vst v3;
	v3 =	vmul.f32 v37, v32  }
0xdd: {  	v44 =	vld [tilespmem:s10+$0x140D0];
	[tilespmem:s10+$0x14060] =	vst v2;
	v2 =	vmul.f32 v38, v41  }
0xde: {  	v45 =	vld [tilespmem:s10+$0x140E0];
	[tilespmem:s10+$0x14070] =	vst v3;
	v3 =	vmul.f32 v39, v41  }
0xdf: {  	v46 =	vld [tilespmem:s10+$0x140F0];
	[tilespmem:s10+$0x14080] =	vst v2;
	v2 =	vmul.f32 v40, v41  }
0xe0: {  	v47 =	vld [tilespmem:s10+$0x14100];
	[tilespmem:s10+$0x14090] =	vst v3;
	v3 =	vmul.f32 v42, v41  }
0xe1: {  	v48 =	vld [tilespmem:s10+$0x14110];
	[tilespmem:s10+$0x140A0] =	vst v2;
	v2 =	vmul.f32 v43, v41  }
0xe2: {  	v49 =	vld [tilespmem:s10+$0x14120];
	[tilespmem:s10+$0x140B0] =	vst v3;
	v3 =	vmul.f32 v44, v41  }
0xe3: {  	v50 =	vbroadcast v1, $0xE;
	v51 =	vld [tilespmem:s10+$0x14130];
	[tilespmem:s10+$0x140C0] =	vst v2;
	v2 =	vmul.f32 v45, v41  }
0xe4: {  	v52 =	vld [tilespmem:s10+$0x14140];
	[tilespmem:s10+$0x140D0] =	vst v3;
	v3 =	vmul.f32 v46, v41  }
0xe5: {  	v53 =	vld [tilespmem:s10+$0x14150];
	[tilespmem:s10+$0x140E0] =	vst v2;
	v2 =	vmul.f32 v47, v50  }
0xe6: {  	v54 =	vld [tilespmem:s10+$0x14160];
	[tilespmem:s10+$0x140F0] =	vst v3;
	v3 =	vmul.f32 v48, v50  }
0xe7: {  	v55 =	vld [tilespmem:s10+$0x14170];
	[tilespmem:s10+$0x14100] =	vst v2;
	v2 =	vmul.f32 v49, v50  }
0xe8: {  	v56 =	vld [tilespmem:s10+$0x14180];
	[tilespmem:s10+$0x14110] =	vst v3;
	v3 =	vmul.f32 v51, v50  }
0xe9: {  	v57 =	vld [tilespmem:s10+$0x14190];
	[tilespmem:s10+$0x14120] =	vst v2;
	v2 =	vmul.f32 v52, v50  }
0xea: {  	v58 =	vld [tilespmem:s10+$0x141A0];
	[tilespmem:s10+$0x14130] =	vst v3;
	v3 =	vmul.f32 v53, v50  }
0xeb: {  	v1 =	vbroadcast v1, $0xF;
	v59 =	vld [tilespmem:s10+$0x141B0];
	[tilespmem:s10+$0x14140] =	vst v2;
	v2 =	vmul.f32 v54, v50  }
0xec: {  	v60 =	vld [tilespmem:s10+$0x141C0];
	[tilespmem:s10+$0x14150] =	vst v3;
	v3 =	vmul.f32 v55, v50  }
0xed: {  	v61 =	vld [tilespmem:s10+$0x141D0];
	[tilespmem:s10+$0x14160] =	vst v2;
	v2 =	vmul.f32 v56, v1  }
0xee: {  	v62 =	vld [tilespmem:s10+$0x141E0];
	[tilespmem:s10+$0x14170] =	vst v3;
	v3 =	vmul.f32 v57, v1  }
0xef: {  	v63 =	vld [tilespmem:s10+$0x141F0];
	[tilespmem:s10+$0x14180] =	vst v2;
	v2 =	vmul.f32 v58, v1  }
0xf0: {  	[tilespmem:s10+$0x14190] =	vst v3;
	v3 =	vmul.f32 v59, v1  }
0xf1: {  	p1 =	sne.s32 s9, $0x4;
	[tilespmem:s10+$0x141A0] =	vst v2;
	v2 =	vmul.f32 v60, v1  }
.Ltmp1:
0xf2: {  	[tilespmem:s10+$0x141B0] =	vst v3;
	v3 =	vmul.f32 v61, v1;
	(pc) =	sbr.rel @p1 .LBB2_5-.Ltmp1, $4  }
0xf3: {  	[tilespmem:s10+$0x141C0] =	vst v2;
	v2 =	vmul.f32 v62, v1  }
0xf4: {  	[tilespmem:s10+$0x141D0] =	vst v3;
	v1 =	vmul.f32 v63, v1  }
0xf5: {  	[tilespmem:s10+$0x141E0] =	vst v2  }
0xf6: {  	s9 =	sadd.s32 $0x1, s9;
	[tilespmem:s10+$0x141F0] =	vst v1  }
0xf7: {  	s8 =	sadd.s32 $0x1, s8  }
0xf8: {  	p1 =	sne.s32 s8, $0x7D  }
.Ltmp2:
0xf9: {  	_ = 	snop;
	(pc) =	sbr.rel @p1 .LBB2_4-.Ltmp2, $4  }
0xfa: {  	[spmem:s2] =	stream.indirect.scatter.add.f32 [tilespmem:s28], [sflag:$0x2], $0x80, s31, s3, $0xb8;
	[tilespmem:$0x16200] =	vst v63  }
0xfb: {  	_ =	swait.ge [sflag:s29], $0x2800  }
0xfc: {  	[sflag:s29] =	ssyncset.done $0x0  }
0xfd: {  	[sflag:s29] =	ssyncadd.s32 $0xFFFFD800  }
0xfe: {  	s7 =	stileid.u32  }
0xff: {  	[bflag:$0x0] =	sbarrier.arrive $0xFFFF;
	s7 =	sshll.u32 s7, $0x6  }
0x100: {  	s8 =	sshrl.u32 s16, $0x3;
	s9 =	rddreg [dreg:$0x5];
	s7 =	sor.u32 $0x1C02, s7  }
0x101: {  	[hbm:s9], [sflag:s7] =	dma.local [spmem:s8], $0x500  }
0x102: {  	_ =	swait.ge [sflag:s29], $0x500  }
0x103: {  	[sflag:s29] =	ssyncset.done $0x0  }
0x104: {  	s10 =	sshrl.u32 s17, $0x3;
	s11 =	rddreg [dreg:$0x6];
	[sflag:s29] =	ssyncadd.s32 $0xFFFFFB00  }
0x105: {  	[hbm:s11], [sflag:s7] =	dma.local [spmem:s10], $0x500  }
0x106: {  	_ =	swait.ge [sflag:s29], $0x500  }
0x107: {  	[sflag:s29] =	ssyncset.done $0x0  }
0x108: {  	s10 =	sshrl.u32 s18, $0x3;
	s11 =	rddreg [dreg:$0x7];
	[sflag:s29] =	ssyncadd.s32 $0xFFFFFB00  }
0x109: {  	[hbm:s11], [sflag:s7] =	dma.local [spmem:s10], $0x500  }
0x10a: {  	_ =	swait.ge [sflag:s29], $0x500  }
0x10b: {  	[sflag:s29] =	ssyncset.done $0x0  }
0x10c: {  	s10 =	sshrl.u32 s19, $0x3;
	s11 =	rddreg [dreg:$0x8];
	[sflag:s29] =	ssyncadd.s32 $0xFFFFFB00  }
0x10d: {  	[hbm:s11], [sflag:s7] =	dma.local [spmem:s10], $0x500  }
0x10e: {  	_ =	swait.ge [sflag:s29], $0x500  }
0x10f: {  	[sflag:s29] =	ssyncset.done $0x0  }
0x110: {  	s10 =	sshrl.u32 s20, $0x3;
	s11 =	rddreg [dreg:$0x9];
	[sflag:s29] =	ssyncadd.s32 $0xFFFFFB00  }
0x111: {  	[hbm:s11], [sflag:s7] =	dma.local [spmem:s10], $0x500  }
0x112: {  	_ =	swait.ge [sflag:s29], $0x500  }
0x113: {  	[sflag:s29] =	ssyncset.done $0x0  }
0x114: {  	s9 =	sshrl.u32 s21, $0x3;
	s10 =	rddreg [dreg:$0xa];
	[sflag:s29] =	ssyncadd.s32 $0xFFFFFB00  }
0x115: {  	[hbm:s10], [sflag:s7] =	dma.local [spmem:s9], $0x500  }
0x116: {  	_ =	swait.ge [sflag:s29], $0x500  }
0x117: {  	[sflag:s29] =	ssyncset.done $0x0  }
0x118: {  	s11 =	sshrl.u32 s22, $0x3;
	[sflag:s29] =	ssyncadd.s32 $0xFFFFFB00  }
0x119: {  	[hbm:s12], [sflag:s7] =	dma.local [spmem:s11], $0x500  }
0x11a: {  	_ =	swait.ge [sflag:s29], $0x500  }
0x11b: {  	s4 =	sadd.s32 $0x1, s4;
	[sflag:s29] =	ssyncset.done $0x0  }
0x11c: {  	p1 =	sne.s32 s4, s25;
	s8 =	sshrl.u32 @!p0 s23, $0x3;
	[sflag:s29] =	ssyncadd.s32 $0xFFFFFB00  }
0x11d: {  	[hbm:s13], [sflag:s7] =	dma.local @!p0 [spmem:s8], $0x500  }
.Ltmp3:
0x11e: {  	_ = 	snop;
	(pc) =	sbr.rel @p1 .LBB2_1-.Ltmp3, $4  }
0x11f: {  	s7 =	simm.s32 @!p0 $0x2  }
0x120: {  	_ =	swait.ge @!p0 [sflag:s7], $0x500  }
0x121: {  	[sflag:s7] =	ssyncset.done @!p0 $0x0  }
0x122: {  	[sflag:s7] =	ssyncadd.s32 @!p0 $0xFFFFFB00  }
0x123: {  	_ =	sfence.sel $0x180000  }
0x124: {  	[bflag:$0x0] =	sbarrier.arrive $0xFFFF  }
0x125: {  	_ =	strace $0x90000047  }
0x126: {  	s0 =	stileid.u32;
	[bflag:$0x2] =	sbarrier.arrive $0xFFFF  }
0x127: {  	p0 =	sne.s32 s0, $0x0;
	s0 =	rddreg [dreg:$0x4]  }
0x128: {  	s0 =	sadd.s32 @!p0 $0x100000, s0  }
0x129: {  	[sflag:s0] =	ssyncadd.tile.s32 @!p0 $0x1;
	_ =	shalt  }
.Lfunc_end2:
_tile_overlayer_lowered:
.L_overlay_start_2:
0x12a: {  	(tag) =	ssettag $0x2  }
0x12b: {  	s0 =	rddreg [dreg:$0x0];
	s2 =	stileid.u32  }
0x12c: {  	s1 =	rddreg [dreg:$0x1];
	p0 =	sne.s32 s2, $0x0  }
0x12d: {  	s3 =	rddreg [dreg:$0x2];
	[bflag:$0x3] =	sbarrier.arrive $0xFFFF;
	s2 =	simm.s32 @!p0 $0x1C02  }
0x12e: {  	[timem:s3], [sflag:s2] =	dma.local @!p0 [hbm:s0], s1  }
0x12f: {  	s0 =	simm.s32 @!p0 $0x2  }
0x130: {  	_ =	swait.ge @!p0 [sflag:s0], s1  }
0x131: {  	s1 =	ssub.s32 @!p0 $0x0, s1;
	[sflag:s0] =	ssyncset.done @!p0 $0x0  }
0x132: {  	[sflag:s0] =	ssyncadd.s32 @!p0 s1  }
0x133: {  	[bflag:$0x3] =	sbarrier.arrive $0xFFFF  }
0x134: {  	_ =	shalt  }

</sc_bundles>
